<compile_context>
chip_gen: v7x
topology: tpu7x:2x2x1
jax: 0.10.2.dev20260603
libtpu: 0.0.44.dev20260713+nightly
codegen_flags: <defaults>
</compile_context>

<pallas_src>
import functools

import numpy as np
import jax
import jax.numpy as jnp
from jax import lax
from jax.experimental import pallas as pl
from jax.experimental.pallas import tpu as pltpu
from jax.experimental.pallas import tpu_sc as plsc

_HEADING = np.pi / 2
_N = 121
_RAD2 = 3600
_IN2 = 3364.0
_W = 7
_D = 2 * _W + 1
_TP = _N + 2 * _W
_TLEN = _TP * _TP
_TPAD = (-_TLEN) % 8

_NC, _NS, _L = 2, 16, 16
_NW = _NC * _NS


def _build_tables():
    ii, jj = np.meshgrid(np.arange(_N), np.arange(_N), indexing="ij")
    a = jj - 60
    b = 60 - ii
    mask = (a * a + b * b) <= _RAD2
    cidx = np.cumsum(mask.ravel()) - 1
    tab = np.where(mask.ravel(), cidx, -1).astype(np.int32).reshape(_N, _N)
    tabp = np.full((_TP, _TP), -1, np.int32)
    tabp[_W:_W + _N, _W:_W + _N] = tab
    flat = np.concatenate(
        [tabp.ravel(), np.full((_TPAD,), -1, np.int32)])
    g = mask.ravel().sum()
    gpad = (-int(g)) % 8
    a_of = np.concatenate(
        [a.ravel()[mask.ravel()], np.zeros((gpad,), int)]).astype(np.int64)
    b_of = np.concatenate(
        [b.ravel()[mask.ravel()], np.zeros((gpad,), int)]).astype(np.int64)
    ab = ((b_of << 16) | (a_of & 0xFFFF)).astype(np.uint32).view(np.int32)
    return flat, ab


_TABLE, _AB_OF = _build_tables()
_GLEN = _AB_OF.shape[0]


@functools.lru_cache(maxsize=None)
def _make_nn_kernel(q: int):
    qpw = q // _NW
    assert qpw & (qpw - 1) == 0, "qpw must be a power of two"
    nv = qpw // _L
    mesh = plsc.VectorSubcoreMesh(core_axis_name="c", subcore_axis_name="s")
    f32, i32 = jnp.float32, jnp.int32

    @functools.partial(
        pl.kernel,
        mesh=mesh,
        compiler_params=pltpu.CompilerParams(needs_layout_passes=False),
        out_type=[
            jax.ShapeDtypeStruct((q,), i32),
            jax.ShapeDtypeStruct((q,), f32),
            jax.ShapeDtypeStruct((q,), f32),
        ],
        scratch_types=[
            pltpu.VMEM((qpw,), f32),
            pltpu.VMEM((qpw,), f32),
            pltpu.VMEM((qpw,), f32),
            pltpu.VMEM((qpw,), f32),
            pltpu.VMEM((_L,), f32),
            pltpu.VMEM((_L,), f32),
            pltpu.VMEM((_TLEN + _TPAD,), i32),
            pltpu.VMEM((_GLEN,), i32),
            pltpu.VMEM((qpw,), f32),
            pltpu.VMEM((qpw,), f32),
            pltpu.VMEM((qpw + _L,), i32),
            pltpu.VMEM((qpw,), i32),
            pltpu.VMEM((qpw,), f32),
            pltpu.VMEM((qpw,), f32),
            pltpu.SemaphoreType.DMA,
        ],
    )
    def nn_kernel(x0h, x1h, y0h, y1h, ch, sh, tabh, abh, oih, o0h, o1h,
                  x0v, x1v, y0v, y1v, cv_r, sv_r, tabv, abv,
                  p0v, p1v, cqv, oiv, o0v, o1v, tsem):
        wid = lax.axis_index("s") * _NC + lax.axis_index("c")
        base = wid * qpw
        tcp1 = pltpu.async_copy(tabh, tabv, tsem)
        tcp2 = pltpu.async_copy(abh, abv, tsem)
        pltpu.sync_copy(x0h.at[pl.ds(base, qpw)], x0v)
        pltpu.sync_copy(x1h.at[pl.ds(base, qpw)], x1v)
        pltpu.sync_copy(y0h.at[pl.ds(base, qpw)], y0v)
        pltpu.sync_copy(y1h.at[pl.ds(base, qpw)], y1v)
        pltpu.sync_copy(ch, cv_r)
        pltpu.sync_copy(sh, sv_r)
        cosv = cv_r[...]
        sinv = sv_r[...]
        lane = lax.iota(i32, _L)

        noff = jnp.int32(0)
        rot = []
        for v in range(nv):
            sl = pl.ds(v * _L, _L)
            cx = x0v[sl] - y0v[sl]
            cy = x1v[sl] - y1v[sl]
            p0 = cx * cosv - cy * sinv
            p1 = cx * sinv + cy * cosv
            p0v[sl] = p0
            p1v[sl] = p1
            rot.append((p0, p1))
            af = p0 * 2.0
            bf = p1 * 2.0
            r2 = af * af + bf * bf
            outm = r2 > _IN2
            plsc.store_compressed(cqv.at[pl.ds(noff, _L)],
                                  lane + (v * _L), mask=outm)
            noff = noff + jnp.sum(outm.astype(i32))

        tcp1.wait()
        tcp2.wait()

        for v in range(nv):
            sl = pl.ds(v * _L, _L)
            p0, p1 = rot[v]
            af = p0 * 2.0
            bf = p1 * 2.0
            ca = jnp.where(af >= 0.0, af + 0.5, af - 0.5).astype(i32)
            cb = jnp.where(bf >= 0.0, bf + 0.5, bf - 0.5).astype(i32)
            ca = jnp.clip(ca, -60, 60)
            cb = jnp.clip(cb, -60, 60)
            d0sq = []
            for k in (-1, 0, 1):
                d0_k = p0 - (ca + k).astype(f32) * 0.5
                d0sq.append(d0_k * d0_k)
            flat0_col = ca + (60 + _W)
            bd2 = jnp.full((_L,), 1e30, f32)
            bidx = jnp.zeros((_L,), i32)
            for db in (1, 0, -1):
                bb = cb + db
                d1 = p1 - bb.astype(f32) * 0.5
                d1sq = d1 * d1
                flat0 = (60 + _W - bb) * _TP + flat0_col
                for k in (-1, 0, 1):
                    gidx = plsc.load_gather(tabv, [flat0 + k])
                    dd = d0sq[k + 1] + d1sq
                    take = (gidx >= 0) & (dd < bd2)
                    bd2 = jnp.where(take, dd, bd2)
                    bidx = jnp.where(take, gidx, bidx)
            ab = plsc.load_gather(abv, [bidx])
            wb = lax.shift_right_arithmetic(ab, 16)
            wa = lax.shift_right_arithmetic(lax.shift_left(ab, 16), 16)
            oiv[sl] = bidx
            o0v[sl] = p0 - wa.astype(f32) * 0.5
            o1v[sl] = p1 - wb.astype(f32) * 0.5

        def group_body(g):
            qidx = cqv[pl.ds(g * _L, _L)] & (qpw - 1)
            lmask = (lane + g * _L) < noff
            p0 = plsc.load_gather(p0v, [qidx])
            p1 = plsc.load_gather(p1v, [qidx])
            af = p0 * 2.0
            bf = p1 * 2.0
            r2 = af * af + bf * bf
            am = jnp.abs(af)
            bm = jnp.abs(bf)
            mx = jnp.maximum(am, bm)
            mn = jnp.minimum(am, bm)
            r0 = mx * 0.960434 + mn * 0.397825
            r1 = (r0 + r2 / r0) * 0.5
            scl = jnp.where(r2 <= float(_RAD2), 1.0, 60.0 / r1)
            caf = af * scl
            cbf = bf * scl
            ca = jnp.where(caf >= 0.0, caf + 0.5, caf - 0.5).astype(i32)
            cb = jnp.where(cbf >= 0.0, cbf + 0.5, cbf - 0.5).astype(i32)
            ca = jnp.clip(ca, -60, 60)
            cb = jnp.clip(cb, -60, 60)
            d0sq = []
            for k in range(_D):
                d0_k = p0 - (ca + (k - _W)).astype(f32) * 0.5
                d0sq.append(d0_k * d0_k)
            flat0_col = ca + 60

            def row_body(r, carry):
                bd2, bidx = carry
                bb = cb + (_W - r)
                d1 = p1 - bb.astype(f32) * 0.5
                d1sq = d1 * d1
                flat0 = (60 + _W - bb) * _TP + (flat0_col + _W)
                for k in range(_D):
                    gidx = plsc.load_gather(tabv, [flat0 + (k - _W)])
                    dd = d0sq[k] + d1sq
                    take = (gidx >= 0) & (dd < bd2)
                    bd2 = jnp.where(take, dd, bd2)
                    bidx = jnp.where(take, gidx, bidx)
                return (bd2, bidx)

            init = (jnp.full((_L,), 1e30, f32), jnp.zeros((_L,), i32))
            bd2, bidx = lax.fori_loop(0, _D, row_body, init)
            ab = plsc.load_gather(abv, [bidx])
            wb = lax.shift_right_arithmetic(ab, 16)
            wa = lax.shift_right_arithmetic(lax.shift_left(ab, 16), 16)
            plsc.store_scatter(oiv, [qidx], bidx, mask=lmask)
            plsc.store_scatter(o0v, [qidx], p0 - wa.astype(f32) * 0.5,
                               mask=lmask)
            plsc.store_scatter(o1v, [qidx], p1 - wb.astype(f32) * 0.5,
                               mask=lmask)

        def while_cond(g):
            return g * _L < noff

        def while_body(g):
            group_body(g)
            return g + 1

        lax.while_loop(while_cond, while_body, jnp.int32(0))

        pltpu.sync_copy(oiv, oih.at[pl.ds(base, qpw)])
        pltpu.sync_copy(o0v, o0h.at[pl.ds(base, qpw)])
        pltpu.sync_copy(o1v, o1h.at[pl.ds(base, qpw)])

    return nn_kernel


def kernel(x, y, theta_y, grid):
    del grid
    q = x.shape[0]
    th = -(theta_y.astype(jnp.float32) - _HEADING)
    cos16 = jnp.broadcast_to(jnp.cos(th), (_L,))
    sin16 = jnp.broadcast_to(jnp.sin(th), (_L,))
    x0 = x[:, 0]
    x1 = x[:, 1]
    y0 = y[:, 0]
    y1 = y[:, 1]
    tab = jnp.asarray(_TABLE)
    ab_of = jnp.asarray(_AB_OF)
    idx, o0, o1 = _make_nn_kernel(q)(
        x0, x1, y0, y1, cos16, sin16, tab, ab_of)
    return idx, jnp.stack([o0, o1], axis=-1)

# --- scband reference (transcript-rebuilt; emitter-appended) ---
"""Pipeline reference for scband-attr-tokenizer-26877905338815 (READ-ONLY COPY).

The authoritative reference and input builder live on the scoring server;
editing this copy changes nothing except your own understanding.
"""

import jax, jax.numpy as jnp
import numpy as np

GRID_RANGE = 60.0
GRID_INTERVAL = 0.5
RADIUS = 30.0
HEADING = np.pi / 2


def _build_grid():
    num_grid = int(GRID_RANGE / GRID_INTERVAL) + 1
    x = np.linspace(0.0, num_grid - 1.0, num_grid)
    gx, gy = np.meshgrid(x, x, indexing='xy')
    grid = np.stack([gx.ravel(), gy.ravel()], axis=-1)
    grid = grid.reshape(num_grid, num_grid, 2)[::-1].reshape(-1, 2)
    grid = (grid - num_grid // 2) * GRID_INTERVAL
    dist = np.sqrt((grid ** 2).sum(-1))
    mask = ((dist <= RADIUS) & (dist >= 0.0)) | (dist == 0.0)
    return np.ascontiguousarray(grid[mask]).astype(np.float32)


def _apply_rot(x, theta):
    # x: [Q, 1, 2], theta: [Q]
    cos, sin = jnp.cos(theta), jnp.sin(theta)
    row0 = jnp.stack([cos, sin], axis=-1)    # [Q, 2]
    row1 = jnp.stack([-sin, cos], axis=-1)   # [Q, 2]
    rot = jnp.stack([row0, row1], axis=-2)   # [Q, 2, 2]
    return jnp.einsum('qki,qij->qkj', x, rot)


def setup_inputs(seed: int = 0) -> dict:
    key = jax.random.key(seed)
    k1, k2, k3 = jax.random.split(key, 3)
    Q = 4096
    x = jax.random.normal(k1, (Q, 2), dtype=jnp.float32) * 10.0
    y = jax.random.normal(k2, (Q, 2), dtype=jnp.float32) * 10.0
    theta_y = jax.random.normal(k3, (1,), dtype=jnp.float32)
    grid = jnp.asarray(_build_grid())  # [G, 2], G ~ 11310
    return {"x": x, "y": y, "theta_y": theta_y, "grid": grid}


def reference(x, y, theta_y, grid):
    # Faithful port of Attr_Tokenizer.encode_pos (the module's main entry point).
    Q = x.shape[0]
    centered_x = x - y
    theta = jnp.broadcast_to(-(theta_y - HEADING), (Q,))
    centered_x = _apply_rot(centered_x[:, None, :], theta)[:, 0]
    # kNN (k=1) of each centered query against the grid codebook
    diff = centered_x[:, None, :] - grid[None, :, :]        # [Q, G, 2]
    distance = jnp.sqrt((diff ** 2).sum(-1))                # [Q, G]
    index = jnp.argmin(distance, axis=-1)                   # [Q]
    grid_xy = jnp.take(grid, index, axis=0)                 # [Q, 2]
    offset_xy = centered_x - grid_xy
    return (index, offset_xy)

if __name__ == "__main__":
    import jax
    _d = setup_inputs()
    print(jax.jit(kernel)(*tuple(_d.values())))

</pallas_src>

<mosaic_0001>
#map = affine_map<(d0, d1) -> (0)>
module attributes {stable_mosaic.version = 14 : i64} {
  func.func @nn_kernel(%arg0: i32, %arg1: i32, %arg2: memref<4096xf32, #tpu.memory_space<hbm>>, %arg3: memref<4096xf32, #tpu.memory_space<hbm>>, %arg4: memref<4096xf32, #tpu.memory_space<hbm>>, %arg5: memref<4096xf32, #tpu.memory_space<hbm>>, %arg6: memref<16xf32, #tpu.memory_space<hbm>>, %arg7: memref<16xf32, #tpu.memory_space<hbm>>, %arg8: memref<18232xi32, #tpu.memory_space<hbm>>, %arg9: memref<11296xi32, #tpu.memory_space<hbm>>, %arg10: memref<4096xi32, #tpu.memory_space<hbm>>, %arg11: memref<4096xf32, #tpu.memory_space<hbm>>, %arg12: memref<4096xf32, #tpu.memory_space<hbm>>, %arg13: memref<128xf32, #tpu.memory_space<vmem>>, %arg14: memref<128xf32, #tpu.memory_space<vmem>>, %arg15: memref<128xf32, #tpu.memory_space<vmem>>, %arg16: memref<128xf32, #tpu.memory_space<vmem>>, %arg17: memref<16xf32, #tpu.memory_space<vmem>>, %arg18: memref<16xf32, #tpu.memory_space<vmem>>, %arg19: memref<18232xi32, #tpu.memory_space<vmem>>, %arg20: memref<11296xi32, #tpu.memory_space<vmem>>, %arg21: memref<128xf32, #tpu.memory_space<vmem>>, %arg22: memref<128xf32, #tpu.memory_space<vmem>>, %arg23: memref<144xi32, #tpu.memory_space<vmem>>, %arg24: memref<128xi32, #tpu.memory_space<vmem>>, %arg25: memref<128xf32, #tpu.memory_space<vmem>>, %arg26: memref<128xf32, #tpu.memory_space<vmem>>, %arg27: memref<!tpu.dma_semaphore, #tpu.memory_space<semaphore_mem>>) attributes {dimension_semantics = [#tpu.dimension_semantics<core_parallel>, #tpu.dimension_semantics<subcore_parallel>], iteration_bounds = array<i64: 2, 16>, scalar_prefetch = 0 : i64, scratch_operands = 15 : i64, tpu.core_type = #tpu.core_type<sc_vector_subcore>, window_params = [{transform_indices = #map}, {transform_indices = #map}, {transform_indices = #map}, {transform_indices = #map}, {transform_indices = #map}, {transform_indices = #map}, {transform_indices = #map}, {transform_indices = #map}, {transform_indices = #map}, {transform_indices = #map}, {transform_indices = #map}]} {
    %mul3A = arith.constant 2 : i32
    %mul3A_0 = arith.muli %arg1, %mul3A : i32
    %add3A = arith.addi %mul3A_0, %arg0 : i32
    %mul3A_1 = arith.constant 128 : i32
    %mul3A_2 = arith.muli %add3A, %mul3A_1 : i32
    tpu.enqueue_dma source(%arg8 : memref<18232xi32, #tpu.memory_space<hbm>>) target(%arg19 : memref<18232xi32, #tpu.memory_space<vmem>>) target_semaphore(%arg27 : memref<!tpu.dma_semaphore, #tpu.memory_space<semaphore_mem>>)
    tpu.enqueue_dma source(%arg9 : memref<11296xi32, #tpu.memory_space<hbm>>) target(%arg20 : memref<11296xi32, #tpu.memory_space<vmem>>) target_semaphore(%arg27 : memref<!tpu.dma_semaphore, #tpu.memory_space<semaphore_mem>>)
    "tpu.region"() ({
      %run_scoped3A = tpu.sem_alloc : memref<!tpu.dma_semaphore, #tpu.memory_space<semaphore_mem>>
      %dma_start3A = tpu.memref_slice %arg2[%mul3A_2] : memref<4096xf32, #tpu.memory_space<hbm>> -> memref<128xf32, #tpu.memory_space<hbm>>
      %dma_start3A_2385 = tpu.memref_slice %arg2[%mul3A_2] : memref<4096xf32, #tpu.memory_space<hbm>> -> memref<128xf32, #tpu.memory_space<hbm>>
      tpu.enqueue_dma source(%dma_start3A_2385 : memref<128xf32, #tpu.memory_space<hbm>>) target(%arg13 : memref<128xf32, #tpu.memory_space<vmem>>) target_semaphore(%run_scoped3A : memref<!tpu.dma_semaphore, #tpu.memory_space<semaphore_mem>>)
      %dma_wait3A = tpu.memref_slice %arg2[%mul3A_2] : memref<4096xf32, #tpu.memory_space<hbm>> -> memref<128xf32, #tpu.memory_space<hbm>>
      %dma_wait3A_2386 = tpu.memref_slice %arg2[%mul3A_2] : memref<4096xf32, #tpu.memory_space<hbm>> -> memref<128xf32, #tpu.memory_space<hbm>>
      tpu.wait_dma2 semaphore(%run_scoped3A : memref<!tpu.dma_semaphore, #tpu.memory_space<semaphore_mem>>) src(%dma_wait3A_2386 : memref<128xf32, #tpu.memory_space<hbm>>) dst(%arg13 : memref<128xf32, #tpu.memory_space<vmem>>)
      tpu.yield
    }) : () -> ()
    "tpu.region"() ({
      %run_scoped3A = tpu.sem_alloc : memref<!tpu.dma_semaphore, #tpu.memory_space<semaphore_mem>>
      %dma_start3A = tpu.memref_slice %arg3[%mul3A_2] : memref<4096xf32, #tpu.memory_space<hbm>> -> memref<128xf32, #tpu.memory_space<hbm>>
      %dma_start3A_2385 = tpu.memref_slice %arg3[%mul3A_2] : memref<4096xf32, #tpu.memory_space<hbm>> -> memref<128xf32, #tpu.memory_space<hbm>>
      tpu.enqueue_dma source(%dma_start3A_2385 : memref<128xf32, #tpu.memory_space<hbm>>) target(%arg14 : memref<128xf32, #tpu.memory_space<vmem>>) target_semaphore(%run_scoped3A : memref<!tpu.dma_semaphore, #tpu.memory_space<semaphore_mem>>)
      %dma_wait3A = tpu.memref_slice %arg3[%mul3A_2] : memref<4096xf32, #tpu.memory_space<hbm>> -> memref<128xf32, #tpu.memory_space<hbm>>
      %dma_wait3A_2386 = tpu.memref_slice %arg3[%mul3A_2] : memref<4096xf32, #tpu.memory_space<hbm>> -> memref<128xf32, #tpu.memory_space<hbm>>
      tpu.wait_dma2 semaphore(%run_scoped3A : memref<!tpu.dma_semaphore, #tpu.memory_space<semaphore_mem>>) src(%dma_wait3A_2386 : memref<128xf32, #tpu.memory_space<hbm>>) dst(%arg14 : memref<128xf32, #tpu.memory_space<vmem>>)
      tpu.yield
    }) : () -> ()
    "tpu.region"() ({
      %run_scoped3A = tpu.sem_alloc : memref<!tpu.dma_semaphore, #tpu.memory_space<semaphore_mem>>
      %dma_start3A = tpu.memref_slice %arg4[%mul3A_2] : memref<4096xf32, #tpu.memory_space<hbm>> -> memref<128xf32, #tpu.memory_space<hbm>>
      %dma_start3A_2385 = tpu.memref_slice %arg4[%mul3A_2] : memref<4096xf32, #tpu.memory_space<hbm>> -> memref<128xf32, #tpu.memory_space<hbm>>
      tpu.enqueue_dma source(%dma_start3A_2385 : memref<128xf32, #tpu.memory_space<hbm>>) target(%arg15 : memref<128xf32, #tpu.memory_space<vmem>>) target_semaphore(%run_scoped3A : memref<!tpu.dma_semaphore, #tpu.memory_space<semaphore_mem>>)
      %dma_wait3A = tpu.memref_slice %arg4[%mul3A_2] : memref<4096xf32, #tpu.memory_space<hbm>> -> memref<128xf32, #tpu.memory_space<hbm>>
      %dma_wait3A_2386 = tpu.memref_slice %arg4[%mul3A_2] : memref<4096xf32, #tpu.memory_space<hbm>> -> memref<128xf32, #tpu.memory_space<hbm>>
      tpu.wait_dma2 semaphore(%run_scoped3A : memref<!tpu.dma_semaphore, #tpu.memory_space<semaphore_mem>>) src(%dma_wait3A_2386 : memref<128xf32, #tpu.memory_space<hbm>>) dst(%arg15 : memref<128xf32, #tpu.memory_space<vmem>>)
      tpu.yield
    }) : () -> ()
    "tpu.region"() ({
      %run_scoped3A = tpu.sem_alloc : memref<!tpu.dma_semaphore, #tpu.memory_space<semaphore_mem>>
      %dma_start3A = tpu.memref_slice %arg5[%mul3A_2] : memref<4096xf32, #tpu.memory_space<hbm>> -> memref<128xf32, #tpu.memory_space<hbm>>
      %dma_start3A_2385 = tpu.memref_slice %arg5[%mul3A_2] : memref<4096xf32, #tpu.memory_space<hbm>> -> memref<128xf32, #tpu.memory_space<hbm>>
      tpu.enqueue_dma source(%dma_start3A_2385 : memref<128xf32, #tpu.memory_space<hbm>>) target(%arg16 : memref<128xf32, #tpu.memory_space<vmem>>) target_semaphore(%run_scoped3A : memref<!tpu.dma_semaphore, #tpu.memory_space<semaphore_mem>>)
      %dma_wait3A = tpu.memref_slice %arg5[%mul3A_2] : memref<4096xf32, #tpu.memory_space<hbm>> -> memref<128xf32, #tpu.memory_space<hbm>>
      %dma_wait3A_2386 = tpu.memref_slice %arg5[%mul3A_2] : memref<4096xf32, #tpu.memory_space<hbm>> -> memref<128xf32, #tpu.memory_space<hbm>>
      tpu.wait_dma2 semaphore(%run_scoped3A : memref<!tpu.dma_semaphore, #tpu.memory_space<semaphore_mem>>) src(%dma_wait3A_2386 : memref<128xf32, #tpu.memory_space<hbm>>) dst(%arg16 : memref<128xf32, #tpu.memory_space<vmem>>)
      tpu.yield
    }) : () -> ()
    "tpu.region"() ({
      %run_scoped3A = tpu.sem_alloc : memref<!tpu.dma_semaphore, #tpu.memory_space<semaphore_mem>>
      tpu.enqueue_dma source(%arg6 : memref<16xf32, #tpu.memory_space<hbm>>) target(%arg17 : memref<16xf32, #tpu.memory_space<vmem>>) target_semaphore(%run_scoped3A : memref<!tpu.dma_semaphore, #tpu.memory_space<semaphore_mem>>)
      tpu.wait_dma2 semaphore(%run_scoped3A : memref<!tpu.dma_semaphore, #tpu.memory_space<semaphore_mem>>) src(%arg6 : memref<16xf32, #tpu.memory_space<hbm>>) dst(%arg17 : memref<16xf32, #tpu.memory_space<vmem>>)
      tpu.yield
    }) : () -> ()
    "tpu.region"() ({
      %run_scoped3A = tpu.sem_alloc : memref<!tpu.dma_semaphore, #tpu.memory_space<semaphore_mem>>
      tpu.enqueue_dma source(%arg7 : memref<16xf32, #tpu.memory_space<hbm>>) target(%arg18 : memref<16xf32, #tpu.memory_space<vmem>>) target_semaphore(%run_scoped3A : memref<!tpu.dma_semaphore, #tpu.memory_space<semaphore_mem>>)
      tpu.wait_dma2 semaphore(%run_scoped3A : memref<!tpu.dma_semaphore, #tpu.memory_space<semaphore_mem>>) src(%arg7 : memref<16xf32, #tpu.memory_space<hbm>>) dst(%arg18 : memref<16xf32, #tpu.memory_space<vmem>>)
      tpu.yield
    }) : () -> ()
    %get3A = arith.constant 0 : index
    %get3A_3 = tpu.vector_load %arg17[%get3A] {strides = array<i32>} : memref<16xf32, #tpu.memory_space<vmem>>, vector<16xf32>,
    %get3A_4 = arith.constant 0 : index
    %get3A_5 = tpu.vector_load %arg18[%get3A_4] {strides = array<i32>} : memref<16xf32, #tpu.memory_space<vmem>>, vector<16xf32>,
    %iota3A = tpu.iota {dimensions = array<i32: 0>} : vector<16xi32>
    %get3A_6 = arith.constant 0 : index
    %get3A_7 = tpu.vector_load %arg13[%get3A_6] {strides = array<i32>} : memref<128xf32, #tpu.memory_space<vmem>>, vector<16xf32>,
    %get3A_8 = arith.constant 0 : index
    %get3A_9 = tpu.vector_load %arg15[%get3A_8] {strides = array<i32>} : memref<128xf32, #tpu.memory_space<vmem>>, vector<16xf32>,
    %sub3A = arith.subf %get3A_7, %get3A_9 : vector<16xf32>
    %get3A_10 = arith.constant 0 : index
    %get3A_11 = tpu.vector_load %arg14[%get3A_10] {strides = array<i32>} : memref<128xf32, #tpu.memory_space<vmem>>, vector<16xf32>,
    %get3A_12 = arith.constant 0 : index
    %get3A_13 = tpu.vector_load %arg16[%get3A_12] {strides = array<i32>} : memref<128xf32, #tpu.memory_space<vmem>>, vector<16xf32>,
    %sub3A_14 = arith.subf %get3A_11, %get3A_13 : vector<16xf32>
    %mul3A_15 = arith.mulf %sub3A, %get3A_3 : vector<16xf32>
    %mul3A_16 = arith.mulf %sub3A_14, %get3A_5 : vector<16xf32>
    %sub3A_17 = arith.subf %mul3A_15, %mul3A_16 : vector<16xf32>
    %mul3A_18 = arith.mulf %sub3A, %get3A_5 : vector<16xf32>
    %mul3A_19 = arith.mulf %sub3A_14, %get3A_3 : vector<16xf32>
    %add3A_20 = arith.addf %mul3A_18, %mul3A_19 : vector<16xf32>
    %swap3A = arith.constant 0 : index
    %swap3A_21 = tpu.vector_load %arg21[%swap3A] {strides = array<i32>} : memref<128xf32, #tpu.memory_space<vmem>>, vector<16xf32>,
    tpu.vector_store %arg21[%swap3A], %sub3A_17 {strides = array<i32>} : memref<128xf32, #tpu.memory_space<vmem>>, vector<16xf32>,
    %swap3A_22 = arith.constant 0 : index
    %swap3A_23 = tpu.vector_load %arg22[%swap3A_22] {strides = array<i32>} : memref<128xf32, #tpu.memory_space<vmem>>, vector<16xf32>,
    tpu.vector_store %arg22[%swap3A_22], %add3A_20 {strides = array<i32>} : memref<128xf32, #tpu.memory_space<vmem>>, vector<16xf32>,
    %mul3A_24 = arith.constant 2.000000e+00 : f32
    %mul3A_25 = vector.broadcast %mul3A_24 : f32 to vector<16xf32>
    %mul3A_26 = arith.mulf %sub3A_17, %mul3A_25 : vector<16xf32>
    %mul3A_27 = arith.constant 2.000000e+00 : f32
    %mul3A_28 = vector.broadcast %mul3A_27 : f32 to vector<16xf32>
    %mul3A_29 = arith.mulf %add3A_20, %mul3A_28 : vector<16xf32>
    %mul3A_30 = arith.mulf %mul3A_26, %mul3A_26 : vector<16xf32>
    %mul3A_31 = arith.mulf %mul3A_29, %mul3A_29 : vector<16xf32>
    %add3A_32 = arith.addf %mul3A_30, %mul3A_31 : vector<16xf32>
    %gt3A = arith.constant 3.364000e+03 : f32
    %gt3A_33 = vector.broadcast %gt3A : f32 to vector<16xf32>
    %gt3A_34 = arith.cmpf ogt, %add3A_32, %gt3A_33 : vector<16xf32>
    %add3A_35 = arith.constant 0 : i32
    %add3A_36 = vector.broadcast %add3A_35 : i32 to vector<16xi32>
    %add3A_37 = arith.addi %iota3A, %add3A_36 : vector<16xi32>
    %swap3A_38 = arith.constant 0 : i32
    %swap3A_39 = arith.index_cast %swap3A_38 : i32 to index
    %swap3A_40 = tpu.vector_load %arg23[%swap3A_39] masked %gt3A_34 {strides = array<i32>} : memref<144xi32, #tpu.memory_space<vmem>>, vector<16xi32>, vector<16xi1>
    tpu.vector_store %arg23[%swap3A_39], %add3A_37 masked %gt3A_34 {strides = array<i32>} : memref<144xi32, #tpu.memory_space<vmem>>, vector<16xi32>, vector<16xi1>
    %convert_element_type3A = arith.extui %gt3A_34 : vector<16xi1> to vector<16xi32>
    %reduce_sum3A = arith.constant true
    %reduce_sum3A_41 = vector.broadcast %reduce_sum3A : i1 to vector<16xi1>
    %reduce_sum3A_42 = tpu.scan <sum>, %convert_element_type3A masked %reduce_sum3A_41 : vector<16xi32>, vector<16xi1> -> vector<16xi32>
    %reduce_sum3A_43 = vector.extract %reduce_sum3A_42[15] : i32 from vector<16xi32>
    %add3A_44 = arith.constant 0 : i32
    %add3A_45 = arith.addi %add3A_44, %reduce_sum3A_43 : i32
    %get3A_46 = arith.constant 16 : index
    %get3A_47 = tpu.vector_load %arg13[%get3A_46] {strides = array<i32>} : memref<128xf32, #tpu.memory_space<vmem>>, vector<16xf32>,
    %get3A_48 = arith.constant 16 : index
    %get3A_49 = tpu.vector_load %arg15[%get3A_48] {strides = array<i32>} : memref<128xf32, #tpu.memory_space<vmem>>, vector<16xf32>,
    %sub3A_50 = arith.subf %get3A_47, %get3A_49 : vector<16xf32>
    %get3A_51 = arith.constant 16 : index
    %get3A_52 = tpu.vector_load %arg14[%get3A_51] {strides = array<i32>} : memref<128xf32, #tpu.memory_space<vmem>>, vector<16xf32>,
    %get3A_53 = arith.constant 16 : index
    %get3A_54 = tpu.vector_load %arg16[%get3A_53] {strides = array<i32>} : memref<128xf32, #tpu.memory_space<vmem>>, vector<16xf32>,
    %sub3A_55 = arith.subf %get3A_52, %get3A_54 : vector<16xf32>
    %mul3A_56 = arith.mulf %sub3A_50, %get3A_3 : vector<16xf32>
    %mul3A_57 = arith.mulf %sub3A_55, %get3A_5 : vector<16xf32>
    %sub3A_58 = arith.subf %mul3A_56, %mul3A_57 : vector<16xf32>
    %mul3A_59 = arith.mulf %sub3A_50, %get3A_5 : vector<16xf32>
    %mul3A_60 = arith.mulf %sub3A_55, %get3A_3 : vector<16xf32>
    %add3A_61 = arith.addf %mul3A_59, %mul3A_60 : vector<16xf32>
    %swap3A_62 = arith.constant 16 : index
    %swap3A_63 = tpu.vector_load %arg21[%swap3A_62] {strides = array<i32>} : memref<128xf32, #tpu.memory_space<vmem>>, vector<16xf32>,
    tpu.vector_store %arg21[%swap3A_62], %sub3A_58 {strides = array<i32>} : memref<128xf32, #tpu.memory_space<vmem>>, vector<16xf32>,
    %swap3A_64 = arith.constant 16 : index
    %swap3A_65 = tpu.vector_load %arg22[%swap3A_64] {strides = array<i32>} : memref<128xf32, #tpu.memory_space<vmem>>, vector<16xf32>,
    tpu.vector_store %arg22[%swap3A_64], %add3A_61 {strides = array<i32>} : memref<128xf32, #tpu.memory_space<vmem>>, vector<16xf32>,
    %mul3A_66 = arith.constant 2.000000e+00 : f32
    %mul3A_67 = vector.broadcast %mul3A_66 : f32 to vector<16xf32>
    %mul3A_68 = arith.mulf %sub3A_58, %mul3A_67 : vector<16xf32>
    %mul3A_69 = arith.constant 2.000000e+00 : f32
    %mul3A_70 = vector.broadcast %mul3A_69 : f32 to vector<16xf32>
    %mul3A_71 = arith.mulf %add3A_61, %mul3A_70 : vector<16xf32>
    %mul3A_72 = arith.mulf %mul3A_68, %mul3A_68 : vector<16xf32>
    %mul3A_73 = arith.mulf %mul3A_71, %mul3A_71 : vector<16xf32>
    %add3A_74 = arith.addf %mul3A_72, %mul3A_73 : vector<16xf32>
    %gt3A_75 = arith.constant 3.364000e+03 : f32
    %gt3A_76 = vector.broadcast %gt3A_75 : f32 to vector<16xf32>
    %gt3A_77 = arith.cmpf ogt, %add3A_74, %gt3A_76 : vector<16xf32>
    %add3A_78 = arith.constant 16 : i32
    %add3A_79 = vector.broadcast %add3A_78 : i32 to vector<16xi32>
    %add3A_80 = arith.addi %iota3A, %add3A_79 : vector<16xi32>
    %swap3A_81 = arith.index_cast %add3A_45 : i32 to index
    %swap3A_82 = tpu.vector_load %arg23[%swap3A_81] masked %gt3A_77 {strides = array<i32>} : memref<144xi32, #tpu.memory_space<vmem>>, vector<16xi32>, vector<16xi1>
    tpu.vector_store %arg23[%swap3A_81], %add3A_80 masked %gt3A_77 {strides = array<i32>} : memref<144xi32, #tpu.memory_space<vmem>>, vector<16xi32>, vector<16xi1>
    %convert_element_type3A_83 = arith.extui %gt3A_77 : vector<16xi1> to vector<16xi32>
    %reduce_sum3A_84 = arith.constant true
    %reduce_sum3A_85 = vector.broadcast %reduce_sum3A_84 : i1 to vector<16xi1>
    %reduce_sum3A_86 = tpu.scan <sum>, %convert_element_type3A_83 masked %reduce_sum3A_85 : vector<16xi32>, vector<16xi1> -> vector<16xi32>
    %reduce_sum3A_87 = vector.extract %reduce_sum3A_86[15] : i32 from vector<16xi32>
    %add3A_88 = arith.addi %add3A_45, %reduce_sum3A_87 : i32
    %get3A_89 = arith.constant 32 : index
    %get3A_90 = tpu.vector_load %arg13[%get3A_89] {strides = array<i32>} : memref<128xf32, #tpu.memory_space<vmem>>, vector<16xf32>,
    %get3A_91 = arith.constant 32 : index
    %get3A_92 = tpu.vector_load %arg15[%get3A_91] {strides = array<i32>} : memref<128xf32, #tpu.memory_space<vmem>>, vector<16xf32>,
    %sub3A_93 = arith.subf %get3A_90, %get3A_92 : vector<16xf32>
    %get3A_94 = arith.constant 32 : index
    %get3A_95 = tpu.vector_load %arg14[%get3A_94] {strides = array<i32>} : memref<128xf32, #tpu.memory_space<vmem>>, vector<16xf32>,
    %get3A_96 = arith.constant 32 : index
    %get3A_97 = tpu.vector_load %arg16[%get3A_96] {strides = array<i32>} : memref<128xf32, #tpu.memory_space<vmem>>, vector<16xf32>,
    %sub3A_98 = arith.subf %get3A_95, %get3A_97 : vector<16xf32>
    %mul3A_99 = arith.mulf %sub3A_93, %get3A_3 : vector<16xf32>
    %mul3A_100 = arith.mulf %sub3A_98, %get3A_5 : vector<16xf32>
    %sub3A_101 = arith.subf %mul3A_99, %mul3A_100 : vector<16xf32>
    %mul3A_102 = arith.mulf %sub3A_93, %get3A_5 : vector<16xf32>
    %mul3A_103 = arith.mulf %sub3A_98, %get3A_3 : vector<16xf32>
    %add3A_104 = arith.addf %mul3A_102, %mul3A_103 : vector<16xf32>
    %swap3A_105 = arith.constant 32 : index
    %swap3A_106 = tpu.vector_load %arg21[%swap3A_105] {strides = array<i32>} : memref<128xf32, #tpu.memory_space<vmem>>, vector<16xf32>,
    tpu.vector_store %arg21[%swap3A_105], %sub3A_101 {strides = array<i32>} : memref<128xf32, #tpu.memory_space<vmem>>, vector<16xf32>,
    %swap3A_107 = arith.constant 32 : index
    %swap3A_108 = tpu.vector_load %arg22[%swap3A_107] {strides = array<i32>} : memref<128xf32, #tpu.memory_space<vmem>>, vector<16xf32>,
    tpu.vector_store %arg22[%swap3A_107], %add3A_104 {strides = array<i32>} : memref<128xf32, #tpu.memory_space<vmem>>, vector<16xf32>,
    %mul3A_109 = arith.constant 2.000000e+00 : f32
    %mul3A_110 = vector.broadcast %mul3A_109 : f32 to vector<16xf32>
    %mul3A_111 = arith.mulf %sub3A_101, %mul3A_110 : vector<16xf32>
    %mul3A_112 = arith.constant 2.000000e+00 : f32
    %mul3A_113 = vector.broadcast %mul3A_112 : f32 to vector<16xf32>
    %mul3A_114 = arith.mulf %add3A_104, %mul3A_113 : vector<16xf32>
    %mul3A_115 = arith.mulf %mul3A_111, %mul3A_111 : vector<16xf32>
    %mul3A_116 = arith.mulf %mul3A_114, %mul3A_114 : vector<16xf32>
    %add3A_117 = arith.addf %mul3A_115, %mul3A_116 : vector<16xf32>
    %gt3A_118 = arith.constant 3.364000e+03 : f32
    %gt3A_119 = vector.broadcast %gt3A_118 : f32 to vector<16xf32>
    %gt3A_120 = arith.cmpf ogt, %add3A_117, %gt3A_119 : vector<16xf32>
    %add3A_121 = arith.constant 32 : i32
    %add3A_122 = vector.broadcast %add3A_121 : i32 to vector<16xi32>
    %add3A_123 = arith.addi %iota3A, %add3A_122 : vector<16xi32>
    %swap3A_124 = arith.index_cast %add3A_88 : i32 to index
    %swap3A_125 = tpu.vector_load %arg23[%swap3A_124] masked %gt3A_120 {strides = array<i32>} : memref<144xi32, #tpu.memory_space<vmem>>, vector<16xi32>, vector<16xi1>
    tpu.vector_store %arg23[%swap3A_124], %add3A_123 masked %gt3A_120 {strides = array<i32>} : memref<144xi32, #tpu.memory_space<vmem>>, vector<16xi32>, vector<16xi1>
    %convert_element_type3A_126 = arith.extui %gt3A_120 : vector<16xi1> to vector<16xi32>
    %reduce_sum3A_127 = arith.constant true
    %reduce_sum3A_128 = vector.broadcast %reduce_sum3A_127 : i1 to vector<16xi1>
    %reduce_sum3A_129 = tpu.scan <sum>, %convert_element_type3A_126 masked %reduce_sum3A_128 : vector<16xi32>, vector<16xi1> -> vector<16xi32>
    %reduce_sum3A_130 = vector.extract %reduce_sum3A_129[15] : i32 from vector<16xi32>
    %add3A_131 = arith.addi %add3A_88, %reduce_sum3A_130 : i32
    %get3A_132 = arith.constant 48 : index
    %get3A_133 = tpu.vector_load %arg13[%get3A_132] {strides = array<i32>} : memref<128xf32, #tpu.memory_space<vmem>>, vector<16xf32>,
    %get3A_134 = arith.constant 48 : index
    %get3A_135 = tpu.vector_load %arg15[%get3A_134] {strides = array<i32>} : memref<128xf32, #tpu.memory_space<vmem>>, vector<16xf32>,
    %sub3A_136 = arith.subf %get3A_133, %get3A_135 : vector<16xf32>
    %get3A_137 = arith.constant 48 : index
    %get3A_138 = tpu.vector_load %arg14[%get3A_137] {strides = array<i32>} : memref<128xf32, #tpu.memory_space<vmem>>, vector<16xf32>,
    %get3A_139 = arith.constant 48 : index
    %get3A_140 = tpu.vector_load %arg16[%get3A_139] {strides = array<i32>} : memref<128xf32, #tpu.memory_space<vmem>>, vector<16xf32>,
    %sub3A_141 = arith.subf %get3A_138, %get3A_140 : vector<16xf32>
    %mul3A_142 = arith.mulf %sub3A_136, %get3A_3 : vector<16xf32>
    %mul3A_143 = arith.mulf %sub3A_141, %get3A_5 : vector<16xf32>
    %sub3A_144 = arith.subf %mul3A_142, %mul3A_143 : vector<16xf32>
    %mul3A_145 = arith.mulf %sub3A_136, %get3A_5 : vector<16xf32>
    %mul3A_146 = arith.mulf %sub3A_141, %get3A_3 : vector<16xf32>
    %add3A_147 = arith.addf %mul3A_145, %mul3A_146 : vector<16xf32>
    %swap3A_148 = arith.constant 48 : index
    %swap3A_149 = tpu.vector_load %arg21[%swap3A_148] {strides = array<i32>} : memref<128xf32, #tpu.memory_space<vmem>>, vector<16xf32>,
    tpu.vector_store %arg21[%swap3A_148], %sub3A_144 {strides = array<i32>} : memref<128xf32, #tpu.memory_space<vmem>>, vector<16xf32>,
    %swap3A_150 = arith.constant 48 : index
    %swap3A_151 = tpu.vector_load %arg22[%swap3A_150] {strides = array<i32>} : memref<128xf32, #tpu.memory_space<vmem>>, vector<16xf32>,
    tpu.vector_store %arg22[%swap3A_150], %add3A_147 {strides = array<i32>} : memref<128xf32, #tpu.memory_space<vmem>>, vector<16xf32>,
    %mul3A_152 = arith.constant 2.000000e+00 : f32
    %mul3A_153 = vector.broadcast %mul3A_152 : f32 to vector<16xf32>
    %mul3A_154 = arith.mulf %sub3A_144, %mul3A_153 : vector<16xf32>
    %mul3A_155 = arith.constant 2.000000e+00 : f32
    %mul3A_156 = vector.broadcast %mul3A_155 : f32 to vector<16xf32>
    %mul3A_157 = arith.mulf %add3A_147, %mul3A_156 : vector<16xf32>
    %mul3A_158 = arith.mulf %mul3A_154, %mul3A_154 : vector<16xf32>
    %mul3A_159 = arith.mulf %mul3A_157, %mul3A_157 : vector<16xf32>
    %add3A_160 = arith.addf %mul3A_158, %mul3A_159 : vector<16xf32>
    %gt3A_161 = arith.constant 3.364000e+03 : f32
    %gt3A_162 = vector.broadcast %gt3A_161 : f32 to vector<16xf32>
    %gt3A_163 = arith.cmpf ogt, %add3A_160, %gt3A_162 : vector<16xf32>
    %add3A_164 = arith.constant 48 : i32
    %add3A_165 = vector.broadcast %add3A_164 : i32 to vector<16xi32>
    %add3A_166 = arith.addi %iota3A, %add3A_165 : vector<16xi32>
    %swap3A_167 = arith.index_cast %add3A_131 : i32 to index
    %swap3A_168 = tpu.vector_load %arg23[%swap3A_167] masked %gt3A_163 {strides = array<i32>} : memref<144xi32, #tpu.memory_space<vmem>>, vector<16xi32>, vector<16xi1>
    tpu.vector_store %arg23[%swap3A_167], %add3A_166 masked %gt3A_163 {strides = array<i32>} : memref<144xi32, #tpu.memory_space<vmem>>, vector<16xi32>, vector<16xi1>
    %convert_element_type3A_169 = arith.extui %gt3A_163 : vector<16xi1> to vector<16xi32>
    %reduce_sum3A_170 = arith.constant true
    %reduce_sum3A_171 = vector.broadcast %reduce_sum3A_170 : i1 to vector<16xi1>
    %reduce_sum3A_172 = tpu.scan <sum>, %convert_element_type3A_169 masked %reduce_sum3A_171 : vector<16xi32>, vector<16xi1> -> vector<16xi32>
    %reduce_sum3A_173 = vector.extract %reduce_sum3A_172[15] : i32 from vector<16xi32>
    %add3A_174 = arith.addi %add3A_131, %reduce_sum3A_173 : i32
    %get3A_175 = arith.constant 64 : index
    %get3A_176 = tpu.vector_load %arg13[%get3A_175] {strides = array<i32>} : memref<128xf32, #tpu.memory_space<vmem>>, vector<16xf32>,
    %get3A_177 = arith.constant 64 : index
    %get3A_178 = tpu.vector_load %arg15[%get3A_177] {strides = array<i32>} : memref<128xf32, #tpu.memory_space<vmem>>, vector<16xf32>,
    %sub3A_179 = arith.subf %get3A_176, %get3A_178 : vector<16xf32>
    %get3A_180 = arith.constant 64 : index
    %get3A_181 = tpu.vector_load %arg14[%get3A_180] {strides = array<i32>} : memref<128xf32, #tpu.memory_space<vmem>>, vector<16xf32>,
    %get3A_182 = arith.constant 64 : index
    %get3A_183 = tpu.vector_load %arg16[%get3A_182] {strides = array<i32>} : memref<128xf32, #tpu.memory_space<vmem>>, vector<16xf32>,
    %sub3A_184 = arith.subf %get3A_181, %get3A_183 : vector<16xf32>
    %mul3A_185 = arith.mulf %sub3A_179, %get3A_3 : vector<16xf32>
    %mul3A_186 = arith.mulf %sub3A_184, %get3A_5 : vector<16xf32>
    %sub3A_187 = arith.subf %mul3A_185, %mul3A_186 : vector<16xf32>
    %mul3A_188 = arith.mulf %sub3A_179, %get3A_5 : vector<16xf32>
    %mul3A_189 = arith.mulf %sub3A_184, %get3A_3 : vector<16xf32>
    %add3A_190 = arith.addf %mul3A_188, %mul3A_189 : vector<16xf32>
    %swap3A_191 = arith.constant 64 : index
    %swap3A_192 = tpu.vector_load %arg21[%swap3A_191] {strides = array<i32>} : memref<128xf32, #tpu.memory_space<vmem>>, vector<16xf32>,
    tpu.vector_store %arg21[%swap3A_191], %sub3A_187 {strides = array<i32>} : memref<128xf32, #tpu.memory_space<vmem>>, vector<16xf32>,
    %swap3A_193 = arith.constant 64 : index
    %swap3A_194 = tpu.vector_load %arg22[%swap3A_193] {strides = array<i32>} : memref<128xf32, #tpu.memory_space<vmem>>, vector<16xf32>,
    tpu.vector_store %arg22[%swap3A_193], %add3A_190 {strides = array<i32>} : memref<128xf32, #tpu.memory_space<vmem>>, vector<16xf32>,
    %mul3A_195 = arith.constant 2.000000e+00 : f32
    %mul3A_196 = vector.broadcast %mul3A_195 : f32 to vector<16xf32>
    %mul3A_197 = arith.mulf %sub3A_187, %mul3A_196 : vector<16xf32>
    %mul3A_198 = arith.constant 2.000000e+00 : f32
    %mul3A_199 = vector.broadcast %mul3A_198 : f32 to vector<16xf32>
    %mul3A_200 = arith.mulf %add3A_190, %mul3A_199 : vector<16xf32>
    %mul3A_201 = arith.mulf %mul3A_197, %mul3A_197 : vector<16xf32>
    %mul3A_202 = arith.mulf %mul3A_200, %mul3A_200 : vector<16xf32>
    %add3A_203 = arith.addf %mul3A_201, %mul3A_202 : vector<16xf32>
    %gt3A_204 = arith.constant 3.364000e+03 : f32
    %gt3A_205 = vector.broadcast %gt3A_204 : f32 to vector<16xf32>
    %gt3A_206 = arith.cmpf ogt, %add3A_203, %gt3A_205 : vector<16xf32>
    %add3A_207 = arith.constant 64 : i32
    %add3A_208 = vector.broadcast %add3A_207 : i32 to vector<16xi32>
    %add3A_209 = arith.addi %iota3A, %add3A_208 : vector<16xi32>
    %swap3A_210 = arith.index_cast %add3A_174 : i32 to index
    %swap3A_211 = tpu.vector_load %arg23[%swap3A_210] masked %gt3A_206 {strides = array<i32>} : memref<144xi32, #tpu.memory_space<vmem>>, vector<16xi32>, vector<16xi1>
    tpu.vector_store %arg23[%swap3A_210], %add3A_209 masked %gt3A_206 {strides = array<i32>} : memref<144xi32, #tpu.memory_space<vmem>>, vector<16xi32>, vector<16xi1>
    %convert_element_type3A_212 = arith.extui %gt3A_206 : vector<16xi1> to vector<16xi32>
    %reduce_sum3A_213 = arith.constant true
    %reduce_sum3A_214 = vector.broadcast %reduce_sum3A_213 : i1 to vector<16xi1>
    %reduce_sum3A_215 = tpu.scan <sum>, %convert_element_type3A_212 masked %reduce_sum3A_214 : vector<16xi32>, vector<16xi1> -> vector<16xi32>
    %reduce_sum3A_216 = vector.extract %reduce_sum3A_215[15] : i32 from vector<16xi32>
    %add3A_217 = arith.addi %add3A_174, %reduce_sum3A_216 : i32
    %get3A_218 = arith.constant 80 : index
    %get3A_219 = tpu.vector_load %arg13[%get3A_218] {strides = array<i32>} : memref<128xf32, #tpu.memory_space<vmem>>, vector<16xf32>,
    %get3A_220 = arith.constant 80 : index
    %get3A_221 = tpu.vector_load %arg15[%get3A_220] {strides = array<i32>} : memref<128xf32, #tpu.memory_space<vmem>>, vector<16xf32>,
    %sub3A_222 = arith.subf %get3A_219, %get3A_221 : vector<16xf32>
    %get3A_223 = arith.constant 80 : index
    %get3A_224 = tpu.vector_load %arg14[%get3A_223] {strides = array<i32>} : memref<128xf32, #tpu.memory_space<vmem>>, vector<16xf32>,
    %get3A_225 = arith.constant 80 : index
    %get3A_226 = tpu.vector_load %arg16[%get3A_225] {strides = array<i32>} : memref<128xf32, #tpu.memory_space<vmem>>, vector<16xf32>,
    %sub3A_227 = arith.subf %get3A_224, %get3A_226 : vector<16xf32>
    %mul3A_228 = arith.mulf %sub3A_222, %get3A_3 : vector<16xf32>
    %mul3A_229 = arith.mulf %sub3A_227, %get3A_5 : vector<16xf32>
    %sub3A_230 = arith.subf %mul3A_228, %mul3A_229 : vector<16xf32>
    %mul3A_231 = arith.mulf %sub3A_222, %get3A_5 : vector<16xf32>
    %mul3A_232 = arith.mulf %sub3A_227, %get3A_3 : vector<16xf32>
    %add3A_233 = arith.addf %mul3A_231, %mul3A_232 : vector<16xf32>
    %swap3A_234 = arith.constant 80 : index
    %swap3A_235 = tpu.vector_load %arg21[%swap3A_234] {strides = array<i32>} : memref<128xf32, #tpu.memory_space<vmem>>, vector<16xf32>,
    tpu.vector_store %arg21[%swap3A_234], %sub3A_230 {strides = array<i32>} : memref<128xf32, #tpu.memory_space<vmem>>, vector<16xf32>,
    %swap3A_236 = arith.constant 80 : index
    %swap3A_237 = tpu.vector_load %arg22[%swap3A_236] {strides = array<i32>} : memref<128xf32, #tpu.memory_space<vmem>>, vector<16xf32>,
    tpu.vector_store %arg22[%swap3A_236], %add3A_233 {strides = array<i32>} : memref<128xf32, #tpu.memory_space<vmem>>, vector<16xf32>,
    %mul3A_238 = arith.constant 2.000000e+00 : f32
    %mul3A_239 = vector.broadcast %mul3A_238 : f32 to vector<16xf32>
    %mul3A_240 = arith.mulf %sub3A_230, %mul3A_239 : vector<16xf32>
    %mul3A_241 = arith.constant 2.000000e+00 : f32
    %mul3A_242 = vector.broadcast %mul3A_241 : f32 to vector<16xf32>
    %mul3A_243 = arith.mulf %add3A_233, %mul3A_242 : vector<16xf32>
    %mul3A_244 = arith.mulf %mul3A_240, %mul3A_240 : vector<16xf32>
    %mul3A_245 = arith.mulf %mul3A_243, %mul3A_243 : vector<16xf32>
    %add3A_246 = arith.addf %mul3A_244, %mul3A_245 : vector<16xf32>
    %gt3A_247 = arith.constant 3.364000e+03 : f32
    %gt3A_248 = vector.broadcast %gt3A_247 : f32 to vector<16xf32>
    %gt3A_249 = arith.cmpf ogt, %add3A_246, %gt3A_248 : vector<16xf32>
    %add3A_250 = arith.constant 80 : i32
    %add3A_251 = vector.broadcast %add3A_250 : i32 to vector<16xi32>
    %add3A_252 = arith.addi %iota3A, %add3A_251 : vector<16xi32>
    %swap3A_253 = arith.index_cast %add3A_217 : i32 to index
    %swap3A_254 = tpu.vector_load %arg23[%swap3A_253] masked %gt3A_249 {strides = array<i32>} : memref<144xi32, #tpu.memory_space<vmem>>, vector<16xi32>, vector<16xi1>
    tpu.vector_store %arg23[%swap3A_253], %add3A_252 masked %gt3A_249 {strides = array<i32>} : memref<144xi32, #tpu.memory_space<vmem>>, vector<16xi32>, vector<16xi1>
    %convert_element_type3A_255 = arith.extui %gt3A_249 : vector<16xi1> to vector<16xi32>
    %reduce_sum3A_256 = arith.constant true
    %reduce_sum3A_257 = vector.broadcast %reduce_sum3A_256 : i1 to vector<16xi1>
    %reduce_sum3A_258 = tpu.scan <sum>, %convert_element_type3A_255 masked %reduce_sum3A_257 : vector<16xi32>, vector<16xi1> -> vector<16xi32>
    %reduce_sum3A_259 = vector.extract %reduce_sum3A_258[15] : i32 from vector<16xi32>
    %add3A_260 = arith.addi %add3A_217, %reduce_sum3A_259 : i32
    %get3A_261 = arith.constant 96 : index
    %get3A_262 = tpu.vector_load %arg13[%get3A_261] {strides = array<i32>} : memref<128xf32, #tpu.memory_space<vmem>>, vector<16xf32>,
    %get3A_263 = arith.constant 96 : index
    %get3A_264 = tpu.vector_load %arg15[%get3A_263] {strides = array<i32>} : memref<128xf32, #tpu.memory_space<vmem>>, vector<16xf32>,
    %sub3A_265 = arith.subf %get3A_262, %get3A_264 : vector<16xf32>
    %get3A_266 = arith.constant 96 : index
    %get3A_267 = tpu.vector_load %arg14[%get3A_266] {strides = array<i32>} : memref<128xf32, #tpu.memory_space<vmem>>, vector<16xf32>,
    %get3A_268 = arith.constant 96 : index
    %get3A_269 = tpu.vector_load %arg16[%get3A_268] {strides = array<i32>} : memref<128xf32, #tpu.memory_space<vmem>>, vector<16xf32>,
    %sub3A_270 = arith.subf %get3A_267, %get3A_269 : vector<16xf32>
    %mul3A_271 = arith.mulf %sub3A_265, %get3A_3 : vector<16xf32>
    %mul3A_272 = arith.mulf %sub3A_270, %get3A_5 : vector<16xf32>
    %sub3A_273 = arith.subf %mul3A_271, %mul3A_272 : vector<16xf32>
    %mul3A_274 = arith.mulf %sub3A_265, %get3A_5 : vector<16xf32>
    %mul3A_275 = arith.mulf %sub3A_270, %get3A_3 : vector<16xf32>
    %add3A_276 = arith.addf %mul3A_274, %mul3A_275 : vector<16xf32>
    %swap3A_277 = arith.constant 96 : index
    %swap3A_278 = tpu.vector_load %arg21[%swap3A_277] {strides = array<i32>} : memref<128xf32, #tpu.memory_space<vmem>>, vector<16xf32>,
    tpu.vector_store %arg21[%swap3A_277], %sub3A_273 {strides = array<i32>} : memref<128xf32, #tpu.memory_space<vmem>>, vector<16xf32>,
    %swap3A_279 = arith.constant 96 : index
    %swap3A_280 = tpu.vector_load %arg22[%swap3A_279] {strides = array<i32>} : memref<128xf32, #tpu.memory_space<vmem>>, vector<16xf32>,
    tpu.vector_store %arg22[%swap3A_279], %add3A_276 {strides = array<i32>} : memref<128xf32, #tpu.memory_space<vmem>>, vector<16xf32>,
    %mul3A_281 = arith.constant 2.000000e+00 : f32
    %mul3A_282 = vector.broadcast %mul3A_281 : f32 to vector<16xf32>
    %mul3A_283 = arith.mulf %sub3A_273, %mul3A_282 : vector<16xf32>
    %mul3A_284 = arith.constant 2.000000e+00 : f32
    %mul3A_285 = vector.broadcast %mul3A_284 : f32 to vector<16xf32>
    %mul3A_286 = arith.mulf %add3A_276, %mul3A_285 : vector<16xf32>
    %mul3A_287 = arith.mulf %mul3A_283, %mul3A_283 : vector<16xf32>
    %mul3A_288 = arith.mulf %mul3A_286, %mul3A_286 : vector<16xf32>
    %add3A_289 = arith.addf %mul3A_287, %mul3A_288 : vector<16xf32>
    %gt3A_290 = arith.constant 3.364000e+03 : f32
    %gt3A_291 = vector.broadcast %gt3A_290 : f32 to vector<16xf32>
    %gt3A_292 = arith.cmpf ogt, %add3A_289, %gt3A_291 : vector<16xf32>
    %add3A_293 = arith.constant 96 : i32
    %add3A_294 = vector.broadcast %add3A_293 : i32 to vector<16xi32>
    %add3A_295 = arith.addi %iota3A, %add3A_294 : vector<16xi32>
    %swap3A_296 = arith.index_cast %add3A_260 : i32 to index
    %swap3A_297 = tpu.vector_load %arg23[%swap3A_296] masked %gt3A_292 {strides = array<i32>} : memref<144xi32, #tpu.memory_space<vmem>>, vector<16xi32>, vector<16xi1>
    tpu.vector_store %arg23[%swap3A_296], %add3A_295 masked %gt3A_292 {strides = array<i32>} : memref<144xi32, #tpu.memory_space<vmem>>, vector<16xi32>, vector<16xi1>
    %convert_element_type3A_298 = arith.extui %gt3A_292 : vector<16xi1> to vector<16xi32>
    %reduce_sum3A_299 = arith.constant true
    %reduce_sum3A_300 = vector.broadcast %reduce_sum3A_299 : i1 to vector<16xi1>
    %reduce_sum3A_301 = tpu.scan <sum>, %convert_element_type3A_298 masked %reduce_sum3A_300 : vector<16xi32>, vector<16xi1> -> vector<16xi32>
    %reduce_sum3A_302 = vector.extract %reduce_sum3A_301[15] : i32 from vector<16xi32>
    %add3A_303 = arith.addi %add3A_260, %reduce_sum3A_302 : i32
    %get3A_304 = arith.constant 112 : index
    %get3A_305 = tpu.vector_load %arg13[%get3A_304] {strides = array<i32>} : memref<128xf32, #tpu.memory_space<vmem>>, vector<16xf32>,
    %get3A_306 = arith.constant 112 : index
    %get3A_307 = tpu.vector_load %arg15[%get3A_306] {strides = array<i32>} : memref<128xf32, #tpu.memory_space<vmem>>, vector<16xf32>,
    %sub3A_308 = arith.subf %get3A_305, %get3A_307 : vector<16xf32>
    %get3A_309 = arith.constant 112 : index
    %get3A_310 = tpu.vector_load %arg14[%get3A_309] {strides = array<i32>} : memref<128xf32, #tpu.memory_space<vmem>>, vector<16xf32>,
    %get3A_311 = arith.constant 112 : index
    %get3A_312 = tpu.vector_load %arg16[%get3A_311] {strides = array<i32>} : memref<128xf32, #tpu.memory_space<vmem>>, vector<16xf32>,
    %sub3A_313 = arith.subf %get3A_310, %get3A_312 : vector<16xf32>
    %mul3A_314 = arith.mulf %sub3A_308, %get3A_3 : vector<16xf32>
    %mul3A_315 = arith.mulf %sub3A_313, %get3A_5 : vector<16xf32>
    %sub3A_316 = arith.subf %mul3A_314, %mul3A_315 : vector<16xf32>
    %mul3A_317 = arith.mulf %sub3A_308, %get3A_5 : vector<16xf32>
    %mul3A_318 = arith.mulf %sub3A_313, %get3A_3 : vector<16xf32>
    %add3A_319 = arith.addf %mul3A_317, %mul3A_318 : vector<16xf32>
    %swap3A_320 = arith.constant 112 : index
    %swap3A_321 = tpu.vector_load %arg21[%swap3A_320] {strides = array<i32>} : memref<128xf32, #tpu.memory_space<vmem>>, vector<16xf32>,
    tpu.vector_store %arg21[%swap3A_320], %sub3A_316 {strides = array<i32>} : memref<128xf32, #tpu.memory_space<vmem>>, vector<16xf32>,
    %swap3A_322 = arith.constant 112 : index
    %swap3A_323 = tpu.vector_load %arg22[%swap3A_322] {strides = array<i32>} : memref<128xf32, #tpu.memory_space<vmem>>, vector<16xf32>,
    tpu.vector_store %arg22[%swap3A_322], %add3A_319 {strides = array<i32>} : memref<128xf32, #tpu.memory_space<vmem>>, vector<16xf32>,
    %mul3A_324 = arith.constant 2.000000e+00 : f32
    %mul3A_325 = vector.broadcast %mul3A_324 : f32 to vector<16xf32>
    %mul3A_326 = arith.mulf %sub3A_316, %mul3A_325 : vector<16xf32>
    %mul3A_327 = arith.constant 2.000000e+00 : f32
    %mul3A_328 = vector.broadcast %mul3A_327 : f32 to vector<16xf32>
    %mul3A_329 = arith.mulf %add3A_319, %mul3A_328 : vector<16xf32>
    %mul3A_330 = arith.mulf %mul3A_326, %mul3A_326 : vector<16xf32>
    %mul3A_331 = arith.mulf %mul3A_329, %mul3A_329 : vector<16xf32>
    %add3A_332 = arith.addf %mul3A_330, %mul3A_331 : vector<16xf32>
    %gt3A_333 = arith.constant 3.364000e+03 : f32
    %gt3A_334 = vector.broadcast %gt3A_333 : f32 to vector<16xf32>
    %gt3A_335 = arith.cmpf ogt, %add3A_332, %gt3A_334 : vector<16xf32>
    %add3A_336 = arith.constant 112 : i32
    %add3A_337 = vector.broadcast %add3A_336 : i32 to vector<16xi32>
    %add3A_338 = arith.addi %iota3A, %add3A_337 : vector<16xi32>
    %swap3A_339 = arith.index_cast %add3A_303 : i32 to index
    %swap3A_340 = tpu.vector_load %arg23[%swap3A_339] masked %gt3A_335 {strides = array<i32>} : memref<144xi32, #tpu.memory_space<vmem>>, vector<16xi32>, vector<16xi1>
    tpu.vector_store %arg23[%swap3A_339], %add3A_338 masked %gt3A_335 {strides = array<i32>} : memref<144xi32, #tpu.memory_space<vmem>>, vector<16xi32>, vector<16xi1>
    %convert_element_type3A_341 = arith.extui %gt3A_335 : vector<16xi1> to vector<16xi32>
    %reduce_sum3A_342 = arith.constant true
    %reduce_sum3A_343 = vector.broadcast %reduce_sum3A_342 : i1 to vector<16xi1>
    %reduce_sum3A_344 = tpu.scan <sum>, %convert_element_type3A_341 masked %reduce_sum3A_343 : vector<16xi32>, vector<16xi1> -> vector<16xi32>
    %reduce_sum3A_345 = vector.extract %reduce_sum3A_344[15] : i32 from vector<16xi32>
    %add3A_346 = arith.addi %add3A_303, %reduce_sum3A_345 : i32
    tpu.wait_dma2 semaphore(%arg27 : memref<!tpu.dma_semaphore, #tpu.memory_space<semaphore_mem>>) src(%arg8 : memref<18232xi32, #tpu.memory_space<hbm>>) dst(%arg19 : memref<18232xi32, #tpu.memory_space<vmem>>)
    tpu.wait_dma2 semaphore(%arg27 : memref<!tpu.dma_semaphore, #tpu.memory_space<semaphore_mem>>) src(%arg9 : memref<11296xi32, #tpu.memory_space<hbm>>) dst(%arg20 : memref<11296xi32, #tpu.memory_space<vmem>>)
    %mul3A_347 = arith.constant 2.000000e+00 : f32
    %mul3A_348 = vector.broadcast %mul3A_347 : f32 to vector<16xf32>
    %mul3A_349 = arith.mulf %sub3A_17, %mul3A_348 : vector<16xf32>
    %mul3A_350 = arith.constant 2.000000e+00 : f32
    %mul3A_351 = vector.broadcast %mul3A_350 : f32 to vector<16xf32>
    %mul3A_352 = arith.mulf %add3A_20, %mul3A_351 : vector<16xf32>
    %ge3A = arith.constant 0.000000e+00 : f32
    %ge3A_353 = vector.broadcast %ge3A : f32 to vector<16xf32>
    %ge3A_354 = arith.cmpf oge, %mul3A_349, %ge3A_353 : vector<16xf32>
    %add3A_355 = arith.constant 5.000000e-01 : f32
    %add3A_356 = vector.broadcast %add3A_355 : f32 to vector<16xf32>
    %add3A_357 = arith.addf %mul3A_349, %add3A_356 : vector<16xf32>
    %sub3A_358 = arith.constant 5.000000e-01 : f32
    %sub3A_359 = vector.broadcast %sub3A_358 : f32 to vector<16xf32>
    %sub3A_360 = arith.subf %mul3A_349, %sub3A_359 : vector<16xf32>
    %select_n3A = arith.select %ge3A_354, %add3A_357, %sub3A_360 : vector<16xi1>, vector<16xf32>
    %convert_element_type3A_361 = arith.fptosi %select_n3A : vector<16xf32> to vector<16xi32>
    %ge3A_362 = arith.constant 0.000000e+00 : f32
    %ge3A_363 = vector.broadcast %ge3A_362 : f32 to vector<16xf32>
    %ge3A_364 = arith.cmpf oge, %mul3A_352, %ge3A_363 : vector<16xf32>
    %add3A_365 = arith.constant 5.000000e-01 : f32
    %add3A_366 = vector.broadcast %add3A_365 : f32 to vector<16xf32>
    %add3A_367 = arith.addf %mul3A_352, %add3A_366 : vector<16xf32>
    %sub3A_368 = arith.constant 5.000000e-01 : f32
    %sub3A_369 = vector.broadcast %sub3A_368 : f32 to vector<16xf32>
    %sub3A_370 = arith.subf %mul3A_352, %sub3A_369 : vector<16xf32>
    %select_n3A_371 = arith.select %ge3A_364, %add3A_367, %sub3A_370 : vector<16xi1>, vector<16xf32>
    %convert_element_type3A_372 = arith.fptosi %select_n3A_371 : vector<16xf32> to vector<16xi32>
    %jit3A = arith.constant -60 : i32
    %jit3A_373 = arith.constant 60 : i32
    %max3A = vector.broadcast %jit3A : i32 to vector<16xi32>
    %max3A_374 = arith.maxsi %max3A, %convert_element_type3A_361 : vector<16xi32>
    %min3A = vector.broadcast %jit3A_373 : i32 to vector<16xi32>
    %min3A_375 = arith.minsi %min3A, %max3A_374 : vector<16xi32>
    %jit3A_376 = arith.constant -60 : i32
    %jit3A_377 = arith.constant 60 : i32
    %max3A_378 = vector.broadcast %jit3A_376 : i32 to vector<16xi32>
    %max3A_379 = arith.maxsi %max3A_378, %convert_element_type3A_372 : vector<16xi32>
    %min3A_380 = vector.broadcast %jit3A_377 : i32 to vector<16xi32>
    %min3A_381 = arith.minsi %min3A_380, %max3A_379 : vector<16xi32>
    %add3A_382 = arith.constant -1 : i32
    %add3A_383 = vector.broadcast %add3A_382 : i32 to vector<16xi32>
    %add3A_384 = arith.addi %min3A_375, %add3A_383 : vector<16xi32>
    %convert_element_type3A_385 = arith.sitofp %add3A_384 : vector<16xi32> to vector<16xf32>
    %mul3A_386 = arith.constant 5.000000e-01 : f32
    %mul3A_387 = vector.broadcast %mul3A_386 : f32 to vector<16xf32>
    %mul3A_388 = arith.mulf %convert_element_type3A_385, %mul3A_387 : vector<16xf32>
    %sub3A_389 = arith.subf %sub3A_17, %mul3A_388 : vector<16xf32>
    %mul3A_390 = arith.mulf %sub3A_389, %sub3A_389 : vector<16xf32>
    %add3A_391 = arith.constant 0 : i32
    %add3A_392 = vector.broadcast %add3A_391 : i32 to vector<16xi32>
    %add3A_393 = arith.addi %min3A_375, %add3A_392 : vector<16xi32>
    %convert_element_type3A_394 = arith.sitofp %add3A_393 : vector<16xi32> to vector<16xf32>
    %mul3A_395 = arith.constant 5.000000e-01 : f32
    %mul3A_396 = vector.broadcast %mul3A_395 : f32 to vector<16xf32>
    %mul3A_397 = arith.mulf %convert_element_type3A_394, %mul3A_396 : vector<16xf32>
    %sub3A_398 = arith.subf %sub3A_17, %mul3A_397 : vector<16xf32>
    %mul3A_399 = arith.mulf %sub3A_398, %sub3A_398 : vector<16xf32>
    %add3A_400 = arith.constant 1 : i32
    %add3A_401 = vector.broadcast %add3A_400 : i32 to vector<16xi32>
    %add3A_402 = arith.addi %min3A_375, %add3A_401 : vector<16xi32>
    %convert_element_type3A_403 = arith.sitofp %add3A_402 : vector<16xi32> to vector<16xf32>
    %mul3A_404 = arith.constant 5.000000e-01 : f32
    %mul3A_405 = vector.broadcast %mul3A_404 : f32 to vector<16xf32>
    %mul3A_406 = arith.mulf %convert_element_type3A_403, %mul3A_405 : vector<16xf32>
    %sub3A_407 = arith.subf %sub3A_17, %mul3A_406 : vector<16xf32>
    %mul3A_408 = arith.mulf %sub3A_407, %sub3A_407 : vector<16xf32>
    %add3A_409 = arith.constant 67 : i32
    %add3A_410 = vector.broadcast %add3A_409 : i32 to vector<16xi32>
    %add3A_411 = arith.addi %min3A_375, %add3A_410 : vector<16xi32>
    %broadcast_in_dim3A = arith.constant 1.000000e+30 : f32
    %broadcast_in_dim3A_412 = vector.broadcast %broadcast_in_dim3A : f32 to vector<16xf32>
    %broadcast_in_dim3A_413 = arith.constant 0 : i32
    %broadcast_in_dim3A_414 = vector.broadcast %broadcast_in_dim3A_413 : i32 to vector<16xi32>
    %add3A_415 = arith.constant 1 : i32
    %add3A_416 = vector.broadcast %add3A_415 : i32 to vector<16xi32>
    %add3A_417 = arith.addi %min3A_381, %add3A_416 : vector<16xi32>
    %convert_element_type3A_418 = arith.sitofp %add3A_417 : vector<16xi32> to vector<16xf32>
    %mul3A_419 = arith.constant 5.000000e-01 : f32
    %mul3A_420 = vector.broadcast %mul3A_419 : f32 to vector<16xf32>
    %mul3A_421 = arith.mulf %convert_element_type3A_418, %mul3A_420 : vector<16xf32>
    %sub3A_422 = arith.subf %add3A_20, %mul3A_421 : vector<16xf32>
    %mul3A_423 = arith.mulf %sub3A_422, %sub3A_422 : vector<16xf32>
    %sub3A_424 = arith.constant 67 : i32
    %sub3A_425 = vector.broadcast %sub3A_424 : i32 to vector<16xi32>
    %sub3A_426 = arith.subi %sub3A_425, %add3A_417 : vector<16xi32>
    %mul3A_427 = arith.constant 135 : i32
    %mul3A_428 = vector.broadcast %mul3A_427 : i32 to vector<16xi32>
    %mul3A_429 = arith.muli %sub3A_426, %mul3A_428 : vector<16xi32>
    %add3A_430 = arith.addi %mul3A_429, %add3A_411 : vector<16xi32>
    %add3A_431 = arith.constant -1 : i32
    %add3A_432 = vector.broadcast %add3A_431 : i32 to vector<16xi32>
    %add3A_433 = arith.addi %add3A_430, %add3A_432 : vector<16xi32>
    %gather3A = tpu.vector_load_idx %arg19[%add3A_433] : memref<18232xi32, #tpu.memory_space<vmem>>[vector<16xi32>], vector<16xi32>,
    %add3A_434 = arith.addf %mul3A_390, %mul3A_423 : vector<16xf32>
    %ge3A_435 = arith.constant 0 : i32
    %ge3A_436 = vector.broadcast %ge3A_435 : i32 to vector<16xi32>
    %ge3A_437 = arith.cmpi sge, %gather3A, %ge3A_436 : vector<16xi32>
    %lt3A = arith.cmpf olt, %add3A_434, %broadcast_in_dim3A_412 : vector<16xf32>
    %and3A = arith.andi %ge3A_437, %lt3A : vector<16xi1>
    %select_n3A_438 = arith.select %and3A, %add3A_434, %broadcast_in_dim3A_412 : vector<16xi1>, vector<16xf32>
    %select_n3A_439 = arith.select %and3A, %gather3A, %broadcast_in_dim3A_414 : vector<16xi1>, vector<16xi32>
    %add3A_440 = arith.constant 0 : i32
    %add3A_441 = vector.broadcast %add3A_440 : i32 to vector<16xi32>
    %add3A_442 = arith.addi %add3A_430, %add3A_441 : vector<16xi32>
    %gather3A_443 = tpu.vector_load_idx %arg19[%add3A_442] : memref<18232xi32, #tpu.memory_space<vmem>>[vector<16xi32>], vector<16xi32>,
    %add3A_444 = arith.addf %mul3A_399, %mul3A_423 : vector<16xf32>
    %ge3A_445 = arith.constant 0 : i32
    %ge3A_446 = vector.broadcast %ge3A_445 : i32 to vector<16xi32>
    %ge3A_447 = arith.cmpi sge, %gather3A_443, %ge3A_446 : vector<16xi32>
    %lt3A_448 = arith.cmpf olt, %add3A_444, %select_n3A_438 : vector<16xf32>
    %and3A_449 = arith.andi %ge3A_447, %lt3A_448 : vector<16xi1>
    %select_n3A_450 = arith.select %and3A_449, %add3A_444, %select_n3A_438 : vector<16xi1>, vector<16xf32>
    %select_n3A_451 = arith.select %and3A_449, %gather3A_443, %select_n3A_439 : vector<16xi1>, vector<16xi32>
    %add3A_452 = arith.constant 1 : i32
    %add3A_453 = vector.broadcast %add3A_452 : i32 to vector<16xi32>
    %add3A_454 = arith.addi %add3A_430, %add3A_453 : vector<16xi32>
    %gather3A_455 = tpu.vector_load_idx %arg19[%add3A_454] : memref<18232xi32, #tpu.memory_space<vmem>>[vector<16xi32>], vector<16xi32>,
    %add3A_456 = arith.addf %mul3A_408, %mul3A_423 : vector<16xf32>
    %ge3A_457 = arith.constant 0 : i32
    %ge3A_458 = vector.broadcast %ge3A_457 : i32 to vector<16xi32>
    %ge3A_459 = arith.cmpi sge, %gather3A_455, %ge3A_458 : vector<16xi32>
    %lt3A_460 = arith.cmpf olt, %add3A_456, %select_n3A_450 : vector<16xf32>
    %and3A_461 = arith.andi %ge3A_459, %lt3A_460 : vector<16xi1>
    %select_n3A_462 = arith.select %and3A_461, %add3A_456, %select_n3A_450 : vector<16xi1>, vector<16xf32>
    %select_n3A_463 = arith.select %and3A_461, %gather3A_455, %select_n3A_451 : vector<16xi1>, vector<16xi32>
    %add3A_464 = arith.constant 0 : i32
    %add3A_465 = vector.broadcast %add3A_464 : i32 to vector<16xi32>
    %add3A_466 = arith.addi %min3A_381, %add3A_465 : vector<16xi32>
    %convert_element_type3A_467 = arith.sitofp %add3A_466 : vector<16xi32> to vector<16xf32>
    %mul3A_468 = arith.constant 5.000000e-01 : f32
    %mul3A_469 = vector.broadcast %mul3A_468 : f32 to vector<16xf32>
    %mul3A_470 = arith.mulf %convert_element_type3A_467, %mul3A_469 : vector<16xf32>
    %sub3A_471 = arith.subf %add3A_20, %mul3A_470 : vector<16xf32>
    %mul3A_472 = arith.mulf %sub3A_471, %sub3A_471 : vector<16xf32>
    %sub3A_473 = arith.constant 67 : i32
    %sub3A_474 = vector.broadcast %sub3A_473 : i32 to vector<16xi32>
    %sub3A_475 = arith.subi %sub3A_474, %add3A_466 : vector<16xi32>
    %mul3A_476 = arith.constant 135 : i32
    %mul3A_477 = vector.broadcast %mul3A_476 : i32 to vector<16xi32>
    %mul3A_478 = arith.muli %sub3A_475, %mul3A_477 : vector<16xi32>
    %add3A_479 = arith.addi %mul3A_478, %add3A_411 : vector<16xi32>
    %add3A_480 = arith.constant -1 : i32
    %add3A_481 = vector.broadcast %add3A_480 : i32 to vector<16xi32>
    %add3A_482 = arith.addi %add3A_479, %add3A_481 : vector<16xi32>
    %gather3A_483 = tpu.vector_load_idx %arg19[%add3A_482] : memref<18232xi32, #tpu.memory_space<vmem>>[vector<16xi32>], vector<16xi32>,
    %add3A_484 = arith.addf %mul3A_390, %mul3A_472 : vector<16xf32>
    %ge3A_485 = arith.constant 0 : i32
    %ge3A_486 = vector.broadcast %ge3A_485 : i32 to vector<16xi32>
    %ge3A_487 = arith.cmpi sge, %gather3A_483, %ge3A_486 : vector<16xi32>
    %lt3A_488 = arith.cmpf olt, %add3A_484, %select_n3A_462 : vector<16xf32>
    %and3A_489 = arith.andi %ge3A_487, %lt3A_488 : vector<16xi1>
    %select_n3A_490 = arith.select %and3A_489, %add3A_484, %select_n3A_462 : vector<16xi1>, vector<16xf32>
    %select_n3A_491 = arith.select %and3A_489, %gather3A_483, %select_n3A_463 : vector<16xi1>, vector<16xi32>
    %add3A_492 = arith.constant 0 : i32
    %add3A_493 = vector.broadcast %add3A_492 : i32 to vector<16xi32>
    %add3A_494 = arith.addi %add3A_479, %add3A_493 : vector<16xi32>
    %gather3A_495 = tpu.vector_load_idx %arg19[%add3A_494] : memref<18232xi32, #tpu.memory_space<vmem>>[vector<16xi32>], vector<16xi32>,
    %add3A_496 = arith.addf %mul3A_399, %mul3A_472 : vector<16xf32>
    %ge3A_497 = arith.constant 0 : i32
    %ge3A_498 = vector.broadcast %ge3A_497 : i32 to vector<16xi32>
    %ge3A_499 = arith.cmpi sge, %gather3A_495, %ge3A_498 : vector<16xi32>
    %lt3A_500 = arith.cmpf olt, %add3A_496, %select_n3A_490 : vector<16xf32>
    %and3A_501 = arith.andi %ge3A_499, %lt3A_500 : vector<16xi1>
    %select_n3A_502 = arith.select %and3A_501, %add3A_496, %select_n3A_490 : vector<16xi1>, vector<16xf32>
    %select_n3A_503 = arith.select %and3A_501, %gather3A_495, %select_n3A_491 : vector<16xi1>, vector<16xi32>
    %add3A_504 = arith.constant 1 : i32
    %add3A_505 = vector.broadcast %add3A_504 : i32 to vector<16xi32>
    %add3A_506 = arith.addi %add3A_479, %add3A_505 : vector<16xi32>
    %gather3A_507 = tpu.vector_load_idx %arg19[%add3A_506] : memref<18232xi32, #tpu.memory_space<vmem>>[vector<16xi32>], vector<16xi32>,
    %add3A_508 = arith.addf %mul3A_408, %mul3A_472 : vector<16xf32>
    %ge3A_509 = arith.constant 0 : i32
    %ge3A_510 = vector.broadcast %ge3A_509 : i32 to vector<16xi32>
    %ge3A_511 = arith.cmpi sge, %gather3A_507, %ge3A_510 : vector<16xi32>
    %lt3A_512 = arith.cmpf olt, %add3A_508, %select_n3A_502 : vector<16xf32>
    %and3A_513 = arith.andi %ge3A_511, %lt3A_512 : vector<16xi1>
    %select_n3A_514 = arith.select %and3A_513, %add3A_508, %select_n3A_502 : vector<16xi1>, vector<16xf32>
    %select_n3A_515 = arith.select %and3A_513, %gather3A_507, %select_n3A_503 : vector<16xi1>, vector<16xi32>
    %add3A_516 = arith.constant -1 : i32
    %add3A_517 = vector.broadcast %add3A_516 : i32 to vector<16xi32>
    %add3A_518 = arith.addi %min3A_381, %add3A_517 : vector<16xi32>
    %convert_element_type3A_519 = arith.sitofp %add3A_518 : vector<16xi32> to vector<16xf32>
    %mul3A_520 = arith.constant 5.000000e-01 : f32
    %mul3A_521 = vector.broadcast %mul3A_520 : f32 to vector<16xf32>
    %mul3A_522 = arith.mulf %convert_element_type3A_519, %mul3A_521 : vector<16xf32>
    %sub3A_523 = arith.subf %add3A_20, %mul3A_522 : vector<16xf32>
    %mul3A_524 = arith.mulf %sub3A_523, %sub3A_523 : vector<16xf32>
    %sub3A_525 = arith.constant 67 : i32
    %sub3A_526 = vector.broadcast %sub3A_525 : i32 to vector<16xi32>
    %sub3A_527 = arith.subi %sub3A_526, %add3A_518 : vector<16xi32>
    %mul3A_528 = arith.constant 135 : i32
    %mul3A_529 = vector.broadcast %mul3A_528 : i32 to vector<16xi32>
    %mul3A_530 = arith.muli %sub3A_527, %mul3A_529 : vector<16xi32>
    %add3A_531 = arith.addi %mul3A_530, %add3A_411 : vector<16xi32>
    %add3A_532 = arith.constant -1 : i32
    %add3A_533 = vector.broadcast %add3A_532 : i32 to vector<16xi32>
    %add3A_534 = arith.addi %add3A_531, %add3A_533 : vector<16xi32>
    %gather3A_535 = tpu.vector_load_idx %arg19[%add3A_534] : memref<18232xi32, #tpu.memory_space<vmem>>[vector<16xi32>], vector<16xi32>,
    %add3A_536 = arith.addf %mul3A_390, %mul3A_524 : vector<16xf32>
    %ge3A_537 = arith.constant 0 : i32
    %ge3A_538 = vector.broadcast %ge3A_537 : i32 to vector<16xi32>
    %ge3A_539 = arith.cmpi sge, %gather3A_535, %ge3A_538 : vector<16xi32>
    %lt3A_540 = arith.cmpf olt, %add3A_536, %select_n3A_514 : vector<16xf32>
    %and3A_541 = arith.andi %ge3A_539, %lt3A_540 : vector<16xi1>
    %select_n3A_542 = arith.select %and3A_541, %add3A_536, %select_n3A_514 : vector<16xi1>, vector<16xf32>
    %select_n3A_543 = arith.select %and3A_541, %gather3A_535, %select_n3A_515 : vector<16xi1>, vector<16xi32>
    %add3A_544 = arith.constant 0 : i32
    %add3A_545 = vector.broadcast %add3A_544 : i32 to vector<16xi32>
    %add3A_546 = arith.addi %add3A_531, %add3A_545 : vector<16xi32>
    %gather3A_547 = tpu.vector_load_idx %arg19[%add3A_546] : memref<18232xi32, #tpu.memory_space<vmem>>[vector<16xi32>], vector<16xi32>,
    %add3A_548 = arith.addf %mul3A_399, %mul3A_524 : vector<16xf32>
    %ge3A_549 = arith.constant 0 : i32
    %ge3A_550 = vector.broadcast %ge3A_549 : i32 to vector<16xi32>
    %ge3A_551 = arith.cmpi sge, %gather3A_547, %ge3A_550 : vector<16xi32>
    %lt3A_552 = arith.cmpf olt, %add3A_548, %select_n3A_542 : vector<16xf32>
    %and3A_553 = arith.andi %ge3A_551, %lt3A_552 : vector<16xi1>
    %select_n3A_554 = arith.select %and3A_553, %add3A_548, %select_n3A_542 : vector<16xi1>, vector<16xf32>
    %select_n3A_555 = arith.select %and3A_553, %gather3A_547, %select_n3A_543 : vector<16xi1>, vector<16xi32>
    %add3A_556 = arith.constant 1 : i32
    %add3A_557 = vector.broadcast %add3A_556 : i32 to vector<16xi32>
    %add3A_558 = arith.addi %add3A_531, %add3A_557 : vector<16xi32>
    %gather3A_559 = tpu.vector_load_idx %arg19[%add3A_558] : memref<18232xi32, #tpu.memory_space<vmem>>[vector<16xi32>], vector<16xi32>,
    %add3A_560 = arith.addf %mul3A_408, %mul3A_524 : vector<16xf32>
    %ge3A_561 = arith.constant 0 : i32
    %ge3A_562 = vector.broadcast %ge3A_561 : i32 to vector<16xi32>
    %ge3A_563 = arith.cmpi sge, %gather3A_559, %ge3A_562 : vector<16xi32>
    %lt3A_564 = arith.cmpf olt, %add3A_560, %select_n3A_554 : vector<16xf32>
    %and3A_565 = arith.andi %ge3A_563, %lt3A_564 : vector<16xi1>
    %select_n3A_566 = arith.select %and3A_565, %add3A_560, %select_n3A_554 : vector<16xi1>, vector<16xf32>
    %select_n3A_567 = arith.select %and3A_565, %gather3A_559, %select_n3A_555 : vector<16xi1>, vector<16xi32>
    %gather3A_568 = tpu.vector_load_idx %arg20[%select_n3A_567] : memref<11296xi32, #tpu.memory_space<vmem>>[vector<16xi32>], vector<16xi32>,
    %shift_right_arithmetic3A = arith.constant 16 : i32
    %shift_right_arithmetic3A_569 = vector.broadcast %shift_right_arithmetic3A : i32 to vector<16xi32>
    %shift_right_arithmetic3A_570 = arith.shrsi %gather3A_568, %shift_right_arithmetic3A_569 : vector<16xi32>
    %shift_left3A = arith.constant 16 : i32
    %shift_left3A_571 = vector.broadcast %shift_left3A : i32 to vector<16xi32>
    %shift_left3A_572 = arith.shli %gather3A_568, %shift_left3A_571 : vector<16xi32>
    %shift_right_arithmetic3A_573 = arith.constant 16 : i32
    %shift_right_arithmetic3A_574 = vector.broadcast %shift_right_arithmetic3A_573 : i32 to vector<16xi32>
    %shift_right_arithmetic3A_575 = arith.shrsi %shift_left3A_572, %shift_right_arithmetic3A_574 : vector<16xi32>
    %swap3A_576 = arith.constant 0 : index
    %swap3A_577 = tpu.vector_load %arg24[%swap3A_576] {strides = array<i32>} : memref<128xi32, #tpu.memory_space<vmem>>, vector<16xi32>,
    tpu.vector_store %arg24[%swap3A_576], %select_n3A_567 {strides = array<i32>} : memref<128xi32, #tpu.memory_space<vmem>>, vector<16xi32>,
    %convert_element_type3A_578 = arith.sitofp %shift_right_arithmetic3A_575 : vector<16xi32> to vector<16xf32>
    %mul3A_579 = arith.constant 5.000000e-01 : f32
    %mul3A_580 = vector.broadcast %mul3A_579 : f32 to vector<16xf32>
    %mul3A_581 = arith.mulf %convert_element_type3A_578, %mul3A_580 : vector<16xf32>
    %sub3A_582 = arith.subf %sub3A_17, %mul3A_581 : vector<16xf32>
    %swap3A_583 = arith.constant 0 : index
    %swap3A_584 = tpu.vector_load %arg25[%swap3A_583] {strides = array<i32>} : memref<128xf32, #tpu.memory_space<vmem>>, vector<16xf32>,
    tpu.vector_store %arg25[%swap3A_583], %sub3A_582 {strides = array<i32>} : memref<128xf32, #tpu.memory_space<vmem>>, vector<16xf32>,
    %convert_element_type3A_585 = arith.sitofp %shift_right_arithmetic3A_570 : vector<16xi32> to vector<16xf32>
    %mul3A_586 = arith.constant 5.000000e-01 : f32
    %mul3A_587 = vector.broadcast %mul3A_586 : f32 to vector<16xf32>
    %mul3A_588 = arith.mulf %convert_element_type3A_585, %mul3A_587 : vector<16xf32>
    %sub3A_589 = arith.subf %add3A_20, %mul3A_588 : vector<16xf32>
    %swap3A_590 = arith.constant 0 : index
    %swap3A_591 = tpu.vector_load %arg26[%swap3A_590] {strides = array<i32>} : memref<128xf32, #tpu.memory_space<vmem>>, vector<16xf32>,
    tpu.vector_store %arg26[%swap3A_590], %sub3A_589 {strides = array<i32>} : memref<128xf32, #tpu.memory_space<vmem>>, vector<16xf32>,
    %mul3A_592 = arith.constant 2.000000e+00 : f32
    %mul3A_593 = vector.broadcast %mul3A_592 : f32 to vector<16xf32>
    %mul3A_594 = arith.mulf %sub3A_58, %mul3A_593 : vector<16xf32>
    %mul3A_595 = arith.constant 2.000000e+00 : f32
    %mul3A_596 = vector.broadcast %mul3A_595 : f32 to vector<16xf32>
    %mul3A_597 = arith.mulf %add3A_61, %mul3A_596 : vector<16xf32>
    %ge3A_598 = arith.constant 0.000000e+00 : f32
    %ge3A_599 = vector.broadcast %ge3A_598 : f32 to vector<16xf32>
    %ge3A_600 = arith.cmpf oge, %mul3A_594, %ge3A_599 : vector<16xf32>
    %add3A_601 = arith.constant 5.000000e-01 : f32
    %add3A_602 = vector.broadcast %add3A_601 : f32 to vector<16xf32>
    %add3A_603 = arith.addf %mul3A_594, %add3A_602 : vector<16xf32>
    %sub3A_604 = arith.constant 5.000000e-01 : f32
    %sub3A_605 = vector.broadcast %sub3A_604 : f32 to vector<16xf32>
    %sub3A_606 = arith.subf %mul3A_594, %sub3A_605 : vector<16xf32>
    %select_n3A_607 = arith.select %ge3A_600, %add3A_603, %sub3A_606 : vector<16xi1>, vector<16xf32>
    %convert_element_type3A_608 = arith.fptosi %select_n3A_607 : vector<16xf32> to vector<16xi32>
    %ge3A_609 = arith.constant 0.000000e+00 : f32
    %ge3A_610 = vector.broadcast %ge3A_609 : f32 to vector<16xf32>
    %ge3A_611 = arith.cmpf oge, %mul3A_597, %ge3A_610 : vector<16xf32>
    %add3A_612 = arith.constant 5.000000e-01 : f32
    %add3A_613 = vector.broadcast %add3A_612 : f32 to vector<16xf32>
    %add3A_614 = arith.addf %mul3A_597, %add3A_613 : vector<16xf32>
    %sub3A_615 = arith.constant 5.000000e-01 : f32
    %sub3A_616 = vector.broadcast %sub3A_615 : f32 to vector<16xf32>
    %sub3A_617 = arith.subf %mul3A_597, %sub3A_616 : vector<16xf32>
    %select_n3A_618 = arith.select %ge3A_611, %add3A_614, %sub3A_617 : vector<16xi1>, vector<16xf32>
    %convert_element_type3A_619 = arith.fptosi %select_n3A_618 : vector<16xf32> to vector<16xi32>
    %jit3A_620 = arith.constant -60 : i32
    %jit3A_621 = arith.constant 60 : i32
    %max3A_622 = vector.broadcast %jit3A_620 : i32 to vector<16xi32>
    %max3A_623 = arith.maxsi %max3A_622, %convert_element_type3A_608 : vector<16xi32>
    %min3A_624 = vector.broadcast %jit3A_621 : i32 to vector<16xi32>
    %min3A_625 = arith.minsi %min3A_624, %max3A_623 : vector<16xi32>
    %jit3A_626 = arith.constant -60 : i32
    %jit3A_627 = arith.constant 60 : i32
    %max3A_628 = vector.broadcast %jit3A_626 : i32 to vector<16xi32>
    %max3A_629 = arith.maxsi %max3A_628, %convert_element_type3A_619 : vector<16xi32>
    %min3A_630 = vector.broadcast %jit3A_627 : i32 to vector<16xi32>
    %min3A_631 = arith.minsi %min3A_630, %max3A_629 : vector<16xi32>
    %add3A_632 = arith.constant -1 : i32
    %add3A_633 = vector.broadcast %add3A_632 : i32 to vector<16xi32>
    %add3A_634 = arith.addi %min3A_625, %add3A_633 : vector<16xi32>
    %convert_element_type3A_635 = arith.sitofp %add3A_634 : vector<16xi32> to vector<16xf32>
    %mul3A_636 = arith.constant 5.000000e-01 : f32
    %mul3A_637 = vector.broadcast %mul3A_636 : f32 to vector<16xf32>
    %mul3A_638 = arith.mulf %convert_element_type3A_635, %mul3A_637 : vector<16xf32>
    %sub3A_639 = arith.subf %sub3A_58, %mul3A_638 : vector<16xf32>
    %mul3A_640 = arith.mulf %sub3A_639, %sub3A_639 : vector<16xf32>
    %add3A_641 = arith.constant 0 : i32
    %add3A_642 = vector.broadcast %add3A_641 : i32 to vector<16xi32>
    %add3A_643 = arith.addi %min3A_625, %add3A_642 : vector<16xi32>
    %convert_element_type3A_644 = arith.sitofp %add3A_643 : vector<16xi32> to vector<16xf32>
    %mul3A_645 = arith.constant 5.000000e-01 : f32
    %mul3A_646 = vector.broadcast %mul3A_645 : f32 to vector<16xf32>
    %mul3A_647 = arith.mulf %convert_element_type3A_644, %mul3A_646 : vector<16xf32>
    %sub3A_648 = arith.subf %sub3A_58, %mul3A_647 : vector<16xf32>
    %mul3A_649 = arith.mulf %sub3A_648, %sub3A_648 : vector<16xf32>
    %add3A_650 = arith.constant 1 : i32
    %add3A_651 = vector.broadcast %add3A_650 : i32 to vector<16xi32>
    %add3A_652 = arith.addi %min3A_625, %add3A_651 : vector<16xi32>
    %convert_element_type3A_653 = arith.sitofp %add3A_652 : vector<16xi32> to vector<16xf32>
    %mul3A_654 = arith.constant 5.000000e-01 : f32
    %mul3A_655 = vector.broadcast %mul3A_654 : f32 to vector<16xf32>
    %mul3A_656 = arith.mulf %convert_element_type3A_653, %mul3A_655 : vector<16xf32>
    %sub3A_657 = arith.subf %sub3A_58, %mul3A_656 : vector<16xf32>
    %mul3A_658 = arith.mulf %sub3A_657, %sub3A_657 : vector<16xf32>
    %add3A_659 = arith.constant 67 : i32
    %add3A_660 = vector.broadcast %add3A_659 : i32 to vector<16xi32>
    %add3A_661 = arith.addi %min3A_625, %add3A_660 : vector<16xi32>
    %broadcast_in_dim3A_662 = arith.constant 1.000000e+30 : f32
    %broadcast_in_dim3A_663 = vector.broadcast %broadcast_in_dim3A_662 : f32 to vector<16xf32>
    %broadcast_in_dim3A_664 = arith.constant 0 : i32
    %broadcast_in_dim3A_665 = vector.broadcast %broadcast_in_dim3A_664 : i32 to vector<16xi32>
    %add3A_666 = arith.constant 1 : i32
    %add3A_667 = vector.broadcast %add3A_666 : i32 to vector<16xi32>
    %add3A_668 = arith.addi %min3A_631, %add3A_667 : vector<16xi32>
    %convert_element_type3A_669 = arith.sitofp %add3A_668 : vector<16xi32> to vector<16xf32>
    %mul3A_670 = arith.constant 5.000000e-01 : f32
    %mul3A_671 = vector.broadcast %mul3A_670 : f32 to vector<16xf32>
    %mul3A_672 = arith.mulf %convert_element_type3A_669, %mul3A_671 : vector<16xf32>
    %sub3A_673 = arith.subf %add3A_61, %mul3A_672 : vector<16xf32>
    %mul3A_674 = arith.mulf %sub3A_673, %sub3A_673 : vector<16xf32>
    %sub3A_675 = arith.constant 67 : i32
    %sub3A_676 = vector.broadcast %sub3A_675 : i32 to vector<16xi32>
    %sub3A_677 = arith.subi %sub3A_676, %add3A_668 : vector<16xi32>
    %mul3A_678 = arith.constant 135 : i32
    %mul3A_679 = vector.broadcast %mul3A_678 : i32 to vector<16xi32>
    %mul3A_680 = arith.muli %sub3A_677, %mul3A_679 : vector<16xi32>
    %add3A_681 = arith.addi %mul3A_680, %add3A_661 : vector<16xi32>
    %add3A_682 = arith.constant -1 : i32
    %add3A_683 = vector.broadcast %add3A_682 : i32 to vector<16xi32>
    %add3A_684 = arith.addi %add3A_681, %add3A_683 : vector<16xi32>
    %gather3A_685 = tpu.vector_load_idx %arg19[%add3A_684] : memref<18232xi32, #tpu.memory_space<vmem>>[vector<16xi32>], vector<16xi32>,
    %add3A_686 = arith.addf %mul3A_640, %mul3A_674 : vector<16xf32>
    %ge3A_687 = arith.constant 0 : i32
    %ge3A_688 = vector.broadcast %ge3A_687 : i32 to vector<16xi32>
    %ge3A_689 = arith.cmpi sge, %gather3A_685, %ge3A_688 : vector<16xi32>
    %lt3A_690 = arith.cmpf olt, %add3A_686, %broadcast_in_dim3A_663 : vector<16xf32>
    %and3A_691 = arith.andi %ge3A_689, %lt3A_690 : vector<16xi1>
    %select_n3A_692 = arith.select %and3A_691, %add3A_686, %broadcast_in_dim3A_663 : vector<16xi1>, vector<16xf32>
    %select_n3A_693 = arith.select %and3A_691, %gather3A_685, %broadcast_in_dim3A_665 : vector<16xi1>, vector<16xi32>
    %add3A_694 = arith.constant 0 : i32
    %add3A_695 = vector.broadcast %add3A_694 : i32 to vector<16xi32>
    %add3A_696 = arith.addi %add3A_681, %add3A_695 : vector<16xi32>
    %gather3A_697 = tpu.vector_load_idx %arg19[%add3A_696] : memref<18232xi32, #tpu.memory_space<vmem>>[vector<16xi32>], vector<16xi32>,
    %add3A_698 = arith.addf %mul3A_649, %mul3A_674 : vector<16xf32>
    %ge3A_699 = arith.constant 0 : i32
    %ge3A_700 = vector.broadcast %ge3A_699 : i32 to vector<16xi32>
    %ge3A_701 = arith.cmpi sge, %gather3A_697, %ge3A_700 : vector<16xi32>
    %lt3A_702 = arith.cmpf olt, %add3A_698, %select_n3A_692 : vector<16xf32>
    %and3A_703 = arith.andi %ge3A_701, %lt3A_702 : vector<16xi1>
    %select_n3A_704 = arith.select %and3A_703, %add3A_698, %select_n3A_692 : vector<16xi1>, vector<16xf32>
    %select_n3A_705 = arith.select %and3A_703, %gather3A_697, %select_n3A_693 : vector<16xi1>, vector<16xi32>
    %add3A_706 = arith.constant 1 : i32
    %add3A_707 = vector.broadcast %add3A_706 : i32 to vector<16xi32>
    %add3A_708 = arith.addi %add3A_681, %add3A_707 : vector<16xi32>
    %gather3A_709 = tpu.vector_load_idx %arg19[%add3A_708] : memref<18232xi32, #tpu.memory_space<vmem>>[vector<16xi32>], vector<16xi32>,
    %add3A_710 = arith.addf %mul3A_658, %mul3A_674 : vector<16xf32>
    %ge3A_711 = arith.constant 0 : i32
    %ge3A_712 = vector.broadcast %ge3A_711 : i32 to vector<16xi32>
    %ge3A_713 = arith.cmpi sge, %gather3A_709, %ge3A_712 : vector<16xi32>
    %lt3A_714 = arith.cmpf olt, %add3A_710, %select_n3A_704 : vector<16xf32>
    %and3A_715 = arith.andi %ge3A_713, %lt3A_714 : vector<16xi1>
    %select_n3A_716 = arith.select %and3A_715, %add3A_710, %select_n3A_704 : vector<16xi1>, vector<16xf32>
    %select_n3A_717 = arith.select %and3A_715, %gather3A_709, %select_n3A_705 : vector<16xi1>, vector<16xi32>
    %add3A_718 = arith.constant 0 : i32
    %add3A_719 = vector.broadcast %add3A_718 : i32 to vector<16xi32>
    %add3A_720 = arith.addi %min3A_631, %add3A_719 : vector<16xi32>
    %convert_element_type3A_721 = arith.sitofp %add3A_720 : vector<16xi32> to vector<16xf32>
    %mul3A_722 = arith.constant 5.000000e-01 : f32
    %mul3A_723 = vector.broadcast %mul3A_722 : f32 to vector<16xf32>
    %mul3A_724 = arith.mulf %convert_element_type3A_721, %mul3A_723 : vector<16xf32>
    %sub3A_725 = arith.subf %add3A_61, %mul3A_724 : vector<16xf32>
    %mul3A_726 = arith.mulf %sub3A_725, %sub3A_725 : vector<16xf32>
    %sub3A_727 = arith.constant 67 : i32
    %sub3A_728 = vector.broadcast %sub3A_727 : i32 to vector<16xi32>
    %sub3A_729 = arith.subi %sub3A_728, %add3A_720 : vector<16xi32>
    %mul3A_730 = arith.constant 135 : i32
    %mul3A_731 = vector.broadcast %mul3A_730 : i32 to vector<16xi32>
    %mul3A_732 = arith.muli %sub3A_729, %mul3A_731 : vector<16xi32>
    %add3A_733 = arith.addi %mul3A_732, %add3A_661 : vector<16xi32>
    %add3A_734 = arith.constant -1 : i32
    %add3A_735 = vector.broadcast %add3A_734 : i32 to vector<16xi32>
    %add3A_736 = arith.addi %add3A_733, %add3A_735 : vector<16xi32>
    %gather3A_737 = tpu.vector_load_idx %arg19[%add3A_736] : memref<18232xi32, #tpu.memory_space<vmem>>[vector<16xi32>], vector<16xi32>,
    %add3A_738 = arith.addf %mul3A_640, %mul3A_726 : vector<16xf32>
    %ge3A_739 = arith.constant 0 : i32
    %ge3A_740 = vector.broadcast %ge3A_739 : i32 to vector<16xi32>
    %ge3A_741 = arith.cmpi sge, %gather3A_737, %ge3A_740 : vector<16xi32>
    %lt3A_742 = arith.cmpf olt, %add3A_738, %select_n3A_716 : vector<16xf32>
    %and3A_743 = arith.andi %ge3A_741, %lt3A_742 : vector<16xi1>
    %select_n3A_744 = arith.select %and3A_743, %add3A_738, %select_n3A_716 : vector<16xi1>, vector<16xf32>
    %select_n3A_745 = arith.select %and3A_743, %gather3A_737, %select_n3A_717 : vector<16xi1>, vector<16xi32>
    %add3A_746 = arith.constant 0 : i32
    %add3A_747 = vector.broadcast %add3A_746 : i32 to vector<16xi32>
    %add3A_748 = arith.addi %add3A_733, %add3A_747 : vector<16xi32>
    %gather3A_749 = tpu.vector_load_idx %arg19[%add3A_748] : memref<18232xi32, #tpu.memory_space<vmem>>[vector<16xi32>], vector<16xi32>,
    %add3A_750 = arith.addf %mul3A_649, %mul3A_726 : vector<16xf32>
    %ge3A_751 = arith.constant 0 : i32
    %ge3A_752 = vector.broadcast %ge3A_751 : i32 to vector<16xi32>
    %ge3A_753 = arith.cmpi sge, %gather3A_749, %ge3A_752 : vector<16xi32>
    %lt3A_754 = arith.cmpf olt, %add3A_750, %select_n3A_744 : vector<16xf32>
    %and3A_755 = arith.andi %ge3A_753, %lt3A_754 : vector<16xi1>
    %select_n3A_756 = arith.select %and3A_755, %add3A_750, %select_n3A_744 : vector<16xi1>, vector<16xf32>
    %select_n3A_757 = arith.select %and3A_755, %gather3A_749, %select_n3A_745 : vector<16xi1>, vector<16xi32>
    %add3A_758 = arith.constant 1 : i32
    %add3A_759 = vector.broadcast %add3A_758 : i32 to vector<16xi32>
    %add3A_760 = arith.addi %add3A_733, %add3A_759 : vector<16xi32>
    %gather3A_761 = tpu.vector_load_idx %arg19[%add3A_760] : memref<18232xi32, #tpu.memory_space<vmem>>[vector<16xi32>], vector<16xi32>,
    %add3A_762 = arith.addf %mul3A_658, %mul3A_726 : vector<16xf32>
    %ge3A_763 = arith.constant 0 : i32
    %ge3A_764 = vector.broadcast %ge3A_763 : i32 to vector<16xi32>
    %ge3A_765 = arith.cmpi sge, %gather3A_761, %ge3A_764 : vector<16xi32>
    %lt3A_766 = arith.cmpf olt, %add3A_762, %select_n3A_756 : vector<16xf32>
    %and3A_767 = arith.andi %ge3A_765, %lt3A_766 : vector<16xi1>
    %select_n3A_768 = arith.select %and3A_767, %add3A_762, %select_n3A_756 : vector<16xi1>, vector<16xf32>
    %select_n3A_769 = arith.select %and3A_767, %gather3A_761, %select_n3A_757 : vector<16xi1>, vector<16xi32>
    %add3A_770 = arith.constant -1 : i32
    %add3A_771 = vector.broadcast %add3A_770 : i32 to vector<16xi32>
    %add3A_772 = arith.addi %min3A_631, %add3A_771 : vector<16xi32>
    %convert_element_type3A_773 = arith.sitofp %add3A_772 : vector<16xi32> to vector<16xf32>
    %mul3A_774 = arith.constant 5.000000e-01 : f32
    %mul3A_775 = vector.broadcast %mul3A_774 : f32 to vector<16xf32>
    %mul3A_776 = arith.mulf %convert_element_type3A_773, %mul3A_775 : vector<16xf32>
    %sub3A_777 = arith.subf %add3A_61, %mul3A_776 : vector<16xf32>
    %mul3A_778 = arith.mulf %sub3A_777, %sub3A_777 : vector<16xf32>
    %sub3A_779 = arith.constant 67 : i32
    %sub3A_780 = vector.broadcast %sub3A_779 : i32 to vector<16xi32>
    %sub3A_781 = arith.subi %sub3A_780, %add3A_772 : vector<16xi32>
    %mul3A_782 = arith.constant 135 : i32
    %mul3A_783 = vector.broadcast %mul3A_782 : i32 to vector<16xi32>
    %mul3A_784 = arith.muli %sub3A_781, %mul3A_783 : vector<16xi32>
    %add3A_785 = arith.addi %mul3A_784, %add3A_661 : vector<16xi32>
    %add3A_786 = arith.constant -1 : i32
    %add3A_787 = vector.broadcast %add3A_786 : i32 to vector<16xi32>
    %add3A_788 = arith.addi %add3A_785, %add3A_787 : vector<16xi32>
    %gather3A_789 = tpu.vector_load_idx %arg19[%add3A_788] : memref<18232xi32, #tpu.memory_space<vmem>>[vector<16xi32>], vector<16xi32>,
    %add3A_790 = arith.addf %mul3A_640, %mul3A_778 : vector<16xf32>
    %ge3A_791 = arith.constant 0 : i32
    %ge3A_792 = vector.broadcast %ge3A_791 : i32 to vector<16xi32>
    %ge3A_793 = arith.cmpi sge, %gather3A_789, %ge3A_792 : vector<16xi32>
    %lt3A_794 = arith.cmpf olt, %add3A_790, %select_n3A_768 : vector<16xf32>
    %and3A_795 = arith.andi %ge3A_793, %lt3A_794 : vector<16xi1>
    %select_n3A_796 = arith.select %and3A_795, %add3A_790, %select_n3A_768 : vector<16xi1>, vector<16xf32>
    %select_n3A_797 = arith.select %and3A_795, %gather3A_789, %select_n3A_769 : vector<16xi1>, vector<16xi32>
    %add3A_798 = arith.constant 0 : i32
    %add3A_799 = vector.broadcast %add3A_798 : i32 to vector<16xi32>
    %add3A_800 = arith.addi %add3A_785, %add3A_799 : vector<16xi32>
    %gather3A_801 = tpu.vector_load_idx %arg19[%add3A_800] : memref<18232xi32, #tpu.memory_space<vmem>>[vector<16xi32>], vector<16xi32>,
    %add3A_802 = arith.addf %mul3A_649, %mul3A_778 : vector<16xf32>
    %ge3A_803 = arith.constant 0 : i32
    %ge3A_804 = vector.broadcast %ge3A_803 : i32 to vector<16xi32>
    %ge3A_805 = arith.cmpi sge, %gather3A_801, %ge3A_804 : vector<16xi32>
    %lt3A_806 = arith.cmpf olt, %add3A_802, %select_n3A_796 : vector<16xf32>
    %and3A_807 = arith.andi %ge3A_805, %lt3A_806 : vector<16xi1>
    %select_n3A_808 = arith.select %and3A_807, %add3A_802, %select_n3A_796 : vector<16xi1>, vector<16xf32>
    %select_n3A_809 = arith.select %and3A_807, %gather3A_801, %select_n3A_797 : vector<16xi1>, vector<16xi32>
    %add3A_810 = arith.constant 1 : i32
    %add3A_811 = vector.broadcast %add3A_810 : i32 to vector<16xi32>
    %add3A_812 = arith.addi %add3A_785, %add3A_811 : vector<16xi32>
    %gather3A_813 = tpu.vector_load_idx %arg19[%add3A_812] : memref<18232xi32, #tpu.memory_space<vmem>>[vector<16xi32>], vector<16xi32>,
    %add3A_814 = arith.addf %mul3A_658, %mul3A_778 : vector<16xf32>
    %ge3A_815 = arith.constant 0 : i32
    %ge3A_816 = vector.broadcast %ge3A_815 : i32 to vector<16xi32>
    %ge3A_817 = arith.cmpi sge, %gather3A_813, %ge3A_816 : vector<16xi32>
    %lt3A_818 = arith.cmpf olt, %add3A_814, %select_n3A_808 : vector<16xf32>
    %and3A_819 = arith.andi %ge3A_817, %lt3A_818 : vector<16xi1>
    %select_n3A_820 = arith.select %and3A_819, %add3A_814, %select_n3A_808 : vector<16xi1>, vector<16xf32>
    %select_n3A_821 = arith.select %and3A_819, %gather3A_813, %select_n3A_809 : vector<16xi1>, vector<16xi32>
    %gather3A_822 = tpu.vector_load_idx %arg20[%select_n3A_821] : memref<11296xi32, #tpu.memory_space<vmem>>[vector<16xi32>], vector<16xi32>,
    %shift_right_arithmetic3A_823 = arith.constant 16 : i32
    %shift_right_arithmetic3A_824 = vector.broadcast %shift_right_arithmetic3A_823 : i32 to vector<16xi32>
    %shift_right_arithmetic3A_825 = arith.shrsi %gather3A_822, %shift_right_arithmetic3A_824 : vector<16xi32>
    %shift_left3A_826 = arith.constant 16 : i32
    %shift_left3A_827 = vector.broadcast %shift_left3A_826 : i32 to vector<16xi32>
    %shift_left3A_828 = arith.shli %gather3A_822, %shift_left3A_827 : vector<16xi32>
    %shift_right_arithmetic3A_829 = arith.constant 16 : i32
    %shift_right_arithmetic3A_830 = vector.broadcast %shift_right_arithmetic3A_829 : i32 to vector<16xi32>
    %shift_right_arithmetic3A_831 = arith.shrsi %shift_left3A_828, %shift_right_arithmetic3A_830 : vector<16xi32>
    %swap3A_832 = arith.constant 16 : index
    %swap3A_833 = tpu.vector_load %arg24[%swap3A_832] {strides = array<i32>} : memref<128xi32, #tpu.memory_space<vmem>>, vector<16xi32>,
    tpu.vector_store %arg24[%swap3A_832], %select_n3A_821 {strides = array<i32>} : memref<128xi32, #tpu.memory_space<vmem>>, vector<16xi32>,
    %convert_element_type3A_834 = arith.sitofp %shift_right_arithmetic3A_831 : vector<16xi32> to vector<16xf32>
    %mul3A_835 = arith.constant 5.000000e-01 : f32
    %mul3A_836 = vector.broadcast %mul3A_835 : f32 to vector<16xf32>
    %mul3A_837 = arith.mulf %convert_element_type3A_834, %mul3A_836 : vector<16xf32>
    %sub3A_838 = arith.subf %sub3A_58, %mul3A_837 : vector<16xf32>
    %swap3A_839 = arith.constant 16 : index
    %swap3A_840 = tpu.vector_load %arg25[%swap3A_839] {strides = array<i32>} : memref<128xf32, #tpu.memory_space<vmem>>, vector<16xf32>,
    tpu.vector_store %arg25[%swap3A_839], %sub3A_838 {strides = array<i32>} : memref<128xf32, #tpu.memory_space<vmem>>, vector<16xf32>,
    %convert_element_type3A_841 = arith.sitofp %shift_right_arithmetic3A_825 : vector<16xi32> to vector<16xf32>
    %mul3A_842 = arith.constant 5.000000e-01 : f32
    %mul3A_843 = vector.broadcast %mul3A_842 : f32 to vector<16xf32>
    %mul3A_844 = arith.mulf %convert_element_type3A_841, %mul3A_843 : vector<16xf32>
    %sub3A_845 = arith.subf %add3A_61, %mul3A_844 : vector<16xf32>
    %swap3A_846 = arith.constant 16 : index
    %swap3A_847 = tpu.vector_load %arg26[%swap3A_846] {strides = array<i32>} : memref<128xf32, #tpu.memory_space<vmem>>, vector<16xf32>,
    tpu.vector_store %arg26[%swap3A_846], %sub3A_845 {strides = array<i32>} : memref<128xf32, #tpu.memory_space<vmem>>, vector<16xf32>,
    %mul3A_848 = arith.constant 2.000000e+00 : f32
    %mul3A_849 = vector.broadcast %mul3A_848 : f32 to vector<16xf32>
    %mul3A_850 = arith.mulf %sub3A_101, %mul3A_849 : vector<16xf32>
    %mul3A_851 = arith.constant 2.000000e+00 : f32
    %mul3A_852 = vector.broadcast %mul3A_851 : f32 to vector<16xf32>
    %mul3A_853 = arith.mulf %add3A_104, %mul3A_852 : vector<16xf32>
    %ge3A_854 = arith.constant 0.000000e+00 : f32
    %ge3A_855 = vector.broadcast %ge3A_854 : f32 to vector<16xf32>
    %ge3A_856 = arith.cmpf oge, %mul3A_850, %ge3A_855 : vector<16xf32>
    %add3A_857 = arith.constant 5.000000e-01 : f32
    %add3A_858 = vector.broadcast %add3A_857 : f32 to vector<16xf32>
    %add3A_859 = arith.addf %mul3A_850, %add3A_858 : vector<16xf32>
    %sub3A_860 = arith.constant 5.000000e-01 : f32
    %sub3A_861 = vector.broadcast %sub3A_860 : f32 to vector<16xf32>
    %sub3A_862 = arith.subf %mul3A_850, %sub3A_861 : vector<16xf32>
    %select_n3A_863 = arith.select %ge3A_856, %add3A_859, %sub3A_862 : vector<16xi1>, vector<16xf32>
    %convert_element_type3A_864 = arith.fptosi %select_n3A_863 : vector<16xf32> to vector<16xi32>
    %ge3A_865 = arith.constant 0.000000e+00 : f32
    %ge3A_866 = vector.broadcast %ge3A_865 : f32 to vector<16xf32>
    %ge3A_867 = arith.cmpf oge, %mul3A_853, %ge3A_866 : vector<16xf32>
    %add3A_868 = arith.constant 5.000000e-01 : f32
    %add3A_869 = vector.broadcast %add3A_868 : f32 to vector<16xf32>
    %add3A_870 = arith.addf %mul3A_853, %add3A_869 : vector<16xf32>
    %sub3A_871 = arith.constant 5.000000e-01 : f32
    %sub3A_872 = vector.broadcast %sub3A_871 : f32 to vector<16xf32>
    %sub3A_873 = arith.subf %mul3A_853, %sub3A_872 : vector<16xf32>
    %select_n3A_874 = arith.select %ge3A_867, %add3A_870, %sub3A_873 : vector<16xi1>, vector<16xf32>
    %convert_element_type3A_875 = arith.fptosi %select_n3A_874 : vector<16xf32> to vector<16xi32>
    %jit3A_876 = arith.constant -60 : i32
    %jit3A_877 = arith.constant 60 : i32
    %max3A_878 = vector.broadcast %jit3A_876 : i32 to vector<16xi32>
    %max3A_879 = arith.maxsi %max3A_878, %convert_element_type3A_864 : vector<16xi32>
    %min3A_880 = vector.broadcast %jit3A_877 : i32 to vector<16xi32>
    %min3A_881 = arith.minsi %min3A_880, %max3A_879 : vector<16xi32>
    %jit3A_882 = arith.constant -60 : i32
    %jit3A_883 = arith.constant 60 : i32
    %max3A_884 = vector.broadcast %jit3A_882 : i32 to vector<16xi32>
    %max3A_885 = arith.maxsi %max3A_884, %convert_element_type3A_875 : vector<16xi32>
    %min3A_886 = vector.broadcast %jit3A_883 : i32 to vector<16xi32>
    %min3A_887 = arith.minsi %min3A_886, %max3A_885 : vector<16xi32>
    %add3A_888 = arith.constant -1 : i32
    %add3A_889 = vector.broadcast %add3A_888 : i32 to vector<16xi32>
    %add3A_890 = arith.addi %min3A_881, %add3A_889 : vector<16xi32>
    %convert_element_type3A_891 = arith.sitofp %add3A_890 : vector<16xi32> to vector<16xf32>
    %mul3A_892 = arith.constant 5.000000e-01 : f32
    %mul3A_893 = vector.broadcast %mul3A_892 : f32 to vector<16xf32>
    %mul3A_894 = arith.mulf %convert_element_type3A_891, %mul3A_893 : vector<16xf32>
    %sub3A_895 = arith.subf %sub3A_101, %mul3A_894 : vector<16xf32>
    %mul3A_896 = arith.mulf %sub3A_895, %sub3A_895 : vector<16xf32>
    %add3A_897 = arith.constant 0 : i32
    %add3A_898 = vector.broadcast %add3A_897 : i32 to vector<16xi32>
    %add3A_899 = arith.addi %min3A_881, %add3A_898 : vector<16xi32>
    %convert_element_type3A_900 = arith.sitofp %add3A_899 : vector<16xi32> to vector<16xf32>
    %mul3A_901 = arith.constant 5.000000e-01 : f32
    %mul3A_902 = vector.broadcast %mul3A_901 : f32 to vector<16xf32>
    %mul3A_903 = arith.mulf %convert_element_type3A_900, %mul3A_902 : vector<16xf32>
    %sub3A_904 = arith.subf %sub3A_101, %mul3A_903 : vector<16xf32>
    %mul3A_905 = arith.mulf %sub3A_904, %sub3A_904 : vector<16xf32>
    %add3A_906 = arith.constant 1 : i32
    %add3A_907 = vector.broadcast %add3A_906 : i32 to vector<16xi32>
    %add3A_908 = arith.addi %min3A_881, %add3A_907 : vector<16xi32>
    %convert_element_type3A_909 = arith.sitofp %add3A_908 : vector<16xi32> to vector<16xf32>
    %mul3A_910 = arith.constant 5.000000e-01 : f32
    %mul3A_911 = vector.broadcast %mul3A_910 : f32 to vector<16xf32>
    %mul3A_912 = arith.mulf %convert_element_type3A_909, %mul3A_911 : vector<16xf32>
    %sub3A_913 = arith.subf %sub3A_101, %mul3A_912 : vector<16xf32>
    %mul3A_914 = arith.mulf %sub3A_913, %sub3A_913 : vector<16xf32>
    %add3A_915 = arith.constant 67 : i32
    %add3A_916 = vector.broadcast %add3A_915 : i32 to vector<16xi32>
    %add3A_917 = arith.addi %min3A_881, %add3A_916 : vector<16xi32>
    %broadcast_in_dim3A_918 = arith.constant 1.000000e+30 : f32
    %broadcast_in_dim3A_919 = vector.broadcast %broadcast_in_dim3A_918 : f32 to vector<16xf32>
    %broadcast_in_dim3A_920 = arith.constant 0 : i32
    %broadcast_in_dim3A_921 = vector.broadcast %broadcast_in_dim3A_920 : i32 to vector<16xi32>
    %add3A_922 = arith.constant 1 : i32
    %add3A_923 = vector.broadcast %add3A_922 : i32 to vector<16xi32>
    %add3A_924 = arith.addi %min3A_887, %add3A_923 : vector<16xi32>
    %convert_element_type3A_925 = arith.sitofp %add3A_924 : vector<16xi32> to vector<16xf32>
    %mul3A_926 = arith.constant 5.000000e-01 : f32
    %mul3A_927 = vector.broadcast %mul3A_926 : f32 to vector<16xf32>
    %mul3A_928 = arith.mulf %convert_element_type3A_925, %mul3A_927 : vector<16xf32>
    %sub3A_929 = arith.subf %add3A_104, %mul3A_928 : vector<16xf32>
    %mul3A_930 = arith.mulf %sub3A_929, %sub3A_929 : vector<16xf32>
    %sub3A_931 = arith.constant 67 : i32
    %sub3A_932 = vector.broadcast %sub3A_931 : i32 to vector<16xi32>
    %sub3A_933 = arith.subi %sub3A_932, %add3A_924 : vector<16xi32>
    %mul3A_934 = arith.constant 135 : i32
    %mul3A_935 = vector.broadcast %mul3A_934 : i32 to vector<16xi32>
    %mul3A_936 = arith.muli %sub3A_933, %mul3A_935 : vector<16xi32>
    %add3A_937 = arith.addi %mul3A_936, %add3A_917 : vector<16xi32>
    %add3A_938 = arith.constant -1 : i32
    %add3A_939 = vector.broadcast %add3A_938 : i32 to vector<16xi32>
    %add3A_940 = arith.addi %add3A_937, %add3A_939 : vector<16xi32>
    %gather3A_941 = tpu.vector_load_idx %arg19[%add3A_940] : memref<18232xi32, #tpu.memory_space<vmem>>[vector<16xi32>], vector<16xi32>,
    %add3A_942 = arith.addf %mul3A_896, %mul3A_930 : vector<16xf32>
    %ge3A_943 = arith.constant 0 : i32
    %ge3A_944 = vector.broadcast %ge3A_943 : i32 to vector<16xi32>
    %ge3A_945 = arith.cmpi sge, %gather3A_941, %ge3A_944 : vector<16xi32>
    %lt3A_946 = arith.cmpf olt, %add3A_942, %broadcast_in_dim3A_919 : vector<16xf32>
    %and3A_947 = arith.andi %ge3A_945, %lt3A_946 : vector<16xi1>
    %select_n3A_948 = arith.select %and3A_947, %add3A_942, %broadcast_in_dim3A_919 : vector<16xi1>, vector<16xf32>
    %select_n3A_949 = arith.select %and3A_947, %gather3A_941, %broadcast_in_dim3A_921 : vector<16xi1>, vector<16xi32>
    %add3A_950 = arith.constant 0 : i32
    %add3A_951 = vector.broadcast %add3A_950 : i32 to vector<16xi32>
    %add3A_952 = arith.addi %add3A_937, %add3A_951 : vector<16xi32>
    %gather3A_953 = tpu.vector_load_idx %arg19[%add3A_952] : memref<18232xi32, #tpu.memory_space<vmem>>[vector<16xi32>], vector<16xi32>,
    %add3A_954 = arith.addf %mul3A_905, %mul3A_930 : vector<16xf32>
    %ge3A_955 = arith.constant 0 : i32
    %ge3A_956 = vector.broadcast %ge3A_955 : i32 to vector<16xi32>
    %ge3A_957 = arith.cmpi sge, %gather3A_953, %ge3A_956 : vector<16xi32>
    %lt3A_958 = arith.cmpf olt, %add3A_954, %select_n3A_948 : vector<16xf32>
    %and3A_959 = arith.andi %ge3A_957, %lt3A_958 : vector<16xi1>
    %select_n3A_960 = arith.select %and3A_959, %add3A_954, %select_n3A_948 : vector<16xi1>, vector<16xf32>
    %select_n3A_961 = arith.select %and3A_959, %gather3A_953, %select_n3A_949 : vector<16xi1>, vector<16xi32>
    %add3A_962 = arith.constant 1 : i32
    %add3A_963 = vector.broadcast %add3A_962 : i32 to vector<16xi32>
    %add3A_964 = arith.addi %add3A_937, %add3A_963 : vector<16xi32>
    %gather3A_965 = tpu.vector_load_idx %arg19[%add3A_964] : memref<18232xi32, #tpu.memory_space<vmem>>[vector<16xi32>], vector<16xi32>,
    %add3A_966 = arith.addf %mul3A_914, %mul3A_930 : vector<16xf32>
    %ge3A_967 = arith.constant 0 : i32
    %ge3A_968 = vector.broadcast %ge3A_967 : i32 to vector<16xi32>
    %ge3A_969 = arith.cmpi sge, %gather3A_965, %ge3A_968 : vector<16xi32>
    %lt3A_970 = arith.cmpf olt, %add3A_966, %select_n3A_960 : vector<16xf32>
    %and3A_971 = arith.andi %ge3A_969, %lt3A_970 : vector<16xi1>
    %select_n3A_972 = arith.select %and3A_971, %add3A_966, %select_n3A_960 : vector<16xi1>, vector<16xf32>
    %select_n3A_973 = arith.select %and3A_971, %gather3A_965, %select_n3A_961 : vector<16xi1>, vector<16xi32>
    %add3A_974 = arith.constant 0 : i32
    %add3A_975 = vector.broadcast %add3A_974 : i32 to vector<16xi32>
    %add3A_976 = arith.addi %min3A_887, %add3A_975 : vector<16xi32>
    %convert_element_type3A_977 = arith.sitofp %add3A_976 : vector<16xi32> to vector<16xf32>
    %mul3A_978 = arith.constant 5.000000e-01 : f32
    %mul3A_979 = vector.broadcast %mul3A_978 : f32 to vector<16xf32>
    %mul3A_980 = arith.mulf %convert_element_type3A_977, %mul3A_979 : vector<16xf32>
    %sub3A_981 = arith.subf %add3A_104, %mul3A_980 : vector<16xf32>
    %mul3A_982 = arith.mulf %sub3A_981, %sub3A_981 : vector<16xf32>
    %sub3A_983 = arith.constant 67 : i32
    %sub3A_984 = vector.broadcast %sub3A_983 : i32 to vector<16xi32>
    %sub3A_985 = arith.subi %sub3A_984, %add3A_976 : vector<16xi32>
    %mul3A_986 = arith.constant 135 : i32
    %mul3A_987 = vector.broadcast %mul3A_986 : i32 to vector<16xi32>
    %mul3A_988 = arith.muli %sub3A_985, %mul3A_987 : vector<16xi32>
    %add3A_989 = arith.addi %mul3A_988, %add3A_917 : vector<16xi32>
    %add3A_990 = arith.constant -1 : i32
    %add3A_991 = vector.broadcast %add3A_990 : i32 to vector<16xi32>
    %add3A_992 = arith.addi %add3A_989, %add3A_991 : vector<16xi32>
    %gather3A_993 = tpu.vector_load_idx %arg19[%add3A_992] : memref<18232xi32, #tpu.memory_space<vmem>>[vector<16xi32>], vector<16xi32>,
    %add3A_994 = arith.addf %mul3A_896, %mul3A_982 : vector<16xf32>
    %ge3A_995 = arith.constant 0 : i32
    %ge3A_996 = vector.broadcast %ge3A_995 : i32 to vector<16xi32>
    %ge3A_997 = arith.cmpi sge, %gather3A_993, %ge3A_996 : vector<16xi32>
    %lt3A_998 = arith.cmpf olt, %add3A_994, %select_n3A_972 : vector<16xf32>
    %and3A_999 = arith.andi %ge3A_997, %lt3A_998 : vector<16xi1>
    %select_n3A_1000 = arith.select %and3A_999, %add3A_994, %select_n3A_972 : vector<16xi1>, vector<16xf32>
    %select_n3A_1001 = arith.select %and3A_999, %gather3A_993, %select_n3A_973 : vector<16xi1>, vector<16xi32>
    %add3A_1002 = arith.constant 0 : i32
    %add3A_1003 = vector.broadcast %add3A_1002 : i32 to vector<16xi32>
    %add3A_1004 = arith.addi %add3A_989, %add3A_1003 : vector<16xi32>
    %gather3A_1005 = tpu.vector_load_idx %arg19[%add3A_1004] : memref<18232xi32, #tpu.memory_space<vmem>>[vector<16xi32>], vector<16xi32>,
    %add3A_1006 = arith.addf %mul3A_905, %mul3A_982 : vector<16xf32>
    %ge3A_1007 = arith.constant 0 : i32
    %ge3A_1008 = vector.broadcast %ge3A_1007 : i32 to vector<16xi32>
    %ge3A_1009 = arith.cmpi sge, %gather3A_1005, %ge3A_1008 : vector<16xi32>
    %lt3A_1010 = arith.cmpf olt, %add3A_1006, %select_n3A_1000 : vector<16xf32>
    %and3A_1011 = arith.andi %ge3A_1009, %lt3A_1010 : vector<16xi1>
    %select_n3A_1012 = arith.select %and3A_1011, %add3A_1006, %select_n3A_1000 : vector<16xi1>, vector<16xf32>
    %select_n3A_1013 = arith.select %and3A_1011, %gather3A_1005, %select_n3A_1001 : vector<16xi1>, vector<16xi32>
    %add3A_1014 = arith.constant 1 : i32
    %add3A_1015 = vector.broadcast %add3A_1014 : i32 to vector<16xi32>
    %add3A_1016 = arith.addi %add3A_989, %add3A_1015 : vector<16xi32>
    %gather3A_1017 = tpu.vector_load_idx %arg19[%add3A_1016] : memref<18232xi32, #tpu.memory_space<vmem>>[vector<16xi32>], vector<16xi32>,
    %add3A_1018 = arith.addf %mul3A_914, %mul3A_982 : vector<16xf32>
    %ge3A_1019 = arith.constant 0 : i32
    %ge3A_1020 = vector.broadcast %ge3A_1019 : i32 to vector<16xi32>
    %ge3A_1021 = arith.cmpi sge, %gather3A_1017, %ge3A_1020 : vector<16xi32>
    %lt3A_1022 = arith.cmpf olt, %add3A_1018, %select_n3A_1012 : vector<16xf32>
    %and3A_1023 = arith.andi %ge3A_1021, %lt3A_1022 : vector<16xi1>
    %select_n3A_1024 = arith.select %and3A_1023, %add3A_1018, %select_n3A_1012 : vector<16xi1>, vector<16xf32>
    %select_n3A_1025 = arith.select %and3A_1023, %gather3A_1017, %select_n3A_1013 : vector<16xi1>, vector<16xi32>
    %add3A_1026 = arith.constant -1 : i32
    %add3A_1027 = vector.broadcast %add3A_1026 : i32 to vector<16xi32>
    %add3A_1028 = arith.addi %min3A_887, %add3A_1027 : vector<16xi32>
    %convert_element_type3A_1029 = arith.sitofp %add3A_1028 : vector<16xi32> to vector<16xf32>
    %mul3A_1030 = arith.constant 5.000000e-01 : f32
    %mul3A_1031 = vector.broadcast %mul3A_1030 : f32 to vector<16xf32>
    %mul3A_1032 = arith.mulf %convert_element_type3A_1029, %mul3A_1031 : vector<16xf32>
    %sub3A_1033 = arith.subf %add3A_104, %mul3A_1032 : vector<16xf32>
    %mul3A_1034 = arith.mulf %sub3A_1033, %sub3A_1033 : vector<16xf32>
    %sub3A_1035 = arith.constant 67 : i32
    %sub3A_1036 = vector.broadcast %sub3A_1035 : i32 to vector<16xi32>
    %sub3A_1037 = arith.subi %sub3A_1036, %add3A_1028 : vector<16xi32>
    %mul3A_1038 = arith.constant 135 : i32
    %mul3A_1039 = vector.broadcast %mul3A_1038 : i32 to vector<16xi32>
    %mul3A_1040 = arith.muli %sub3A_1037, %mul3A_1039 : vector<16xi32>
    %add3A_1041 = arith.addi %mul3A_1040, %add3A_917 : vector<16xi32>
    %add3A_1042 = arith.constant -1 : i32
    %add3A_1043 = vector.broadcast %add3A_1042 : i32 to vector<16xi32>
    %add3A_1044 = arith.addi %add3A_1041, %add3A_1043 : vector<16xi32>
    %gather3A_1045 = tpu.vector_load_idx %arg19[%add3A_1044] : memref<18232xi32, #tpu.memory_space<vmem>>[vector<16xi32>], vector<16xi32>,
    %add3A_1046 = arith.addf %mul3A_896, %mul3A_1034 : vector<16xf32>
    %ge3A_1047 = arith.constant 0 : i32
    %ge3A_1048 = vector.broadcast %ge3A_1047 : i32 to vector<16xi32>
    %ge3A_1049 = arith.cmpi sge, %gather3A_1045, %ge3A_1048 : vector<16xi32>
    %lt3A_1050 = arith.cmpf olt, %add3A_1046, %select_n3A_1024 : vector<16xf32>
    %and3A_1051 = arith.andi %ge3A_1049, %lt3A_1050 : vector<16xi1>
    %select_n3A_1052 = arith.select %and3A_1051, %add3A_1046, %select_n3A_1024 : vector<16xi1>, vector<16xf32>
    %select_n3A_1053 = arith.select %and3A_1051, %gather3A_1045, %select_n3A_1025 : vector<16xi1>, vector<16xi32>
    %add3A_1054 = arith.constant 0 : i32
    %add3A_1055 = vector.broadcast %add3A_1054 : i32 to vector<16xi32>
    %add3A_1056 = arith.addi %add3A_1041, %add3A_1055 : vector<16xi32>
    %gather3A_1057 = tpu.vector_load_idx %arg19[%add3A_1056] : memref<18232xi32, #tpu.memory_space<vmem>>[vector<16xi32>], vector<16xi32>,
    %add3A_1058 = arith.addf %mul3A_905, %mul3A_1034 : vector<16xf32>
    %ge3A_1059 = arith.constant 0 : i32
    %ge3A_1060 = vector.broadcast %ge3A_1059 : i32 to vector<16xi32>
    %ge3A_1061 = arith.cmpi sge, %gather3A_1057, %ge3A_1060 : vector<16xi32>
    %lt3A_1062 = arith.cmpf olt, %add3A_1058, %select_n3A_1052 : vector<16xf32>
    %and3A_1063 = arith.andi %ge3A_1061, %lt3A_1062 : vector<16xi1>
    %select_n3A_1064 = arith.select %and3A_1063, %add3A_1058, %select_n3A_1052 : vector<16xi1>, vector<16xf32>
    %select_n3A_1065 = arith.select %and3A_1063, %gather3A_1057, %select_n3A_1053 : vector<16xi1>, vector<16xi32>
    %add3A_1066 = arith.constant 1 : i32
    %add3A_1067 = vector.broadcast %add3A_1066 : i32 to vector<16xi32>
    %add3A_1068 = arith.addi %add3A_1041, %add3A_1067 : vector<16xi32>
    %gather3A_1069 = tpu.vector_load_idx %arg19[%add3A_1068] : memref<18232xi32, #tpu.memory_space<vmem>>[vector<16xi32>], vector<16xi32>,
    %add3A_1070 = arith.addf %mul3A_914, %mul3A_1034 : vector<16xf32>
    %ge3A_1071 = arith.constant 0 : i32
    %ge3A_1072 = vector.broadcast %ge3A_1071 : i32 to vector<16xi32>
    %ge3A_1073 = arith.cmpi sge, %gather3A_1069, %ge3A_1072 : vector<16xi32>
    %lt3A_1074 = arith.cmpf olt, %add3A_1070, %select_n3A_1064 : vector<16xf32>
    %and3A_1075 = arith.andi %ge3A_1073, %lt3A_1074 : vector<16xi1>
    %select_n3A_1076 = arith.select %and3A_1075, %add3A_1070, %select_n3A_1064 : vector<16xi1>, vector<16xf32>
    %select_n3A_1077 = arith.select %and3A_1075, %gather3A_1069, %select_n3A_1065 : vector<16xi1>, vector<16xi32>
    %gather3A_1078 = tpu.vector_load_idx %arg20[%select_n3A_1077] : memref<11296xi32, #tpu.memory_space<vmem>>[vector<16xi32>], vector<16xi32>,
    %shift_right_arithmetic3A_1079 = arith.constant 16 : i32
    %shift_right_arithmetic3A_1080 = vector.broadcast %shift_right_arithmetic3A_1079 : i32 to vector<16xi32>
    %shift_right_arithmetic3A_1081 = arith.shrsi %gather3A_1078, %shift_right_arithmetic3A_1080 : vector<16xi32>
    %shift_left3A_1082 = arith.constant 16 : i32
    %shift_left3A_1083 = vector.broadcast %shift_left3A_1082 : i32 to vector<16xi32>
    %shift_left3A_1084 = arith.shli %gather3A_1078, %shift_left3A_1083 : vector<16xi32>
    %shift_right_arithmetic3A_1085 = arith.constant 16 : i32
    %shift_right_arithmetic3A_1086 = vector.broadcast %shift_right_arithmetic3A_1085 : i32 to vector<16xi32>
    %shift_right_arithmetic3A_1087 = arith.shrsi %shift_left3A_1084, %shift_right_arithmetic3A_1086 : vector<16xi32>
    %swap3A_1088 = arith.constant 32 : index
    %swap3A_1089 = tpu.vector_load %arg24[%swap3A_1088] {strides = array<i32>} : memref<128xi32, #tpu.memory_space<vmem>>, vector<16xi32>,
    tpu.vector_store %arg24[%swap3A_1088], %select_n3A_1077 {strides = array<i32>} : memref<128xi32, #tpu.memory_space<vmem>>, vector<16xi32>,
    %convert_element_type3A_1090 = arith.sitofp %shift_right_arithmetic3A_1087 : vector<16xi32> to vector<16xf32>
    %mul3A_1091 = arith.constant 5.000000e-01 : f32
    %mul3A_1092 = vector.broadcast %mul3A_1091 : f32 to vector<16xf32>
    %mul3A_1093 = arith.mulf %convert_element_type3A_1090, %mul3A_1092 : vector<16xf32>
    %sub3A_1094 = arith.subf %sub3A_101, %mul3A_1093 : vector<16xf32>
    %swap3A_1095 = arith.constant 32 : index
    %swap3A_1096 = tpu.vector_load %arg25[%swap3A_1095] {strides = array<i32>} : memref<128xf32, #tpu.memory_space<vmem>>, vector<16xf32>,
    tpu.vector_store %arg25[%swap3A_1095], %sub3A_1094 {strides = array<i32>} : memref<128xf32, #tpu.memory_space<vmem>>, vector<16xf32>,
    %convert_element_type3A_1097 = arith.sitofp %shift_right_arithmetic3A_1081 : vector<16xi32> to vector<16xf32>
    %mul3A_1098 = arith.constant 5.000000e-01 : f32
    %mul3A_1099 = vector.broadcast %mul3A_1098 : f32 to vector<16xf32>
    %mul3A_1100 = arith.mulf %convert_element_type3A_1097, %mul3A_1099 : vector<16xf32>
    %sub3A_1101 = arith.subf %add3A_104, %mul3A_1100 : vector<16xf32>
    %swap3A_1102 = arith.constant 32 : index
    %swap3A_1103 = tpu.vector_load %arg26[%swap3A_1102] {strides = array<i32>} : memref<128xf32, #tpu.memory_space<vmem>>, vector<16xf32>,
    tpu.vector_store %arg26[%swap3A_1102], %sub3A_1101 {strides = array<i32>} : memref<128xf32, #tpu.memory_space<vmem>>, vector<16xf32>,
    %mul3A_1104 = arith.constant 2.000000e+00 : f32
    %mul3A_1105 = vector.broadcast %mul3A_1104 : f32 to vector<16xf32>
    %mul3A_1106 = arith.mulf %sub3A_144, %mul3A_1105 : vector<16xf32>
    %mul3A_1107 = arith.constant 2.000000e+00 : f32
    %mul3A_1108 = vector.broadcast %mul3A_1107 : f32 to vector<16xf32>
    %mul3A_1109 = arith.mulf %add3A_147, %mul3A_1108 : vector<16xf32>
    %ge3A_1110 = arith.constant 0.000000e+00 : f32
    %ge3A_1111 = vector.broadcast %ge3A_1110 : f32 to vector<16xf32>
    %ge3A_1112 = arith.cmpf oge, %mul3A_1106, %ge3A_1111 : vector<16xf32>
    %add3A_1113 = arith.constant 5.000000e-01 : f32
    %add3A_1114 = vector.broadcast %add3A_1113 : f32 to vector<16xf32>
    %add3A_1115 = arith.addf %mul3A_1106, %add3A_1114 : vector<16xf32>
    %sub3A_1116 = arith.constant 5.000000e-01 : f32
    %sub3A_1117 = vector.broadcast %sub3A_1116 : f32 to vector<16xf32>
    %sub3A_1118 = arith.subf %mul3A_1106, %sub3A_1117 : vector<16xf32>
    %select_n3A_1119 = arith.select %ge3A_1112, %add3A_1115, %sub3A_1118 : vector<16xi1>, vector<16xf32>
    %convert_element_type3A_1120 = arith.fptosi %select_n3A_1119 : vector<16xf32> to vector<16xi32>
    %ge3A_1121 = arith.constant 0.000000e+00 : f32
    %ge3A_1122 = vector.broadcast %ge3A_1121 : f32 to vector<16xf32>
    %ge3A_1123 = arith.cmpf oge, %mul3A_1109, %ge3A_1122 : vector<16xf32>
    %add3A_1124 = arith.constant 5.000000e-01 : f32
    %add3A_1125 = vector.broadcast %add3A_1124 : f32 to vector<16xf32>
    %add3A_1126 = arith.addf %mul3A_1109, %add3A_1125 : vector<16xf32>
    %sub3A_1127 = arith.constant 5.000000e-01 : f32
    %sub3A_1128 = vector.broadcast %sub3A_1127 : f32 to vector<16xf32>
    %sub3A_1129 = arith.subf %mul3A_1109, %sub3A_1128 : vector<16xf32>
    %select_n3A_1130 = arith.select %ge3A_1123, %add3A_1126, %sub3A_1129 : vector<16xi1>, vector<16xf32>
    %convert_element_type3A_1131 = arith.fptosi %select_n3A_1130 : vector<16xf32> to vector<16xi32>
    %jit3A_1132 = arith.constant -60 : i32
    %jit3A_1133 = arith.constant 60 : i32
    %max3A_1134 = vector.broadcast %jit3A_1132 : i32 to vector<16xi32>
    %max3A_1135 = arith.maxsi %max3A_1134, %convert_element_type3A_1120 : vector<16xi32>
    %min3A_1136 = vector.broadcast %jit3A_1133 : i32 to vector<16xi32>
    %min3A_1137 = arith.minsi %min3A_1136, %max3A_1135 : vector<16xi32>
    %jit3A_1138 = arith.constant -60 : i32
    %jit3A_1139 = arith.constant 60 : i32
    %max3A_1140 = vector.broadcast %jit3A_1138 : i32 to vector<16xi32>
    %max3A_1141 = arith.maxsi %max3A_1140, %convert_element_type3A_1131 : vector<16xi32>
    %min3A_1142 = vector.broadcast %jit3A_1139 : i32 to vector<16xi32>
    %min3A_1143 = arith.minsi %min3A_1142, %max3A_1141 : vector<16xi32>
    %add3A_1144 = arith.constant -1 : i32
    %add3A_1145 = vector.broadcast %add3A_1144 : i32 to vector<16xi32>
    %add3A_1146 = arith.addi %min3A_1137, %add3A_1145 : vector<16xi32>
    %convert_element_type3A_1147 = arith.sitofp %add3A_1146 : vector<16xi32> to vector<16xf32>
    %mul3A_1148 = arith.constant 5.000000e-01 : f32
    %mul3A_1149 = vector.broadcast %mul3A_1148 : f32 to vector<16xf32>
    %mul3A_1150 = arith.mulf %convert_element_type3A_1147, %mul3A_1149 : vector<16xf32>
    %sub3A_1151 = arith.subf %sub3A_144, %mul3A_1150 : vector<16xf32>
    %mul3A_1152 = arith.mulf %sub3A_1151, %sub3A_1151 : vector<16xf32>
    %add3A_1153 = arith.constant 0 : i32
    %add3A_1154 = vector.broadcast %add3A_1153 : i32 to vector<16xi32>
    %add3A_1155 = arith.addi %min3A_1137, %add3A_1154 : vector<16xi32>
    %convert_element_type3A_1156 = arith.sitofp %add3A_1155 : vector<16xi32> to vector<16xf32>
    %mul3A_1157 = arith.constant 5.000000e-01 : f32
    %mul3A_1158 = vector.broadcast %mul3A_1157 : f32 to vector<16xf32>
    %mul3A_1159 = arith.mulf %convert_element_type3A_1156, %mul3A_1158 : vector<16xf32>
    %sub3A_1160 = arith.subf %sub3A_144, %mul3A_1159 : vector<16xf32>
    %mul3A_1161 = arith.mulf %sub3A_1160, %sub3A_1160 : vector<16xf32>
    %add3A_1162 = arith.constant 1 : i32
    %add3A_1163 = vector.broadcast %add3A_1162 : i32 to vector<16xi32>
    %add3A_1164 = arith.addi %min3A_1137, %add3A_1163 : vector<16xi32>
    %convert_element_type3A_1165 = arith.sitofp %add3A_1164 : vector<16xi32> to vector<16xf32>
    %mul3A_1166 = arith.constant 5.000000e-01 : f32
    %mul3A_1167 = vector.broadcast %mul3A_1166 : f32 to vector<16xf32>
    %mul3A_1168 = arith.mulf %convert_element_type3A_1165, %mul3A_1167 : vector<16xf32>
    %sub3A_1169 = arith.subf %sub3A_144, %mul3A_1168 : vector<16xf32>
    %mul3A_1170 = arith.mulf %sub3A_1169, %sub3A_1169 : vector<16xf32>
    %add3A_1171 = arith.constant 67 : i32
    %add3A_1172 = vector.broadcast %add3A_1171 : i32 to vector<16xi32>
    %add3A_1173 = arith.addi %min3A_1137, %add3A_1172 : vector<16xi32>
    %broadcast_in_dim3A_1174 = arith.constant 1.000000e+30 : f32
    %broadcast_in_dim3A_1175 = vector.broadcast %broadcast_in_dim3A_1174 : f32 to vector<16xf32>
    %broadcast_in_dim3A_1176 = arith.constant 0 : i32
    %broadcast_in_dim3A_1177 = vector.broadcast %broadcast_in_dim3A_1176 : i32 to vector<16xi32>
    %add3A_1178 = arith.constant 1 : i32
    %add3A_1179 = vector.broadcast %add3A_1178 : i32 to vector<16xi32>
    %add3A_1180 = arith.addi %min3A_1143, %add3A_1179 : vector<16xi32>
    %convert_element_type3A_1181 = arith.sitofp %add3A_1180 : vector<16xi32> to vector<16xf32>
    %mul3A_1182 = arith.constant 5.000000e-01 : f32
    %mul3A_1183 = vector.broadcast %mul3A_1182 : f32 to vector<16xf32>
    %mul3A_1184 = arith.mulf %convert_element_type3A_1181, %mul3A_1183 : vector<16xf32>
    %sub3A_1185 = arith.subf %add3A_147, %mul3A_1184 : vector<16xf32>
    %mul3A_1186 = arith.mulf %sub3A_1185, %sub3A_1185 : vector<16xf32>
    %sub3A_1187 = arith.constant 67 : i32
    %sub3A_1188 = vector.broadcast %sub3A_1187 : i32 to vector<16xi32>
    %sub3A_1189 = arith.subi %sub3A_1188, %add3A_1180 : vector<16xi32>
    %mul3A_1190 = arith.constant 135 : i32
    %mul3A_1191 = vector.broadcast %mul3A_1190 : i32 to vector<16xi32>
    %mul3A_1192 = arith.muli %sub3A_1189, %mul3A_1191 : vector<16xi32>
    %add3A_1193 = arith.addi %mul3A_1192, %add3A_1173 : vector<16xi32>
    %add3A_1194 = arith.constant -1 : i32
    %add3A_1195 = vector.broadcast %add3A_1194 : i32 to vector<16xi32>
    %add3A_1196 = arith.addi %add3A_1193, %add3A_1195 : vector<16xi32>
    %gather3A_1197 = tpu.vector_load_idx %arg19[%add3A_1196] : memref<18232xi32, #tpu.memory_space<vmem>>[vector<16xi32>], vector<16xi32>,
    %add3A_1198 = arith.addf %mul3A_1152, %mul3A_1186 : vector<16xf32>
    %ge3A_1199 = arith.constant 0 : i32
    %ge3A_1200 = vector.broadcast %ge3A_1199 : i32 to vector<16xi32>
    %ge3A_1201 = arith.cmpi sge, %gather3A_1197, %ge3A_1200 : vector<16xi32>
    %lt3A_1202 = arith.cmpf olt, %add3A_1198, %broadcast_in_dim3A_1175 : vector<16xf32>
    %and3A_1203 = arith.andi %ge3A_1201, %lt3A_1202 : vector<16xi1>
    %select_n3A_1204 = arith.select %and3A_1203, %add3A_1198, %broadcast_in_dim3A_1175 : vector<16xi1>, vector<16xf32>
    %select_n3A_1205 = arith.select %and3A_1203, %gather3A_1197, %broadcast_in_dim3A_1177 : vector<16xi1>, vector<16xi32>
    %add3A_1206 = arith.constant 0 : i32
    %add3A_1207 = vector.broadcast %add3A_1206 : i32 to vector<16xi32>
    %add3A_1208 = arith.addi %add3A_1193, %add3A_1207 : vector<16xi32>
    %gather3A_1209 = tpu.vector_load_idx %arg19[%add3A_1208] : memref<18232xi32, #tpu.memory_space<vmem>>[vector<16xi32>], vector<16xi32>,
    %add3A_1210 = arith.addf %mul3A_1161, %mul3A_1186 : vector<16xf32>
    %ge3A_1211 = arith.constant 0 : i32
    %ge3A_1212 = vector.broadcast %ge3A_1211 : i32 to vector<16xi32>
    %ge3A_1213 = arith.cmpi sge, %gather3A_1209, %ge3A_1212 : vector<16xi32>
    %lt3A_1214 = arith.cmpf olt, %add3A_1210, %select_n3A_1204 : vector<16xf32>
    %and3A_1215 = arith.andi %ge3A_1213, %lt3A_1214 : vector<16xi1>
    %select_n3A_1216 = arith.select %and3A_1215, %add3A_1210, %select_n3A_1204 : vector<16xi1>, vector<16xf32>
    %select_n3A_1217 = arith.select %and3A_1215, %gather3A_1209, %select_n3A_1205 : vector<16xi1>, vector<16xi32>
    %add3A_1218 = arith.constant 1 : i32
    %add3A_1219 = vector.broadcast %add3A_1218 : i32 to vector<16xi32>
    %add3A_1220 = arith.addi %add3A_1193, %add3A_1219 : vector<16xi32>
    %gather3A_1221 = tpu.vector_load_idx %arg19[%add3A_1220] : memref<18232xi32, #tpu.memory_space<vmem>>[vector<16xi32>], vector<16xi32>,
    %add3A_1222 = arith.addf %mul3A_1170, %mul3A_1186 : vector<16xf32>
    %ge3A_1223 = arith.constant 0 : i32
    %ge3A_1224 = vector.broadcast %ge3A_1223 : i32 to vector<16xi32>
    %ge3A_1225 = arith.cmpi sge, %gather3A_1221, %ge3A_1224 : vector<16xi32>
    %lt3A_1226 = arith.cmpf olt, %add3A_1222, %select_n3A_1216 : vector<16xf32>
    %and3A_1227 = arith.andi %ge3A_1225, %lt3A_1226 : vector<16xi1>
    %select_n3A_1228 = arith.select %and3A_1227, %add3A_1222, %select_n3A_1216 : vector<16xi1>, vector<16xf32>
    %select_n3A_1229 = arith.select %and3A_1227, %gather3A_1221, %select_n3A_1217 : vector<16xi1>, vector<16xi32>
    %add3A_1230 = arith.constant 0 : i32
    %add3A_1231 = vector.broadcast %add3A_1230 : i32 to vector<16xi32>
    %add3A_1232 = arith.addi %min3A_1143, %add3A_1231 : vector<16xi32>
    %convert_element_type3A_1233 = arith.sitofp %add3A_1232 : vector<16xi32> to vector<16xf32>
    %mul3A_1234 = arith.constant 5.000000e-01 : f32
    %mul3A_1235 = vector.broadcast %mul3A_1234 : f32 to vector<16xf32>
    %mul3A_1236 = arith.mulf %convert_element_type3A_1233, %mul3A_1235 : vector<16xf32>
    %sub3A_1237 = arith.subf %add3A_147, %mul3A_1236 : vector<16xf32>
    %mul3A_1238 = arith.mulf %sub3A_1237, %sub3A_1237 : vector<16xf32>
    %sub3A_1239 = arith.constant 67 : i32
    %sub3A_1240 = vector.broadcast %sub3A_1239 : i32 to vector<16xi32>
    %sub3A_1241 = arith.subi %sub3A_1240, %add3A_1232 : vector<16xi32>
    %mul3A_1242 = arith.constant 135 : i32
    %mul3A_1243 = vector.broadcast %mul3A_1242 : i32 to vector<16xi32>
    %mul3A_1244 = arith.muli %sub3A_1241, %mul3A_1243 : vector<16xi32>
    %add3A_1245 = arith.addi %mul3A_1244, %add3A_1173 : vector<16xi32>
    %add3A_1246 = arith.constant -1 : i32
    %add3A_1247 = vector.broadcast %add3A_1246 : i32 to vector<16xi32>
    %add3A_1248 = arith.addi %add3A_1245, %add3A_1247 : vector<16xi32>
    %gather3A_1249 = tpu.vector_load_idx %arg19[%add3A_1248] : memref<18232xi32, #tpu.memory_space<vmem>>[vector<16xi32>], vector<16xi32>,
    %add3A_1250 = arith.addf %mul3A_1152, %mul3A_1238 : vector<16xf32>
    %ge3A_1251 = arith.constant 0 : i32
    %ge3A_1252 = vector.broadcast %ge3A_1251 : i32 to vector<16xi32>
    %ge3A_1253 = arith.cmpi sge, %gather3A_1249, %ge3A_1252 : vector<16xi32>
    %lt3A_1254 = arith.cmpf olt, %add3A_1250, %select_n3A_1228 : vector<16xf32>
    %and3A_1255 = arith.andi %ge3A_1253, %lt3A_1254 : vector<16xi1>
    %select_n3A_1256 = arith.select %and3A_1255, %add3A_1250, %select_n3A_1228 : vector<16xi1>, vector<16xf32>
    %select_n3A_1257 = arith.select %and3A_1255, %gather3A_1249, %select_n3A_1229 : vector<16xi1>, vector<16xi32>
    %add3A_1258 = arith.constant 0 : i32
    %add3A_1259 = vector.broadcast %add3A_1258 : i32 to vector<16xi32>
    %add3A_1260 = arith.addi %add3A_1245, %add3A_1259 : vector<16xi32>
    %gather3A_1261 = tpu.vector_load_idx %arg19[%add3A_1260] : memref<18232xi32, #tpu.memory_space<vmem>>[vector<16xi32>], vector<16xi32>,
    %add3A_1262 = arith.addf %mul3A_1161, %mul3A_1238 : vector<16xf32>
    %ge3A_1263 = arith.constant 0 : i32
    %ge3A_1264 = vector.broadcast %ge3A_1263 : i32 to vector<16xi32>
    %ge3A_1265 = arith.cmpi sge, %gather3A_1261, %ge3A_1264 : vector<16xi32>
    %lt3A_1266 = arith.cmpf olt, %add3A_1262, %select_n3A_1256 : vector<16xf32>
    %and3A_1267 = arith.andi %ge3A_1265, %lt3A_1266 : vector<16xi1>
    %select_n3A_1268 = arith.select %and3A_1267, %add3A_1262, %select_n3A_1256 : vector<16xi1>, vector<16xf32>
    %select_n3A_1269 = arith.select %and3A_1267, %gather3A_1261, %select_n3A_1257 : vector<16xi1>, vector<16xi32>
    %add3A_1270 = arith.constant 1 : i32
    %add3A_1271 = vector.broadcast %add3A_1270 : i32 to vector<16xi32>
    %add3A_1272 = arith.addi %add3A_1245, %add3A_1271 : vector<16xi32>
    %gather3A_1273 = tpu.vector_load_idx %arg19[%add3A_1272] : memref<18232xi32, #tpu.memory_space<vmem>>[vector<16xi32>], vector<16xi32>,
    %add3A_1274 = arith.addf %mul3A_1170, %mul3A_1238 : vector<16xf32>
    %ge3A_1275 = arith.constant 0 : i32
    %ge3A_1276 = vector.broadcast %ge3A_1275 : i32 to vector<16xi32>
    %ge3A_1277 = arith.cmpi sge, %gather3A_1273, %ge3A_1276 : vector<16xi32>
    %lt3A_1278 = arith.cmpf olt, %add3A_1274, %select_n3A_1268 : vector<16xf32>
    %and3A_1279 = arith.andi %ge3A_1277, %lt3A_1278 : vector<16xi1>
    %select_n3A_1280 = arith.select %and3A_1279, %add3A_1274, %select_n3A_1268 : vector<16xi1>, vector<16xf32>
    %select_n3A_1281 = arith.select %and3A_1279, %gather3A_1273, %select_n3A_1269 : vector<16xi1>, vector<16xi32>
    %add3A_1282 = arith.constant -1 : i32
    %add3A_1283 = vector.broadcast %add3A_1282 : i32 to vector<16xi32>
    %add3A_1284 = arith.addi %min3A_1143, %add3A_1283 : vector<16xi32>
    %convert_element_type3A_1285 = arith.sitofp %add3A_1284 : vector<16xi32> to vector<16xf32>
    %mul3A_1286 = arith.constant 5.000000e-01 : f32
    %mul3A_1287 = vector.broadcast %mul3A_1286 : f32 to vector<16xf32>
    %mul3A_1288 = arith.mulf %convert_element_type3A_1285, %mul3A_1287 : vector<16xf32>
    %sub3A_1289 = arith.subf %add3A_147, %mul3A_1288 : vector<16xf32>
    %mul3A_1290 = arith.mulf %sub3A_1289, %sub3A_1289 : vector<16xf32>
    %sub3A_1291 = arith.constant 67 : i32
    %sub3A_1292 = vector.broadcast %sub3A_1291 : i32 to vector<16xi32>
    %sub3A_1293 = arith.subi %sub3A_1292, %add3A_1284 : vector<16xi32>
    %mul3A_1294 = arith.constant 135 : i32
    %mul3A_1295 = vector.broadcast %mul3A_1294 : i32 to vector<16xi32>
    %mul3A_1296 = arith.muli %sub3A_1293, %mul3A_1295 : vector<16xi32>
    %add3A_1297 = arith.addi %mul3A_1296, %add3A_1173 : vector<16xi32>
    %add3A_1298 = arith.constant -1 : i32
    %add3A_1299 = vector.broadcast %add3A_1298 : i32 to vector<16xi32>
    %add3A_1300 = arith.addi %add3A_1297, %add3A_1299 : vector<16xi32>
    %gather3A_1301 = tpu.vector_load_idx %arg19[%add3A_1300] : memref<18232xi32, #tpu.memory_space<vmem>>[vector<16xi32>], vector<16xi32>,
    %add3A_1302 = arith.addf %mul3A_1152, %mul3A_1290 : vector<16xf32>
    %ge3A_1303 = arith.constant 0 : i32
    %ge3A_1304 = vector.broadcast %ge3A_1303 : i32 to vector<16xi32>
    %ge3A_1305 = arith.cmpi sge, %gather3A_1301, %ge3A_1304 : vector<16xi32>
    %lt3A_1306 = arith.cmpf olt, %add3A_1302, %select_n3A_1280 : vector<16xf32>
    %and3A_1307 = arith.andi %ge3A_1305, %lt3A_1306 : vector<16xi1>
    %select_n3A_1308 = arith.select %and3A_1307, %add3A_1302, %select_n3A_1280 : vector<16xi1>, vector<16xf32>
    %select_n3A_1309 = arith.select %and3A_1307, %gather3A_1301, %select_n3A_1281 : vector<16xi1>, vector<16xi32>
    %add3A_1310 = arith.constant 0 : i32
    %add3A_1311 = vector.broadcast %add3A_1310 : i32 to vector<16xi32>
    %add3A_1312 = arith.addi %add3A_1297, %add3A_1311 : vector<16xi32>
    %gather3A_1313 = tpu.vector_load_idx %arg19[%add3A_1312] : memref<18232xi32, #tpu.memory_space<vmem>>[vector<16xi32>], vector<16xi32>,
    %add3A_1314 = arith.addf %mul3A_1161, %mul3A_1290 : vector<16xf32>
    %ge3A_1315 = arith.constant 0 : i32
    %ge3A_1316 = vector.broadcast %ge3A_1315 : i32 to vector<16xi32>
    %ge3A_1317 = arith.cmpi sge, %gather3A_1313, %ge3A_1316 : vector<16xi32>
    %lt3A_1318 = arith.cmpf olt, %add3A_1314, %select_n3A_1308 : vector<16xf32>
    %and3A_1319 = arith.andi %ge3A_1317, %lt3A_1318 : vector<16xi1>
    %select_n3A_1320 = arith.select %and3A_1319, %add3A_1314, %select_n3A_1308 : vector<16xi1>, vector<16xf32>
    %select_n3A_1321 = arith.select %and3A_1319, %gather3A_1313, %select_n3A_1309 : vector<16xi1>, vector<16xi32>
    %add3A_1322 = arith.constant 1 : i32
    %add3A_1323 = vector.broadcast %add3A_1322 : i32 to vector<16xi32>
    %add3A_1324 = arith.addi %add3A_1297, %add3A_1323 : vector<16xi32>
    %gather3A_1325 = tpu.vector_load_idx %arg19[%add3A_1324] : memref<18232xi32, #tpu.memory_space<vmem>>[vector<16xi32>], vector<16xi32>,
    %add3A_1326 = arith.addf %mul3A_1170, %mul3A_1290 : vector<16xf32>
    %ge3A_1327 = arith.constant 0 : i32
    %ge3A_1328 = vector.broadcast %ge3A_1327 : i32 to vector<16xi32>
    %ge3A_1329 = arith.cmpi sge, %gather3A_1325, %ge3A_1328 : vector<16xi32>
    %lt3A_1330 = arith.cmpf olt, %add3A_1326, %select_n3A_1320 : vector<16xf32>
    %and3A_1331 = arith.andi %ge3A_1329, %lt3A_1330 : vector<16xi1>
    %select_n3A_1332 = arith.select %and3A_1331, %add3A_1326, %select_n3A_1320 : vector<16xi1>, vector<16xf32>
    %select_n3A_1333 = arith.select %and3A_1331, %gather3A_1325, %select_n3A_1321 : vector<16xi1>, vector<16xi32>
    %gather3A_1334 = tpu.vector_load_idx %arg20[%select_n3A_1333] : memref<11296xi32, #tpu.memory_space<vmem>>[vector<16xi32>], vector<16xi32>,
    %shift_right_arithmetic3A_1335 = arith.constant 16 : i32
    %shift_right_arithmetic3A_1336 = vector.broadcast %shift_right_arithmetic3A_1335 : i32 to vector<16xi32>
    %shift_right_arithmetic3A_1337 = arith.shrsi %gather3A_1334, %shift_right_arithmetic3A_1336 : vector<16xi32>
    %shift_left3A_1338 = arith.constant 16 : i32
    %shift_left3A_1339 = vector.broadcast %shift_left3A_1338 : i32 to vector<16xi32>
    %shift_left3A_1340 = arith.shli %gather3A_1334, %shift_left3A_1339 : vector<16xi32>
    %shift_right_arithmetic3A_1341 = arith.constant 16 : i32
    %shift_right_arithmetic3A_1342 = vector.broadcast %shift_right_arithmetic3A_1341 : i32 to vector<16xi32>
    %shift_right_arithmetic3A_1343 = arith.shrsi %shift_left3A_1340, %shift_right_arithmetic3A_1342 : vector<16xi32>
    %swap3A_1344 = arith.constant 48 : index
    %swap3A_1345 = tpu.vector_load %arg24[%swap3A_1344] {strides = array<i32>} : memref<128xi32, #tpu.memory_space<vmem>>, vector<16xi32>,
    tpu.vector_store %arg24[%swap3A_1344], %select_n3A_1333 {strides = array<i32>} : memref<128xi32, #tpu.memory_space<vmem>>, vector<16xi32>,
    %convert_element_type3A_1346 = arith.sitofp %shift_right_arithmetic3A_1343 : vector<16xi32> to vector<16xf32>
    %mul3A_1347 = arith.constant 5.000000e-01 : f32
    %mul3A_1348 = vector.broadcast %mul3A_1347 : f32 to vector<16xf32>
    %mul3A_1349 = arith.mulf %convert_element_type3A_1346, %mul3A_1348 : vector<16xf32>
    %sub3A_1350 = arith.subf %sub3A_144, %mul3A_1349 : vector<16xf32>
    %swap3A_1351 = arith.constant 48 : index
    %swap3A_1352 = tpu.vector_load %arg25[%swap3A_1351] {strides = array<i32>} : memref<128xf32, #tpu.memory_space<vmem>>, vector<16xf32>,
    tpu.vector_store %arg25[%swap3A_1351], %sub3A_1350 {strides = array<i32>} : memref<128xf32, #tpu.memory_space<vmem>>, vector<16xf32>,
    %convert_element_type3A_1353 = arith.sitofp %shift_right_arithmetic3A_1337 : vector<16xi32> to vector<16xf32>
    %mul3A_1354 = arith.constant 5.000000e-01 : f32
    %mul3A_1355 = vector.broadcast %mul3A_1354 : f32 to vector<16xf32>
    %mul3A_1356 = arith.mulf %convert_element_type3A_1353, %mul3A_1355 : vector<16xf32>
    %sub3A_1357 = arith.subf %add3A_147, %mul3A_1356 : vector<16xf32>
    %swap3A_1358 = arith.constant 48 : index
    %swap3A_1359 = tpu.vector_load %arg26[%swap3A_1358] {strides = array<i32>} : memref<128xf32, #tpu.memory_space<vmem>>, vector<16xf32>,
    tpu.vector_store %arg26[%swap3A_1358], %sub3A_1357 {strides = array<i32>} : memref<128xf32, #tpu.memory_space<vmem>>, vector<16xf32>,
    %mul3A_1360 = arith.constant 2.000000e+00 : f32
    %mul3A_1361 = vector.broadcast %mul3A_1360 : f32 to vector<16xf32>
    %mul3A_1362 = arith.mulf %sub3A_187, %mul3A_1361 : vector<16xf32>
    %mul3A_1363 = arith.constant 2.000000e+00 : f32
    %mul3A_1364 = vector.broadcast %mul3A_1363 : f32 to vector<16xf32>
    %mul3A_1365 = arith.mulf %add3A_190, %mul3A_1364 : vector<16xf32>
    %ge3A_1366 = arith.constant 0.000000e+00 : f32
    %ge3A_1367 = vector.broadcast %ge3A_1366 : f32 to vector<16xf32>
    %ge3A_1368 = arith.cmpf oge, %mul3A_1362, %ge3A_1367 : vector<16xf32>
    %add3A_1369 = arith.constant 5.000000e-01 : f32
    %add3A_1370 = vector.broadcast %add3A_1369 : f32 to vector<16xf32>
    %add3A_1371 = arith.addf %mul3A_1362, %add3A_1370 : vector<16xf32>
    %sub3A_1372 = arith.constant 5.000000e-01 : f32
    %sub3A_1373 = vector.broadcast %sub3A_1372 : f32 to vector<16xf32>
    %sub3A_1374 = arith.subf %mul3A_1362, %sub3A_1373 : vector<16xf32>
    %select_n3A_1375 = arith.select %ge3A_1368, %add3A_1371, %sub3A_1374 : vector<16xi1>, vector<16xf32>
    %convert_element_type3A_1376 = arith.fptosi %select_n3A_1375 : vector<16xf32> to vector<16xi32>
    %ge3A_1377 = arith.constant 0.000000e+00 : f32
    %ge3A_1378 = vector.broadcast %ge3A_1377 : f32 to vector<16xf32>
    %ge3A_1379 = arith.cmpf oge, %mul3A_1365, %ge3A_1378 : vector<16xf32>
    %add3A_1380 = arith.constant 5.000000e-01 : f32
    %add3A_1381 = vector.broadcast %add3A_1380 : f32 to vector<16xf32>
    %add3A_1382 = arith.addf %mul3A_1365, %add3A_1381 : vector<16xf32>
    %sub3A_1383 = arith.constant 5.000000e-01 : f32
    %sub3A_1384 = vector.broadcast %sub3A_1383 : f32 to vector<16xf32>
    %sub3A_1385 = arith.subf %mul3A_1365, %sub3A_1384 : vector<16xf32>
    %select_n3A_1386 = arith.select %ge3A_1379, %add3A_1382, %sub3A_1385 : vector<16xi1>, vector<16xf32>
    %convert_element_type3A_1387 = arith.fptosi %select_n3A_1386 : vector<16xf32> to vector<16xi32>
    %jit3A_1388 = arith.constant -60 : i32
    %jit3A_1389 = arith.constant 60 : i32
    %max3A_1390 = vector.broadcast %jit3A_1388 : i32 to vector<16xi32>
    %max3A_1391 = arith.maxsi %max3A_1390, %convert_element_type3A_1376 : vector<16xi32>
    %min3A_1392 = vector.broadcast %jit3A_1389 : i32 to vector<16xi32>
    %min3A_1393 = arith.minsi %min3A_1392, %max3A_1391 : vector<16xi32>
    %jit3A_1394 = arith.constant -60 : i32
    %jit3A_1395 = arith.constant 60 : i32
    %max3A_1396 = vector.broadcast %jit3A_1394 : i32 to vector<16xi32>
    %max3A_1397 = arith.maxsi %max3A_1396, %convert_element_type3A_1387 : vector<16xi32>
    %min3A_1398 = vector.broadcast %jit3A_1395 : i32 to vector<16xi32>
    %min3A_1399 = arith.minsi %min3A_1398, %max3A_1397 : vector<16xi32>
    %add3A_1400 = arith.constant -1 : i32
    %add3A_1401 = vector.broadcast %add3A_1400 : i32 to vector<16xi32>
    %add3A_1402 = arith.addi %min3A_1393, %add3A_1401 : vector<16xi32>
    %convert_element_type3A_1403 = arith.sitofp %add3A_1402 : vector<16xi32> to vector<16xf32>
    %mul3A_1404 = arith.constant 5.000000e-01 : f32
    %mul3A_1405 = vector.broadcast %mul3A_1404 : f32 to vector<16xf32>
    %mul3A_1406 = arith.mulf %convert_element_type3A_1403, %mul3A_1405 : vector<16xf32>
    %sub3A_1407 = arith.subf %sub3A_187, %mul3A_1406 : vector<16xf32>
    %mul3A_1408 = arith.mulf %sub3A_1407, %sub3A_1407 : vector<16xf32>
    %add3A_1409 = arith.constant 0 : i32
    %add3A_1410 = vector.broadcast %add3A_1409 : i32 to vector<16xi32>
    %add3A_1411 = arith.addi %min3A_1393, %add3A_1410 : vector<16xi32>
    %convert_element_type3A_1412 = arith.sitofp %add3A_1411 : vector<16xi32> to vector<16xf32>
    %mul3A_1413 = arith.constant 5.000000e-01 : f32
    %mul3A_1414 = vector.broadcast %mul3A_1413 : f32 to vector<16xf32>
    %mul3A_1415 = arith.mulf %convert_element_type3A_1412, %mul3A_1414 : vector<16xf32>
    %sub3A_1416 = arith.subf %sub3A_187, %mul3A_1415 : vector<16xf32>
    %mul3A_1417 = arith.mulf %sub3A_1416, %sub3A_1416 : vector<16xf32>
    %add3A_1418 = arith.constant 1 : i32
    %add3A_1419 = vector.broadcast %add3A_1418 : i32 to vector<16xi32>
    %add3A_1420 = arith.addi %min3A_1393, %add3A_1419 : vector<16xi32>
    %convert_element_type3A_1421 = arith.sitofp %add3A_1420 : vector<16xi32> to vector<16xf32>
    %mul3A_1422 = arith.constant 5.000000e-01 : f32
    %mul3A_1423 = vector.broadcast %mul3A_1422 : f32 to vector<16xf32>
    %mul3A_1424 = arith.mulf %convert_element_type3A_1421, %mul3A_1423 : vector<16xf32>
    %sub3A_1425 = arith.subf %sub3A_187, %mul3A_1424 : vector<16xf32>
    %mul3A_1426 = arith.mulf %sub3A_1425, %sub3A_1425 : vector<16xf32>
    %add3A_1427 = arith.constant 67 : i32
    %add3A_1428 = vector.broadcast %add3A_1427 : i32 to vector<16xi32>
    %add3A_1429 = arith.addi %min3A_1393, %add3A_1428 : vector<16xi32>
    %broadcast_in_dim3A_1430 = arith.constant 1.000000e+30 : f32
    %broadcast_in_dim3A_1431 = vector.broadcast %broadcast_in_dim3A_1430 : f32 to vector<16xf32>
    %broadcast_in_dim3A_1432 = arith.constant 0 : i32
    %broadcast_in_dim3A_1433 = vector.broadcast %broadcast_in_dim3A_1432 : i32 to vector<16xi32>
    %add3A_1434 = arith.constant 1 : i32
    %add3A_1435 = vector.broadcast %add3A_1434 : i32 to vector<16xi32>
    %add3A_1436 = arith.addi %min3A_1399, %add3A_1435 : vector<16xi32>
    %convert_element_type3A_1437 = arith.sitofp %add3A_1436 : vector<16xi32> to vector<16xf32>
    %mul3A_1438 = arith.constant 5.000000e-01 : f32
    %mul3A_1439 = vector.broadcast %mul3A_1438 : f32 to vector<16xf32>
    %mul3A_1440 = arith.mulf %convert_element_type3A_1437, %mul3A_1439 : vector<16xf32>
    %sub3A_1441 = arith.subf %add3A_190, %mul3A_1440 : vector<16xf32>
    %mul3A_1442 = arith.mulf %sub3A_1441, %sub3A_1441 : vector<16xf32>
    %sub3A_1443 = arith.constant 67 : i32
    %sub3A_1444 = vector.broadcast %sub3A_1443 : i32 to vector<16xi32>
    %sub3A_1445 = arith.subi %sub3A_1444, %add3A_1436 : vector<16xi32>
    %mul3A_1446 = arith.constant 135 : i32
    %mul3A_1447 = vector.broadcast %mul3A_1446 : i32 to vector<16xi32>
    %mul3A_1448 = arith.muli %sub3A_1445, %mul3A_1447 : vector<16xi32>
    %add3A_1449 = arith.addi %mul3A_1448, %add3A_1429 : vector<16xi32>
    %add3A_1450 = arith.constant -1 : i32
    %add3A_1451 = vector.broadcast %add3A_1450 : i32 to vector<16xi32>
    %add3A_1452 = arith.addi %add3A_1449, %add3A_1451 : vector<16xi32>
    %gather3A_1453 = tpu.vector_load_idx %arg19[%add3A_1452] : memref<18232xi32, #tpu.memory_space<vmem>>[vector<16xi32>], vector<16xi32>,
    %add3A_1454 = arith.addf %mul3A_1408, %mul3A_1442 : vector<16xf32>
    %ge3A_1455 = arith.constant 0 : i32
    %ge3A_1456 = vector.broadcast %ge3A_1455 : i32 to vector<16xi32>
    %ge3A_1457 = arith.cmpi sge, %gather3A_1453, %ge3A_1456 : vector<16xi32>
    %lt3A_1458 = arith.cmpf olt, %add3A_1454, %broadcast_in_dim3A_1431 : vector<16xf32>
    %and3A_1459 = arith.andi %ge3A_1457, %lt3A_1458 : vector<16xi1>
    %select_n3A_1460 = arith.select %and3A_1459, %add3A_1454, %broadcast_in_dim3A_1431 : vector<16xi1>, vector<16xf32>
    %select_n3A_1461 = arith.select %and3A_1459, %gather3A_1453, %broadcast_in_dim3A_1433 : vector<16xi1>, vector<16xi32>
    %add3A_1462 = arith.constant 0 : i32
    %add3A_1463 = vector.broadcast %add3A_1462 : i32 to vector<16xi32>
    %add3A_1464 = arith.addi %add3A_1449, %add3A_1463 : vector<16xi32>
    %gather3A_1465 = tpu.vector_load_idx %arg19[%add3A_1464] : memref<18232xi32, #tpu.memory_space<vmem>>[vector<16xi32>], vector<16xi32>,
    %add3A_1466 = arith.addf %mul3A_1417, %mul3A_1442 : vector<16xf32>
    %ge3A_1467 = arith.constant 0 : i32
    %ge3A_1468 = vector.broadcast %ge3A_1467 : i32 to vector<16xi32>
    %ge3A_1469 = arith.cmpi sge, %gather3A_1465, %ge3A_1468 : vector<16xi32>
    %lt3A_1470 = arith.cmpf olt, %add3A_1466, %select_n3A_1460 : vector<16xf32>
    %and3A_1471 = arith.andi %ge3A_1469, %lt3A_1470 : vector<16xi1>
    %select_n3A_1472 = arith.select %and3A_1471, %add3A_1466, %select_n3A_1460 : vector<16xi1>, vector<16xf32>
    %select_n3A_1473 = arith.select %and3A_1471, %gather3A_1465, %select_n3A_1461 : vector<16xi1>, vector<16xi32>
    %add3A_1474 = arith.constant 1 : i32
    %add3A_1475 = vector.broadcast %add3A_1474 : i32 to vector<16xi32>
    %add3A_1476 = arith.addi %add3A_1449, %add3A_1475 : vector<16xi32>
    %gather3A_1477 = tpu.vector_load_idx %arg19[%add3A_1476] : memref<18232xi32, #tpu.memory_space<vmem>>[vector<16xi32>], vector<16xi32>,
    %add3A_1478 = arith.addf %mul3A_1426, %mul3A_1442 : vector<16xf32>
    %ge3A_1479 = arith.constant 0 : i32
    %ge3A_1480 = vector.broadcast %ge3A_1479 : i32 to vector<16xi32>
    %ge3A_1481 = arith.cmpi sge, %gather3A_1477, %ge3A_1480 : vector<16xi32>
    %lt3A_1482 = arith.cmpf olt, %add3A_1478, %select_n3A_1472 : vector<16xf32>
    %and3A_1483 = arith.andi %ge3A_1481, %lt3A_1482 : vector<16xi1>
    %select_n3A_1484 = arith.select %and3A_1483, %add3A_1478, %select_n3A_1472 : vector<16xi1>, vector<16xf32>
    %select_n3A_1485 = arith.select %and3A_1483, %gather3A_1477, %select_n3A_1473 : vector<16xi1>, vector<16xi32>
    %add3A_1486 = arith.constant 0 : i32
    %add3A_1487 = vector.broadcast %add3A_1486 : i32 to vector<16xi32>
    %add3A_1488 = arith.addi %min3A_1399, %add3A_1487 : vector<16xi32>
    %convert_element_type3A_1489 = arith.sitofp %add3A_1488 : vector<16xi32> to vector<16xf32>
    %mul3A_1490 = arith.constant 5.000000e-01 : f32
    %mul3A_1491 = vector.broadcast %mul3A_1490 : f32 to vector<16xf32>
    %mul3A_1492 = arith.mulf %convert_element_type3A_1489, %mul3A_1491 : vector<16xf32>
    %sub3A_1493 = arith.subf %add3A_190, %mul3A_1492 : vector<16xf32>
    %mul3A_1494 = arith.mulf %sub3A_1493, %sub3A_1493 : vector<16xf32>
    %sub3A_1495 = arith.constant 67 : i32
    %sub3A_1496 = vector.broadcast %sub3A_1495 : i32 to vector<16xi32>
    %sub3A_1497 = arith.subi %sub3A_1496, %add3A_1488 : vector<16xi32>
    %mul3A_1498 = arith.constant 135 : i32
    %mul3A_1499 = vector.broadcast %mul3A_1498 : i32 to vector<16xi32>
    %mul3A_1500 = arith.muli %sub3A_1497, %mul3A_1499 : vector<16xi32>
    %add3A_1501 = arith.addi %mul3A_1500, %add3A_1429 : vector<16xi32>
    %add3A_1502 = arith.constant -1 : i32
    %add3A_1503 = vector.broadcast %add3A_1502 : i32 to vector<16xi32>
    %add3A_1504 = arith.addi %add3A_1501, %add3A_1503 : vector<16xi32>
    %gather3A_1505 = tpu.vector_load_idx %arg19[%add3A_1504] : memref<18232xi32, #tpu.memory_space<vmem>>[vector<16xi32>], vector<16xi32>,
    %add3A_1506 = arith.addf %mul3A_1408, %mul3A_1494 : vector<16xf32>
    %ge3A_1507 = arith.constant 0 : i32
    %ge3A_1508 = vector.broadcast %ge3A_1507 : i32 to vector<16xi32>
    %ge3A_1509 = arith.cmpi sge, %gather3A_1505, %ge3A_1508 : vector<16xi32>
    %lt3A_1510 = arith.cmpf olt, %add3A_1506, %select_n3A_1484 : vector<16xf32>
    %and3A_1511 = arith.andi %ge3A_1509, %lt3A_1510 : vector<16xi1>
    %select_n3A_1512 = arith.select %and3A_1511, %add3A_1506, %select_n3A_1484 : vector<16xi1>, vector<16xf32>
    %select_n3A_1513 = arith.select %and3A_1511, %gather3A_1505, %select_n3A_1485 : vector<16xi1>, vector<16xi32>
    %add3A_1514 = arith.constant 0 : i32
    %add3A_1515 = vector.broadcast %add3A_1514 : i32 to vector<16xi32>
    %add3A_1516 = arith.addi %add3A_1501, %add3A_1515 : vector<16xi32>
    %gather3A_1517 = tpu.vector_load_idx %arg19[%add3A_1516] : memref<18232xi32, #tpu.memory_space<vmem>>[vector<16xi32>], vector<16xi32>,
    %add3A_1518 = arith.addf %mul3A_1417, %mul3A_1494 : vector<16xf32>
    %ge3A_1519 = arith.constant 0 : i32
    %ge3A_1520 = vector.broadcast %ge3A_1519 : i32 to vector<16xi32>
    %ge3A_1521 = arith.cmpi sge, %gather3A_1517, %ge3A_1520 : vector<16xi32>
    %lt3A_1522 = arith.cmpf olt, %add3A_1518, %select_n3A_1512 : vector<16xf32>
    %and3A_1523 = arith.andi %ge3A_1521, %lt3A_1522 : vector<16xi1>
    %select_n3A_1524 = arith.select %and3A_1523, %add3A_1518, %select_n3A_1512 : vector<16xi1>, vector<16xf32>
    %select_n3A_1525 = arith.select %and3A_1523, %gather3A_1517, %select_n3A_1513 : vector<16xi1>, vector<16xi32>
    %add3A_1526 = arith.constant 1 : i32
    %add3A_1527 = vector.broadcast %add3A_1526 : i32 to vector<16xi32>
    %add3A_1528 = arith.addi %add3A_1501, %add3A_1527 : vector<16xi32>
    %gather3A_1529 = tpu.vector_load_idx %arg19[%add3A_1528] : memref<18232xi32, #tpu.memory_space<vmem>>[vector<16xi32>], vector<16xi32>,
    %add3A_1530 = arith.addf %mul3A_1426, %mul3A_1494 : vector<16xf32>
    %ge3A_1531 = arith.constant 0 : i32
    %ge3A_1532 = vector.broadcast %ge3A_1531 : i32 to vector<16xi32>
    %ge3A_1533 = arith.cmpi sge, %gather3A_1529, %ge3A_1532 : vector<16xi32>
    %lt3A_1534 = arith.cmpf olt, %add3A_1530, %select_n3A_1524 : vector<16xf32>
    %and3A_1535 = arith.andi %ge3A_1533, %lt3A_1534 : vector<16xi1>
    %select_n3A_1536 = arith.select %and3A_1535, %add3A_1530, %select_n3A_1524 : vector<16xi1>, vector<16xf32>
    %select_n3A_1537 = arith.select %and3A_1535, %gather3A_1529, %select_n3A_1525 : vector<16xi1>, vector<16xi32>
    %add3A_1538 = arith.constant -1 : i32
    %add3A_1539 = vector.broadcast %add3A_1538 : i32 to vector<16xi32>
    %add3A_1540 = arith.addi %min3A_1399, %add3A_1539 : vector<16xi32>
    %convert_element_type3A_1541 = arith.sitofp %add3A_1540 : vector<16xi32> to vector<16xf32>
    %mul3A_1542 = arith.constant 5.000000e-01 : f32
    %mul3A_1543 = vector.broadcast %mul3A_1542 : f32 to vector<16xf32>
    %mul3A_1544 = arith.mulf %convert_element_type3A_1541, %mul3A_1543 : vector<16xf32>
    %sub3A_1545 = arith.subf %add3A_190, %mul3A_1544 : vector<16xf32>
    %mul3A_1546 = arith.mulf %sub3A_1545, %sub3A_1545 : vector<16xf32>
    %sub3A_1547 = arith.constant 67 : i32
    %sub3A_1548 = vector.broadcast %sub3A_1547 : i32 to vector<16xi32>
    %sub3A_1549 = arith.subi %sub3A_1548, %add3A_1540 : vector<16xi32>
    %mul3A_1550 = arith.constant 135 : i32
    %mul3A_1551 = vector.broadcast %mul3A_1550 : i32 to vector<16xi32>
    %mul3A_1552 = arith.muli %sub3A_1549, %mul3A_1551 : vector<16xi32>
    %add3A_1553 = arith.addi %mul3A_1552, %add3A_1429 : vector<16xi32>
    %add3A_1554 = arith.constant -1 : i32
    %add3A_1555 = vector.broadcast %add3A_1554 : i32 to vector<16xi32>
    %add3A_1556 = arith.addi %add3A_1553, %add3A_1555 : vector<16xi32>
    %gather3A_1557 = tpu.vector_load_idx %arg19[%add3A_1556] : memref<18232xi32, #tpu.memory_space<vmem>>[vector<16xi32>], vector<16xi32>,
    %add3A_1558 = arith.addf %mul3A_1408, %mul3A_1546 : vector<16xf32>
    %ge3A_1559 = arith.constant 0 : i32
    %ge3A_1560 = vector.broadcast %ge3A_1559 : i32 to vector<16xi32>
    %ge3A_1561 = arith.cmpi sge, %gather3A_1557, %ge3A_1560 : vector<16xi32>
    %lt3A_1562 = arith.cmpf olt, %add3A_1558, %select_n3A_1536 : vector<16xf32>
    %and3A_1563 = arith.andi %ge3A_1561, %lt3A_1562 : vector<16xi1>
    %select_n3A_1564 = arith.select %and3A_1563, %add3A_1558, %select_n3A_1536 : vector<16xi1>, vector<16xf32>
    %select_n3A_1565 = arith.select %and3A_1563, %gather3A_1557, %select_n3A_1537 : vector<16xi1>, vector<16xi32>
    %add3A_1566 = arith.constant 0 : i32
    %add3A_1567 = vector.broadcast %add3A_1566 : i32 to vector<16xi32>
    %add3A_1568 = arith.addi %add3A_1553, %add3A_1567 : vector<16xi32>
    %gather3A_1569 = tpu.vector_load_idx %arg19[%add3A_1568] : memref<18232xi32, #tpu.memory_space<vmem>>[vector<16xi32>], vector<16xi32>,
    %add3A_1570 = arith.addf %mul3A_1417, %mul3A_1546 : vector<16xf32>
    %ge3A_1571 = arith.constant 0 : i32
    %ge3A_1572 = vector.broadcast %ge3A_1571 : i32 to vector<16xi32>
    %ge3A_1573 = arith.cmpi sge, %gather3A_1569, %ge3A_1572 : vector<16xi32>
    %lt3A_1574 = arith.cmpf olt, %add3A_1570, %select_n3A_1564 : vector<16xf32>
    %and3A_1575 = arith.andi %ge3A_1573, %lt3A_1574 : vector<16xi1>
    %select_n3A_1576 = arith.select %and3A_1575, %add3A_1570, %select_n3A_1564 : vector<16xi1>, vector<16xf32>
    %select_n3A_1577 = arith.select %and3A_1575, %gather3A_1569, %select_n3A_1565 : vector<16xi1>, vector<16xi32>
    %add3A_1578 = arith.constant 1 : i32
    %add3A_1579 = vector.broadcast %add3A_1578 : i32 to vector<16xi32>
    %add3A_1580 = arith.addi %add3A_1553, %add3A_1579 : vector<16xi32>
    %gather3A_1581 = tpu.vector_load_idx %arg19[%add3A_1580] : memref<18232xi32, #tpu.memory_space<vmem>>[vector<16xi32>], vector<16xi32>,
    %add3A_1582 = arith.addf %mul3A_1426, %mul3A_1546 : vector<16xf32>
    %ge3A_1583 = arith.constant 0 : i32
    %ge3A_1584 = vector.broadcast %ge3A_1583 : i32 to vector<16xi32>
    %ge3A_1585 = arith.cmpi sge, %gather3A_1581, %ge3A_1584 : vector<16xi32>
    %lt3A_1586 = arith.cmpf olt, %add3A_1582, %select_n3A_1576 : vector<16xf32>
    %and3A_1587 = arith.andi %ge3A_1585, %lt3A_1586 : vector<16xi1>
    %select_n3A_1588 = arith.select %and3A_1587, %add3A_1582, %select_n3A_1576 : vector<16xi1>, vector<16xf32>
    %select_n3A_1589 = arith.select %and3A_1587, %gather3A_1581, %select_n3A_1577 : vector<16xi1>, vector<16xi32>
    %gather3A_1590 = tpu.vector_load_idx %arg20[%select_n3A_1589] : memref<11296xi32, #tpu.memory_space<vmem>>[vector<16xi32>], vector<16xi32>,
    %shift_right_arithmetic3A_1591 = arith.constant 16 : i32
    %shift_right_arithmetic3A_1592 = vector.broadcast %shift_right_arithmetic3A_1591 : i32 to vector<16xi32>
    %shift_right_arithmetic3A_1593 = arith.shrsi %gather3A_1590, %shift_right_arithmetic3A_1592 : vector<16xi32>
    %shift_left3A_1594 = arith.constant 16 : i32
    %shift_left3A_1595 = vector.broadcast %shift_left3A_1594 : i32 to vector<16xi32>
    %shift_left3A_1596 = arith.shli %gather3A_1590, %shift_left3A_1595 : vector<16xi32>
    %shift_right_arithmetic3A_1597 = arith.constant 16 : i32
    %shift_right_arithmetic3A_1598 = vector.broadcast %shift_right_arithmetic3A_1597 : i32 to vector<16xi32>
    %shift_right_arithmetic3A_1599 = arith.shrsi %shift_left3A_1596, %shift_right_arithmetic3A_1598 : vector<16xi32>
    %swap3A_1600 = arith.constant 64 : index
    %swap3A_1601 = tpu.vector_load %arg24[%swap3A_1600] {strides = array<i32>} : memref<128xi32, #tpu.memory_space<vmem>>, vector<16xi32>,
    tpu.vector_store %arg24[%swap3A_1600], %select_n3A_1589 {strides = array<i32>} : memref<128xi32, #tpu.memory_space<vmem>>, vector<16xi32>,
    %convert_element_type3A_1602 = arith.sitofp %shift_right_arithmetic3A_1599 : vector<16xi32> to vector<16xf32>
    %mul3A_1603 = arith.constant 5.000000e-01 : f32
    %mul3A_1604 = vector.broadcast %mul3A_1603 : f32 to vector<16xf32>
    %mul3A_1605 = arith.mulf %convert_element_type3A_1602, %mul3A_1604 : vector<16xf32>
    %sub3A_1606 = arith.subf %sub3A_187, %mul3A_1605 : vector<16xf32>
    %swap3A_1607 = arith.constant 64 : index
    %swap3A_1608 = tpu.vector_load %arg25[%swap3A_1607] {strides = array<i32>} : memref<128xf32, #tpu.memory_space<vmem>>, vector<16xf32>,
    tpu.vector_store %arg25[%swap3A_1607], %sub3A_1606 {strides = array<i32>} : memref<128xf32, #tpu.memory_space<vmem>>, vector<16xf32>,
    %convert_element_type3A_1609 = arith.sitofp %shift_right_arithmetic3A_1593 : vector<16xi32> to vector<16xf32>
    %mul3A_1610 = arith.constant 5.000000e-01 : f32
    %mul3A_1611 = vector.broadcast %mul3A_1610 : f32 to vector<16xf32>
    %mul3A_1612 = arith.mulf %convert_element_type3A_1609, %mul3A_1611 : vector<16xf32>
    %sub3A_1613 = arith.subf %add3A_190, %mul3A_1612 : vector<16xf32>
    %swap3A_1614 = arith.constant 64 : index
    %swap3A_1615 = tpu.vector_load %arg26[%swap3A_1614] {strides = array<i32>} : memref<128xf32, #tpu.memory_space<vmem>>, vector<16xf32>,
    tpu.vector_store %arg26[%swap3A_1614], %sub3A_1613 {strides = array<i32>} : memref<128xf32, #tpu.memory_space<vmem>>, vector<16xf32>,
    %mul3A_1616 = arith.constant 2.000000e+00 : f32
    %mul3A_1617 = vector.broadcast %mul3A_1616 : f32 to vector<16xf32>
    %mul3A_1618 = arith.mulf %sub3A_230, %mul3A_1617 : vector<16xf32>
    %mul3A_1619 = arith.constant 2.000000e+00 : f32
    %mul3A_1620 = vector.broadcast %mul3A_1619 : f32 to vector<16xf32>
    %mul3A_1621 = arith.mulf %add3A_233, %mul3A_1620 : vector<16xf32>
    %ge3A_1622 = arith.constant 0.000000e+00 : f32
    %ge3A_1623 = vector.broadcast %ge3A_1622 : f32 to vector<16xf32>
    %ge3A_1624 = arith.cmpf oge, %mul3A_1618, %ge3A_1623 : vector<16xf32>
    %add3A_1625 = arith.constant 5.000000e-01 : f32
    %add3A_1626 = vector.broadcast %add3A_1625 : f32 to vector<16xf32>
    %add3A_1627 = arith.addf %mul3A_1618, %add3A_1626 : vector<16xf32>
    %sub3A_1628 = arith.constant 5.000000e-01 : f32
    %sub3A_1629 = vector.broadcast %sub3A_1628 : f32 to vector<16xf32>
    %sub3A_1630 = arith.subf %mul3A_1618, %sub3A_1629 : vector<16xf32>
    %select_n3A_1631 = arith.select %ge3A_1624, %add3A_1627, %sub3A_1630 : vector<16xi1>, vector<16xf32>
    %convert_element_type3A_1632 = arith.fptosi %select_n3A_1631 : vector<16xf32> to vector<16xi32>
    %ge3A_1633 = arith.constant 0.000000e+00 : f32
    %ge3A_1634 = vector.broadcast %ge3A_1633 : f32 to vector<16xf32>
    %ge3A_1635 = arith.cmpf oge, %mul3A_1621, %ge3A_1634 : vector<16xf32>
    %add3A_1636 = arith.constant 5.000000e-01 : f32
    %add3A_1637 = vector.broadcast %add3A_1636 : f32 to vector<16xf32>
    %add3A_1638 = arith.addf %mul3A_1621, %add3A_1637 : vector<16xf32>
    %sub3A_1639 = arith.constant 5.000000e-01 : f32
    %sub3A_1640 = vector.broadcast %sub3A_1639 : f32 to vector<16xf32>
    %sub3A_1641 = arith.subf %mul3A_1621, %sub3A_1640 : vector<16xf32>
    %select_n3A_1642 = arith.select %ge3A_1635, %add3A_1638, %sub3A_1641 : vector<16xi1>, vector<16xf32>
    %convert_element_type3A_1643 = arith.fptosi %select_n3A_1642 : vector<16xf32> to vector<16xi32>
    %jit3A_1644 = arith.constant -60 : i32
    %jit3A_1645 = arith.constant 60 : i32
    %max3A_1646 = vector.broadcast %jit3A_1644 : i32 to vector<16xi32>
    %max3A_1647 = arith.maxsi %max3A_1646, %convert_element_type3A_1632 : vector<16xi32>
    %min3A_1648 = vector.broadcast %jit3A_1645 : i32 to vector<16xi32>
    %min3A_1649 = arith.minsi %min3A_1648, %max3A_1647 : vector<16xi32>
    %jit3A_1650 = arith.constant -60 : i32
    %jit3A_1651 = arith.constant 60 : i32
    %max3A_1652 = vector.broadcast %jit3A_1650 : i32 to vector<16xi32>
    %max3A_1653 = arith.maxsi %max3A_1652, %convert_element_type3A_1643 : vector<16xi32>
    %min3A_1654 = vector.broadcast %jit3A_1651 : i32 to vector<16xi32>
    %min3A_1655 = arith.minsi %min3A_1654, %max3A_1653 : vector<16xi32>
    %add3A_1656 = arith.constant -1 : i32
    %add3A_1657 = vector.broadcast %add3A_1656 : i32 to vector<16xi32>
    %add3A_1658 = arith.addi %min3A_1649, %add3A_1657 : vector<16xi32>
    %convert_element_type3A_1659 = arith.sitofp %add3A_1658 : vector<16xi32> to vector<16xf32>
    %mul3A_1660 = arith.constant 5.000000e-01 : f32
    %mul3A_1661 = vector.broadcast %mul3A_1660 : f32 to vector<16xf32>
    %mul3A_1662 = arith.mulf %convert_element_type3A_1659, %mul3A_1661 : vector<16xf32>
    %sub3A_1663 = arith.subf %sub3A_230, %mul3A_1662 : vector<16xf32>
    %mul3A_1664 = arith.mulf %sub3A_1663, %sub3A_1663 : vector<16xf32>
    %add3A_1665 = arith.constant 0 : i32
    %add3A_1666 = vector.broadcast %add3A_1665 : i32 to vector<16xi32>
    %add3A_1667 = arith.addi %min3A_1649, %add3A_1666 : vector<16xi32>
    %convert_element_type3A_1668 = arith.sitofp %add3A_1667 : vector<16xi32> to vector<16xf32>
    %mul3A_1669 = arith.constant 5.000000e-01 : f32
    %mul3A_1670 = vector.broadcast %mul3A_1669 : f32 to vector<16xf32>
    %mul3A_1671 = arith.mulf %convert_element_type3A_1668, %mul3A_1670 : vector<16xf32>
    %sub3A_1672 = arith.subf %sub3A_230, %mul3A_1671 : vector<16xf32>
    %mul3A_1673 = arith.mulf %sub3A_1672, %sub3A_1672 : vector<16xf32>
    %add3A_1674 = arith.constant 1 : i32
    %add3A_1675 = vector.broadcast %add3A_1674 : i32 to vector<16xi32>
    %add3A_1676 = arith.addi %min3A_1649, %add3A_1675 : vector<16xi32>
    %convert_element_type3A_1677 = arith.sitofp %add3A_1676 : vector<16xi32> to vector<16xf32>
    %mul3A_1678 = arith.constant 5.000000e-01 : f32
    %mul3A_1679 = vector.broadcast %mul3A_1678 : f32 to vector<16xf32>
    %mul3A_1680 = arith.mulf %convert_element_type3A_1677, %mul3A_1679 : vector<16xf32>
    %sub3A_1681 = arith.subf %sub3A_230, %mul3A_1680 : vector<16xf32>
    %mul3A_1682 = arith.mulf %sub3A_1681, %sub3A_1681 : vector<16xf32>
    %add3A_1683 = arith.constant 67 : i32
    %add3A_1684 = vector.broadcast %add3A_1683 : i32 to vector<16xi32>
    %add3A_1685 = arith.addi %min3A_1649, %add3A_1684 : vector<16xi32>
    %broadcast_in_dim3A_1686 = arith.constant 1.000000e+30 : f32
    %broadcast_in_dim3A_1687 = vector.broadcast %broadcast_in_dim3A_1686 : f32 to vector<16xf32>
    %broadcast_in_dim3A_1688 = arith.constant 0 : i32
    %broadcast_in_dim3A_1689 = vector.broadcast %broadcast_in_dim3A_1688 : i32 to vector<16xi32>
    %add3A_1690 = arith.constant 1 : i32
    %add3A_1691 = vector.broadcast %add3A_1690 : i32 to vector<16xi32>
    %add3A_1692 = arith.addi %min3A_1655, %add3A_1691 : vector<16xi32>
    %convert_element_type3A_1693 = arith.sitofp %add3A_1692 : vector<16xi32> to vector<16xf32>
    %mul3A_1694 = arith.constant 5.000000e-01 : f32
    %mul3A_1695 = vector.broadcast %mul3A_1694 : f32 to vector<16xf32>
    %mul3A_1696 = arith.mulf %convert_element_type3A_1693, %mul3A_1695 : vector<16xf32>
    %sub3A_1697 = arith.subf %add3A_233, %mul3A_1696 : vector<16xf32>
    %mul3A_1698 = arith.mulf %sub3A_1697, %sub3A_1697 : vector<16xf32>
    %sub3A_1699 = arith.constant 67 : i32
    %sub3A_1700 = vector.broadcast %sub3A_1699 : i32 to vector<16xi32>
    %sub3A_1701 = arith.subi %sub3A_1700, %add3A_1692 : vector<16xi32>
    %mul3A_1702 = arith.constant 135 : i32
    %mul3A_1703 = vector.broadcast %mul3A_1702 : i32 to vector<16xi32>
    %mul3A_1704 = arith.muli %sub3A_1701, %mul3A_1703 : vector<16xi32>
    %add3A_1705 = arith.addi %mul3A_1704, %add3A_1685 : vector<16xi32>
    %add3A_1706 = arith.constant -1 : i32
    %add3A_1707 = vector.broadcast %add3A_1706 : i32 to vector<16xi32>
    %add3A_1708 = arith.addi %add3A_1705, %add3A_1707 : vector<16xi32>
    %gather3A_1709 = tpu.vector_load_idx %arg19[%add3A_1708] : memref<18232xi32, #tpu.memory_space<vmem>>[vector<16xi32>], vector<16xi32>,
    %add3A_1710 = arith.addf %mul3A_1664, %mul3A_1698 : vector<16xf32>
    %ge3A_1711 = arith.constant 0 : i32
    %ge3A_1712 = vector.broadcast %ge3A_1711 : i32 to vector<16xi32>
    %ge3A_1713 = arith.cmpi sge, %gather3A_1709, %ge3A_1712 : vector<16xi32>
    %lt3A_1714 = arith.cmpf olt, %add3A_1710, %broadcast_in_dim3A_1687 : vector<16xf32>
    %and3A_1715 = arith.andi %ge3A_1713, %lt3A_1714 : vector<16xi1>
    %select_n3A_1716 = arith.select %and3A_1715, %add3A_1710, %broadcast_in_dim3A_1687 : vector<16xi1>, vector<16xf32>
    %select_n3A_1717 = arith.select %and3A_1715, %gather3A_1709, %broadcast_in_dim3A_1689 : vector<16xi1>, vector<16xi32>
    %add3A_1718 = arith.constant 0 : i32
    %add3A_1719 = vector.broadcast %add3A_1718 : i32 to vector<16xi32>
    %add3A_1720 = arith.addi %add3A_1705, %add3A_1719 : vector<16xi32>
    %gather3A_1721 = tpu.vector_load_idx %arg19[%add3A_1720] : memref<18232xi32, #tpu.memory_space<vmem>>[vector<16xi32>], vector<16xi32>,
    %add3A_1722 = arith.addf %mul3A_1673, %mul3A_1698 : vector<16xf32>
    %ge3A_1723 = arith.constant 0 : i32
    %ge3A_1724 = vector.broadcast %ge3A_1723 : i32 to vector<16xi32>
    %ge3A_1725 = arith.cmpi sge, %gather3A_1721, %ge3A_1724 : vector<16xi32>
    %lt3A_1726 = arith.cmpf olt, %add3A_1722, %select_n3A_1716 : vector<16xf32>
    %and3A_1727 = arith.andi %ge3A_1725, %lt3A_1726 : vector<16xi1>
    %select_n3A_1728 = arith.select %and3A_1727, %add3A_1722, %select_n3A_1716 : vector<16xi1>, vector<16xf32>
    %select_n3A_1729 = arith.select %and3A_1727, %gather3A_1721, %select_n3A_1717 : vector<16xi1>, vector<16xi32>
    %add3A_1730 = arith.constant 1 : i32
    %add3A_1731 = vector.broadcast %add3A_1730 : i32 to vector<16xi32>
    %add3A_1732 = arith.addi %add3A_1705, %add3A_1731 : vector<16xi32>
    %gather3A_1733 = tpu.vector_load_idx %arg19[%add3A_1732] : memref<18232xi32, #tpu.memory_space<vmem>>[vector<16xi32>], vector<16xi32>,
    %add3A_1734 = arith.addf %mul3A_1682, %mul3A_1698 : vector<16xf32>
    %ge3A_1735 = arith.constant 0 : i32
    %ge3A_1736 = vector.broadcast %ge3A_1735 : i32 to vector<16xi32>
    %ge3A_1737 = arith.cmpi sge, %gather3A_1733, %ge3A_1736 : vector<16xi32>
    %lt3A_1738 = arith.cmpf olt, %add3A_1734, %select_n3A_1728 : vector<16xf32>
    %and3A_1739 = arith.andi %ge3A_1737, %lt3A_1738 : vector<16xi1>
    %select_n3A_1740 = arith.select %and3A_1739, %add3A_1734, %select_n3A_1728 : vector<16xi1>, vector<16xf32>
    %select_n3A_1741 = arith.select %and3A_1739, %gather3A_1733, %select_n3A_1729 : vector<16xi1>, vector<16xi32>
    %add3A_1742 = arith.constant 0 : i32
    %add3A_1743 = vector.broadcast %add3A_1742 : i32 to vector<16xi32>
    %add3A_1744 = arith.addi %min3A_1655, %add3A_1743 : vector<16xi32>
    %convert_element_type3A_1745 = arith.sitofp %add3A_1744 : vector<16xi32> to vector<16xf32>
    %mul3A_1746 = arith.constant 5.000000e-01 : f32
    %mul3A_1747 = vector.broadcast %mul3A_1746 : f32 to vector<16xf32>
    %mul3A_1748 = arith.mulf %convert_element_type3A_1745, %mul3A_1747 : vector<16xf32>
    %sub3A_1749 = arith.subf %add3A_233, %mul3A_1748 : vector<16xf32>
    %mul3A_1750 = arith.mulf %sub3A_1749, %sub3A_1749 : vector<16xf32>
    %sub3A_1751 = arith.constant 67 : i32
    %sub3A_1752 = vector.broadcast %sub3A_1751 : i32 to vector<16xi32>
    %sub3A_1753 = arith.subi %sub3A_1752, %add3A_1744 : vector<16xi32>
    %mul3A_1754 = arith.constant 135 : i32
    %mul3A_1755 = vector.broadcast %mul3A_1754 : i32 to vector<16xi32>
    %mul3A_1756 = arith.muli %sub3A_1753, %mul3A_1755 : vector<16xi32>
    %add3A_1757 = arith.addi %mul3A_1756, %add3A_1685 : vector<16xi32>
    %add3A_1758 = arith.constant -1 : i32
    %add3A_1759 = vector.broadcast %add3A_1758 : i32 to vector<16xi32>
    %add3A_1760 = arith.addi %add3A_1757, %add3A_1759 : vector<16xi32>
    %gather3A_1761 = tpu.vector_load_idx %arg19[%add3A_1760] : memref<18232xi32, #tpu.memory_space<vmem>>[vector<16xi32>], vector<16xi32>,
    %add3A_1762 = arith.addf %mul3A_1664, %mul3A_1750 : vector<16xf32>
    %ge3A_1763 = arith.constant 0 : i32
    %ge3A_1764 = vector.broadcast %ge3A_1763 : i32 to vector<16xi32>
    %ge3A_1765 = arith.cmpi sge, %gather3A_1761, %ge3A_1764 : vector<16xi32>
    %lt3A_1766 = arith.cmpf olt, %add3A_1762, %select_n3A_1740 : vector<16xf32>
    %and3A_1767 = arith.andi %ge3A_1765, %lt3A_1766 : vector<16xi1>
    %select_n3A_1768 = arith.select %and3A_1767, %add3A_1762, %select_n3A_1740 : vector<16xi1>, vector<16xf32>
    %select_n3A_1769 = arith.select %and3A_1767, %gather3A_1761, %select_n3A_1741 : vector<16xi1>, vector<16xi32>
    %add3A_1770 = arith.constant 0 : i32
    %add3A_1771 = vector.broadcast %add3A_1770 : i32 to vector<16xi32>
    %add3A_1772 = arith.addi %add3A_1757, %add3A_1771 : vector<16xi32>
    %gather3A_1773 = tpu.vector_load_idx %arg19[%add3A_1772] : memref<18232xi32, #tpu.memory_space<vmem>>[vector<16xi32>], vector<16xi32>,
    %add3A_1774 = arith.addf %mul3A_1673, %mul3A_1750 : vector<16xf32>
    %ge3A_1775 = arith.constant 0 : i32
    %ge3A_1776 = vector.broadcast %ge3A_1775 : i32 to vector<16xi32>
    %ge3A_1777 = arith.cmpi sge, %gather3A_1773, %ge3A_1776 : vector<16xi32>
    %lt3A_1778 = arith.cmpf olt, %add3A_1774, %select_n3A_1768 : vector<16xf32>
    %and3A_1779 = arith.andi %ge3A_1777, %lt3A_1778 : vector<16xi1>
    %select_n3A_1780 = arith.select %and3A_1779, %add3A_1774, %select_n3A_1768 : vector<16xi1>, vector<16xf32>
    %select_n3A_1781 = arith.select %and3A_1779, %gather3A_1773, %select_n3A_1769 : vector<16xi1>, vector<16xi32>
    %add3A_1782 = arith.constant 1 : i32
    %add3A_1783 = vector.broadcast %add3A_1782 : i32 to vector<16xi32>
    %add3A_1784 = arith.addi %add3A_1757, %add3A_1783 : vector<16xi32>
    %gather3A_1785 = tpu.vector_load_idx %arg19[%add3A_1784] : memref<18232xi32, #tpu.memory_space<vmem>>[vector<16xi32>], vector<16xi32>,
    %add3A_1786 = arith.addf %mul3A_1682, %mul3A_1750 : vector<16xf32>
    %ge3A_1787 = arith.constant 0 : i32
    %ge3A_1788 = vector.broadcast %ge3A_1787 : i32 to vector<16xi32>
    %ge3A_1789 = arith.cmpi sge, %gather3A_1785, %ge3A_1788 : vector<16xi32>
    %lt3A_1790 = arith.cmpf olt, %add3A_1786, %select_n3A_1780 : vector<16xf32>
    %and3A_1791 = arith.andi %ge3A_1789, %lt3A_1790 : vector<16xi1>
    %select_n3A_1792 = arith.select %and3A_1791, %add3A_1786, %select_n3A_1780 : vector<16xi1>, vector<16xf32>
    %select_n3A_1793 = arith.select %and3A_1791, %gather3A_1785, %select_n3A_1781 : vector<16xi1>, vector<16xi32>
    %add3A_1794 = arith.constant -1 : i32
    %add3A_1795 = vector.broadcast %add3A_1794 : i32 to vector<16xi32>
    %add3A_1796 = arith.addi %min3A_1655, %add3A_1795 : vector<16xi32>
    %convert_element_type3A_1797 = arith.sitofp %add3A_1796 : vector<16xi32> to vector<16xf32>
    %mul3A_1798 = arith.constant 5.000000e-01 : f32
    %mul3A_1799 = vector.broadcast %mul3A_1798 : f32 to vector<16xf32>
    %mul3A_1800 = arith.mulf %convert_element_type3A_1797, %mul3A_1799 : vector<16xf32>
    %sub3A_1801 = arith.subf %add3A_233, %mul3A_1800 : vector<16xf32>
    %mul3A_1802 = arith.mulf %sub3A_1801, %sub3A_1801 : vector<16xf32>
    %sub3A_1803 = arith.constant 67 : i32
    %sub3A_1804 = vector.broadcast %sub3A_1803 : i32 to vector<16xi32>
    %sub3A_1805 = arith.subi %sub3A_1804, %add3A_1796 : vector<16xi32>
    %mul3A_1806 = arith.constant 135 : i32
    %mul3A_1807 = vector.broadcast %mul3A_1806 : i32 to vector<16xi32>
    %mul3A_1808 = arith.muli %sub3A_1805, %mul3A_1807 : vector<16xi32>
    %add3A_1809 = arith.addi %mul3A_1808, %add3A_1685 : vector<16xi32>
    %add3A_1810 = arith.constant -1 : i32
    %add3A_1811 = vector.broadcast %add3A_1810 : i32 to vector<16xi32>
    %add3A_1812 = arith.addi %add3A_1809, %add3A_1811 : vector<16xi32>
    %gather3A_1813 = tpu.vector_load_idx %arg19[%add3A_1812] : memref<18232xi32, #tpu.memory_space<vmem>>[vector<16xi32>], vector<16xi32>,
    %add3A_1814 = arith.addf %mul3A_1664, %mul3A_1802 : vector<16xf32>
    %ge3A_1815 = arith.constant 0 : i32
    %ge3A_1816 = vector.broadcast %ge3A_1815 : i32 to vector<16xi32>
    %ge3A_1817 = arith.cmpi sge, %gather3A_1813, %ge3A_1816 : vector<16xi32>
    %lt3A_1818 = arith.cmpf olt, %add3A_1814, %select_n3A_1792 : vector<16xf32>
    %and3A_1819 = arith.andi %ge3A_1817, %lt3A_1818 : vector<16xi1>
    %select_n3A_1820 = arith.select %and3A_1819, %add3A_1814, %select_n3A_1792 : vector<16xi1>, vector<16xf32>
    %select_n3A_1821 = arith.select %and3A_1819, %gather3A_1813, %select_n3A_1793 : vector<16xi1>, vector<16xi32>
    %add3A_1822 = arith.constant 0 : i32
    %add3A_1823 = vector.broadcast %add3A_1822 : i32 to vector<16xi32>
    %add3A_1824 = arith.addi %add3A_1809, %add3A_1823 : vector<16xi32>
    %gather3A_1825 = tpu.vector_load_idx %arg19[%add3A_1824] : memref<18232xi32, #tpu.memory_space<vmem>>[vector<16xi32>], vector<16xi32>,
    %add3A_1826 = arith.addf %mul3A_1673, %mul3A_1802 : vector<16xf32>
    %ge3A_1827 = arith.constant 0 : i32
    %ge3A_1828 = vector.broadcast %ge3A_1827 : i32 to vector<16xi32>
    %ge3A_1829 = arith.cmpi sge, %gather3A_1825, %ge3A_1828 : vector<16xi32>
    %lt3A_1830 = arith.cmpf olt, %add3A_1826, %select_n3A_1820 : vector<16xf32>
    %and3A_1831 = arith.andi %ge3A_1829, %lt3A_1830 : vector<16xi1>
    %select_n3A_1832 = arith.select %and3A_1831, %add3A_1826, %select_n3A_1820 : vector<16xi1>, vector<16xf32>
    %select_n3A_1833 = arith.select %and3A_1831, %gather3A_1825, %select_n3A_1821 : vector<16xi1>, vector<16xi32>
    %add3A_1834 = arith.constant 1 : i32
    %add3A_1835 = vector.broadcast %add3A_1834 : i32 to vector<16xi32>
    %add3A_1836 = arith.addi %add3A_1809, %add3A_1835 : vector<16xi32>
    %gather3A_1837 = tpu.vector_load_idx %arg19[%add3A_1836] : memref<18232xi32, #tpu.memory_space<vmem>>[vector<16xi32>], vector<16xi32>,
    %add3A_1838 = arith.addf %mul3A_1682, %mul3A_1802 : vector<16xf32>
    %ge3A_1839 = arith.constant 0 : i32
    %ge3A_1840 = vector.broadcast %ge3A_1839 : i32 to vector<16xi32>
    %ge3A_1841 = arith.cmpi sge, %gather3A_1837, %ge3A_1840 : vector<16xi32>
    %lt3A_1842 = arith.cmpf olt, %add3A_1838, %select_n3A_1832 : vector<16xf32>
    %and3A_1843 = arith.andi %ge3A_1841, %lt3A_1842 : vector<16xi1>
    %select_n3A_1844 = arith.select %and3A_1843, %add3A_1838, %select_n3A_1832 : vector<16xi1>, vector<16xf32>
    %select_n3A_1845 = arith.select %and3A_1843, %gather3A_1837, %select_n3A_1833 : vector<16xi1>, vector<16xi32>
    %gather3A_1846 = tpu.vector_load_idx %arg20[%select_n3A_1845] : memref<11296xi32, #tpu.memory_space<vmem>>[vector<16xi32>], vector<16xi32>,
    %shift_right_arithmetic3A_1847 = arith.constant 16 : i32
    %shift_right_arithmetic3A_1848 = vector.broadcast %shift_right_arithmetic3A_1847 : i32 to vector<16xi32>
    %shift_right_arithmetic3A_1849 = arith.shrsi %gather3A_1846, %shift_right_arithmetic3A_1848 : vector<16xi32>
    %shift_left3A_1850 = arith.constant 16 : i32
    %shift_left3A_1851 = vector.broadcast %shift_left3A_1850 : i32 to vector<16xi32>
    %shift_left3A_1852 = arith.shli %gather3A_1846, %shift_left3A_1851 : vector<16xi32>
    %shift_right_arithmetic3A_1853 = arith.constant 16 : i32
    %shift_right_arithmetic3A_1854 = vector.broadcast %shift_right_arithmetic3A_1853 : i32 to vector<16xi32>
    %shift_right_arithmetic3A_1855 = arith.shrsi %shift_left3A_1852, %shift_right_arithmetic3A_1854 : vector<16xi32>
    %swap3A_1856 = arith.constant 80 : index
    %swap3A_1857 = tpu.vector_load %arg24[%swap3A_1856] {strides = array<i32>} : memref<128xi32, #tpu.memory_space<vmem>>, vector<16xi32>,
    tpu.vector_store %arg24[%swap3A_1856], %select_n3A_1845 {strides = array<i32>} : memref<128xi32, #tpu.memory_space<vmem>>, vector<16xi32>,
    %convert_element_type3A_1858 = arith.sitofp %shift_right_arithmetic3A_1855 : vector<16xi32> to vector<16xf32>
    %mul3A_1859 = arith.constant 5.000000e-01 : f32
    %mul3A_1860 = vector.broadcast %mul3A_1859 : f32 to vector<16xf32>
    %mul3A_1861 = arith.mulf %convert_element_type3A_1858, %mul3A_1860 : vector<16xf32>
    %sub3A_1862 = arith.subf %sub3A_230, %mul3A_1861 : vector<16xf32>
    %swap3A_1863 = arith.constant 80 : index
    %swap3A_1864 = tpu.vector_load %arg25[%swap3A_1863] {strides = array<i32>} : memref<128xf32, #tpu.memory_space<vmem>>, vector<16xf32>,
    tpu.vector_store %arg25[%swap3A_1863], %sub3A_1862 {strides = array<i32>} : memref<128xf32, #tpu.memory_space<vmem>>, vector<16xf32>,
    %convert_element_type3A_1865 = arith.sitofp %shift_right_arithmetic3A_1849 : vector<16xi32> to vector<16xf32>
    %mul3A_1866 = arith.constant 5.000000e-01 : f32
    %mul3A_1867 = vector.broadcast %mul3A_1866 : f32 to vector<16xf32>
    %mul3A_1868 = arith.mulf %convert_element_type3A_1865, %mul3A_1867 : vector<16xf32>
    %sub3A_1869 = arith.subf %add3A_233, %mul3A_1868 : vector<16xf32>
    %swap3A_1870 = arith.constant 80 : index
    %swap3A_1871 = tpu.vector_load %arg26[%swap3A_1870] {strides = array<i32>} : memref<128xf32, #tpu.memory_space<vmem>>, vector<16xf32>,
    tpu.vector_store %arg26[%swap3A_1870], %sub3A_1869 {strides = array<i32>} : memref<128xf32, #tpu.memory_space<vmem>>, vector<16xf32>,
    %mul3A_1872 = arith.constant 2.000000e+00 : f32
    %mul3A_1873 = vector.broadcast %mul3A_1872 : f32 to vector<16xf32>
    %mul3A_1874 = arith.mulf %sub3A_273, %mul3A_1873 : vector<16xf32>
    %mul3A_1875 = arith.constant 2.000000e+00 : f32
    %mul3A_1876 = vector.broadcast %mul3A_1875 : f32 to vector<16xf32>
    %mul3A_1877 = arith.mulf %add3A_276, %mul3A_1876 : vector<16xf32>
    %ge3A_1878 = arith.constant 0.000000e+00 : f32
    %ge3A_1879 = vector.broadcast %ge3A_1878 : f32 to vector<16xf32>
    %ge3A_1880 = arith.cmpf oge, %mul3A_1874, %ge3A_1879 : vector<16xf32>
    %add3A_1881 = arith.constant 5.000000e-01 : f32
    %add3A_1882 = vector.broadcast %add3A_1881 : f32 to vector<16xf32>
    %add3A_1883 = arith.addf %mul3A_1874, %add3A_1882 : vector<16xf32>
    %sub3A_1884 = arith.constant 5.000000e-01 : f32
    %sub3A_1885 = vector.broadcast %sub3A_1884 : f32 to vector<16xf32>
    %sub3A_1886 = arith.subf %mul3A_1874, %sub3A_1885 : vector<16xf32>
    %select_n3A_1887 = arith.select %ge3A_1880, %add3A_1883, %sub3A_1886 : vector<16xi1>, vector<16xf32>
    %convert_element_type3A_1888 = arith.fptosi %select_n3A_1887 : vector<16xf32> to vector<16xi32>
    %ge3A_1889 = arith.constant 0.000000e+00 : f32
    %ge3A_1890 = vector.broadcast %ge3A_1889 : f32 to vector<16xf32>
    %ge3A_1891 = arith.cmpf oge, %mul3A_1877, %ge3A_1890 : vector<16xf32>
    %add3A_1892 = arith.constant 5.000000e-01 : f32
    %add3A_1893 = vector.broadcast %add3A_1892 : f32 to vector<16xf32>
    %add3A_1894 = arith.addf %mul3A_1877, %add3A_1893 : vector<16xf32>
    %sub3A_1895 = arith.constant 5.000000e-01 : f32
    %sub3A_1896 = vector.broadcast %sub3A_1895 : f32 to vector<16xf32>
    %sub3A_1897 = arith.subf %mul3A_1877, %sub3A_1896 : vector<16xf32>
    %select_n3A_1898 = arith.select %ge3A_1891, %add3A_1894, %sub3A_1897 : vector<16xi1>, vector<16xf32>
    %convert_element_type3A_1899 = arith.fptosi %select_n3A_1898 : vector<16xf32> to vector<16xi32>
    %jit3A_1900 = arith.constant -60 : i32
    %jit3A_1901 = arith.constant 60 : i32
    %max3A_1902 = vector.broadcast %jit3A_1900 : i32 to vector<16xi32>
    %max3A_1903 = arith.maxsi %max3A_1902, %convert_element_type3A_1888 : vector<16xi32>
    %min3A_1904 = vector.broadcast %jit3A_1901 : i32 to vector<16xi32>
    %min3A_1905 = arith.minsi %min3A_1904, %max3A_1903 : vector<16xi32>
    %jit3A_1906 = arith.constant -60 : i32
    %jit3A_1907 = arith.constant 60 : i32
    %max3A_1908 = vector.broadcast %jit3A_1906 : i32 to vector<16xi32>
    %max3A_1909 = arith.maxsi %max3A_1908, %convert_element_type3A_1899 : vector<16xi32>
    %min3A_1910 = vector.broadcast %jit3A_1907 : i32 to vector<16xi32>
    %min3A_1911 = arith.minsi %min3A_1910, %max3A_1909 : vector<16xi32>
    %add3A_1912 = arith.constant -1 : i32
    %add3A_1913 = vector.broadcast %add3A_1912 : i32 to vector<16xi32>
    %add3A_1914 = arith.addi %min3A_1905, %add3A_1913 : vector<16xi32>
    %convert_element_type3A_1915 = arith.sitofp %add3A_1914 : vector<16xi32> to vector<16xf32>
    %mul3A_1916 = arith.constant 5.000000e-01 : f32
    %mul3A_1917 = vector.broadcast %mul3A_1916 : f32 to vector<16xf32>
    %mul3A_1918 = arith.mulf %convert_element_type3A_1915, %mul3A_1917 : vector<16xf32>
    %sub3A_1919 = arith.subf %sub3A_273, %mul3A_1918 : vector<16xf32>
    %mul3A_1920 = arith.mulf %sub3A_1919, %sub3A_1919 : vector<16xf32>
    %add3A_1921 = arith.constant 0 : i32
    %add3A_1922 = vector.broadcast %add3A_1921 : i32 to vector<16xi32>
    %add3A_1923 = arith.addi %min3A_1905, %add3A_1922 : vector<16xi32>
    %convert_element_type3A_1924 = arith.sitofp %add3A_1923 : vector<16xi32> to vector<16xf32>
    %mul3A_1925 = arith.constant 5.000000e-01 : f32
    %mul3A_1926 = vector.broadcast %mul3A_1925 : f32 to vector<16xf32>
    %mul3A_1927 = arith.mulf %convert_element_type3A_1924, %mul3A_1926 : vector<16xf32>
    %sub3A_1928 = arith.subf %sub3A_273, %mul3A_1927 : vector<16xf32>
    %mul3A_1929 = arith.mulf %sub3A_1928, %sub3A_1928 : vector<16xf32>
    %add3A_1930 = arith.constant 1 : i32
    %add3A_1931 = vector.broadcast %add3A_1930 : i32 to vector<16xi32>
    %add3A_1932 = arith.addi %min3A_1905, %add3A_1931 : vector<16xi32>
    %convert_element_type3A_1933 = arith.sitofp %add3A_1932 : vector<16xi32> to vector<16xf32>
    %mul3A_1934 = arith.constant 5.000000e-01 : f32
    %mul3A_1935 = vector.broadcast %mul3A_1934 : f32 to vector<16xf32>
    %mul3A_1936 = arith.mulf %convert_element_type3A_1933, %mul3A_1935 : vector<16xf32>
    %sub3A_1937 = arith.subf %sub3A_273, %mul3A_1936 : vector<16xf32>
    %mul3A_1938 = arith.mulf %sub3A_1937, %sub3A_1937 : vector<16xf32>
    %add3A_1939 = arith.constant 67 : i32
    %add3A_1940 = vector.broadcast %add3A_1939 : i32 to vector<16xi32>
    %add3A_1941 = arith.addi %min3A_1905, %add3A_1940 : vector<16xi32>
    %broadcast_in_dim3A_1942 = arith.constant 1.000000e+30 : f32
    %broadcast_in_dim3A_1943 = vector.broadcast %broadcast_in_dim3A_1942 : f32 to vector<16xf32>
    %broadcast_in_dim3A_1944 = arith.constant 0 : i32
    %broadcast_in_dim3A_1945 = vector.broadcast %broadcast_in_dim3A_1944 : i32 to vector<16xi32>
    %add3A_1946 = arith.constant 1 : i32
    %add3A_1947 = vector.broadcast %add3A_1946 : i32 to vector<16xi32>
    %add3A_1948 = arith.addi %min3A_1911, %add3A_1947 : vector<16xi32>
    %convert_element_type3A_1949 = arith.sitofp %add3A_1948 : vector<16xi32> to vector<16xf32>
    %mul3A_1950 = arith.constant 5.000000e-01 : f32
    %mul3A_1951 = vector.broadcast %mul3A_1950 : f32 to vector<16xf32>
    %mul3A_1952 = arith.mulf %convert_element_type3A_1949, %mul3A_1951 : vector<16xf32>
    %sub3A_1953 = arith.subf %add3A_276, %mul3A_1952 : vector<16xf32>
    %mul3A_1954 = arith.mulf %sub3A_1953, %sub3A_1953 : vector<16xf32>
    %sub3A_1955 = arith.constant 67 : i32
    %sub3A_1956 = vector.broadcast %sub3A_1955 : i32 to vector<16xi32>
    %sub3A_1957 = arith.subi %sub3A_1956, %add3A_1948 : vector<16xi32>
    %mul3A_1958 = arith.constant 135 : i32
    %mul3A_1959 = vector.broadcast %mul3A_1958 : i32 to vector<16xi32>
    %mul3A_1960 = arith.muli %sub3A_1957, %mul3A_1959 : vector<16xi32>
    %add3A_1961 = arith.addi %mul3A_1960, %add3A_1941 : vector<16xi32>
    %add3A_1962 = arith.constant -1 : i32
    %add3A_1963 = vector.broadcast %add3A_1962 : i32 to vector<16xi32>
    %add3A_1964 = arith.addi %add3A_1961, %add3A_1963 : vector<16xi32>
    %gather3A_1965 = tpu.vector_load_idx %arg19[%add3A_1964] : memref<18232xi32, #tpu.memory_space<vmem>>[vector<16xi32>], vector<16xi32>,
    %add3A_1966 = arith.addf %mul3A_1920, %mul3A_1954 : vector<16xf32>
    %ge3A_1967 = arith.constant 0 : i32
    %ge3A_1968 = vector.broadcast %ge3A_1967 : i32 to vector<16xi32>
    %ge3A_1969 = arith.cmpi sge, %gather3A_1965, %ge3A_1968 : vector<16xi32>
    %lt3A_1970 = arith.cmpf olt, %add3A_1966, %broadcast_in_dim3A_1943 : vector<16xf32>
    %and3A_1971 = arith.andi %ge3A_1969, %lt3A_1970 : vector<16xi1>
    %select_n3A_1972 = arith.select %and3A_1971, %add3A_1966, %broadcast_in_dim3A_1943 : vector<16xi1>, vector<16xf32>
    %select_n3A_1973 = arith.select %and3A_1971, %gather3A_1965, %broadcast_in_dim3A_1945 : vector<16xi1>, vector<16xi32>
    %add3A_1974 = arith.constant 0 : i32
    %add3A_1975 = vector.broadcast %add3A_1974 : i32 to vector<16xi32>
    %add3A_1976 = arith.addi %add3A_1961, %add3A_1975 : vector<16xi32>
    %gather3A_1977 = tpu.vector_load_idx %arg19[%add3A_1976] : memref<18232xi32, #tpu.memory_space<vmem>>[vector<16xi32>], vector<16xi32>,
    %add3A_1978 = arith.addf %mul3A_1929, %mul3A_1954 : vector<16xf32>
    %ge3A_1979 = arith.constant 0 : i32
    %ge3A_1980 = vector.broadcast %ge3A_1979 : i32 to vector<16xi32>
    %ge3A_1981 = arith.cmpi sge, %gather3A_1977, %ge3A_1980 : vector<16xi32>
    %lt3A_1982 = arith.cmpf olt, %add3A_1978, %select_n3A_1972 : vector<16xf32>
    %and3A_1983 = arith.andi %ge3A_1981, %lt3A_1982 : vector<16xi1>
    %select_n3A_1984 = arith.select %and3A_1983, %add3A_1978, %select_n3A_1972 : vector<16xi1>, vector<16xf32>
    %select_n3A_1985 = arith.select %and3A_1983, %gather3A_1977, %select_n3A_1973 : vector<16xi1>, vector<16xi32>
    %add3A_1986 = arith.constant 1 : i32
    %add3A_1987 = vector.broadcast %add3A_1986 : i32 to vector<16xi32>
    %add3A_1988 = arith.addi %add3A_1961, %add3A_1987 : vector<16xi32>
    %gather3A_1989 = tpu.vector_load_idx %arg19[%add3A_1988] : memref<18232xi32, #tpu.memory_space<vmem>>[vector<16xi32>], vector<16xi32>,
    %add3A_1990 = arith.addf %mul3A_1938, %mul3A_1954 : vector<16xf32>
    %ge3A_1991 = arith.constant 0 : i32
    %ge3A_1992 = vector.broadcast %ge3A_1991 : i32 to vector<16xi32>
    %ge3A_1993 = arith.cmpi sge, %gather3A_1989, %ge3A_1992 : vector<16xi32>
    %lt3A_1994 = arith.cmpf olt, %add3A_1990, %select_n3A_1984 : vector<16xf32>
    %and3A_1995 = arith.andi %ge3A_1993, %lt3A_1994 : vector<16xi1>
    %select_n3A_1996 = arith.select %and3A_1995, %add3A_1990, %select_n3A_1984 : vector<16xi1>, vector<16xf32>
    %select_n3A_1997 = arith.select %and3A_1995, %gather3A_1989, %select_n3A_1985 : vector<16xi1>, vector<16xi32>
    %add3A_1998 = arith.constant 0 : i32
    %add3A_1999 = vector.broadcast %add3A_1998 : i32 to vector<16xi32>
    %add3A_2000 = arith.addi %min3A_1911, %add3A_1999 : vector<16xi32>
    %convert_element_type3A_2001 = arith.sitofp %add3A_2000 : vector<16xi32> to vector<16xf32>
    %mul3A_2002 = arith.constant 5.000000e-01 : f32
    %mul3A_2003 = vector.broadcast %mul3A_2002 : f32 to vector<16xf32>
    %mul3A_2004 = arith.mulf %convert_element_type3A_2001, %mul3A_2003 : vector<16xf32>
    %sub3A_2005 = arith.subf %add3A_276, %mul3A_2004 : vector<16xf32>
    %mul3A_2006 = arith.mulf %sub3A_2005, %sub3A_2005 : vector<16xf32>
    %sub3A_2007 = arith.constant 67 : i32
    %sub3A_2008 = vector.broadcast %sub3A_2007 : i32 to vector<16xi32>
    %sub3A_2009 = arith.subi %sub3A_2008, %add3A_2000 : vector<16xi32>
    %mul3A_2010 = arith.constant 135 : i32
    %mul3A_2011 = vector.broadcast %mul3A_2010 : i32 to vector<16xi32>
    %mul3A_2012 = arith.muli %sub3A_2009, %mul3A_2011 : vector<16xi32>
    %add3A_2013 = arith.addi %mul3A_2012, %add3A_1941 : vector<16xi32>
    %add3A_2014 = arith.constant -1 : i32
    %add3A_2015 = vector.broadcast %add3A_2014 : i32 to vector<16xi32>
    %add3A_2016 = arith.addi %add3A_2013, %add3A_2015 : vector<16xi32>
    %gather3A_2017 = tpu.vector_load_idx %arg19[%add3A_2016] : memref<18232xi32, #tpu.memory_space<vmem>>[vector<16xi32>], vector<16xi32>,
    %add3A_2018 = arith.addf %mul3A_1920, %mul3A_2006 : vector<16xf32>
    %ge3A_2019 = arith.constant 0 : i32
    %ge3A_2020 = vector.broadcast %ge3A_2019 : i32 to vector<16xi32>
    %ge3A_2021 = arith.cmpi sge, %gather3A_2017, %ge3A_2020 : vector<16xi32>
    %lt3A_2022 = arith.cmpf olt, %add3A_2018, %select_n3A_1996 : vector<16xf32>
    %and3A_2023 = arith.andi %ge3A_2021, %lt3A_2022 : vector<16xi1>
    %select_n3A_2024 = arith.select %and3A_2023, %add3A_2018, %select_n3A_1996 : vector<16xi1>, vector<16xf32>
    %select_n3A_2025 = arith.select %and3A_2023, %gather3A_2017, %select_n3A_1997 : vector<16xi1>, vector<16xi32>
    %add3A_2026 = arith.constant 0 : i32
    %add3A_2027 = vector.broadcast %add3A_2026 : i32 to vector<16xi32>
    %add3A_2028 = arith.addi %add3A_2013, %add3A_2027 : vector<16xi32>
    %gather3A_2029 = tpu.vector_load_idx %arg19[%add3A_2028] : memref<18232xi32, #tpu.memory_space<vmem>>[vector<16xi32>], vector<16xi32>,
    %add3A_2030 = arith.addf %mul3A_1929, %mul3A_2006 : vector<16xf32>
    %ge3A_2031 = arith.constant 0 : i32
    %ge3A_2032 = vector.broadcast %ge3A_2031 : i32 to vector<16xi32>
    %ge3A_2033 = arith.cmpi sge, %gather3A_2029, %ge3A_2032 : vector<16xi32>
    %lt3A_2034 = arith.cmpf olt, %add3A_2030, %select_n3A_2024 : vector<16xf32>
    %and3A_2035 = arith.andi %ge3A_2033, %lt3A_2034 : vector<16xi1>
    %select_n3A_2036 = arith.select %and3A_2035, %add3A_2030, %select_n3A_2024 : vector<16xi1>, vector<16xf32>
    %select_n3A_2037 = arith.select %and3A_2035, %gather3A_2029, %select_n3A_2025 : vector<16xi1>, vector<16xi32>
    %add3A_2038 = arith.constant 1 : i32
    %add3A_2039 = vector.broadcast %add3A_2038 : i32 to vector<16xi32>
    %add3A_2040 = arith.addi %add3A_2013, %add3A_2039 : vector<16xi32>
    %gather3A_2041 = tpu.vector_load_idx %arg19[%add3A_2040] : memref<18232xi32, #tpu.memory_space<vmem>>[vector<16xi32>], vector<16xi32>,
    %add3A_2042 = arith.addf %mul3A_1938, %mul3A_2006 : vector<16xf32>
    %ge3A_2043 = arith.constant 0 : i32
    %ge3A_2044 = vector.broadcast %ge3A_2043 : i32 to vector<16xi32>
    %ge3A_2045 = arith.cmpi sge, %gather3A_2041, %ge3A_2044 : vector<16xi32>
    %lt3A_2046 = arith.cmpf olt, %add3A_2042, %select_n3A_2036 : vector<16xf32>
    %and3A_2047 = arith.andi %ge3A_2045, %lt3A_2046 : vector<16xi1>
    %select_n3A_2048 = arith.select %and3A_2047, %add3A_2042, %select_n3A_2036 : vector<16xi1>, vector<16xf32>
    %select_n3A_2049 = arith.select %and3A_2047, %gather3A_2041, %select_n3A_2037 : vector<16xi1>, vector<16xi32>
    %add3A_2050 = arith.constant -1 : i32
    %add3A_2051 = vector.broadcast %add3A_2050 : i32 to vector<16xi32>
    %add3A_2052 = arith.addi %min3A_1911, %add3A_2051 : vector<16xi32>
    %convert_element_type3A_2053 = arith.sitofp %add3A_2052 : vector<16xi32> to vector<16xf32>
    %mul3A_2054 = arith.constant 5.000000e-01 : f32
    %mul3A_2055 = vector.broadcast %mul3A_2054 : f32 to vector<16xf32>
    %mul3A_2056 = arith.mulf %convert_element_type3A_2053, %mul3A_2055 : vector<16xf32>
    %sub3A_2057 = arith.subf %add3A_276, %mul3A_2056 : vector<16xf32>
    %mul3A_2058 = arith.mulf %sub3A_2057, %sub3A_2057 : vector<16xf32>
    %sub3A_2059 = arith.constant 67 : i32
    %sub3A_2060 = vector.broadcast %sub3A_2059 : i32 to vector<16xi32>
    %sub3A_2061 = arith.subi %sub3A_2060, %add3A_2052 : vector<16xi32>
    %mul3A_2062 = arith.constant 135 : i32
    %mul3A_2063 = vector.broadcast %mul3A_2062 : i32 to vector<16xi32>
    %mul3A_2064 = arith.muli %sub3A_2061, %mul3A_2063 : vector<16xi32>
    %add3A_2065 = arith.addi %mul3A_2064, %add3A_1941 : vector<16xi32>
    %add3A_2066 = arith.constant -1 : i32
    %add3A_2067 = vector.broadcast %add3A_2066 : i32 to vector<16xi32>
    %add3A_2068 = arith.addi %add3A_2065, %add3A_2067 : vector<16xi32>
    %gather3A_2069 = tpu.vector_load_idx %arg19[%add3A_2068] : memref<18232xi32, #tpu.memory_space<vmem>>[vector<16xi32>], vector<16xi32>,
    %add3A_2070 = arith.addf %mul3A_1920, %mul3A_2058 : vector<16xf32>
    %ge3A_2071 = arith.constant 0 : i32
    %ge3A_2072 = vector.broadcast %ge3A_2071 : i32 to vector<16xi32>
    %ge3A_2073 = arith.cmpi sge, %gather3A_2069, %ge3A_2072 : vector<16xi32>
    %lt3A_2074 = arith.cmpf olt, %add3A_2070, %select_n3A_2048 : vector<16xf32>
    %and3A_2075 = arith.andi %ge3A_2073, %lt3A_2074 : vector<16xi1>
    %select_n3A_2076 = arith.select %and3A_2075, %add3A_2070, %select_n3A_2048 : vector<16xi1>, vector<16xf32>
    %select_n3A_2077 = arith.select %and3A_2075, %gather3A_2069, %select_n3A_2049 : vector<16xi1>, vector<16xi32>
    %add3A_2078 = arith.constant 0 : i32
    %add3A_2079 = vector.broadcast %add3A_2078 : i32 to vector<16xi32>
    %add3A_2080 = arith.addi %add3A_2065, %add3A_2079 : vector<16xi32>
    %gather3A_2081 = tpu.vector_load_idx %arg19[%add3A_2080] : memref<18232xi32, #tpu.memory_space<vmem>>[vector<16xi32>], vector<16xi32>,
    %add3A_2082 = arith.addf %mul3A_1929, %mul3A_2058 : vector<16xf32>
    %ge3A_2083 = arith.constant 0 : i32
    %ge3A_2084 = vector.broadcast %ge3A_2083 : i32 to vector<16xi32>
    %ge3A_2085 = arith.cmpi sge, %gather3A_2081, %ge3A_2084 : vector<16xi32>
    %lt3A_2086 = arith.cmpf olt, %add3A_2082, %select_n3A_2076 : vector<16xf32>
    %and3A_2087 = arith.andi %ge3A_2085, %lt3A_2086 : vector<16xi1>
    %select_n3A_2088 = arith.select %and3A_2087, %add3A_2082, %select_n3A_2076 : vector<16xi1>, vector<16xf32>
    %select_n3A_2089 = arith.select %and3A_2087, %gather3A_2081, %select_n3A_2077 : vector<16xi1>, vector<16xi32>
    %add3A_2090 = arith.constant 1 : i32
    %add3A_2091 = vector.broadcast %add3A_2090 : i32 to vector<16xi32>
    %add3A_2092 = arith.addi %add3A_2065, %add3A_2091 : vector<16xi32>
    %gather3A_2093 = tpu.vector_load_idx %arg19[%add3A_2092] : memref<18232xi32, #tpu.memory_space<vmem>>[vector<16xi32>], vector<16xi32>,
    %add3A_2094 = arith.addf %mul3A_1938, %mul3A_2058 : vector<16xf32>
    %ge3A_2095 = arith.constant 0 : i32
    %ge3A_2096 = vector.broadcast %ge3A_2095 : i32 to vector<16xi32>
    %ge3A_2097 = arith.cmpi sge, %gather3A_2093, %ge3A_2096 : vector<16xi32>
    %lt3A_2098 = arith.cmpf olt, %add3A_2094, %select_n3A_2088 : vector<16xf32>
    %and3A_2099 = arith.andi %ge3A_2097, %lt3A_2098 : vector<16xi1>
    %select_n3A_2100 = arith.select %and3A_2099, %add3A_2094, %select_n3A_2088 : vector<16xi1>, vector<16xf32>
    %select_n3A_2101 = arith.select %and3A_2099, %gather3A_2093, %select_n3A_2089 : vector<16xi1>, vector<16xi32>
    %gather3A_2102 = tpu.vector_load_idx %arg20[%select_n3A_2101] : memref<11296xi32, #tpu.memory_space<vmem>>[vector<16xi32>], vector<16xi32>,
    %shift_right_arithmetic3A_2103 = arith.constant 16 : i32
    %shift_right_arithmetic3A_2104 = vector.broadcast %shift_right_arithmetic3A_2103 : i32 to vector<16xi32>
    %shift_right_arithmetic3A_2105 = arith.shrsi %gather3A_2102, %shift_right_arithmetic3A_2104 : vector<16xi32>
    %shift_left3A_2106 = arith.constant 16 : i32
    %shift_left3A_2107 = vector.broadcast %shift_left3A_2106 : i32 to vector<16xi32>
    %shift_left3A_2108 = arith.shli %gather3A_2102, %shift_left3A_2107 : vector<16xi32>
    %shift_right_arithmetic3A_2109 = arith.constant 16 : i32
    %shift_right_arithmetic3A_2110 = vector.broadcast %shift_right_arithmetic3A_2109 : i32 to vector<16xi32>
    %shift_right_arithmetic3A_2111 = arith.shrsi %shift_left3A_2108, %shift_right_arithmetic3A_2110 : vector<16xi32>
    %swap3A_2112 = arith.constant 96 : index
    %swap3A_2113 = tpu.vector_load %arg24[%swap3A_2112] {strides = array<i32>} : memref<128xi32, #tpu.memory_space<vmem>>, vector<16xi32>,
    tpu.vector_store %arg24[%swap3A_2112], %select_n3A_2101 {strides = array<i32>} : memref<128xi32, #tpu.memory_space<vmem>>, vector<16xi32>,
    %convert_element_type3A_2114 = arith.sitofp %shift_right_arithmetic3A_2111 : vector<16xi32> to vector<16xf32>
    %mul3A_2115 = arith.constant 5.000000e-01 : f32
    %mul3A_2116 = vector.broadcast %mul3A_2115 : f32 to vector<16xf32>
    %mul3A_2117 = arith.mulf %convert_element_type3A_2114, %mul3A_2116 : vector<16xf32>
    %sub3A_2118 = arith.subf %sub3A_273, %mul3A_2117 : vector<16xf32>
    %swap3A_2119 = arith.constant 96 : index
    %swap3A_2120 = tpu.vector_load %arg25[%swap3A_2119] {strides = array<i32>} : memref<128xf32, #tpu.memory_space<vmem>>, vector<16xf32>,
    tpu.vector_store %arg25[%swap3A_2119], %sub3A_2118 {strides = array<i32>} : memref<128xf32, #tpu.memory_space<vmem>>, vector<16xf32>,
    %convert_element_type3A_2121 = arith.sitofp %shift_right_arithmetic3A_2105 : vector<16xi32> to vector<16xf32>
    %mul3A_2122 = arith.constant 5.000000e-01 : f32
    %mul3A_2123 = vector.broadcast %mul3A_2122 : f32 to vector<16xf32>
    %mul3A_2124 = arith.mulf %convert_element_type3A_2121, %mul3A_2123 : vector<16xf32>
    %sub3A_2125 = arith.subf %add3A_276, %mul3A_2124 : vector<16xf32>
    %swap3A_2126 = arith.constant 96 : index
    %swap3A_2127 = tpu.vector_load %arg26[%swap3A_2126] {strides = array<i32>} : memref<128xf32, #tpu.memory_space<vmem>>, vector<16xf32>,
    tpu.vector_store %arg26[%swap3A_2126], %sub3A_2125 {strides = array<i32>} : memref<128xf32, #tpu.memory_space<vmem>>, vector<16xf32>,
    %mul3A_2128 = arith.constant 2.000000e+00 : f32
    %mul3A_2129 = vector.broadcast %mul3A_2128 : f32 to vector<16xf32>
    %mul3A_2130 = arith.mulf %sub3A_316, %mul3A_2129 : vector<16xf32>
    %mul3A_2131 = arith.constant 2.000000e+00 : f32
    %mul3A_2132 = vector.broadcast %mul3A_2131 : f32 to vector<16xf32>
    %mul3A_2133 = arith.mulf %add3A_319, %mul3A_2132 : vector<16xf32>
    %ge3A_2134 = arith.constant 0.000000e+00 : f32
    %ge3A_2135 = vector.broadcast %ge3A_2134 : f32 to vector<16xf32>
    %ge3A_2136 = arith.cmpf oge, %mul3A_2130, %ge3A_2135 : vector<16xf32>
    %add3A_2137 = arith.constant 5.000000e-01 : f32
    %add3A_2138 = vector.broadcast %add3A_2137 : f32 to vector<16xf32>
    %add3A_2139 = arith.addf %mul3A_2130, %add3A_2138 : vector<16xf32>
    %sub3A_2140 = arith.constant 5.000000e-01 : f32
    %sub3A_2141 = vector.broadcast %sub3A_2140 : f32 to vector<16xf32>
    %sub3A_2142 = arith.subf %mul3A_2130, %sub3A_2141 : vector<16xf32>
    %select_n3A_2143 = arith.select %ge3A_2136, %add3A_2139, %sub3A_2142 : vector<16xi1>, vector<16xf32>
    %convert_element_type3A_2144 = arith.fptosi %select_n3A_2143 : vector<16xf32> to vector<16xi32>
    %ge3A_2145 = arith.constant 0.000000e+00 : f32
    %ge3A_2146 = vector.broadcast %ge3A_2145 : f32 to vector<16xf32>
    %ge3A_2147 = arith.cmpf oge, %mul3A_2133, %ge3A_2146 : vector<16xf32>
    %add3A_2148 = arith.constant 5.000000e-01 : f32
    %add3A_2149 = vector.broadcast %add3A_2148 : f32 to vector<16xf32>
    %add3A_2150 = arith.addf %mul3A_2133, %add3A_2149 : vector<16xf32>
    %sub3A_2151 = arith.constant 5.000000e-01 : f32
    %sub3A_2152 = vector.broadcast %sub3A_2151 : f32 to vector<16xf32>
    %sub3A_2153 = arith.subf %mul3A_2133, %sub3A_2152 : vector<16xf32>
    %select_n3A_2154 = arith.select %ge3A_2147, %add3A_2150, %sub3A_2153 : vector<16xi1>, vector<16xf32>
    %convert_element_type3A_2155 = arith.fptosi %select_n3A_2154 : vector<16xf32> to vector<16xi32>
    %jit3A_2156 = arith.constant -60 : i32
    %jit3A_2157 = arith.constant 60 : i32
    %max3A_2158 = vector.broadcast %jit3A_2156 : i32 to vector<16xi32>
    %max3A_2159 = arith.maxsi %max3A_2158, %convert_element_type3A_2144 : vector<16xi32>
    %min3A_2160 = vector.broadcast %jit3A_2157 : i32 to vector<16xi32>
    %min3A_2161 = arith.minsi %min3A_2160, %max3A_2159 : vector<16xi32>
    %jit3A_2162 = arith.constant -60 : i32
    %jit3A_2163 = arith.constant 60 : i32
    %max3A_2164 = vector.broadcast %jit3A_2162 : i32 to vector<16xi32>
    %max3A_2165 = arith.maxsi %max3A_2164, %convert_element_type3A_2155 : vector<16xi32>
    %min3A_2166 = vector.broadcast %jit3A_2163 : i32 to vector<16xi32>
    %min3A_2167 = arith.minsi %min3A_2166, %max3A_2165 : vector<16xi32>
    %add3A_2168 = arith.constant -1 : i32
    %add3A_2169 = vector.broadcast %add3A_2168 : i32 to vector<16xi32>
    %add3A_2170 = arith.addi %min3A_2161, %add3A_2169 : vector<16xi32>
    %convert_element_type3A_2171 = arith.sitofp %add3A_2170 : vector<16xi32> to vector<16xf32>
    %mul3A_2172 = arith.constant 5.000000e-01 : f32
    %mul3A_2173 = vector.broadcast %mul3A_2172 : f32 to vector<16xf32>
    %mul3A_2174 = arith.mulf %convert_element_type3A_2171, %mul3A_2173 : vector<16xf32>
    %sub3A_2175 = arith.subf %sub3A_316, %mul3A_2174 : vector<16xf32>
    %mul3A_2176 = arith.mulf %sub3A_2175, %sub3A_2175 : vector<16xf32>
    %add3A_2177 = arith.constant 0 : i32
    %add3A_2178 = vector.broadcast %add3A_2177 : i32 to vector<16xi32>
    %add3A_2179 = arith.addi %min3A_2161, %add3A_2178 : vector<16xi32>
    %convert_element_type3A_2180 = arith.sitofp %add3A_2179 : vector<16xi32> to vector<16xf32>
    %mul3A_2181 = arith.constant 5.000000e-01 : f32
    %mul3A_2182 = vector.broadcast %mul3A_2181 : f32 to vector<16xf32>
    %mul3A_2183 = arith.mulf %convert_element_type3A_2180, %mul3A_2182 : vector<16xf32>
    %sub3A_2184 = arith.subf %sub3A_316, %mul3A_2183 : vector<16xf32>
    %mul3A_2185 = arith.mulf %sub3A_2184, %sub3A_2184 : vector<16xf32>
    %add3A_2186 = arith.constant 1 : i32
    %add3A_2187 = vector.broadcast %add3A_2186 : i32 to vector<16xi32>
    %add3A_2188 = arith.addi %min3A_2161, %add3A_2187 : vector<16xi32>
    %convert_element_type3A_2189 = arith.sitofp %add3A_2188 : vector<16xi32> to vector<16xf32>
    %mul3A_2190 = arith.constant 5.000000e-01 : f32
    %mul3A_2191 = vector.broadcast %mul3A_2190 : f32 to vector<16xf32>
    %mul3A_2192 = arith.mulf %convert_element_type3A_2189, %mul3A_2191 : vector<16xf32>
    %sub3A_2193 = arith.subf %sub3A_316, %mul3A_2192 : vector<16xf32>
    %mul3A_2194 = arith.mulf %sub3A_2193, %sub3A_2193 : vector<16xf32>
    %add3A_2195 = arith.constant 67 : i32
    %add3A_2196 = vector.broadcast %add3A_2195 : i32 to vector<16xi32>
    %add3A_2197 = arith.addi %min3A_2161, %add3A_2196 : vector<16xi32>
    %broadcast_in_dim3A_2198 = arith.constant 1.000000e+30 : f32
    %broadcast_in_dim3A_2199 = vector.broadcast %broadcast_in_dim3A_2198 : f32 to vector<16xf32>
    %broadcast_in_dim3A_2200 = arith.constant 0 : i32
    %broadcast_in_dim3A_2201 = vector.broadcast %broadcast_in_dim3A_2200 : i32 to vector<16xi32>
    %add3A_2202 = arith.constant 1 : i32
    %add3A_2203 = vector.broadcast %add3A_2202 : i32 to vector<16xi32>
    %add3A_2204 = arith.addi %min3A_2167, %add3A_2203 : vector<16xi32>
    %convert_element_type3A_2205 = arith.sitofp %add3A_2204 : vector<16xi32> to vector<16xf32>
    %mul3A_2206 = arith.constant 5.000000e-01 : f32
    %mul3A_2207 = vector.broadcast %mul3A_2206 : f32 to vector<16xf32>
    %mul3A_2208 = arith.mulf %convert_element_type3A_2205, %mul3A_2207 : vector<16xf32>
    %sub3A_2209 = arith.subf %add3A_319, %mul3A_2208 : vector<16xf32>
    %mul3A_2210 = arith.mulf %sub3A_2209, %sub3A_2209 : vector<16xf32>
    %sub3A_2211 = arith.constant 67 : i32
    %sub3A_2212 = vector.broadcast %sub3A_2211 : i32 to vector<16xi32>
    %sub3A_2213 = arith.subi %sub3A_2212, %add3A_2204 : vector<16xi32>
    %mul3A_2214 = arith.constant 135 : i32
    %mul3A_2215 = vector.broadcast %mul3A_2214 : i32 to vector<16xi32>
    %mul3A_2216 = arith.muli %sub3A_2213, %mul3A_2215 : vector<16xi32>
    %add3A_2217 = arith.addi %mul3A_2216, %add3A_2197 : vector<16xi32>
    %add3A_2218 = arith.constant -1 : i32
    %add3A_2219 = vector.broadcast %add3A_2218 : i32 to vector<16xi32>
    %add3A_2220 = arith.addi %add3A_2217, %add3A_2219 : vector<16xi32>
    %gather3A_2221 = tpu.vector_load_idx %arg19[%add3A_2220] : memref<18232xi32, #tpu.memory_space<vmem>>[vector<16xi32>], vector<16xi32>,
    %add3A_2222 = arith.addf %mul3A_2176, %mul3A_2210 : vector<16xf32>
    %ge3A_2223 = arith.constant 0 : i32
    %ge3A_2224 = vector.broadcast %ge3A_2223 : i32 to vector<16xi32>
    %ge3A_2225 = arith.cmpi sge, %gather3A_2221, %ge3A_2224 : vector<16xi32>
    %lt3A_2226 = arith.cmpf olt, %add3A_2222, %broadcast_in_dim3A_2199 : vector<16xf32>
    %and3A_2227 = arith.andi %ge3A_2225, %lt3A_2226 : vector<16xi1>
    %select_n3A_2228 = arith.select %and3A_2227, %add3A_2222, %broadcast_in_dim3A_2199 : vector<16xi1>, vector<16xf32>
    %select_n3A_2229 = arith.select %and3A_2227, %gather3A_2221, %broadcast_in_dim3A_2201 : vector<16xi1>, vector<16xi32>
    %add3A_2230 = arith.constant 0 : i32
    %add3A_2231 = vector.broadcast %add3A_2230 : i32 to vector<16xi32>
    %add3A_2232 = arith.addi %add3A_2217, %add3A_2231 : vector<16xi32>
    %gather3A_2233 = tpu.vector_load_idx %arg19[%add3A_2232] : memref<18232xi32, #tpu.memory_space<vmem>>[vector<16xi32>], vector<16xi32>,
    %add3A_2234 = arith.addf %mul3A_2185, %mul3A_2210 : vector<16xf32>
    %ge3A_2235 = arith.constant 0 : i32
    %ge3A_2236 = vector.broadcast %ge3A_2235 : i32 to vector<16xi32>
    %ge3A_2237 = arith.cmpi sge, %gather3A_2233, %ge3A_2236 : vector<16xi32>
    %lt3A_2238 = arith.cmpf olt, %add3A_2234, %select_n3A_2228 : vector<16xf32>
    %and3A_2239 = arith.andi %ge3A_2237, %lt3A_2238 : vector<16xi1>
    %select_n3A_2240 = arith.select %and3A_2239, %add3A_2234, %select_n3A_2228 : vector<16xi1>, vector<16xf32>
    %select_n3A_2241 = arith.select %and3A_2239, %gather3A_2233, %select_n3A_2229 : vector<16xi1>, vector<16xi32>
    %add3A_2242 = arith.constant 1 : i32
    %add3A_2243 = vector.broadcast %add3A_2242 : i32 to vector<16xi32>
    %add3A_2244 = arith.addi %add3A_2217, %add3A_2243 : vector<16xi32>
    %gather3A_2245 = tpu.vector_load_idx %arg19[%add3A_2244] : memref<18232xi32, #tpu.memory_space<vmem>>[vector<16xi32>], vector<16xi32>,
    %add3A_2246 = arith.addf %mul3A_2194, %mul3A_2210 : vector<16xf32>
    %ge3A_2247 = arith.constant 0 : i32
    %ge3A_2248 = vector.broadcast %ge3A_2247 : i32 to vector<16xi32>
    %ge3A_2249 = arith.cmpi sge, %gather3A_2245, %ge3A_2248 : vector<16xi32>
    %lt3A_2250 = arith.cmpf olt, %add3A_2246, %select_n3A_2240 : vector<16xf32>
    %and3A_2251 = arith.andi %ge3A_2249, %lt3A_2250 : vector<16xi1>
    %select_n3A_2252 = arith.select %and3A_2251, %add3A_2246, %select_n3A_2240 : vector<16xi1>, vector<16xf32>
    %select_n3A_2253 = arith.select %and3A_2251, %gather3A_2245, %select_n3A_2241 : vector<16xi1>, vector<16xi32>
    %add3A_2254 = arith.constant 0 : i32
    %add3A_2255 = vector.broadcast %add3A_2254 : i32 to vector<16xi32>
    %add3A_2256 = arith.addi %min3A_2167, %add3A_2255 : vector<16xi32>
    %convert_element_type3A_2257 = arith.sitofp %add3A_2256 : vector<16xi32> to vector<16xf32>
    %mul3A_2258 = arith.constant 5.000000e-01 : f32
    %mul3A_2259 = vector.broadcast %mul3A_2258 : f32 to vector<16xf32>
    %mul3A_2260 = arith.mulf %convert_element_type3A_2257, %mul3A_2259 : vector<16xf32>
    %sub3A_2261 = arith.subf %add3A_319, %mul3A_2260 : vector<16xf32>
    %mul3A_2262 = arith.mulf %sub3A_2261, %sub3A_2261 : vector<16xf32>
    %sub3A_2263 = arith.constant 67 : i32
    %sub3A_2264 = vector.broadcast %sub3A_2263 : i32 to vector<16xi32>
    %sub3A_2265 = arith.subi %sub3A_2264, %add3A_2256 : vector<16xi32>
    %mul3A_2266 = arith.constant 135 : i32
    %mul3A_2267 = vector.broadcast %mul3A_2266 : i32 to vector<16xi32>
    %mul3A_2268 = arith.muli %sub3A_2265, %mul3A_2267 : vector<16xi32>
    %add3A_2269 = arith.addi %mul3A_2268, %add3A_2197 : vector<16xi32>
    %add3A_2270 = arith.constant -1 : i32
    %add3A_2271 = vector.broadcast %add3A_2270 : i32 to vector<16xi32>
    %add3A_2272 = arith.addi %add3A_2269, %add3A_2271 : vector<16xi32>
    %gather3A_2273 = tpu.vector_load_idx %arg19[%add3A_2272] : memref<18232xi32, #tpu.memory_space<vmem>>[vector<16xi32>], vector<16xi32>,
    %add3A_2274 = arith.addf %mul3A_2176, %mul3A_2262 : vector<16xf32>
    %ge3A_2275 = arith.constant 0 : i32
    %ge3A_2276 = vector.broadcast %ge3A_2275 : i32 to vector<16xi32>
    %ge3A_2277 = arith.cmpi sge, %gather3A_2273, %ge3A_2276 : vector<16xi32>
    %lt3A_2278 = arith.cmpf olt, %add3A_2274, %select_n3A_2252 : vector<16xf32>
    %and3A_2279 = arith.andi %ge3A_2277, %lt3A_2278 : vector<16xi1>
    %select_n3A_2280 = arith.select %and3A_2279, %add3A_2274, %select_n3A_2252 : vector<16xi1>, vector<16xf32>
    %select_n3A_2281 = arith.select %and3A_2279, %gather3A_2273, %select_n3A_2253 : vector<16xi1>, vector<16xi32>
    %add3A_2282 = arith.constant 0 : i32
    %add3A_2283 = vector.broadcast %add3A_2282 : i32 to vector<16xi32>
    %add3A_2284 = arith.addi %add3A_2269, %add3A_2283 : vector<16xi32>
    %gather3A_2285 = tpu.vector_load_idx %arg19[%add3A_2284] : memref<18232xi32, #tpu.memory_space<vmem>>[vector<16xi32>], vector<16xi32>,
    %add3A_2286 = arith.addf %mul3A_2185, %mul3A_2262 : vector<16xf32>
    %ge3A_2287 = arith.constant 0 : i32
    %ge3A_2288 = vector.broadcast %ge3A_2287 : i32 to vector<16xi32>
    %ge3A_2289 = arith.cmpi sge, %gather3A_2285, %ge3A_2288 : vector<16xi32>
    %lt3A_2290 = arith.cmpf olt, %add3A_2286, %select_n3A_2280 : vector<16xf32>
    %and3A_2291 = arith.andi %ge3A_2289, %lt3A_2290 : vector<16xi1>
    %select_n3A_2292 = arith.select %and3A_2291, %add3A_2286, %select_n3A_2280 : vector<16xi1>, vector<16xf32>
    %select_n3A_2293 = arith.select %and3A_2291, %gather3A_2285, %select_n3A_2281 : vector<16xi1>, vector<16xi32>
    %add3A_2294 = arith.constant 1 : i32
    %add3A_2295 = vector.broadcast %add3A_2294 : i32 to vector<16xi32>
    %add3A_2296 = arith.addi %add3A_2269, %add3A_2295 : vector<16xi32>
    %gather3A_2297 = tpu.vector_load_idx %arg19[%add3A_2296] : memref<18232xi32, #tpu.memory_space<vmem>>[vector<16xi32>], vector<16xi32>,
    %add3A_2298 = arith.addf %mul3A_2194, %mul3A_2262 : vector<16xf32>
    %ge3A_2299 = arith.constant 0 : i32
    %ge3A_2300 = vector.broadcast %ge3A_2299 : i32 to vector<16xi32>
    %ge3A_2301 = arith.cmpi sge, %gather3A_2297, %ge3A_2300 : vector<16xi32>
    %lt3A_2302 = arith.cmpf olt, %add3A_2298, %select_n3A_2292 : vector<16xf32>
    %and3A_2303 = arith.andi %ge3A_2301, %lt3A_2302 : vector<16xi1>
    %select_n3A_2304 = arith.select %and3A_2303, %add3A_2298, %select_n3A_2292 : vector<16xi1>, vector<16xf32>
    %select_n3A_2305 = arith.select %and3A_2303, %gather3A_2297, %select_n3A_2293 : vector<16xi1>, vector<16xi32>
    %add3A_2306 = arith.constant -1 : i32
    %add3A_2307 = vector.broadcast %add3A_2306 : i32 to vector<16xi32>
    %add3A_2308 = arith.addi %min3A_2167, %add3A_2307 : vector<16xi32>
    %convert_element_type3A_2309 = arith.sitofp %add3A_2308 : vector<16xi32> to vector<16xf32>
    %mul3A_2310 = arith.constant 5.000000e-01 : f32
    %mul3A_2311 = vector.broadcast %mul3A_2310 : f32 to vector<16xf32>
    %mul3A_2312 = arith.mulf %convert_element_type3A_2309, %mul3A_2311 : vector<16xf32>
    %sub3A_2313 = arith.subf %add3A_319, %mul3A_2312 : vector<16xf32>
    %mul3A_2314 = arith.mulf %sub3A_2313, %sub3A_2313 : vector<16xf32>
    %sub3A_2315 = arith.constant 67 : i32
    %sub3A_2316 = vector.broadcast %sub3A_2315 : i32 to vector<16xi32>
    %sub3A_2317 = arith.subi %sub3A_2316, %add3A_2308 : vector<16xi32>
    %mul3A_2318 = arith.constant 135 : i32
    %mul3A_2319 = vector.broadcast %mul3A_2318 : i32 to vector<16xi32>
    %mul3A_2320 = arith.muli %sub3A_2317, %mul3A_2319 : vector<16xi32>
    %add3A_2321 = arith.addi %mul3A_2320, %add3A_2197 : vector<16xi32>
    %add3A_2322 = arith.constant -1 : i32
    %add3A_2323 = vector.broadcast %add3A_2322 : i32 to vector<16xi32>
    %add3A_2324 = arith.addi %add3A_2321, %add3A_2323 : vector<16xi32>
    %gather3A_2325 = tpu.vector_load_idx %arg19[%add3A_2324] : memref<18232xi32, #tpu.memory_space<vmem>>[vector<16xi32>], vector<16xi32>,
    %add3A_2326 = arith.addf %mul3A_2176, %mul3A_2314 : vector<16xf32>
    %ge3A_2327 = arith.constant 0 : i32
    %ge3A_2328 = vector.broadcast %ge3A_2327 : i32 to vector<16xi32>
    %ge3A_2329 = arith.cmpi sge, %gather3A_2325, %ge3A_2328 : vector<16xi32>
    %lt3A_2330 = arith.cmpf olt, %add3A_2326, %select_n3A_2304 : vector<16xf32>
    %and3A_2331 = arith.andi %ge3A_2329, %lt3A_2330 : vector<16xi1>
    %select_n3A_2332 = arith.select %and3A_2331, %add3A_2326, %select_n3A_2304 : vector<16xi1>, vector<16xf32>
    %select_n3A_2333 = arith.select %and3A_2331, %gather3A_2325, %select_n3A_2305 : vector<16xi1>, vector<16xi32>
    %add3A_2334 = arith.constant 0 : i32
    %add3A_2335 = vector.broadcast %add3A_2334 : i32 to vector<16xi32>
    %add3A_2336 = arith.addi %add3A_2321, %add3A_2335 : vector<16xi32>
    %gather3A_2337 = tpu.vector_load_idx %arg19[%add3A_2336] : memref<18232xi32, #tpu.memory_space<vmem>>[vector<16xi32>], vector<16xi32>,
    %add3A_2338 = arith.addf %mul3A_2185, %mul3A_2314 : vector<16xf32>
    %ge3A_2339 = arith.constant 0 : i32
    %ge3A_2340 = vector.broadcast %ge3A_2339 : i32 to vector<16xi32>
    %ge3A_2341 = arith.cmpi sge, %gather3A_2337, %ge3A_2340 : vector<16xi32>
    %lt3A_2342 = arith.cmpf olt, %add3A_2338, %select_n3A_2332 : vector<16xf32>
    %and3A_2343 = arith.andi %ge3A_2341, %lt3A_2342 : vector<16xi1>
    %select_n3A_2344 = arith.select %and3A_2343, %add3A_2338, %select_n3A_2332 : vector<16xi1>, vector<16xf32>
    %select_n3A_2345 = arith.select %and3A_2343, %gather3A_2337, %select_n3A_2333 : vector<16xi1>, vector<16xi32>
    %add3A_2346 = arith.constant 1 : i32
    %add3A_2347 = vector.broadcast %add3A_2346 : i32 to vector<16xi32>
    %add3A_2348 = arith.addi %add3A_2321, %add3A_2347 : vector<16xi32>
    %gather3A_2349 = tpu.vector_load_idx %arg19[%add3A_2348] : memref<18232xi32, #tpu.memory_space<vmem>>[vector<16xi32>], vector<16xi32>,
    %add3A_2350 = arith.addf %mul3A_2194, %mul3A_2314 : vector<16xf32>
    %ge3A_2351 = arith.constant 0 : i32
    %ge3A_2352 = vector.broadcast %ge3A_2351 : i32 to vector<16xi32>
    %ge3A_2353 = arith.cmpi sge, %gather3A_2349, %ge3A_2352 : vector<16xi32>
    %lt3A_2354 = arith.cmpf olt, %add3A_2350, %select_n3A_2344 : vector<16xf32>
    %and3A_2355 = arith.andi %ge3A_2353, %lt3A_2354 : vector<16xi1>
    %select_n3A_2356 = arith.select %and3A_2355, %add3A_2350, %select_n3A_2344 : vector<16xi1>, vector<16xf32>
    %select_n3A_2357 = arith.select %and3A_2355, %gather3A_2349, %select_n3A_2345 : vector<16xi1>, vector<16xi32>
    %gather3A_2358 = tpu.vector_load_idx %arg20[%select_n3A_2357] : memref<11296xi32, #tpu.memory_space<vmem>>[vector<16xi32>], vector<16xi32>,
    %shift_right_arithmetic3A_2359 = arith.constant 16 : i32
    %shift_right_arithmetic3A_2360 = vector.broadcast %shift_right_arithmetic3A_2359 : i32 to vector<16xi32>
    %shift_right_arithmetic3A_2361 = arith.shrsi %gather3A_2358, %shift_right_arithmetic3A_2360 : vector<16xi32>
    %shift_left3A_2362 = arith.constant 16 : i32
    %shift_left3A_2363 = vector.broadcast %shift_left3A_2362 : i32 to vector<16xi32>
    %shift_left3A_2364 = arith.shli %gather3A_2358, %shift_left3A_2363 : vector<16xi32>
    %shift_right_arithmetic3A_2365 = arith.constant 16 : i32
    %shift_right_arithmetic3A_2366 = vector.broadcast %shift_right_arithmetic3A_2365 : i32 to vector<16xi32>
    %shift_right_arithmetic3A_2367 = arith.shrsi %shift_left3A_2364, %shift_right_arithmetic3A_2366 : vector<16xi32>
    %swap3A_2368 = arith.constant 112 : index
    %swap3A_2369 = tpu.vector_load %arg24[%swap3A_2368] {strides = array<i32>} : memref<128xi32, #tpu.memory_space<vmem>>, vector<16xi32>,
    tpu.vector_store %arg24[%swap3A_2368], %select_n3A_2357 {strides = array<i32>} : memref<128xi32, #tpu.memory_space<vmem>>, vector<16xi32>,
    %convert_element_type3A_2370 = arith.sitofp %shift_right_arithmetic3A_2367 : vector<16xi32> to vector<16xf32>
    %mul3A_2371 = arith.constant 5.000000e-01 : f32
    %mul3A_2372 = vector.broadcast %mul3A_2371 : f32 to vector<16xf32>
    %mul3A_2373 = arith.mulf %convert_element_type3A_2370, %mul3A_2372 : vector<16xf32>
    %sub3A_2374 = arith.subf %sub3A_316, %mul3A_2373 : vector<16xf32>
    %swap3A_2375 = arith.constant 112 : index
    %swap3A_2376 = tpu.vector_load %arg25[%swap3A_2375] {strides = array<i32>} : memref<128xf32, #tpu.memory_space<vmem>>, vector<16xf32>,
    tpu.vector_store %arg25[%swap3A_2375], %sub3A_2374 {strides = array<i32>} : memref<128xf32, #tpu.memory_space<vmem>>, vector<16xf32>,
    %convert_element_type3A_2377 = arith.sitofp %shift_right_arithmetic3A_2361 : vector<16xi32> to vector<16xf32>
    %mul3A_2378 = arith.constant 5.000000e-01 : f32
    %mul3A_2379 = vector.broadcast %mul3A_2378 : f32 to vector<16xf32>
    %mul3A_2380 = arith.mulf %convert_element_type3A_2377, %mul3A_2379 : vector<16xf32>
    %sub3A_2381 = arith.subf %add3A_319, %mul3A_2380 : vector<16xf32>
    %swap3A_2382 = arith.constant 112 : index
    %swap3A_2383 = tpu.vector_load %arg26[%swap3A_2382] {strides = array<i32>} : memref<128xf32, #tpu.memory_space<vmem>>, vector<16xf32>,
    tpu.vector_store %arg26[%swap3A_2382], %sub3A_2381 {strides = array<i32>} : memref<128xf32, #tpu.memory_space<vmem>>, vector<16xf32>,
    %while3A = arith.constant 0 : i32
    %while3A_2384 = scf.while (%while3A_2385 = %while3A) : (i32) -> i32 {
      %mul3A_2386 = arith.constant 16 : i32
      %mul3A_2387 = arith.muli %while3A_2385, %mul3A_2386 : i32
      %lt3A_2388 = arith.cmpi slt, %mul3A_2387, %add3A_346 : i32
      scf.condition(%lt3A_2388) %while3A_2385 : i32
    } do {
    ^bb0(%while3A_2385: i32):
      %mul3A_2386 = arith.constant 16 : i32
      %mul3A_2387 = arith.muli %while3A_2385, %mul3A_2386 : i32
      %get3A_2388 = arith.index_cast %mul3A_2387 : i32 to index
      %get3A_2389 = tpu.vector_load %arg23[%get3A_2388] {strides = array<i32>} : memref<144xi32, #tpu.memory_space<vmem>>, vector<16xi32>,
      %and3A_2390 = arith.constant 127 : i32
      %and3A_2391 = vector.broadcast %and3A_2390 : i32 to vector<16xi32>
      %and3A_2392 = arith.andi %get3A_2389, %and3A_2391 : vector<16xi32>
      %mul3A_2393 = arith.constant 16 : i32
      %mul3A_2394 = arith.muli %while3A_2385, %mul3A_2393 : i32
      %add3A_2395 = vector.broadcast %mul3A_2394 : i32 to vector<16xi32>
      %add3A_2396 = arith.addi %iota3A, %add3A_2395 : vector<16xi32>
      %lt3A_2397 = vector.broadcast %add3A_346 : i32 to vector<16xi32>
      %lt3A_2398 = arith.cmpi slt, %add3A_2396, %lt3A_2397 : vector<16xi32>
      %gather3A_2399 = tpu.vector_load_idx %arg21[%and3A_2392] : memref<128xf32, #tpu.memory_space<vmem>>[vector<16xi32>], vector<16xf32>,
      %gather3A_2400 = tpu.vector_load_idx %arg22[%and3A_2392] : memref<128xf32, #tpu.memory_space<vmem>>[vector<16xi32>], vector<16xf32>,
      %mul3A_2401 = arith.constant 2.000000e+00 : f32
      %mul3A_2402 = vector.broadcast %mul3A_2401 : f32 to vector<16xf32>
      %mul3A_2403 = arith.mulf %gather3A_2399, %mul3A_2402 : vector<16xf32>
      %mul3A_2404 = arith.constant 2.000000e+00 : f32
      %mul3A_2405 = vector.broadcast %mul3A_2404 : f32 to vector<16xf32>
      %mul3A_2406 = arith.mulf %gather3A_2400, %mul3A_2405 : vector<16xf32>
      %mul3A_2407 = arith.mulf %mul3A_2403, %mul3A_2403 : vector<16xf32>
      %mul3A_2408 = arith.mulf %mul3A_2406, %mul3A_2406 : vector<16xf32>
      %add3A_2409 = arith.addf %mul3A_2407, %mul3A_2408 : vector<16xf32>
      %abs3A = math.absf %mul3A_2403 : vector<16xf32>
      %abs3A_2410 = math.absf %mul3A_2406 : vector<16xf32>
      %max3A_2411 = arith.maximumf %abs3A, %abs3A_2410 : vector<16xf32>
      %min3A_2412 = arith.minimumf %abs3A, %abs3A_2410 : vector<16xf32>
      %mul3A_2413 = arith.constant 9.604340e-01 : f32
      %mul3A_2414 = vector.broadcast %mul3A_2413 : f32 to vector<16xf32>
      %mul3A_2415 = arith.mulf %max3A_2411, %mul3A_2414 : vector<16xf32>
      %mul3A_2416 = arith.constant 3.978250e-01 : f32
      %mul3A_2417 = vector.broadcast %mul3A_2416 : f32 to vector<16xf32>
      %mul3A_2418 = arith.mulf %min3A_2412, %mul3A_2417 : vector<16xf32>
      %add3A_2419 = arith.addf %mul3A_2415, %mul3A_2418 : vector<16xf32>
      %div3A = arith.divf %add3A_2409, %add3A_2419 : vector<16xf32>
      %add3A_2420 = arith.addf %add3A_2419, %div3A : vector<16xf32>
      %mul3A_2421 = arith.constant 5.000000e-01 : f32
      %mul3A_2422 = vector.broadcast %mul3A_2421 : f32 to vector<16xf32>
      %mul3A_2423 = arith.mulf %add3A_2420, %mul3A_2422 : vector<16xf32>
      %le3A = arith.constant 3.600000e+03 : f32
      %le3A_2424 = vector.broadcast %le3A : f32 to vector<16xf32>
      %le3A_2425 = arith.cmpf ole, %add3A_2409, %le3A_2424 : vector<16xf32>
      %div3A_2426 = arith.constant 6.000000e+01 : f32
      %div3A_2427 = vector.broadcast %div3A_2426 : f32 to vector<16xf32>
      %div3A_2428 = arith.divf %div3A_2427, %mul3A_2423 : vector<16xf32>
      %jit3A_2429 = arith.constant 1.000000e+00 : f32
      %broadcast_in_dim3A_2430 = vector.broadcast %jit3A_2429 : f32 to vector<16xf32>
      %select_n3A_2431 = arith.select %le3A_2425, %broadcast_in_dim3A_2430, %div3A_2428 : vector<16xi1>, vector<16xf32>
      %mul3A_2432 = arith.mulf %mul3A_2403, %select_n3A_2431 : vector<16xf32>
      %mul3A_2433 = arith.mulf %mul3A_2406, %select_n3A_2431 : vector<16xf32>
      %ge3A_2434 = arith.constant 0.000000e+00 : f32
      %ge3A_2435 = vector.broadcast %ge3A_2434 : f32 to vector<16xf32>
      %ge3A_2436 = arith.cmpf oge, %mul3A_2432, %ge3A_2435 : vector<16xf32>
      %add3A_2437 = arith.constant 5.000000e-01 : f32
      %add3A_2438 = vector.broadcast %add3A_2437 : f32 to vector<16xf32>
      %add3A_2439 = arith.addf %mul3A_2432, %add3A_2438 : vector<16xf32>
      %sub3A_2440 = arith.constant 5.000000e-01 : f32
      %sub3A_2441 = vector.broadcast %sub3A_2440 : f32 to vector<16xf32>
      %sub3A_2442 = arith.subf %mul3A_2432, %sub3A_2441 : vector<16xf32>
      %select_n3A_2443 = arith.select %ge3A_2436, %add3A_2439, %sub3A_2442 : vector<16xi1>, vector<16xf32>
      %convert_element_type3A_2444 = arith.fptosi %select_n3A_2443 : vector<16xf32> to vector<16xi32>
      %ge3A_2445 = arith.constant 0.000000e+00 : f32
      %ge3A_2446 = vector.broadcast %ge3A_2445 : f32 to vector<16xf32>
      %ge3A_2447 = arith.cmpf oge, %mul3A_2433, %ge3A_2446 : vector<16xf32>
      %add3A_2448 = arith.constant 5.000000e-01 : f32
      %add3A_2449 = vector.broadcast %add3A_2448 : f32 to vector<16xf32>
      %add3A_2450 = arith.addf %mul3A_2433, %add3A_2449 : vector<16xf32>
      %sub3A_2451 = arith.constant 5.000000e-01 : f32
      %sub3A_2452 = vector.broadcast %sub3A_2451 : f32 to vector<16xf32>
      %sub3A_2453 = arith.subf %mul3A_2433, %sub3A_2452 : vector<16xf32>
      %select_n3A_2454 = arith.select %ge3A_2447, %add3A_2450, %sub3A_2453 : vector<16xi1>, vector<16xf32>
      %convert_element_type3A_2455 = arith.fptosi %select_n3A_2454 : vector<16xf32> to vector<16xi32>
      %jit3A_2456 = arith.constant -60 : i32
      %jit3A_2457 = arith.constant 60 : i32
      %max3A_2458 = vector.broadcast %jit3A_2456 : i32 to vector<16xi32>
      %max3A_2459 = arith.maxsi %max3A_2458, %convert_element_type3A_2444 : vector<16xi32>
      %min3A_2460 = vector.broadcast %jit3A_2457 : i32 to vector<16xi32>
      %min3A_2461 = arith.minsi %min3A_2460, %max3A_2459 : vector<16xi32>
      %jit3A_2462 = arith.constant -60 : i32
      %jit3A_2463 = arith.constant 60 : i32
      %max3A_2464 = vector.broadcast %jit3A_2462 : i32 to vector<16xi32>
      %max3A_2465 = arith.maxsi %max3A_2464, %convert_element_type3A_2455 : vector<16xi32>
      %min3A_2466 = vector.broadcast %jit3A_2463 : i32 to vector<16xi32>
      %min3A_2467 = arith.minsi %min3A_2466, %max3A_2465 : vector<16xi32>
      %add3A_2468 = arith.constant -7 : i32
      %add3A_2469 = vector.broadcast %add3A_2468 : i32 to vector<16xi32>
      %add3A_2470 = arith.addi %min3A_2461, %add3A_2469 : vector<16xi32>
      %convert_element_type3A_2471 = arith.sitofp %add3A_2470 : vector<16xi32> to vector<16xf32>
      %mul3A_2472 = arith.constant 5.000000e-01 : f32
      %mul3A_2473 = vector.broadcast %mul3A_2472 : f32 to vector<16xf32>
      %mul3A_2474 = arith.mulf %convert_element_type3A_2471, %mul3A_2473 : vector<16xf32>
      %sub3A_2475 = arith.subf %gather3A_2399, %mul3A_2474 : vector<16xf32>
      %mul3A_2476 = arith.mulf %sub3A_2475, %sub3A_2475 : vector<16xf32>
      %add3A_2477 = arith.constant -6 : i32
      %add3A_2478 = vector.broadcast %add3A_2477 : i32 to vector<16xi32>
      %add3A_2479 = arith.addi %min3A_2461, %add3A_2478 : vector<16xi32>
      %convert_element_type3A_2480 = arith.sitofp %add3A_2479 : vector<16xi32> to vector<16xf32>
      %mul3A_2481 = arith.constant 5.000000e-01 : f32
      %mul3A_2482 = vector.broadcast %mul3A_2481 : f32 to vector<16xf32>
      %mul3A_2483 = arith.mulf %convert_element_type3A_2480, %mul3A_2482 : vector<16xf32>
      %sub3A_2484 = arith.subf %gather3A_2399, %mul3A_2483 : vector<16xf32>
      %mul3A_2485 = arith.mulf %sub3A_2484, %sub3A_2484 : vector<16xf32>
      %add3A_2486 = arith.constant -5 : i32
      %add3A_2487 = vector.broadcast %add3A_2486 : i32 to vector<16xi32>
      %add3A_2488 = arith.addi %min3A_2461, %add3A_2487 : vector<16xi32>
      %convert_element_type3A_2489 = arith.sitofp %add3A_2488 : vector<16xi32> to vector<16xf32>
      %mul3A_2490 = arith.constant 5.000000e-01 : f32
      %mul3A_2491 = vector.broadcast %mul3A_2490 : f32 to vector<16xf32>
      %mul3A_2492 = arith.mulf %convert_element_type3A_2489, %mul3A_2491 : vector<16xf32>
      %sub3A_2493 = arith.subf %gather3A_2399, %mul3A_2492 : vector<16xf32>
      %mul3A_2494 = arith.mulf %sub3A_2493, %sub3A_2493 : vector<16xf32>
      %add3A_2495 = arith.constant -4 : i32
      %add3A_2496 = vector.broadcast %add3A_2495 : i32 to vector<16xi32>
      %add3A_2497 = arith.addi %min3A_2461, %add3A_2496 : vector<16xi32>
      %convert_element_type3A_2498 = arith.sitofp %add3A_2497 : vector<16xi32> to vector<16xf32>
      %mul3A_2499 = arith.constant 5.000000e-01 : f32
      %mul3A_2500 = vector.broadcast %mul3A_2499 : f32 to vector<16xf32>
      %mul3A_2501 = arith.mulf %convert_element_type3A_2498, %mul3A_2500 : vector<16xf32>
      %sub3A_2502 = arith.subf %gather3A_2399, %mul3A_2501 : vector<16xf32>
      %mul3A_2503 = arith.mulf %sub3A_2502, %sub3A_2502 : vector<16xf32>
      %add3A_2504 = arith.constant -3 : i32
      %add3A_2505 = vector.broadcast %add3A_2504 : i32 to vector<16xi32>
      %add3A_2506 = arith.addi %min3A_2461, %add3A_2505 : vector<16xi32>
      %convert_element_type3A_2507 = arith.sitofp %add3A_2506 : vector<16xi32> to vector<16xf32>
      %mul3A_2508 = arith.constant 5.000000e-01 : f32
      %mul3A_2509 = vector.broadcast %mul3A_2508 : f32 to vector<16xf32>
      %mul3A_2510 = arith.mulf %convert_element_type3A_2507, %mul3A_2509 : vector<16xf32>
      %sub3A_2511 = arith.subf %gather3A_2399, %mul3A_2510 : vector<16xf32>
      %mul3A_2512 = arith.mulf %sub3A_2511, %sub3A_2511 : vector<16xf32>
      %add3A_2513 = arith.constant -2 : i32
      %add3A_2514 = vector.broadcast %add3A_2513 : i32 to vector<16xi32>
      %add3A_2515 = arith.addi %min3A_2461, %add3A_2514 : vector<16xi32>
      %convert_element_type3A_2516 = arith.sitofp %add3A_2515 : vector<16xi32> to vector<16xf32>
      %mul3A_2517 = arith.constant 5.000000e-01 : f32
      %mul3A_2518 = vector.broadcast %mul3A_2517 : f32 to vector<16xf32>
      %mul3A_2519 = arith.mulf %convert_element_type3A_2516, %mul3A_2518 : vector<16xf32>
      %sub3A_2520 = arith.subf %gather3A_2399, %mul3A_2519 : vector<16xf32>
      %mul3A_2521 = arith.mulf %sub3A_2520, %sub3A_2520 : vector<16xf32>
      %add3A_2522 = arith.constant -1 : i32
      %add3A_2523 = vector.broadcast %add3A_2522 : i32 to vector<16xi32>
      %add3A_2524 = arith.addi %min3A_2461, %add3A_2523 : vector<16xi32>
      %convert_element_type3A_2525 = arith.sitofp %add3A_2524 : vector<16xi32> to vector<16xf32>
      %mul3A_2526 = arith.constant 5.000000e-01 : f32
      %mul3A_2527 = vector.broadcast %mul3A_2526 : f32 to vector<16xf32>
      %mul3A_2528 = arith.mulf %convert_element_type3A_2525, %mul3A_2527 : vector<16xf32>
      %sub3A_2529 = arith.subf %gather3A_2399, %mul3A_2528 : vector<16xf32>
      %mul3A_2530 = arith.mulf %sub3A_2529, %sub3A_2529 : vector<16xf32>
      %add3A_2531 = arith.constant 0 : i32
      %add3A_2532 = vector.broadcast %add3A_2531 : i32 to vector<16xi32>
      %add3A_2533 = arith.addi %min3A_2461, %add3A_2532 : vector<16xi32>
      %convert_element_type3A_2534 = arith.sitofp %add3A_2533 : vector<16xi32> to vector<16xf32>
      %mul3A_2535 = arith.constant 5.000000e-01 : f32
      %mul3A_2536 = vector.broadcast %mul3A_2535 : f32 to vector<16xf32>
      %mul3A_2537 = arith.mulf %convert_element_type3A_2534, %mul3A_2536 : vector<16xf32>
      %sub3A_2538 = arith.subf %gather3A_2399, %mul3A_2537 : vector<16xf32>
      %mul3A_2539 = arith.mulf %sub3A_2538, %sub3A_2538 : vector<16xf32>
      %add3A_2540 = arith.constant 1 : i32
      %add3A_2541 = vector.broadcast %add3A_2540 : i32 to vector<16xi32>
      %add3A_2542 = arith.addi %min3A_2461, %add3A_2541 : vector<16xi32>
      %convert_element_type3A_2543 = arith.sitofp %add3A_2542 : vector<16xi32> to vector<16xf32>
      %mul3A_2544 = arith.constant 5.000000e-01 : f32
      %mul3A_2545 = vector.broadcast %mul3A_2544 : f32 to vector<16xf32>
      %mul3A_2546 = arith.mulf %convert_element_type3A_2543, %mul3A_2545 : vector<16xf32>
      %sub3A_2547 = arith.subf %gather3A_2399, %mul3A_2546 : vector<16xf32>
      %mul3A_2548 = arith.mulf %sub3A_2547, %sub3A_2547 : vector<16xf32>
      %add3A_2549 = arith.constant 2 : i32
      %add3A_2550 = vector.broadcast %add3A_2549 : i32 to vector<16xi32>
      %add3A_2551 = arith.addi %min3A_2461, %add3A_2550 : vector<16xi32>
      %convert_element_type3A_2552 = arith.sitofp %add3A_2551 : vector<16xi32> to vector<16xf32>
      %mul3A_2553 = arith.constant 5.000000e-01 : f32
      %mul3A_2554 = vector.broadcast %mul3A_2553 : f32 to vector<16xf32>
      %mul3A_2555 = arith.mulf %convert_element_type3A_2552, %mul3A_2554 : vector<16xf32>
      %sub3A_2556 = arith.subf %gather3A_2399, %mul3A_2555 : vector<16xf32>
      %mul3A_2557 = arith.mulf %sub3A_2556, %sub3A_2556 : vector<16xf32>
      %add3A_2558 = arith.constant 3 : i32
      %add3A_2559 = vector.broadcast %add3A_2558 : i32 to vector<16xi32>
      %add3A_2560 = arith.addi %min3A_2461, %add3A_2559 : vector<16xi32>
      %convert_element_type3A_2561 = arith.sitofp %add3A_2560 : vector<16xi32> to vector<16xf32>
      %mul3A_2562 = arith.constant 5.000000e-01 : f32
      %mul3A_2563 = vector.broadcast %mul3A_2562 : f32 to vector<16xf32>
      %mul3A_2564 = arith.mulf %convert_element_type3A_2561, %mul3A_2563 : vector<16xf32>
      %sub3A_2565 = arith.subf %gather3A_2399, %mul3A_2564 : vector<16xf32>
      %mul3A_2566 = arith.mulf %sub3A_2565, %sub3A_2565 : vector<16xf32>
      %add3A_2567 = arith.constant 4 : i32
      %add3A_2568 = vector.broadcast %add3A_2567 : i32 to vector<16xi32>
      %add3A_2569 = arith.addi %min3A_2461, %add3A_2568 : vector<16xi32>
      %convert_element_type3A_2570 = arith.sitofp %add3A_2569 : vector<16xi32> to vector<16xf32>
      %mul3A_2571 = arith.constant 5.000000e-01 : f32
      %mul3A_2572 = vector.broadcast %mul3A_2571 : f32 to vector<16xf32>
      %mul3A_2573 = arith.mulf %convert_element_type3A_2570, %mul3A_2572 : vector<16xf32>
      %sub3A_2574 = arith.subf %gather3A_2399, %mul3A_2573 : vector<16xf32>
      %mul3A_2575 = arith.mulf %sub3A_2574, %sub3A_2574 : vector<16xf32>
      %add3A_2576 = arith.constant 5 : i32
      %add3A_2577 = vector.broadcast %add3A_2576 : i32 to vector<16xi32>
      %add3A_2578 = arith.addi %min3A_2461, %add3A_2577 : vector<16xi32>
      %convert_element_type3A_2579 = arith.sitofp %add3A_2578 : vector<16xi32> to vector<16xf32>
      %mul3A_2580 = arith.constant 5.000000e-01 : f32
      %mul3A_2581 = vector.broadcast %mul3A_2580 : f32 to vector<16xf32>
      %mul3A_2582 = arith.mulf %convert_element_type3A_2579, %mul3A_2581 : vector<16xf32>
      %sub3A_2583 = arith.subf %gather3A_2399, %mul3A_2582 : vector<16xf32>
      %mul3A_2584 = arith.mulf %sub3A_2583, %sub3A_2583 : vector<16xf32>
      %add3A_2585 = arith.constant 6 : i32
      %add3A_2586 = vector.broadcast %add3A_2585 : i32 to vector<16xi32>
      %add3A_2587 = arith.addi %min3A_2461, %add3A_2586 : vector<16xi32>
      %convert_element_type3A_2588 = arith.sitofp %add3A_2587 : vector<16xi32> to vector<16xf32>
      %mul3A_2589 = arith.constant 5.000000e-01 : f32
      %mul3A_2590 = vector.broadcast %mul3A_2589 : f32 to vector<16xf32>
      %mul3A_2591 = arith.mulf %convert_element_type3A_2588, %mul3A_2590 : vector<16xf32>
      %sub3A_2592 = arith.subf %gather3A_2399, %mul3A_2591 : vector<16xf32>
      %mul3A_2593 = arith.mulf %sub3A_2592, %sub3A_2592 : vector<16xf32>
      %add3A_2594 = arith.constant 7 : i32
      %add3A_2595 = vector.broadcast %add3A_2594 : i32 to vector<16xi32>
      %add3A_2596 = arith.addi %min3A_2461, %add3A_2595 : vector<16xi32>
      %convert_element_type3A_2597 = arith.sitofp %add3A_2596 : vector<16xi32> to vector<16xf32>
      %mul3A_2598 = arith.constant 5.000000e-01 : f32
      %mul3A_2599 = vector.broadcast %mul3A_2598 : f32 to vector<16xf32>
      %mul3A_2600 = arith.mulf %convert_element_type3A_2597, %mul3A_2599 : vector<16xf32>
      %sub3A_2601 = arith.subf %gather3A_2399, %mul3A_2600 : vector<16xf32>
      %mul3A_2602 = arith.mulf %sub3A_2601, %sub3A_2601 : vector<16xf32>
      %add3A_2603 = arith.constant 60 : i32
      %add3A_2604 = vector.broadcast %add3A_2603 : i32 to vector<16xi32>
      %add3A_2605 = arith.addi %min3A_2461, %add3A_2604 : vector<16xi32>
      %broadcast_in_dim3A_2606 = arith.constant 1.000000e+30 : f32
      %broadcast_in_dim3A_2607 = vector.broadcast %broadcast_in_dim3A_2606 : f32 to vector<16xf32>
      %broadcast_in_dim3A_2608 = arith.constant 0 : i32
      %broadcast_in_dim3A_2609 = vector.broadcast %broadcast_in_dim3A_2608 : i32 to vector<16xi32>
      %scan3A = arith.constant 0 : i32
      %scan3A_2610 = arith.constant 15 : i32
      %scan3A_2611 = arith.addi %scan3A, %scan3A_2610 : i32
      %scan3A_2612 = arith.constant 1 : i32
      %scan3A_2613:2 = scf.for %scan3A_2637 = %scan3A to %scan3A_2611 step %scan3A_2612 iter_args(%scan3A_2638 = %broadcast_in_dim3A_2607, %scan3A_2639 = %broadcast_in_dim3A_2609) -> (vector<16xf32>, vector<16xi32>)  : i32 {
        %sub3A_2640 = arith.constant 7 : i32
        %sub3A_2641 = arith.subi %sub3A_2640, %scan3A_2637 : i32
        %add3A_2642 = vector.broadcast %sub3A_2641 : i32 to vector<16xi32>
        %add3A_2643 = arith.addi %min3A_2467, %add3A_2642 : vector<16xi32>
        %convert_element_type3A_2644 = arith.sitofp %add3A_2643 : vector<16xi32> to vector<16xf32>
        %mul3A_2645 = arith.constant 5.000000e-01 : f32
        %mul3A_2646 = vector.broadcast %mul3A_2645 : f32 to vector<16xf32>
        %mul3A_2647 = arith.mulf %convert_element_type3A_2644, %mul3A_2646 : vector<16xf32>
        %sub3A_2648 = arith.subf %gather3A_2400, %mul3A_2647 : vector<16xf32>
        %mul3A_2649 = arith.mulf %sub3A_2648, %sub3A_2648 : vector<16xf32>
        %sub3A_2650 = arith.constant 67 : i32
        %sub3A_2651 = vector.broadcast %sub3A_2650 : i32 to vector<16xi32>
        %sub3A_2652 = arith.subi %sub3A_2651, %add3A_2643 : vector<16xi32>
        %mul3A_2653 = arith.constant 135 : i32
        %mul3A_2654 = vector.broadcast %mul3A_2653 : i32 to vector<16xi32>
        %mul3A_2655 = arith.muli %sub3A_2652, %mul3A_2654 : vector<16xi32>
        %add3A_2656 = arith.constant 7 : i32
        %add3A_2657 = vector.broadcast %add3A_2656 : i32 to vector<16xi32>
        %add3A_2658 = arith.addi %add3A_2605, %add3A_2657 : vector<16xi32>
        %add3A_2659 = arith.addi %mul3A_2655, %add3A_2658 : vector<16xi32>
        %add3A_2660 = arith.constant -7 : i32
        %add3A_2661 = vector.broadcast %add3A_2660 : i32 to vector<16xi32>
        %add3A_2662 = arith.addi %add3A_2659, %add3A_2661 : vector<16xi32>
        %gather3A_2663 = tpu.vector_load_idx %arg19[%add3A_2662] : memref<18232xi32, #tpu.memory_space<vmem>>[vector<16xi32>], vector<16xi32>,
        %add3A_2664 = arith.addf %mul3A_2476, %mul3A_2649 : vector<16xf32>
        %ge3A_2665 = arith.constant 0 : i32
        %ge3A_2666 = vector.broadcast %ge3A_2665 : i32 to vector<16xi32>
        %ge3A_2667 = arith.cmpi sge, %gather3A_2663, %ge3A_2666 : vector<16xi32>
        %lt3A_2668 = arith.cmpf olt, %add3A_2664, %scan3A_2638 : vector<16xf32>
        %and3A_2669 = arith.andi %ge3A_2667, %lt3A_2668 : vector<16xi1>
        %select_n3A_2670 = arith.select %and3A_2669, %add3A_2664, %scan3A_2638 : vector<16xi1>, vector<16xf32>
        %select_n3A_2671 = arith.select %and3A_2669, %gather3A_2663, %scan3A_2639 : vector<16xi1>, vector<16xi32>
        %add3A_2672 = arith.constant -6 : i32
        %add3A_2673 = vector.broadcast %add3A_2672 : i32 to vector<16xi32>
        %add3A_2674 = arith.addi %add3A_2659, %add3A_2673 : vector<16xi32>
        %gather3A_2675 = tpu.vector_load_idx %arg19[%add3A_2674] : memref<18232xi32, #tpu.memory_space<vmem>>[vector<16xi32>], vector<16xi32>,
        %add3A_2676 = arith.addf %mul3A_2485, %mul3A_2649 : vector<16xf32>
        %ge3A_2677 = arith.constant 0 : i32
        %ge3A_2678 = vector.broadcast %ge3A_2677 : i32 to vector<16xi32>
        %ge3A_2679 = arith.cmpi sge, %gather3A_2675, %ge3A_2678 : vector<16xi32>
        %lt3A_2680 = arith.cmpf olt, %add3A_2676, %select_n3A_2670 : vector<16xf32>
        %and3A_2681 = arith.andi %ge3A_2679, %lt3A_2680 : vector<16xi1>
        %select_n3A_2682 = arith.select %and3A_2681, %add3A_2676, %select_n3A_2670 : vector<16xi1>, vector<16xf32>
        %select_n3A_2683 = arith.select %and3A_2681, %gather3A_2675, %select_n3A_2671 : vector<16xi1>, vector<16xi32>
        %add3A_2684 = arith.constant -5 : i32
        %add3A_2685 = vector.broadcast %add3A_2684 : i32 to vector<16xi32>
        %add3A_2686 = arith.addi %add3A_2659, %add3A_2685 : vector<16xi32>
        %gather3A_2687 = tpu.vector_load_idx %arg19[%add3A_2686] : memref<18232xi32, #tpu.memory_space<vmem>>[vector<16xi32>], vector<16xi32>,
        %add3A_2688 = arith.addf %mul3A_2494, %mul3A_2649 : vector<16xf32>
        %ge3A_2689 = arith.constant 0 : i32
        %ge3A_2690 = vector.broadcast %ge3A_2689 : i32 to vector<16xi32>
        %ge3A_2691 = arith.cmpi sge, %gather3A_2687, %ge3A_2690 : vector<16xi32>
        %lt3A_2692 = arith.cmpf olt, %add3A_2688, %select_n3A_2682 : vector<16xf32>
        %and3A_2693 = arith.andi %ge3A_2691, %lt3A_2692 : vector<16xi1>
        %select_n3A_2694 = arith.select %and3A_2693, %add3A_2688, %select_n3A_2682 : vector<16xi1>, vector<16xf32>
        %select_n3A_2695 = arith.select %and3A_2693, %gather3A_2687, %select_n3A_2683 : vector<16xi1>, vector<16xi32>
        %add3A_2696 = arith.constant -4 : i32
        %add3A_2697 = vector.broadcast %add3A_2696 : i32 to vector<16xi32>
        %add3A_2698 = arith.addi %add3A_2659, %add3A_2697 : vector<16xi32>
        %gather3A_2699 = tpu.vector_load_idx %arg19[%add3A_2698] : memref<18232xi32, #tpu.memory_space<vmem>>[vector<16xi32>], vector<16xi32>,
        %add3A_2700 = arith.addf %mul3A_2503, %mul3A_2649 : vector<16xf32>
        %ge3A_2701 = arith.constant 0 : i32
        %ge3A_2702 = vector.broadcast %ge3A_2701 : i32 to vector<16xi32>
        %ge3A_2703 = arith.cmpi sge, %gather3A_2699, %ge3A_2702 : vector<16xi32>
        %lt3A_2704 = arith.cmpf olt, %add3A_2700, %select_n3A_2694 : vector<16xf32>
        %and3A_2705 = arith.andi %ge3A_2703, %lt3A_2704 : vector<16xi1>
        %select_n3A_2706 = arith.select %and3A_2705, %add3A_2700, %select_n3A_2694 : vector<16xi1>, vector<16xf32>
        %select_n3A_2707 = arith.select %and3A_2705, %gather3A_2699, %select_n3A_2695 : vector<16xi1>, vector<16xi32>
        %add3A_2708 = arith.constant -3 : i32
        %add3A_2709 = vector.broadcast %add3A_2708 : i32 to vector<16xi32>
        %add3A_2710 = arith.addi %add3A_2659, %add3A_2709 : vector<16xi32>
        %gather3A_2711 = tpu.vector_load_idx %arg19[%add3A_2710] : memref<18232xi32, #tpu.memory_space<vmem>>[vector<16xi32>], vector<16xi32>,
        %add3A_2712 = arith.addf %mul3A_2512, %mul3A_2649 : vector<16xf32>
        %ge3A_2713 = arith.constant 0 : i32
        %ge3A_2714 = vector.broadcast %ge3A_2713 : i32 to vector<16xi32>
        %ge3A_2715 = arith.cmpi sge, %gather3A_2711, %ge3A_2714 : vector<16xi32>
        %lt3A_2716 = arith.cmpf olt, %add3A_2712, %select_n3A_2706 : vector<16xf32>
        %and3A_2717 = arith.andi %ge3A_2715, %lt3A_2716 : vector<16xi1>
        %select_n3A_2718 = arith.select %and3A_2717, %add3A_2712, %select_n3A_2706 : vector<16xi1>, vector<16xf32>
        %select_n3A_2719 = arith.select %and3A_2717, %gather3A_2711, %select_n3A_2707 : vector<16xi1>, vector<16xi32>
        %add3A_2720 = arith.constant -2 : i32
        %add3A_2721 = vector.broadcast %add3A_2720 : i32 to vector<16xi32>
        %add3A_2722 = arith.addi %add3A_2659, %add3A_2721 : vector<16xi32>
        %gather3A_2723 = tpu.vector_load_idx %arg19[%add3A_2722] : memref<18232xi32, #tpu.memory_space<vmem>>[vector<16xi32>], vector<16xi32>,
        %add3A_2724 = arith.addf %mul3A_2521, %mul3A_2649 : vector<16xf32>
        %ge3A_2725 = arith.constant 0 : i32
        %ge3A_2726 = vector.broadcast %ge3A_2725 : i32 to vector<16xi32>
        %ge3A_2727 = arith.cmpi sge, %gather3A_2723, %ge3A_2726 : vector<16xi32>
        %lt3A_2728 = arith.cmpf olt, %add3A_2724, %select_n3A_2718 : vector<16xf32>
        %and3A_2729 = arith.andi %ge3A_2727, %lt3A_2728 : vector<16xi1>
        %select_n3A_2730 = arith.select %and3A_2729, %add3A_2724, %select_n3A_2718 : vector<16xi1>, vector<16xf32>
        %select_n3A_2731 = arith.select %and3A_2729, %gather3A_2723, %select_n3A_2719 : vector<16xi1>, vector<16xi32>
        %add3A_2732 = arith.constant -1 : i32
        %add3A_2733 = vector.broadcast %add3A_2732 : i32 to vector<16xi32>
        %add3A_2734 = arith.addi %add3A_2659, %add3A_2733 : vector<16xi32>
        %gather3A_2735 = tpu.vector_load_idx %arg19[%add3A_2734] : memref<18232xi32, #tpu.memory_space<vmem>>[vector<16xi32>], vector<16xi32>,
        %add3A_2736 = arith.addf %mul3A_2530, %mul3A_2649 : vector<16xf32>
        %ge3A_2737 = arith.constant 0 : i32
        %ge3A_2738 = vector.broadcast %ge3A_2737 : i32 to vector<16xi32>
        %ge3A_2739 = arith.cmpi sge, %gather3A_2735, %ge3A_2738 : vector<16xi32>
        %lt3A_2740 = arith.cmpf olt, %add3A_2736, %select_n3A_2730 : vector<16xf32>
        %and3A_2741 = arith.andi %ge3A_2739, %lt3A_2740 : vector<16xi1>
        %select_n3A_2742 = arith.select %and3A_2741, %add3A_2736, %select_n3A_2730 : vector<16xi1>, vector<16xf32>
        %select_n3A_2743 = arith.select %and3A_2741, %gather3A_2735, %select_n3A_2731 : vector<16xi1>, vector<16xi32>
        %add3A_2744 = arith.constant 0 : i32
        %add3A_2745 = vector.broadcast %add3A_2744 : i32 to vector<16xi32>
        %add3A_2746 = arith.addi %add3A_2659, %add3A_2745 : vector<16xi32>
        %gather3A_2747 = tpu.vector_load_idx %arg19[%add3A_2746] : memref<18232xi32, #tpu.memory_space<vmem>>[vector<16xi32>], vector<16xi32>,
        %add3A_2748 = arith.addf %mul3A_2539, %mul3A_2649 : vector<16xf32>
        %ge3A_2749 = arith.constant 0 : i32
        %ge3A_2750 = vector.broadcast %ge3A_2749 : i32 to vector<16xi32>
        %ge3A_2751 = arith.cmpi sge, %gather3A_2747, %ge3A_2750 : vector<16xi32>
        %lt3A_2752 = arith.cmpf olt, %add3A_2748, %select_n3A_2742 : vector<16xf32>
        %and3A_2753 = arith.andi %ge3A_2751, %lt3A_2752 : vector<16xi1>
        %select_n3A_2754 = arith.select %and3A_2753, %add3A_2748, %select_n3A_2742 : vector<16xi1>, vector<16xf32>
        %select_n3A_2755 = arith.select %and3A_2753, %gather3A_2747, %select_n3A_2743 : vector<16xi1>, vector<16xi32>
        %add3A_2756 = arith.constant 1 : i32
        %add3A_2757 = vector.broadcast %add3A_2756 : i32 to vector<16xi32>
        %add3A_2758 = arith.addi %add3A_2659, %add3A_2757 : vector<16xi32>
        %gather3A_2759 = tpu.vector_load_idx %arg19[%add3A_2758] : memref<18232xi32, #tpu.memory_space<vmem>>[vector<16xi32>], vector<16xi32>,
        %add3A_2760 = arith.addf %mul3A_2548, %mul3A_2649 : vector<16xf32>
        %ge3A_2761 = arith.constant 0 : i32
        %ge3A_2762 = vector.broadcast %ge3A_2761 : i32 to vector<16xi32>
        %ge3A_2763 = arith.cmpi sge, %gather3A_2759, %ge3A_2762 : vector<16xi32>
        %lt3A_2764 = arith.cmpf olt, %add3A_2760, %select_n3A_2754 : vector<16xf32>
        %and3A_2765 = arith.andi %ge3A_2763, %lt3A_2764 : vector<16xi1>
        %select_n3A_2766 = arith.select %and3A_2765, %add3A_2760, %select_n3A_2754 : vector<16xi1>, vector<16xf32>
        %select_n3A_2767 = arith.select %and3A_2765, %gather3A_2759, %select_n3A_2755 : vector<16xi1>, vector<16xi32>
        %add3A_2768 = arith.constant 2 : i32
        %add3A_2769 = vector.broadcast %add3A_2768 : i32 to vector<16xi32>
        %add3A_2770 = arith.addi %add3A_2659, %add3A_2769 : vector<16xi32>
        %gather3A_2771 = tpu.vector_load_idx %arg19[%add3A_2770] : memref<18232xi32, #tpu.memory_space<vmem>>[vector<16xi32>], vector<16xi32>,
        %add3A_2772 = arith.addf %mul3A_2557, %mul3A_2649 : vector<16xf32>
        %ge3A_2773 = arith.constant 0 : i32
        %ge3A_2774 = vector.broadcast %ge3A_2773 : i32 to vector<16xi32>
        %ge3A_2775 = arith.cmpi sge, %gather3A_2771, %ge3A_2774 : vector<16xi32>
        %lt3A_2776 = arith.cmpf olt, %add3A_2772, %select_n3A_2766 : vector<16xf32>
        %and3A_2777 = arith.andi %ge3A_2775, %lt3A_2776 : vector<16xi1>
        %select_n3A_2778 = arith.select %and3A_2777, %add3A_2772, %select_n3A_2766 : vector<16xi1>, vector<16xf32>
        %select_n3A_2779 = arith.select %and3A_2777, %gather3A_2771, %select_n3A_2767 : vector<16xi1>, vector<16xi32>
        %add3A_2780 = arith.constant 3 : i32
        %add3A_2781 = vector.broadcast %add3A_2780 : i32 to vector<16xi32>
        %add3A_2782 = arith.addi %add3A_2659, %add3A_2781 : vector<16xi32>
        %gather3A_2783 = tpu.vector_load_idx %arg19[%add3A_2782] : memref<18232xi32, #tpu.memory_space<vmem>>[vector<16xi32>], vector<16xi32>,
        %add3A_2784 = arith.addf %mul3A_2566, %mul3A_2649 : vector<16xf32>
        %ge3A_2785 = arith.constant 0 : i32
        %ge3A_2786 = vector.broadcast %ge3A_2785 : i32 to vector<16xi32>
        %ge3A_2787 = arith.cmpi sge, %gather3A_2783, %ge3A_2786 : vector<16xi32>
        %lt3A_2788 = arith.cmpf olt, %add3A_2784, %select_n3A_2778 : vector<16xf32>
        %and3A_2789 = arith.andi %ge3A_2787, %lt3A_2788 : vector<16xi1>
        %select_n3A_2790 = arith.select %and3A_2789, %add3A_2784, %select_n3A_2778 : vector<16xi1>, vector<16xf32>
        %select_n3A_2791 = arith.select %and3A_2789, %gather3A_2783, %select_n3A_2779 : vector<16xi1>, vector<16xi32>
        %add3A_2792 = arith.constant 4 : i32
        %add3A_2793 = vector.broadcast %add3A_2792 : i32 to vector<16xi32>
        %add3A_2794 = arith.addi %add3A_2659, %add3A_2793 : vector<16xi32>
        %gather3A_2795 = tpu.vector_load_idx %arg19[%add3A_2794] : memref<18232xi32, #tpu.memory_space<vmem>>[vector<16xi32>], vector<16xi32>,
        %add3A_2796 = arith.addf %mul3A_2575, %mul3A_2649 : vector<16xf32>
        %ge3A_2797 = arith.constant 0 : i32
        %ge3A_2798 = vector.broadcast %ge3A_2797 : i32 to vector<16xi32>
        %ge3A_2799 = arith.cmpi sge, %gather3A_2795, %ge3A_2798 : vector<16xi32>
        %lt3A_2800 = arith.cmpf olt, %add3A_2796, %select_n3A_2790 : vector<16xf32>
        %and3A_2801 = arith.andi %ge3A_2799, %lt3A_2800 : vector<16xi1>
        %select_n3A_2802 = arith.select %and3A_2801, %add3A_2796, %select_n3A_2790 : vector<16xi1>, vector<16xf32>
        %select_n3A_2803 = arith.select %and3A_2801, %gather3A_2795, %select_n3A_2791 : vector<16xi1>, vector<16xi32>
        %add3A_2804 = arith.constant 5 : i32
        %add3A_2805 = vector.broadcast %add3A_2804 : i32 to vector<16xi32>
        %add3A_2806 = arith.addi %add3A_2659, %add3A_2805 : vector<16xi32>
        %gather3A_2807 = tpu.vector_load_idx %arg19[%add3A_2806] : memref<18232xi32, #tpu.memory_space<vmem>>[vector<16xi32>], vector<16xi32>,
        %add3A_2808 = arith.addf %mul3A_2584, %mul3A_2649 : vector<16xf32>
        %ge3A_2809 = arith.constant 0 : i32
        %ge3A_2810 = vector.broadcast %ge3A_2809 : i32 to vector<16xi32>
        %ge3A_2811 = arith.cmpi sge, %gather3A_2807, %ge3A_2810 : vector<16xi32>
        %lt3A_2812 = arith.cmpf olt, %add3A_2808, %select_n3A_2802 : vector<16xf32>
        %and3A_2813 = arith.andi %ge3A_2811, %lt3A_2812 : vector<16xi1>
        %select_n3A_2814 = arith.select %and3A_2813, %add3A_2808, %select_n3A_2802 : vector<16xi1>, vector<16xf32>
        %select_n3A_2815 = arith.select %and3A_2813, %gather3A_2807, %select_n3A_2803 : vector<16xi1>, vector<16xi32>
        %add3A_2816 = arith.constant 6 : i32
        %add3A_2817 = vector.broadcast %add3A_2816 : i32 to vector<16xi32>
        %add3A_2818 = arith.addi %add3A_2659, %add3A_2817 : vector<16xi32>
        %gather3A_2819 = tpu.vector_load_idx %arg19[%add3A_2818] : memref<18232xi32, #tpu.memory_space<vmem>>[vector<16xi32>], vector<16xi32>,
        %add3A_2820 = arith.addf %mul3A_2593, %mul3A_2649 : vector<16xf32>
        %ge3A_2821 = arith.constant 0 : i32
        %ge3A_2822 = vector.broadcast %ge3A_2821 : i32 to vector<16xi32>
        %ge3A_2823 = arith.cmpi sge, %gather3A_2819, %ge3A_2822 : vector<16xi32>
        %lt3A_2824 = arith.cmpf olt, %add3A_2820, %select_n3A_2814 : vector<16xf32>
        %and3A_2825 = arith.andi %ge3A_2823, %lt3A_2824 : vector<16xi1>
        %select_n3A_2826 = arith.select %and3A_2825, %add3A_2820, %select_n3A_2814 : vector<16xi1>, vector<16xf32>
        %select_n3A_2827 = arith.select %and3A_2825, %gather3A_2819, %select_n3A_2815 : vector<16xi1>, vector<16xi32>
        %add3A_2828 = arith.constant 7 : i32
        %add3A_2829 = vector.broadcast %add3A_2828 : i32 to vector<16xi32>
        %add3A_2830 = arith.addi %add3A_2659, %add3A_2829 : vector<16xi32>
        %gather3A_2831 = tpu.vector_load_idx %arg19[%add3A_2830] : memref<18232xi32, #tpu.memory_space<vmem>>[vector<16xi32>], vector<16xi32>,
        %add3A_2832 = arith.addf %mul3A_2602, %mul3A_2649 : vector<16xf32>
        %ge3A_2833 = arith.constant 0 : i32
        %ge3A_2834 = vector.broadcast %ge3A_2833 : i32 to vector<16xi32>
        %ge3A_2835 = arith.cmpi sge, %gather3A_2831, %ge3A_2834 : vector<16xi32>
        %lt3A_2836 = arith.cmpf olt, %add3A_2832, %select_n3A_2826 : vector<16xf32>
        %and3A_2837 = arith.andi %ge3A_2835, %lt3A_2836 : vector<16xi1>
        %select_n3A_2838 = arith.select %and3A_2837, %add3A_2832, %select_n3A_2826 : vector<16xi1>, vector<16xf32>
        %select_n3A_2839 = arith.select %and3A_2837, %gather3A_2831, %select_n3A_2827 : vector<16xi1>, vector<16xi32>
        scf.yield %select_n3A_2838, %select_n3A_2839 : vector<16xf32>, vector<16xi32>
      }
      %scan3A_2614 = arith.constant 15 : i32
      %gather3A_2615 = tpu.vector_load_idx %arg20[%scan3A_2613#1] : memref<11296xi32, #tpu.memory_space<vmem>>[vector<16xi32>], vector<16xi32>,
      %shift_right_arithmetic3A_2616 = arith.constant 16 : i32
      %shift_right_arithmetic3A_2617 = vector.broadcast %shift_right_arithmetic3A_2616 : i32 to vector<16xi32>
      %shift_right_arithmetic3A_2618 = arith.shrsi %gather3A_2615, %shift_right_arithmetic3A_2617 : vector<16xi32>
      %shift_left3A_2619 = arith.constant 16 : i32
      %shift_left3A_2620 = vector.broadcast %shift_left3A_2619 : i32 to vector<16xi32>
      %shift_left3A_2621 = arith.shli %gather3A_2615, %shift_left3A_2620 : vector<16xi32>
      %shift_right_arithmetic3A_2622 = arith.constant 16 : i32
      %shift_right_arithmetic3A_2623 = vector.broadcast %shift_right_arithmetic3A_2622 : i32 to vector<16xi32>
      %shift_right_arithmetic3A_2624 = arith.shrsi %shift_left3A_2621, %shift_right_arithmetic3A_2623 : vector<16xi32>
      tpu.vector_store_idx %arg24[%and3A_2392], %scan3A_2613#1 masked %lt3A_2398 : memref<128xi32, #tpu.memory_space<vmem>>[vector<16xi32>], vector<16xi32>, vector<16xi1>
      %convert_element_type3A_2625 = arith.sitofp %shift_right_arithmetic3A_2624 : vector<16xi32> to vector<16xf32>
      %mul3A_2626 = arith.constant 5.000000e-01 : f32
      %mul3A_2627 = vector.broadcast %mul3A_2626 : f32 to vector<16xf32>
      %mul3A_2628 = arith.mulf %convert_element_type3A_2625, %mul3A_2627 : vector<16xf32>
      %sub3A_2629 = arith.subf %gather3A_2399, %mul3A_2628 : vector<16xf32>
      tpu.vector_store_idx %arg25[%and3A_2392], %sub3A_2629 masked %lt3A_2398 : memref<128xf32, #tpu.memory_space<vmem>>[vector<16xi32>], vector<16xf32>, vector<16xi1>
      %convert_element_type3A_2630 = arith.sitofp %shift_right_arithmetic3A_2618 : vector<16xi32> to vector<16xf32>
      %mul3A_2631 = arith.constant 5.000000e-01 : f32
      %mul3A_2632 = vector.broadcast %mul3A_2631 : f32 to vector<16xf32>
      %mul3A_2633 = arith.mulf %convert_element_type3A_2630, %mul3A_2632 : vector<16xf32>
      %sub3A_2634 = arith.subf %gather3A_2400, %mul3A_2633 : vector<16xf32>
      tpu.vector_store_idx %arg26[%and3A_2392], %sub3A_2634 masked %lt3A_2398 : memref<128xf32, #tpu.memory_space<vmem>>[vector<16xi32>], vector<16xf32>, vector<16xi1>
      %add3A_2635 = arith.constant 1 : i32
      %add3A_2636 = arith.addi %while3A_2385, %add3A_2635 : i32
      scf.yield %add3A_2636 : i32
    }
    "tpu.region"() ({
      %run_scoped3A = tpu.sem_alloc : memref<!tpu.dma_semaphore, #tpu.memory_space<semaphore_mem>>
      %dma_start3A = tpu.memref_slice %arg10[%mul3A_2] : memref<4096xi32, #tpu.memory_space<hbm>> -> memref<128xi32, #tpu.memory_space<hbm>>
      %dma_start3A_2385 = tpu.memref_slice %arg10[%mul3A_2] : memref<4096xi32, #tpu.memory_space<hbm>> -> memref<128xi32, #tpu.memory_space<hbm>>
      tpu.enqueue_dma source(%arg24 : memref<128xi32, #tpu.memory_space<vmem>>) target(%dma_start3A_2385 : memref<128xi32, #tpu.memory_space<hbm>>) target_semaphore(%run_scoped3A : memref<!tpu.dma_semaphore, #tpu.memory_space<semaphore_mem>>)
      %dma_wait3A = tpu.memref_slice %arg10[%mul3A_2] : memref<4096xi32, #tpu.memory_space<hbm>> -> memref<128xi32, #tpu.memory_space<hbm>>
      %dma_wait3A_2386 = tpu.memref_slice %arg10[%mul3A_2] : memref<4096xi32, #tpu.memory_space<hbm>> -> memref<128xi32, #tpu.memory_space<hbm>>
      tpu.wait_dma2 semaphore(%run_scoped3A : memref<!tpu.dma_semaphore, #tpu.memory_space<semaphore_mem>>) src(%arg24 : memref<128xi32, #tpu.memory_space<vmem>>) dst(%dma_wait3A_2386 : memref<128xi32, #tpu.memory_space<hbm>>)
      tpu.yield
    }) : () -> ()
    "tpu.region"() ({
      %run_scoped3A = tpu.sem_alloc : memref<!tpu.dma_semaphore, #tpu.memory_space<semaphore_mem>>
      %dma_start3A = tpu.memref_slice %arg11[%mul3A_2] : memref<4096xf32, #tpu.memory_space<hbm>> -> memref<128xf32, #tpu.memory_space<hbm>>
      %dma_start3A_2385 = tpu.memref_slice %arg11[%mul3A_2] : memref<4096xf32, #tpu.memory_space<hbm>> -> memref<128xf32, #tpu.memory_space<hbm>>
      tpu.enqueue_dma source(%arg25 : memref<128xf32, #tpu.memory_space<vmem>>) target(%dma_start3A_2385 : memref<128xf32, #tpu.memory_space<hbm>>) target_semaphore(%run_scoped3A : memref<!tpu.dma_semaphore, #tpu.memory_space<semaphore_mem>>)
      %dma_wait3A = tpu.memref_slice %arg11[%mul3A_2] : memref<4096xf32, #tpu.memory_space<hbm>> -> memref<128xf32, #tpu.memory_space<hbm>>
      %dma_wait3A_2386 = tpu.memref_slice %arg11[%mul3A_2] : memref<4096xf32, #tpu.memory_space<hbm>> -> memref<128xf32, #tpu.memory_space<hbm>>
      tpu.wait_dma2 semaphore(%run_scoped3A : memref<!tpu.dma_semaphore, #tpu.memory_space<semaphore_mem>>) src(%arg25 : memref<128xf32, #tpu.memory_space<vmem>>) dst(%dma_wait3A_2386 : memref<128xf32, #tpu.memory_space<hbm>>)
      tpu.yield
    }) : () -> ()
    "tpu.region"() ({
      %run_scoped3A = tpu.sem_alloc : memref<!tpu.dma_semaphore, #tpu.memory_space<semaphore_mem>>
      %dma_start3A = tpu.memref_slice %arg12[%mul3A_2] : memref<4096xf32, #tpu.memory_space<hbm>> -> memref<128xf32, #tpu.memory_space<hbm>>
      %dma_start3A_2385 = tpu.memref_slice %arg12[%mul3A_2] : memref<4096xf32, #tpu.memory_space<hbm>> -> memref<128xf32, #tpu.memory_space<hbm>>
      tpu.enqueue_dma source(%arg26 : memref<128xf32, #tpu.memory_space<vmem>>) target(%dma_start3A_2385 : memref<128xf32, #tpu.memory_space<hbm>>) target_semaphore(%run_scoped3A : memref<!tpu.dma_semaphore, #tpu.memory_space<semaphore_mem>>)
      %dma_wait3A = tpu.memref_slice %arg12[%mul3A_2] : memref<4096xf32, #tpu.memory_space<hbm>> -> memref<128xf32, #tpu.memory_space<hbm>>
      %dma_wait3A_2386 = tpu.memref_slice %arg12[%mul3A_2] : memref<4096xf32, #tpu.memory_space<hbm>> -> memref<128xf32, #tpu.memory_space<hbm>>
      tpu.wait_dma2 semaphore(%run_scoped3A : memref<!tpu.dma_semaphore, #tpu.memory_space<semaphore_mem>>) src(%arg26 : memref<128xf32, #tpu.memory_space<vmem>>) dst(%dma_wait3A_2386 : memref<128xf32, #tpu.memory_space<hbm>>)
      tpu.yield
    }) : () -> ()
    return
  }
}

</mosaic_0001>

<sc_bundles>
// kernel: kernel.3.cloned.1.call-start
scs
__scs_entry_jumppad:
0x0: {  	(pc) =	sbr.rel $0x88, $3  }
0x1: {  	(tag) =	ssettag $0x0;
	lr =	simm.s32 $0x1  }
0x2: {  	[smem:$0x3F9E] =	sst lr;
	_ =	strace $0xD0000000  }
0x3: {  	_ = 	snop  }
0x4: {  	_ = 	snop  }
0x5: {  	_ = 	snop  }
0x6: {  	_ = 	snop  }
0x7: {  	_ = 	snop  }
__scs_overlays_trampoline_lowered:
0x8: {  	[smem:$0x3FAD] =	sst s0  }
0x9: {  	[smem:$0x3FAE] =	sst s1  }
0xa: {  	[smem:$0x3FAF] =	sst s2  }
0xb: {  	[smem:$0x3FB0] =	sst s3  }
0xc: {  	[smem:$0x3FB1] =	sst s4  }
0xd: {  	[smem:$0x3FB2] =	sst s5  }
0xe: {  	[smem:$0x3FB3] =	sst s6  }
0xf: {  	[smem:$0x3FB4] =	sst s7  }
0x10: {  	[smem:$0x3FB5] =	sst s8  }
0x11: {  	[smem:$0x3FB6] =	sst s9;
	s0 =	simm.s32 @!p0 $0x0  }
0x12: {  	s1 =	sld [smem:$0x3F9C];
	s0 =	simm.s32 @p0 $0x1  }
0x13: {  	[smem:$0x3FB7] =	sst s0;
	s0 =	simm.s32 @!p1 $0x0  }
0x14: {  	s2 =	sld [smem:$0x3F9B];
	s0 =	simm.s32 @p1 $0x1  }
0x15: {  	[smem:$0x3FB8] =	sst s0;
	s0 =	simm.s32 @!p2 $0x0  }
0x16: {  	s3 =	sld [smem:$0x3FDB];
	s0 =	simm.s32 @p2 $0x1  }
0x17: {  	s4 =	simm.s32 $0x1BF5;
	[smem:$0x3FBA] =	sst s0  }
0x18: {  	s0 =	sld [smem:$0x3F9D];
	_ =	swait.ge [sflag:s4], $0x0  }
0x19: {  	s7 =	sld [smem:$0x3F9E]  }
0x1a: {  	s8 =	sadd.s32 $0xFFFFE003, lr  }
0x1b: {  	s9 =	sadd.s32 $0xFFFFFEF7, lr;
	s5 =	simm.s32 $0xFFFFFFFF;
	p2 =	slt.u32 s8, $0xFFFFF086  }
0x1c: {  	p1 =	slt.u32 s9, $0xF7A;
	s5 =	simm.s32 @!p2 $0x0  }
0x1d: {  	s5 =	simm.s32 @p1 $0x1;
	p0 =	seq.s32 s7, s2  }
0x1e: {  	s7 =	smul.u32 @!p0 $0xF7A, s2;
	p2 =	seq.s32 @!p0 s5, $0x0  }
0x1f: {  	s9 =	smul.u32 $0xF7A, s1;
	s8 =	simm.s32 @!p0 $0x1BF5;
	p2 =	por !p2, p0  }
0x20: {  	[sflag:s8] =	ssyncset.s32 @!p0 $0xFFFFF086;
	s6 =	sadd.s32 @!p0 s3, s7;
	s7 =	simm.s32 @!p0 $0x108  }
0x21: {  	s3 =	sadd.s32 s3, s9;
	s6 =	sadd.s32 @!p0 $0x88, s6;
	s7 =	simm.s32 @p2 $0x1082  }
0x22: {  	[simem:s7], [sflag:s8] =	dma.local @!p0 [hbm:s6], $0xF7A  }
0x23: {  	s9 =	sor.u32 $0xD0000000, s2;
	s6 =	simm.s32 $0x108;
	_ =	swait.ge @!p0 [sflag:s8], $0x0  }
0x24: {  	s3 =	sadd.s32 $0x88, s3;
	s6 =	simm.s32 @!p1 $0x1082;
	[sflag:s4] =	ssyncset.s32 $0xFFFFF086  }
0x25: {  	[simem:s6], [sflag:s4] =	dma.local [hbm:s3], $0xF7A  }
0x26: {  	[smem:$0x3F9E] =	sst s1;
	(tag) =	ssettag s2;
	_ =	strace s9  }
0x27: {  	s1 =	sld [smem:$0x3FAE]  }
0x28: {  	s2 =	sld [smem:$0x3FAF]  }
0x29: {  	s4 =	sld [smem:$0x3FB1]  }
0x2a: {  	p0 =	seq.s32 s5, $0x0;
	s5 =	sld [smem:$0x3FB2]  }
0x2b: {  	s6 =	sld [smem:$0x3FB3]  }
0x2c: {  	s7 =	sld [smem:$0x3FB4]  }
0x2d: {  	s3 =	simm.s32 $0x108;
	s8 =	sld [smem:$0x3FB5]  }
0x2e: {  	s3 =	simm.s32 @!p0 $0x1082;
	s9 =	sld [smem:$0x3FB6]  }
0x2f: {  	lr =	sadd.s32 s0, s3;
	s0 =	sld [smem:$0x3FAD]  }
0x30: {  	s3 =	sld [smem:$0x3FB0]  }
0x31: {  	[smem:$0x3FB9] =	sst s10  }
0x32: {  	s10 =	sld [smem:$0x3FB7];
	_ =	sdelay $0x3  }
0x33: {  	p0 =	seq.s32 s10, $0x1;
	s10 =	sld [smem:$0x3FB9];
	_ =	sdelay $0x3  }
0x34: {  	[smem:$0x3FB9] =	sst s10  }
0x35: {  	s10 =	sld [smem:$0x3FB8];
	_ =	sdelay $0x3  }
0x36: {  	p1 =	seq.s32 s10, $0x1;
	s10 =	sld [smem:$0x3FB9];
	_ =	sdelay $0x3  }
0x37: {  	[smem:$0x3FB9] =	sst s10  }
0x38: {  	s10 =	sld [smem:$0x3FBA]  }
0x39: {  	_ = 	snop;
	(pc) =	sbr.ind lr, $3  }
0x3a: {  	_ = 	snop  }
0x3b: {  	_ = 	snop  }
0x3c: {  	p2 =	seq.s32 s10, $0x1;
	s10 =	sld [smem:$0x3FB9]  }
0x3d: {  	_ =	shalt  }
0x3e: {  	_ =	shalt  }
0x3f: {  	_ =	shalt  }
0x40: {  	_ =	shalt  }
0x41: {  	_ =	shalt  }
0x42: {  	_ =	shalt  }
0x43: {  	_ =	shalt  }
0x44: {  	_ =	shalt  }
0x45: {  	_ =	shalt  }
0x46: {  	_ =	shalt  }
0x47: {  	_ =	shalt  }
0x48: {  	_ =	shalt  }
0x49: {  	_ =	shalt  }
0x4a: {  	_ =	shalt  }
0x4b: {  	_ =	shalt  }
0x4c: {  	_ =	shalt  }
0x4d: {  	_ =	shalt  }
0x4e: {  	_ =	shalt  }
0x4f: {  	_ =	shalt  }
0x50: {  	_ =	shalt  }
0x51: {  	_ =	shalt  }
0x52: {  	_ =	shalt  }
0x53: {  	_ =	shalt  }
0x54: {  	_ =	shalt  }
0x55: {  	_ =	shalt  }
0x56: {  	_ =	shalt  }
0x57: {  	_ =	shalt  }
0x58: {  	_ =	shalt  }
0x59: {  	_ =	shalt  }
0x5a: {  	_ =	shalt  }
0x5b: {  	_ =	shalt  }
0x5c: {  	_ =	shalt  }
0x5d: {  	_ =	shalt  }
0x5e: {  	_ =	shalt  }
0x5f: {  	_ =	shalt  }
0x60: {  	_ =	shalt  }
0x61: {  	_ =	shalt  }
0x62: {  	_ =	shalt  }
0x63: {  	_ =	shalt  }
0x64: {  	_ =	shalt  }
0x65: {  	_ =	shalt  }
0x66: {  	_ =	shalt  }
0x67: {  	_ =	shalt  }
0x68: {  	_ =	shalt  }
0x69: {  	_ =	shalt  }
0x6a: {  	_ =	shalt  }
0x6b: {  	_ =	shalt  }
0x6c: {  	_ =	shalt  }
0x6d: {  	_ =	shalt  }
0x6e: {  	_ =	shalt  }
0x6f: {  	_ =	shalt  }
0x70: {  	_ =	shalt  }
0x71: {  	_ =	shalt  }
0x72: {  	_ =	shalt  }
0x73: {  	_ =	shalt  }
0x74: {  	_ =	shalt  }
0x75: {  	_ =	shalt  }
0x76: {  	_ =	shalt  }
0x77: {  	_ =	shalt  }
0x78: {  	_ =	shalt  }
0x79: {  	_ =	shalt  }
0x7a: {  	_ =	shalt  }
0x7b: {  	_ =	shalt  }
0x7c: {  	_ =	shalt  }
0x7d: {  	_ =	shalt  }
0x7e: {  	_ =	shalt  }
0x7f: {  	_ =	shalt  }
0x80: {  	_ =	shalt  }
0x81: {  	_ =	shalt  }
0x82: {  	_ =	shalt  }
0x83: {  	_ =	shalt  }
0x84: {  	_ =	shalt  }
0x85: {  	_ =	shalt  }
0x86: {  	_ =	shalt  }
0x87: {  	_ =	shalt  }
.Lfunc_end0:
.L_simem_size_0:
called_computation_lowered:
.L_overlay_start_0:
0x88: {  	s2 =	sld [smem:$0x3FD9]  }
0x89: {  	s3 =	sld [smem:$0x3FFE];
	_ =	sdelay $0x1  }
0x8a: {  	s1 =	srdreg.scid  }
0x8b: {  	s0 =	sand.u32 $0x1, s1  }
0x8c: {  	s14 =	sshll.u32 s0, $0xA;
	s2 =	sadd.s32 s3, s2  }
0x8d: {  	s2 =	sadd.s32 s2, s14  }
0x8e: {  	[smem:$0x3FC5] =	sst s2  }
0x8f: {  	_ = 	snop  }
0x90: {  	s2 =	sld [smem:$0x3FD0];
	_ =	sdelay $0x2  }
0x91: {  	s15 =	simm.s32 $0xA;
	s4 =	simm.s32 $0x10  }
0x92: {  	[smem:s4], [sflag:s15] =	dma.local [hbm:s2], $0x1  }
0x93: {  	_ =	swait.eq [sflag:s15], $0x1  }
0x94: {  	[sflag:s15] =	ssyncset.done $0x0  }
0x95: {  	s16 =	sld [smem:$0x10];
	[sflag:s15] =	ssyncadd.s32 $0xFFFFFFFF  }
0x96: {  	s17 =	sld [smem:$0x11];
	(tm) =	ssettm $0x1  }
0x97: {  	s18 =	sld [smem:$0x3FFB];
	_ =	sdelay $0x3  }
0x98: {  	_ =	strace s18  }
0x99: {  	s4 =	sld [smem:$0x3FFC];
	_ =	sdelay $0x3  }
0x9a: {  	_ =	strace s4  }
0x9b: {  	s4 =	sld [smem:$0x3FFD];
	_ =	sdelay $0x3  }
0x9c: {  	_ =	strace s4  }
0x9d: {  	_ =	strace $0x8FFFFFFF  }
0x9e: {  	s19 =	sld [smem:$0x3FDB];
	_ =	sdelay $0x1  }
0x9f: {  	s5 =	simm.s32 $_scs_section_size  }
0xa0: {  	s6 =	simm.s32 $_size__tile_overlayer_lowered;
	s7 =	simm.s32 $_tile_overlayer_lowered  }
0xa1: {  	s22 =	simm.s32 $0x1BFF;
	s21 =	sshll.u32 s7, $0x1;
	s4 =	sadd.s32 s5, s19  }
0xa2: {  	s8 =	simm.s32 $0x0;
	s20 =	sshll.u32 s6, $0x1;
	s6 =	sadd.s32 s21, s4  }
0xa3: {  	[timem:s8], [sflag:s22] =	dma.local [hbm:s6], s20  }
0xa4: {  	_ =	swait.ge [sflag:s22], s20  }
0xa5: {  	s5 =	ssub.s32 $0x0, s20;
	[sflag:s22] =	ssyncset.done $0x0  }
0xa6: {  	[sflag:s22] =	ssyncadd.s32 s5;
	_ =	sdelay $0x1  }
0xa7: {  	s23 =	simm.s32 $0x1B8B  }
0xa8: {  	_ =	swait.ge [sflag:s23], $0x1  }
0xa9: {  	[sflag:s23] =	ssyncset.done $0x0  }
0xaa: {  	s25 =	simm.s32 $0x1B8E;
	s24 =	sld [smem:$0x3FFE];
	[sflag:s23] =	ssyncadd.s32 $0xFFFFFFFF  }
0xab: {  	s26 =	simm.s32 $execute0_lowered;
	[smem:$0x3FD2] =	sst s25  }
0xac: {  	s6 =	sshll.u32 s26, $0x1;
	_ =	strace $0x80000046;
	[dreg:$0x1] =	wrdreg $0xFFFFFFFF  }
0xad: {  	s28 =	simm.s32 $_size_execute0_lowered;
	s4 =	sadd.s32 s4, s6;
	[dreg:$0x0] =	wrdreg $0x0  }
0xae: {  	s6 =	sshll.u32 s28, $0x1;
	[dreg:$0x2] =	wrdreg s4  }
0xaf: {  	[dreg:$0x3] =	wrdreg s6  }
0xb0: {  	[dreg:$0x4] =	wrdreg $0xC0  }
0xb1: {  	_ =	task [dreg:s8], $0x5FFFF  }
0xb2: {  	[dreg:$0x1] =	wrdreg $0xFFFFFFFF  }
0xb3: {  	[dreg:$0x0] =	wrdreg $0x60  }
0xb4: {  	[dreg:$0x2] =	wrdreg s24  }
0xb5: {  	[dreg:$0x3] =	wrdreg s17  }
0xb6: {  	[dreg:$0x4] =	wrdreg s16  }
0xb7: {  	[dreg:$0x5] =	wrdreg $0x9  }
0xb8: {  	_ =	task.clear_ibuf [dreg:s8], $0x6FFFF;
	_ =	strace $0x90000046  }
0xb9: {  	s29 =	simm.s32 $0x9;
	_ =	strace $0x80000048  }
0xba: {  	_ =	swait.ge [sflag:s29], $0x1  }
0xbb: {  	[sflag:s29] =	ssyncadd.s32 $0xFFFFFFFF  }
0xbc: {  	_ =	strace $0x90000048  }
0xbd: {  	_ =	sfence  }
0xbe: {  	s30 =	sld [smem:$0x0];
	_ =	sdelay $0x2  }
0xbf: {  	s31 =	sshll.u32 s1, $0xD;
	s1 =	sshrl.u32 s1, $0x2  }
0xc0: {  	s3 =	sand.u32 $0x4000, s31;
	s1 =	sadd.s32 s1, s30  }
0xc1: {  	s0 =	sor.u32 s3, s0;
	s1 =	sshll.u32 s1, $0x11  }
0xc2: {  	s0 =	sor.u32 s1, s0  }
0xc3: {  	s0 =	sadd.s32 $0x8F2B, s0  }
0xc4: {  	[sflag:s0] =	ssyncadd.remote.s32 $0x1  }
0xc5: {  	_ =	sfence.sel $0xFFFF  }
0xc6: {  	[dreg:$0x0] =	wrdreg $0xFFFFFFFF;
	(pc) =	sbr.abs _section_cstart, $3  }
0xc7: {  	[dreg:$0x1] =	wrdreg $0xFFFFFFFF  }
0xc8: {  	_ =	task.clear_ibuf [dreg:s8], $0x2FFFF;
	_ =	strace $0x9FFFFFFF  }
0xc9: {  	(tm) =	ssettm $0x7FFFFFFF  }
tec
execute0_lowered:
.L_overlay_start_1:
0x0: {  	(tag) =	ssettag $0x1  }
0x1: {  	s0 =	rddreg [dreg:$0x0]  }
0x2: {  	s2 =	rddreg [dreg:$0x1]  }
0x3: {  	s11 =	rddreg [dreg:$0x2];
	s1 =	simm.s32 $0x0  }
0x4: {  	s5 =	srdreg.scid;
	s6 =	stileid.u32;
	s15 =	simm.s32 $0x300  }
0x5: {  	s16 =	simm.s32 $0x4A80;
	s17 =	simm.s32 $0x2;
	s20 =	simm.s32 $0x180  }
0x6: {  	s21 =	simm.s32 $0x200;
	s22 =	simm.s32 $0x280;
	s23 =	simm.s32 $0x7800  }
0x7: {  	s24 =	simm.s32 $0x1;
	s25 =	simm.s32 $0x7700;
	s28 =	simm.s32 $0x7900  }
0x8: {  	s29 =	simm.s32 $0x7980;
	s30 =	simm.s32 $0x7A00;
	s31 =	simm.s32 $0x0  }
0x9: {  	[smem:$0x7FF] =	sst s1;
	s3 =	sadd.s32 $0x1A00, s0;
	s4 =	sadd.s32 $0x1C00, s0  }
0xa: {  	s5 =	sand.u32 $0x1, s5;
	s6 =	sshll.u32 s6, $0x5;
	_ =	strace $0x80000047  }
0xb: {  	s7 =	sshll.u32 s5, $0x4;
	s8 =	ssub.s32 $0x2, s5;
	s5 =	sadd.s32 $0x2400, s0  }
.Ltmp0:
0xc: {  	s12 =	sor.u32 s7, s6;
	s26 =	sshrl.u32 s8, $0x1;
	(pc) =	sbr.rel .LBB2_1-.Ltmp0, $4  }
0xd: {  	v0 =	vlaneseq.u32;
	s6 =	sadd.s32 $0x1E00, s0;
	s0 =	sadd.s32 s12, s0;
	s14 =	ssub.s32 s8, s26  }
0xe: {  	v1 =	vimm.s32 $0x0;
	v9 =	vimm.f32 $-5.000000000e-01;
	v2 =	vor.u32 $0x10, v0;
	s8 =	sadd.s32 s2, s12;
	s11 =	sadd.s32 s11, s12;
	s26 =	simm.s32 $0x7780  }
0xf: {  	v3 =	vor.u32 $0x20, v0;
	v4 =	vor.u32 $0x30, v0;
	v5 =	vor.u32 $0x40, v0;
	s7 =	sadd.s32 $0x1400, s0;
	s9 =	sadd.s32 $0x1800, s0;
	s10 =	sadd.s32 $0x1600, s0  }
0x10: {  	v6 =	vor.u32 $0x50, v0;
	v7 =	vor.u32 $0x60, v0;
	v8 =	vor.u32 $0x70, v0;
	s12 =	sadd.s32 $0x2E00, s0;
	s13 =	sadd.s32 $0x3000, s0;
	s14 =	smax.u32 s14, $0x1  }
.LBB2_6:
0x11: {  	[hbm4b:s11+s1] =	stream.linear.scatter [tilespmem:s28], [sflag:$0x2], $0x80, $0x38;
	[tilespmem:$0x7A80] =	vst v63  }
0x12: {  	_ =	swait.ge [sflag:s17], $0x80  }
0x13: {  	[sflag:s17] =	ssyncset.done $0x0  }
0x14: {  	[sflag:s17] =	ssyncadd.s32 $0xFFFFFF80  }
0x15: {  	[hbm4b:s12+s1] =	stream.linear.scatter [tilespmem:s29], [sflag:$0x2], $0x80, $0x38;
	[tilespmem:$0x7A80] =	vst v63  }
0x16: {  	s31 =	sadd.s32 $0x1, s31;
	_ =	swait.ge [sflag:s17], $0x80  }
0x17: {  	p0 =	sne.s32 s31, s14;
	[sflag:s17] =	ssyncset.done $0x0  }
.Ltmp1:
0x18: {  	[sflag:s17] =	ssyncadd.s32 $0xFFFFFF80;
	(pc) =	sbr.rel @!p0 .LBB2_7-.Ltmp1, $4  }
0x19: {  	[hbm4b:s13+s1] =	stream.linear.scatter [tilespmem:s30], [sflag:$0x2], $0x80, $0x38;
	[tilespmem:$0x7A80] =	vst v63  }
0x1a: {  	_ =	swait.ge [sflag:s17], $0x80  }
0x1b: {  	[sflag:s17] =	ssyncset.done $0x0  }
0x1c: {  	[sflag:s17] =	ssyncadd.s32 $0xFFFFFF80  }
.LBB2_1:
0x1d: {  	[tilespmem:s15], [sflag:$0x1] =	stream.linear.gather [hbm4b:s5+s1], $0x4780, $0x38;
	[tilespmem:$0x7A80] =	vst v63  }
0x1e: {  	_ = 	snop  }
0x1f: {  	[tilespmem:s16], [sflag:$0x1] =	stream.linear.gather [hbm4b:s6+s1], $0x2C80, $0x38;
	[tilespmem:$0x7A80] =	vst v63  }
0x20: {  	_ = 	snop  }
0x21: {  	[tilespmem:s1], [sflag:$0x2] =	stream.linear.gather [hbm4b:s7+s1], $0x80, $0x38;
	[tilespmem:$0x7A80] =	vst v63  }
0x22: {  	_ =	swait.ge [sflag:s17], $0x80  }
0x23: {  	[sflag:s17] =	ssyncset.done $0x0  }
0x24: {  	s0 =	simm.s32 $0x80;
	[sflag:s17] =	ssyncadd.s32 $0xFFFFFF80  }
0x25: {  	[tilespmem:s0], [sflag:$0x2] =	stream.linear.gather [hbm4b:s8+s1], $0x80, $0x38;
	[tilespmem:$0x7A80] =	vst v63  }
0x26: {  	_ =	swait.ge [sflag:s17], $0x80  }
0x27: {  	[sflag:s17] =	ssyncset.done $0x0  }
0x28: {  	s18 =	simm.s32 $0x100;
	[sflag:s17] =	ssyncadd.s32 $0xFFFFFF80  }
0x29: {  	[tilespmem:s18], [sflag:$0x2] =	stream.linear.gather [hbm4b:s9+s1], $0x80, $0x38;
	[tilespmem:$0x7A80] =	vst v63  }
0x2a: {  	_ =	swait.ge [sflag:s17], $0x80  }
0x2b: {  	[sflag:s17] =	ssyncset.done $0x0  }
0x2c: {  	[sflag:s17] =	ssyncadd.s32 $0xFFFFFF80  }
0x2d: {  	[tilespmem:s20], [sflag:$0x2] =	stream.linear.gather [hbm4b:s10+s1], $0x80, $0x38;
	[tilespmem:$0x7A80] =	vst v63  }
0x2e: {  	_ =	swait.ge [sflag:s17], $0x80  }
0x2f: {  	[sflag:s17] =	ssyncset.done $0x0  }
0x30: {  	[sflag:s17] =	ssyncadd.s32 $0xFFFFFF80  }
0x31: {  	[tilespmem:s21], [sflag:$0x2] =	stream.linear.gather [hbm4b:s3+s1], $0x80, $0x38;
	[tilespmem:$0x7A80] =	vst v63  }
0x32: {  	_ =	swait.ge [sflag:s17], $0x80  }
0x33: {  	[sflag:s17] =	ssyncset.done $0x0  }
0x34: {  	[sflag:s17] =	ssyncadd.s32 $0xFFFFFF80  }
0x35: {  	[tilespmem:s22], [sflag:$0x2] =	stream.linear.gather [hbm4b:s4+s1], $0x80, $0x38;
	[tilespmem:$0x7A80] =	vst v63  }
0x36: {  	_ =	swait.ge [sflag:s17], $0x80  }
0x37: {  	[sflag:s17] =	ssyncset.done $0x0  }
0x38: {  	[sflag:s17] =	ssyncadd.s32 $0xFFFFFF80  }
0x39: {  	v12 =	vld [tilespmem:$0x0]  }
0x3a: {  	v13 =	vld [tilespmem:$0x100]  }
0x3b: {  	v14 =	vld [tilespmem:$0x80]  }
0x3c: {  	v15 =	vld [tilespmem:$0x180]  }
0x3d: {  	v10 =	vld [tilespmem:$0x200]  }
0x3e: {  	v11 =	vld [tilespmem:$0x280];
	_ =	sdelay $0x2  }
0x3f: {  	v12 =	vsub.f32 v12, v13;
	v29 =	vsub.f32 v14, v15;
	_ =	sdelay $0x1  }
0x40: {  	v30 =	vmul.f32 v12, v10;
	v15 =	vmul.f32 v29, v11  }
0x41: {  	v12 =	vmul.f32 v12, v11;
	v13 =	vmul.f32 v29, v10;
	_ =	sdelay $0x1  }
0x42: {  	v37 =	vsub.f32 v30, v15;
	v36 =	vadd.f32 v13, v12;
	_ =	sdelay $0x1  }
0x43: {  	v40 =	vadd.f32 v37, v37;
	v41 =	vadd.f32 v36, v36;
	_ =	sdelay $0x1  }
0x44: {  	v31 =	vmul.f32 v40, v40;
	v32 =	vmul.f32 v41, v41;
	_ =	sdelay $0x1  }
0x45: {  	v12 =	vadd.f32 v32, v31  }
0x46: {  	[tilespmem:$0x7700] =	vst v37  }
0x47: {  	[tilespmem:$0x7780] =	vst v36;
	vm0 =	vgt.f32 v12, $3.364000000e+03  }
0x48: {  	[tilespmem:s23+$0x0] =	vst.msk vm0, v0  }
0x49: {  	v12 =	vsel vm0, $0x1, v1;
	v33 =	vld [tilespmem:$0x10]  }
0x4a: {  	(xrf0) =	vadd.scan.msk.s32 $0xffff, v12;
	v34 =	vld [tilespmem:$0x110]  }
0x4b: {  	v35 =	vld [tilespmem:$0x90]  }
0x4c: {  	v38 =	vld [tilespmem:$0x190];
	_ =	sdelay $0x3  }
0x4d: {  	v12 =	vsub.f32 v33, v34;
	v16, _, _ =	vpop (xrf0)  }
0x4e: {  	v39 =	vsub.f32 v35, v38;
	(v2sf) =	vpush v16, $0xF;
	_ =	sdelay $0x1  }
0x4f: {  	v42 =	vmul.f32 v12, v10;
	v15 =	vmul.f32 v39, v11  }
0x50: {  	v12 =	vmul.f32 v12, v11;
	v13 =	vmul.f32 v39, v10;
	_ =	sdelay $0x1  }
0x51: {  	v33 =	vsub.f32 v42, v15;
	v32 =	vadd.f32 v13, v12;
	_ =	sdelay $0x1  }
0x52: {  	v38 =	vadd.f32 v33, v33;
	v39 =	vadd.f32 v32, v32;
	_ =	sdelay $0x1  }
0x53: {  	v43 =	vmul.f32 v38, v38;
	v44 =	vmul.f32 v39, v39;
	_ =	sdelay $0x1  }
0x54: {  	v12 =	vadd.f32 v44, v43;
	_ =	sdelay $0x1  }
0x55: {  	vm8 =	vgt.f32 v12, $3.364000000e+03  }
0x56: {  	[tilespmem:$0x7710] =	vst v33;
	v12 =	vsel vm8, $0x1, v1  }
0x57: {  	[tilespmem:$0x7790] =	vst v32;
	(xrf0) =	vadd.scan.msk.s32 $0xffff, v12;
	s19 =	spop (v2sf)  }
0x58: {  	[tilespmem:s19+$0x7800] =	vst.msk vm8, v2  }
0x59: {  	v45 =	vld [tilespmem:$0x20]  }
0x5a: {  	v46 =	vld [tilespmem:$0x120]  }
0x5b: {  	v47 =	vld [tilespmem:$0xA0]  }
0x5c: {  	v48 =	vld [tilespmem:$0x1A0]  }
0x5d: {  	v49, _, _ =	vpop (xrf0)  }
0x5e: {  	(v2sf) =	vpush v49, $0xF;
	_ =	sdelay $0x2  }
0x5f: {  	v12 =	vsub.f32 v45, v46;
	v50 =	vsub.f32 v47, v48;
	_ =	sdelay $0x1  }
0x60: {  	v51 =	vmul.f32 v12, v10;
	v15 =	vmul.f32 v50, v11  }
0x61: {  	v12 =	vmul.f32 v12, v11;
	v13 =	vmul.f32 v50, v10;
	_ =	sdelay $0x1  }
0x62: {  	v29 =	vsub.f32 v51, v15;
	v28 =	vadd.f32 v13, v12;
	_ =	sdelay $0x1  }
0x63: {  	v34 =	vadd.f32 v29, v29;
	v35 =	vadd.f32 v28, v28;
	_ =	sdelay $0x1  }
0x64: {  	v52 =	vmul.f32 v34, v34;
	v53 =	vmul.f32 v35, v35;
	_ =	sdelay $0x1  }
0x65: {  	v12 =	vadd.f32 v53, v52  }
0x66: {  	[tilespmem:$0x7720] =	vst v29;
	s2 =	spop (v2sf)  }
0x67: {  	[tilespmem:$0x77A0] =	vst v28;
	vm9 =	vgt.f32 v12, $3.364000000e+03;
	s0 =	sadd.s32 s19, s2  }
0x68: {  	v12 =	vsel vm9, $0x1, v1;
	[tilespmem:s0+$0x7800] =	vst.msk vm9, v3  }
0x69: {  	(xrf0) =	vadd.scan.msk.s32 $0xffff, v12;
	v54 =	vld [tilespmem:$0x30]  }
0x6a: {  	v55 =	vld [tilespmem:$0x130]  }
0x6b: {  	v56 =	vld [tilespmem:$0xB0]  }
0x6c: {  	v57 =	vld [tilespmem:$0x1B0];
	_ =	sdelay $0x2  }
0x6d: {  	v58, _, _ =	vpop (xrf0)  }
0x6e: {  	(v2sf) =	vpush v58, $0xF  }
0x6f: {  	v12 =	vsub.f32 v54, v55;
	v59 =	vsub.f32 v56, v57;
	_ =	sdelay $0x1  }
0x70: {  	v60 =	vmul.f32 v12, v10;
	v15 =	vmul.f32 v59, v11  }
0x71: {  	v12 =	vmul.f32 v12, v11;
	v13 =	vmul.f32 v59, v10;
	_ =	sdelay $0x1  }
0x72: {  	v25 =	vsub.f32 v60, v15;
	v24 =	vadd.f32 v13, v12;
	_ =	sdelay $0x1  }
0x73: {  	v30 =	vadd.f32 v25, v25;
	v31 =	vadd.f32 v24, v24;
	_ =	sdelay $0x1  }
0x74: {  	v61 =	vmul.f32 v30, v30;
	v62 =	vmul.f32 v31, v31;
	_ =	sdelay $0x1  }
0x75: {  	v12 =	vadd.f32 v62, v61;
	_ =	sdelay $0x1  }
0x76: {  	vm10 =	vgt.f32 v12, $3.364000000e+03  }
0x77: {  	[tilespmem:$0x7730] =	vst v25;
	v12 =	vsel vm10, $0x1, v1;
	s18 =	spop (v2sf)  }
0x78: {  	[tilespmem:$0x77B0] =	vst v24;
	(xrf0) =	vadd.scan.msk.s32 $0xffff, v12;
	s0 =	sadd.s32 s0, s18  }
0x79: {  	[tilespmem:s0+$0x7800] =	vst.msk vm10, v4  }
0x7a: {  	v63 =	vld [tilespmem:$0x40]  }
0x7b: {  	v20 =	vld [tilespmem:$0x140]  }
0x7c: {  	v21 =	vld [tilespmem:$0xC0]  }
0x7d: {  	v22 =	vld [tilespmem:$0x1C0]  }
0x7e: {  	v23, _, _ =	vpop (xrf0)  }
0x7f: {  	(v2sf) =	vpush v23, $0xF;
	_ =	sdelay $0x2  }
0x80: {  	v12 =	vsub.f32 v63, v20;
	v26 =	vsub.f32 v21, v22;
	_ =	sdelay $0x1  }
0x81: {  	v27 =	vmul.f32 v12, v10;
	v15 =	vmul.f32 v26, v11  }
0x82: {  	v12 =	vmul.f32 v12, v11;
	v13 =	vmul.f32 v26, v10;
	_ =	sdelay $0x1  }
0x83: {  	v21 =	vsub.f32 v27, v15;
	v20 =	vadd.f32 v13, v12;
	_ =	sdelay $0x1  }
0x84: {  	v26 =	vadd.f32 v21, v21;
	v27 =	vadd.f32 v20, v20;
	_ =	sdelay $0x1  }
0x85: {  	v42 =	vmul.f32 v26, v26;
	v43 =	vmul.f32 v27, v27;
	_ =	sdelay $0x1  }
0x86: {  	v12 =	vadd.f32 v43, v42  }
0x87: {  	[tilespmem:$0x7740] =	vst v21;
	s19 =	spop (v2sf)  }
0x88: {  	[tilespmem:$0x77C0] =	vst v20;
	vm11 =	vgt.f32 v12, $3.364000000e+03;
	s0 =	sadd.s32 s0, s19  }
0x89: {  	v12 =	vsel vm11, $0x1, v1;
	[tilespmem:s0+$0x7800] =	vst.msk vm11, v5  }
0x8a: {  	(xrf0) =	vadd.scan.msk.s32 $0xffff, v12;
	v44 =	vld [tilespmem:$0x50]  }
0x8b: {  	v45 =	vld [tilespmem:$0x150]  }
0x8c: {  	v46 =	vld [tilespmem:$0xD0]  }
0x8d: {  	v47 =	vld [tilespmem:$0x1D0];
	_ =	sdelay $0x2  }
0x8e: {  	v48, _, _ =	vpop (xrf0)  }
0x8f: {  	(v2sf) =	vpush v48, $0xF  }
0x90: {  	v12 =	vsub.f32 v44, v45;
	v49 =	vsub.f32 v46, v47;
	_ =	sdelay $0x1  }
0x91: {  	v50 =	vmul.f32 v12, v10;
	v15 =	vmul.f32 v49, v11  }
0x92: {  	v12 =	vmul.f32 v12, v11;
	v13 =	vmul.f32 v49, v10;
	_ =	sdelay $0x1  }
0x93: {  	v17 =	vsub.f32 v50, v15;
	v16 =	vadd.f32 v13, v12;
	_ =	sdelay $0x1  }
0x94: {  	v22 =	vadd.f32 v17, v17;
	v23 =	vadd.f32 v16, v16;
	_ =	sdelay $0x1  }
0x95: {  	v51 =	vmul.f32 v22, v22;
	v52 =	vmul.f32 v23, v23;
	_ =	sdelay $0x1  }
0x96: {  	v12 =	vadd.f32 v52, v51;
	_ =	sdelay $0x1  }
0x97: {  	vm12 =	vgt.f32 v12, $3.364000000e+03  }
0x98: {  	[tilespmem:$0x7750] =	vst v17;
	v12 =	vsel vm12, $0x1, v1;
	s18 =	spop (v2sf)  }
0x99: {  	[tilespmem:$0x77D0] =	vst v16;
	(xrf0) =	vadd.scan.msk.s32 $0xffff, v12;
	s0 =	sadd.s32 s0, s18  }
0x9a: {  	[tilespmem:s0+$0x7800] =	vst.msk vm12, v6  }
0x9b: {  	v53 =	vld [tilespmem:$0x60]  }
0x9c: {  	v54 =	vld [tilespmem:$0x160]  }
0x9d: {  	v55 =	vld [tilespmem:$0xE0]  }
0x9e: {  	v56 =	vld [tilespmem:$0x1E0]  }
0x9f: {  	v18, _, _ =	vpop (xrf0)  }
0xa0: {  	(v2sf) =	vpush v18, $0xF;
	_ =	sdelay $0x2  }
0xa1: {  	v12 =	vsub.f32 v53, v54;
	v57 =	vsub.f32 v55, v56;
	_ =	sdelay $0x1  }
0xa2: {  	v58 =	vmul.f32 v12, v10;
	v15 =	vmul.f32 v57, v11  }
0xa3: {  	v12 =	vmul.f32 v12, v11;
	v59 =	vmul.f32 v57, v10;
	_ =	sdelay $0x1  }
0xa4: {  	v13 =	vsub.f32 v58, v15;
	v12 =	vadd.f32 v59, v12;
	_ =	sdelay $0x1  }
0xa5: {  	v18 =	vadd.f32 v13, v13;
	v19 =	vadd.f32 v12, v12;
	_ =	sdelay $0x1  }
0xa6: {  	v60 =	vmul.f32 v18, v18;
	v61 =	vmul.f32 v19, v19;
	_ =	sdelay $0x1  }
0xa7: {  	v14 =	vadd.f32 v61, v60  }
0xa8: {  	[tilespmem:$0x7760] =	vst v13;
	s19 =	spop (v2sf)  }
0xa9: {  	[tilespmem:$0x77E0] =	vst v12;
	vm13 =	vgt.f32 v14, $3.364000000e+03;
	s0 =	sadd.s32 s0, s19  }
0xaa: {  	[tilespmem:s0+$0x7800] =	vst.msk vm13, v7  }
0xab: {  	v62 =	vld [tilespmem:$0x70]  }
0xac: {  	v63 =	vld [tilespmem:$0x170]  }
0xad: {  	v42 =	vld [tilespmem:$0xF0]  }
0xae: {  	v43 =	vld [tilespmem:$0x1F0];
	_ =	sdelay $0x4  }
0xaf: {  	v14 =	vsub.f32 v62, v63;
	v45 =	vsub.f32 v42, v43;
	_ =	sdelay $0x1  }
0xb0: {  	v46 =	vmul.f32 v14, v10;
	v43 =	vmul.f32 v45, v11  }
0xb1: {  	v14 =	vmul.f32 v14, v11;
	v10 =	vmul.f32 v45, v10;
	_ =	sdelay $0x1  }
0xb2: {  	v11 =	vsub.f32 v46, v43;
	v10 =	vadd.f32 v10, v14;
	_ =	sdelay $0x1  }
0xb3: {  	v14 =	vadd.f32 v11, v11;
	v15 =	vadd.f32 v10, v10;
	_ =	sdelay $0x1  }
0xb4: {  	v47 =	vmul.f32 v14, v14;
	v48 =	vmul.f32 v15, v15;
	_ =	sdelay $0x1  }
0xb5: {  	v42 =	vadd.f32 v48, v47  }
0xb6: {  	v49 =	vsel vm13, $0x1, v1  }
0xb7: {  	(xrf0) =	vadd.scan.msk.s32 $0xffff, v49;
	vm14 =	vgt.f32 v42, $3.364000000e+03  }
0xb8: {  	v42 =	vsel vm14, $0x1, v1  }
0xb9: {  	(xrf0) =	vadd.scan.msk.s32 $0xffff, v42;
	_ =	sdelay $0x3  }
0xba: {  	v50, _, _ =	vpop (xrf0)  }
0xbb: {  	(v2sf) =	vpush v50, $0xF  }
0xbc: {  	v51, _, _ =	vpop (xrf0)  }
0xbd: {  	(v2sf) =	vpush v51, $0xF;
	_ =	sdelay $0x1  }
0xbe: {  	vm1 =	vge.f32 v41, $0.0e+00  }
0xbf: {  	v52 =	vsel vm1, $0x3F000000, v9  }
0xc0: {  	vm15 =	vge.f32 v40, $0.0e+00;
	v41 =	vadd.f32 v52, v41  }
0xc1: {  	v53 =	vsel vm15, $0x3F000000, v9  }
0xc2: {  	v41 =	vtrunc.f32 v41;
	v40 =	vadd.f32 v53, v40  }
0xc3: {  	v41 =	vcvt.f32.s32 v41  }
0xc4: {  	v40 =	vtrunc.f32 v40  }
0xc5: {  	vm4 =	vgt.s32 v41, $0xFFFFFFC4;
	v40 =	vcvt.f32.s32 v40  }
0xc6: {  	v41 =	vnsel vm4, $0xFFFFFFC4, v41  }
0xc7: {  	vm2 =	vlt.s32 v41, $0x3C;
	vm5 =	vgt.s32 v40, $0xFFFFFFC4  }
0xc8: {  	v41 =	vnsel vm2, $0x3C, v41;
	v40 =	vnsel vm5, $0xFFFFFFC4, v40  }
0xc9: {  	v54 =	vsub.s32 $0x42, v41;
	vm1 =	vlt.s32 v40, $0x3C;
	[tilespmem:$0x7770] =	vst v11;
	s18 =	spop (v2sf)  }
0xca: {  	v40 =	vnsel vm1, $0x3C, v40;
	[tilespmem:$0x77F0] =	vst v10;
	v42 =	vmul.u32 $0x87, v54;
	s0 =	sadd.s32 s0, s18  }
0xcb: {  	v44 =	vadd.s32 $0x43, v40;
	v45 =	vadd.s32 $0x1, v41;
	[tilespmem:s0+$0x7800] =	vst.msk vm14, v8;
	s19 =	spop (v2sf)  }
0xcc: {  	v55 =	vadd.s32 $0xFFFFFFFF, v40;
	v45 =	vcvt.s32.f32 v45;
	v42 =	vadd.s32 v44, v42;
	_ =	swait.ge [sflag:s24], $0x4780  }
0xcd: {  	v43 =	vcvt.s32.f32 v55;
	v46 =	vadd.s32 $0xFFFFFFFF, v42;
	[sflag:s24] =	ssyncset.done $0x0  }
0xce: {  	v45 =	vmul.f32 $5.000000000e-01, v45;
	[sflag:s24] =	ssyncadd.s32 $0xFFFFB880  }
0xcf: {  	v43 =	vmul.f32 $5.000000000e-01, v43;
	_ =	swait.ge [sflag:s24], $0x2C80  }
0xd0: {  	v50 =	vsub.s32 $0x43, v41;
	v45 =	vsub.f32 v36, v45;
	v47 =	vcvt.s32.f32 v40;
	[sflag:s24] =	ssyncset.done $0x0  }
0xd1: {  	v50 =	vmul.u32 $0x87, v50;
	v43 =	vsub.f32 v37, v43;
	[sflag:s24] =	ssyncadd.s32 $0xFFFFD380  }
0xd2: {  	v45 =	vmul.f32 v45, v45;
	v40 =	vadd.s32 $0x1, v40;
	v47 =	vmul.f32 $5.000000000e-01, v47;
	v46 =	vld.idx.msk [tilespmem:v46+s15+$0x0], $0xffff  }
0xd3: {  	v43 =	vmul.f32 v43, v43;
	v40 =	vcvt.s32.f32 v40;
	v48 =	vadd.s32 $0x1, v42  }
0xd4: {  	v52 =	vcvt.s32.f32 v41;
	v47 =	vsub.f32 v37, v47  }
0xd5: {  	v50 =	vadd.s32 v44, v50;
	v49 =	vadd.f32 v45, v43;
	v40 =	vmul.f32 $5.000000000e-01, v40;
	v42 =	vld.idx.msk [tilespmem:v42+s15+$0x0], $0xffff  }
0xd6: {  	v52 =	vmul.f32 $5.000000000e-01, v52;
	v53 =	vadd.s32 $0xFFFFFFFF, v50;
	v47 =	vmul.f32 v47, v47  }
0xd7: {  	vm7 =	vlt.f32 v49, $1.000000020e+30;
	v40 =	vsub.f32 v37, v40;
	vm6 =	vgt.s32 v46, $0xFFFFFFFF  }
0xd8: {  	v56 =	vsub.f32 v36, v52;
	v51 =	vadd.f32 v45, v47;
	v48 =	vld.idx.msk [tilespmem:v48+s15+$0x0], $0xffff;
	vm0 =	vmand vm7, vm6  }
0xd9: {  	v58 =	vsub.s32 $0x44, v41;
	v40 =	vmul.f32 v40, v40;
	v49 =	vnsel vm0, $0x7149F2CA, v49  }
0xda: {  	v41 =	vadd.s32 $0xFFFFFFFF, v41;
	vm8 =	vgt.s32 v42, $0xFFFFFFFF;
	vm9 =	vlt.f32 v51, v49  }
0xdb: {  	v54 =	vadd.s32 $0x1, v50;
	v45 =	vadd.f32 v45, v40;
	v57 =	vld.idx.msk [tilespmem:v53+s15+$0x0], $0xffff;
	vm1 =	vmand vm8, vm9  }
0xdc: {  	v53 =	vmul.u32 $0x87, v58;
	v49 =	vsel vm1, v51, v49;
	v51 =	vmul.f32 v56, v56  }
0xdd: {  	v41 =	vcvt.s32.f32 v41;
	vm10 =	vgt.s32 v48, $0xFFFFFFFF;
	vm3 =	vlt.f32 v45, v49  }
0xde: {  	v50 =	vld.idx.msk [tilespmem:v50+s15+$0x0], $0xffff;
	v44 =	vadd.s32 v44, v53;
	vm2 =	vmand vm10, vm3;
	v55 =	vadd.f32 v43, v51  }
0xdf: {  	v59 =	vadd.s32 $0xFFFFFFFF, v44;
	v45 =	vsel vm2, v45, v49  }
0xe0: {  	v41 =	vmul.f32 $5.000000000e-01, v41;
	vm11 =	vgt.s32 v57, $0xFFFFFFFF;
	vm4 =	vlt.f32 v55, v45  }
0xe1: {  	v54 =	vld.idx.msk [tilespmem:v54+s15+$0x0], $0xffff;
	v60 =	vadd.f32 v51, v47;
	vm3 =	vmand vm11, vm4  }
0xe2: {  	v41 =	vsub.f32 v36, v41;
	v45 =	vsel vm3, v55, v45  }
0xe3: {  	v61 =	vadd.s32 $0x1, v44;
	vm12 =	vgt.s32 v50, $0xFFFFFFFF;
	vm5 =	vlt.f32 v60, v45  }
0xe4: {  	v51 =	vadd.f32 v40, v51;
	v49 =	vld.idx.msk [tilespmem:v59+s15+$0x0], $0xffff;
	vm4 =	vmand vm12, vm5  }
0xe5: {  	v41 =	vmul.f32 v41, v41;
	v45 =	vsel vm4, v60, v45  }
0xe6: {  	vm13 =	vgt.s32 v54, $0xFFFFFFFF;
	v44 =	vld.idx.msk [tilespmem:v44+s15+$0x0], $0xffff;
	vm6 =	vlt.f32 v51, v45  }
0xe7: {  	v43 =	vadd.f32 v41, v43;
	vm5 =	vmand vm13, vm6  }
0xe8: {  	v63 =	vld.idx.msk [tilespmem:v61+s15+$0x0], $0xffff;
	v45 =	vsel vm5, v51, v45  }
0xe9: {  	v46 =	vnsel vm0, $0x0, v46;
	vm14 =	vgt.s32 v49, $0xFFFFFFFF;
	vm15 =	vlt.f32 v43, v45  }
0xea: {  	v62 =	vadd.f32 v41, v47;
	v42 =	vsel vm1, v42, v46;
	vm0 =	vmand vm14, vm15  }
0xeb: {  	vm8 =	vgt.s32 v44, $0xFFFFFFFF;
	v42 =	vsel vm2, v48, v42;
	v43 =	vsel vm0, v43, v45  }
0xec: {  	v40 =	vadd.f32 v41, v40;
	v42 =	vsel vm3, v57, v42;
	vm9 =	vlt.f32 v62, v43  }
0xed: {  	vm10 =	vgt.s32 v63, $0xFFFFFFFF;
	v42 =	vsel vm4, v50, v42;
	vm1 =	vmand vm8, vm9  }
0xee: {  	vm12 =	vge.f32 v39, $0.0e+00;
	v45 =	vsel vm5, v54, v42;
	v48 =	vsel vm1, v62, v43  }
0xef: {  	v50 =	vsel vm12, $0x3F000000, v9;
	v41 =	vsel vm0, v49, v45;
	vm11 =	vlt.f32 v40, v48  }
0xf0: {  	v39 =	vadd.f32 v50, v39;
	v49 =	vsel vm1, v44, v41;
	vm0 =	vmand vm10, vm11  }
0xf1: {  	v40 =	vsel vm0, v63, v49  }
0xf2: {  	vm13 =	vge.f32 v38, $0.0e+00;
	v39 =	vtrunc.f32 v39  }
0xf3: {  	v52 =	vsel vm13, $0x3F000000, v9;
	v39 =	vcvt.f32.s32 v39  }
0xf4: {  	v38 =	vadd.f32 v52, v38  }
0xf5: {  	vm14 =	vgt.s32 v39, $0xFFFFFFC4  }
0xf6: {  	v38 =	vtrunc.f32 v38;
	v39 =	vnsel vm14, $0xFFFFFFC4, v39;
	v51 =	vld.idx.msk [tilespmem:v40+s16+$0x0], $0xffff  }
0xf7: {  	v38 =	vcvt.f32.s32 v38;
	vm4 =	vlt.s32 v39, $0x3C  }
0xf8: {  	v39 =	vnsel vm4, $0x3C, v39  }
0xf9: {  	vm15 =	vgt.s32 v38, $0xFFFFFFC4;
	v54 =	vsub.s32 $0x42, v39  }
0xfa: {  	v38 =	vnsel vm15, $0xFFFFFFC4, v38;
	v56 =	vadd.s32 $0x1, v39;
	v43 =	vmul.u32 $0x87, v54  }
0xfb: {  	vm0 =	vlt.s32 v38, $0x3C;
	v53 =	vshll.u32 v51, $0x10;
	v41 =	vshra.s32 v51, $0x10  }
0xfc: {  	v38 =	vnsel vm0, $0x3C, v38;
	v42 =	vshra.s32 v53, $0x10;
	v41 =	vcvt.s32.f32 v41  }
0xfd: {  	v46 =	vcvt.s32.f32 v56;
	v45 =	vadd.s32 $0x43, v38;
	v42 =	vcvt.s32.f32 v42  }
0xfe: {  	v55 =	vadd.s32 $0xFFFFFFFF, v38;
	v43 =	vadd.s32 v45, v43;
	v41 =	vmul.f32 $5.000000000e-01, v41  }
0xff: {  	v44 =	vcvt.s32.f32 v55;
	v57 =	vadd.s32 $0xFFFFFFFF, v43;
	v42 =	vmul.f32 $5.000000000e-01, v42  }
0x100: {  	v36 =	vsub.f32 v36, v41  }
0x101: {  	v59 =	vmul.f32 $5.000000000e-01, v46;
	v58 =	vmul.f32 $5.000000000e-01, v44;
	[tilespmem:$0x7900] =	vst v40;
	v37 =	vsub.f32 v37, v42  }
0x102: {  	v61 =	vcvt.s32.f32 v38;
	v38 =	vadd.s32 $0x1, v38;
	[tilespmem:$0x7A00] =	vst v36  }
0x103: {  	v38 =	vcvt.s32.f32 v38;
	v40 =	vsub.f32 v32, v59;
	v60 =	vsub.f32 v33, v58;
	[tilespmem:$0x7980] =	vst v37  }
0x104: {  	v62 =	vadd.s32 $0x1, v43;
	v51 =	vsub.s32 $0x43, v39;
	v36 =	vmul.f32 $5.000000000e-01, v61;
	v41 =	vld.idx.msk [tilespmem:v57+s15+$0x0], $0xffff  }
0x105: {  	v40 =	vmul.f32 v40, v40;
	v46 =	vmul.u32 $0x87, v51;
	v37 =	vmul.f32 v60, v60  }
0x106: {  	v36 =	vsub.f32 v33, v36  }
0x107: {  	v38 =	vmul.f32 $5.000000000e-01, v38;
	v46 =	vadd.s32 v45, v46;
	v43 =	vld.idx.msk [tilespmem:v43+s15+$0x0], $0xffff;
	v63 =	vadd.f32 v40, v37  }
0x108: {  	v53 =	vcvt.s32.f32 v39;
	v54 =	vadd.s32 $0xFFFFFFFF, v46;
	v36 =	vmul.f32 v36, v36  }
0x109: {  	v38 =	vsub.f32 v33, v38;
	vm6 =	vlt.f32 v63, $1.000000020e+30;
	vm5 =	vgt.s32 v41, $0xFFFFFFFF  }
0x10a: {  	v48 =	vmul.f32 $5.000000000e-01, v53;
	v42 =	vld.idx.msk [tilespmem:v62+s15+$0x0], $0xffff;
	v52 =	vadd.f32 v40, v36;
	vm0 =	vmand vm6, vm5  }
0x10b: {  	v38 =	vmul.f32 v38, v38;
	v58 =	vadd.s32 $0x1, v46;
	v44 =	vnsel vm0, $0x7149F2CA, v63  }
0x10c: {  	v55 =	vsub.f32 v32, v48;
	vm7 =	vgt.s32 v43, $0xFFFFFFFF;
	vm8 =	vlt.f32 v52, v44  }
0x10d: {  	v56 =	vld.idx.msk [tilespmem:v54+s15+$0x0], $0xffff;
	v57 =	vsub.s32 $0x44, v39;
	v40 =	vadd.f32 v40, v38;
	vm1 =	vmand vm7, vm8  }
0x10e: {  	v47 =	vmul.f32 v55, v55;
	v49 =	vmul.u32 $0x87, v57;
	v44 =	vsel vm1, v52, v44  }
0x10f: {  	v39 =	vadd.s32 $0xFFFFFFFF, v39;
	vm9 =	vgt.s32 v42, $0xFFFFFFFF;
	vm10 =	vlt.f32 v40, v44  }
0x110: {  	v46 =	vld.idx.msk [tilespmem:v46+s15+$0x0], $0xffff;
	v59 =	vadd.f32 v37, v47;
	v45 =	vadd.s32 v45, v49;
	vm2 =	vmand vm9, vm10  }
0x111: {  	v39 =	vcvt.s32.f32 v39;
	v60 =	vadd.s32 $0xFFFFFFFF, v45;
	v40 =	vsel vm2, v40, v44  }
0x112: {  	vm11 =	vgt.s32 v56, $0xFFFFFFFF;
	vm12 =	vlt.f32 v59, v40  }
0x113: {  	v50 =	vld.idx.msk [tilespmem:v58+s15+$0x0], $0xffff;
	v39 =	vmul.f32 $5.000000000e-01, v39;
	v61 =	vadd.f32 v47, v36;
	vm3 =	vmand vm11, vm12  }
0x114: {  	v62 =	vadd.s32 $0x1, v45;
	v40 =	vsel vm3, v59, v40  }
0x115: {  	vm13 =	vgt.s32 v46, $0xFFFFFFFF;
	v39 =	vsub.f32 v32, v39;
	vm14 =	vlt.f32 v61, v40  }
0x116: {  	v47 =	vadd.f32 v38, v47;
	v44 =	vld.idx.msk [tilespmem:v60+s15+$0x0], $0xffff;
	vm4 =	vmand vm13, vm14  }
0x117: {  	v39 =	vmul.f32 v39, v39;
	v40 =	vsel vm4, v61, v40  }
0x118: {  	vm15 =	vgt.s32 v50, $0xFFFFFFFF;
	vm9 =	vlt.f32 v47, v40  }
0x119: {  	v45 =	vld.idx.msk [tilespmem:v45+s15+$0x0], $0xffff;
	v37 =	vadd.f32 v39, v37;
	vm5 =	vmand vm15, vm9  }
0x11a: {  	v63 =	vld.idx.msk [tilespmem:v62+s15+$0x0], $0xffff;
	v40 =	vsel vm5, v47, v40  }
0x11b: {  	v41 =	vnsel vm0, $0x0, v41;
	vm10 =	vgt.s32 v44, $0xFFFFFFFF;
	vm11 =	vlt.f32 v37, v40  }
0x11c: {  	v36 =	vadd.f32 v39, v36;
	v41 =	vsel vm1, v43, v41;
	vm0 =	vmand vm10, vm11  }
0x11d: {  	v38 =	vadd.f32 v39, v38;
	v41 =	vsel vm2, v42, v41;
	v37 =	vsel vm0, v37, v40  }
0x11e: {  	vm12 =	vgt.s32 v45, $0xFFFFFFFF;
	v47 =	vsel vm3, v56, v41;
	vm13 =	vlt.f32 v36, v37  }
0x11f: {  	vm14 =	vgt.s32 v63, $0xFFFFFFFF;
	v40 =	vsel vm4, v46, v47;
	vm1 =	vmand vm12, vm13  }
0x120: {  	vm4 =	vge.f32 v35, $0.0e+00;
	v48 =	vsel vm5, v50, v40;
	v36 =	vsel vm1, v36, v37  }
0x121: {  	v51 =	vsel vm4, $0x3F000000, v9;
	v49 =	vsel vm0, v44, v48;
	vm15 =	vlt.f32 v38, v36  }
0x122: {  	vm5 =	vge.f32 v34, $0.0e+00;
	v50 =	vsel vm1, v45, v49;
	vm0 =	vmand vm14, vm15  }
0x123: {  	v35 =	vadd.f32 v51, v35;
	v53 =	vsel vm5, $0x3F000000, v9;
	v36 =	vsel vm0, v63, v50  }
0x124: {  	v34 =	vadd.f32 v53, v34  }
0x125: {  	v35 =	vtrunc.f32 v35  }
0x126: {  	v35 =	vcvt.f32.s32 v35;
	v34 =	vtrunc.f32 v34  }
0x127: {  	v34 =	vcvt.f32.s32 v34  }
0x128: {  	vm6 =	vgt.s32 v35, $0xFFFFFFC4;
	v52 =	vld.idx.msk [tilespmem:v36+s16+$0x0], $0xffff  }
0x129: {  	v35 =	vnsel vm6, $0xFFFFFFC4, v35;
	vm7 =	vgt.s32 v34, $0xFFFFFFC4  }
0x12a: {  	vm8 =	vlt.s32 v35, $0x3C;
	v34 =	vnsel vm7, $0xFFFFFFC4, v34  }
0x12b: {  	v35 =	vnsel vm8, $0x3C, v35;
	vm0 =	vlt.s32 v34, $0x3C  }
0x12c: {  	v55 =	vsub.s32 $0x42, v35;
	v34 =	vnsel vm0, $0x3C, v34  }
0x12d: {  	v57 =	vadd.s32 $0x1, v35;
	v54 =	vshll.u32 v52, $0x10;
	v37 =	vshra.s32 v52, $0x10  }
0x12e: {  	v39 =	vmul.u32 $0x87, v55;
	v38 =	vshra.s32 v54, $0x10;
	v37 =	vcvt.s32.f32 v37  }
0x12f: {  	v56 =	vadd.s32 $0xFFFFFFFF, v34;
	v41 =	vadd.s32 $0x43, v34;
	v38 =	vcvt.s32.f32 v38  }
0x130: {  	v42 =	vcvt.s32.f32 v57;
	v39 =	vadd.s32 v41, v39;
	v37 =	vmul.f32 $5.000000000e-01, v37  }
0x131: {  	v40 =	vcvt.s32.f32 v56;
	v58 =	vadd.s32 $0xFFFFFFFF, v39;
	v38 =	vmul.f32 $5.000000000e-01, v38  }
0x132: {  	v32 =	vsub.f32 v32, v37  }
0x133: {  	[tilespmem:$0x7910] =	vst v36;
	v60 =	vmul.f32 $5.000000000e-01, v42;
	v59 =	vmul.f32 $5.000000000e-01, v40;
	v33 =	vsub.f32 v33, v38  }
0x134: {  	v50 =	vsub.s32 $0x43, v35;
	v62 =	vcvt.s32.f32 v34;
	[tilespmem:$0x7A10] =	vst v32  }
0x135: {  	v34 =	vadd.s32 $0x1, v34;
	v36 =	vsub.f32 v28, v60;
	v61 =	vsub.f32 v29, v59;
	[tilespmem:$0x7990] =	vst v33  }
0x136: {  	v34 =	vcvt.s32.f32 v34;
	v42 =	vmul.u32 $0x87, v50;
	v32 =	vmul.f32 $5.000000000e-01, v62;
	v63 =	vld.idx.msk [tilespmem:v58+s15+$0x0], $0xffff  }
0x137: {  	v48 =	vadd.s32 $0x1, v39;
	v36 =	vmul.f32 v36, v36;
	v33 =	vmul.f32 v61, v61  }
0x138: {  	v56 =	vsub.s32 $0x44, v35;
	v32 =	vsub.f32 v29, v32  }
0x139: {  	v34 =	vmul.f32 $5.000000000e-01, v34;
	v42 =	vadd.s32 v41, v42;
	v39 =	vld.idx.msk [tilespmem:v39+s15+$0x0], $0xffff;
	v49 =	vadd.f32 v36, v33  }
0x13a: {  	v52 =	vcvt.s32.f32 v35;
	v53 =	vadd.s32 $0xFFFFFFFF, v42;
	v32 =	vmul.f32 v32, v32  }
0x13b: {  	v34 =	vsub.f32 v29, v34;
	vm10 =	vlt.f32 v49, $1.000000020e+30;
	vm9 =	vgt.s32 v63, $0xFFFFFFFF  }
0x13c: {  	v44 =	vmul.f32 $5.000000000e-01, v52;
	v38 =	vld.idx.msk [tilespmem:v48+s15+$0x0], $0xffff;
	v51 =	vadd.f32 v36, v32;
	vm0 =	vmand vm10, vm9  }
0x13d: {  	v45 =	vmul.u32 $0x87, v56;
	v34 =	vmul.f32 v34, v34;
	v40 =	vnsel vm0, $0x7149F2CA, v49  }
0x13e: {  	v54 =	vsub.f32 v28, v44;
	vm11 =	vgt.s32 v39, $0xFFFFFFFF;
	vm12 =	vlt.f32 v51, v40  }
0x13f: {  	v35 =	vadd.s32 $0xFFFFFFFF, v35;
	v55 =	vld.idx.msk [tilespmem:v53+s15+$0x0], $0xffff;
	v36 =	vadd.f32 v36, v34;
	vm1 =	vmand vm11, vm12  }
0x140: {  	v57 =	vadd.s32 $0x1, v42;
	v43 =	vmul.f32 v54, v54;
	v40 =	vsel vm1, v51, v40  }
0x141: {  	v41 =	vadd.s32 v41, v45;
	vm13 =	vgt.s32 v38, $0xFFFFFFFF;
	vm14 =	vlt.f32 v36, v40  }
0x142: {  	v35 =	vcvt.s32.f32 v35;
	v42 =	vld.idx.msk [tilespmem:v42+s15+$0x0], $0xffff;
	v58 =	vadd.f32 v33, v43;
	vm2 =	vmand vm13, vm14  }
0x143: {  	v59 =	vadd.s32 $0xFFFFFFFF, v41;
	v36 =	vsel vm2, v36, v40  }
0x144: {  	v35 =	vmul.f32 $5.000000000e-01, v35;
	vm15 =	vgt.s32 v55, $0xFFFFFFFF;
	vm8 =	vlt.f32 v58, v36  }
0x145: {  	v46 =	vld.idx.msk [tilespmem:v57+s15+$0x0], $0xffff;
	v60 =	vadd.f32 v43, v32;
	vm3 =	vmand vm15, vm8  }
0x146: {  	v35 =	vsub.f32 v28, v35;
	v36 =	vsel vm3, v58, v36  }
0x147: {  	v61 =	vadd.s32 $0x1, v41;
	vm9 =	vgt.s32 v42, $0xFFFFFFFF;
	vm10 =	vlt.f32 v60, v36  }
0x148: {  	v43 =	vadd.f32 v34, v43;
	v40 =	vld.idx.msk [tilespmem:v59+s15+$0x0], $0xffff;
	vm4 =	vmand vm9, vm10  }
0x149: {  	v35 =	vmul.f32 v35, v35;
	v36 =	vsel vm4, v60, v36  }
0x14a: {  	vm11 =	vgt.s32 v46, $0xFFFFFFFF;
	vm12 =	vlt.f32 v43, v36  }
0x14b: {  	v41 =	vld.idx.msk [tilespmem:v41+s15+$0x0], $0xffff;
	v33 =	vadd.f32 v35, v33;
	vm5 =	vmand vm11, vm12  }
0x14c: {  	v62 =	vld.idx.msk [tilespmem:v61+s15+$0x0], $0xffff;
	v36 =	vsel vm5, v43, v36  }
0x14d: {  	v37 =	vnsel vm0, $0x0, v63;
	vm13 =	vgt.s32 v40, $0xFFFFFFFF;
	vm14 =	vlt.f32 v33, v36  }
0x14e: {  	v32 =	vadd.f32 v35, v32;
	v37 =	vsel vm1, v39, v37;
	vm0 =	vmand vm13, vm14  }
0x14f: {  	v34 =	vadd.f32 v35, v34;
	v37 =	vsel vm2, v38, v37;
	v33 =	vsel vm0, v33, v36  }
0x150: {  	vm15 =	vgt.s32 v41, $0xFFFFFFFF;
	v63 =	vsel vm3, v55, v37;
	vm6 =	vlt.f32 v32, v33  }
0x151: {  	vm7 =	vgt.s32 v62, $0xFFFFFFFF;
	v36 =	vsel vm4, v42, v63;
	vm1 =	vmand vm15, vm6  }
0x152: {  	vm9 =	vge.f32 v31, $0.0e+00;
	v38 =	vsel vm5, v46, v36;
	v32 =	vsel vm1, v32, v33  }
0x153: {  	v44 =	vsel vm9, $0x3F000000, v9;
	v42 =	vsel vm0, v40, v38;
	vm8 =	vlt.f32 v34, v32  }
0x154: {  	v31 =	vadd.f32 v44, v31;
	v43 =	vsel vm1, v41, v42;
	vm0 =	vmand vm7, vm8  }
0x155: {  	v32 =	vsel vm0, v62, v43  }
0x156: {  	vm10 =	vge.f32 v30, $0.0e+00;
	v31 =	vtrunc.f32 v31  }
0x157: {  	v31 =	vcvt.f32.s32 v31;
	v46 =	vsel vm10, $0x3F000000, v9  }
0x158: {  	v30 =	vadd.f32 v46, v30  }
0x159: {  	vm11 =	vgt.s32 v31, $0xFFFFFFC4  }
0x15a: {  	v31 =	vnsel vm11, $0xFFFFFFC4, v31;
	v30 =	vtrunc.f32 v30;
	v45 =	vld.idx.msk [tilespmem:v32+s16+$0x0], $0xffff  }
0x15b: {  	vm13 =	vlt.s32 v31, $0x3C;
	v30 =	vcvt.f32.s32 v30  }
0x15c: {  	v31 =	vnsel vm13, $0x3C, v31  }
0x15d: {  	v48 =	vsub.s32 $0x42, v31;
	vm12 =	vgt.s32 v30, $0xFFFFFFC4  }
0x15e: {  	v51 =	vadd.s32 $0x1, v31;
	v35 =	vmul.u32 $0x87, v48;
	v30 =	vnsel vm12, $0xFFFFFFC4, v30  }
0x15f: {  	vm0 =	vlt.s32 v30, $0x3C;
	v47 =	vshll.u32 v45, $0x10;
	v33 =	vshra.s32 v45, $0x10  }
0x160: {  	v30 =	vnsel vm0, $0x3C, v30;
	v34 =	vshra.s32 v47, $0x10;
	v33 =	vcvt.s32.f32 v33  }
0x161: {  	v38 =	vcvt.s32.f32 v51;
	v50 =	vadd.s32 $0x43, v30;
	v34 =	vcvt.s32.f32 v34  }
0x162: {  	v49 =	vadd.s32 $0xFFFFFFFF, v30;
	v35 =	vadd.s32 v50, v35;
	v33 =	vmul.f32 $5.000000000e-01, v33  }
0x163: {  	v36 =	vcvt.s32.f32 v49;
	v52 =	vadd.s32 $0xFFFFFFFF, v35;
	v34 =	vmul.f32 $5.000000000e-01, v34  }
0x164: {  	v28 =	vsub.f32 v28, v33  }
0x165: {  	v54 =	vmul.f32 $5.000000000e-01, v38;
	[tilespmem:$0x7920] =	vst v32;
	v53 =	vmul.f32 $5.000000000e-01, v36;
	v29 =	vsub.f32 v29, v34  }
0x166: {  	v60 =	vsub.s32 $0x43, v31;
	v56 =	vcvt.s32.f32 v30;
	[tilespmem:$0x7A20] =	vst v28  }
0x167: {  	v32 =	vsub.f32 v24, v54;
	v30 =	vadd.s32 $0x1, v30;
	v55 =	vsub.f32 v25, v53;
	[tilespmem:$0x79A0] =	vst v29  }
0x168: {  	v38 =	vmul.u32 $0x87, v60;
	v30 =	vcvt.s32.f32 v30;
	v28 =	vmul.f32 $5.000000000e-01, v56;
	v57 =	vld.idx.msk [tilespmem:v52+s15+$0x0], $0xffff  }
0x169: {  	v32 =	vmul.f32 v32, v32;
	v58 =	vadd.s32 $0x1, v35;
	v29 =	vmul.f32 v55, v55  }
0x16a: {  	v46 =	vsub.s32 $0x44, v31;
	v28 =	vsub.f32 v25, v28  }
0x16b: {  	v38 =	vadd.s32 v50, v38;
	v30 =	vmul.f32 $5.000000000e-01, v30;
	v35 =	vld.idx.msk [tilespmem:v35+s15+$0x0], $0xffff;
	v59 =	vadd.f32 v32, v29  }
0x16c: {  	v62 =	vcvt.s32.f32 v31;
	v63 =	vadd.s32 $0xFFFFFFFF, v38;
	v28 =	vmul.f32 v28, v28  }
0x16d: {  	v30 =	vsub.f32 v25, v30;
	vm15 =	vlt.f32 v59, $1.000000020e+30;
	vm14 =	vgt.s32 v57, $0xFFFFFFFF  }
0x16e: {  	v40 =	vmul.f32 $5.000000000e-01, v62;
	v34 =	vld.idx.msk [tilespmem:v58+s15+$0x0], $0xffff;
	v61 =	vadd.f32 v32, v28;
	vm0 =	vmand vm15, vm14  }
0x16f: {  	v41 =	vmul.u32 $0x87, v46;
	v30 =	vmul.f32 v30, v30;
	v36 =	vnsel vm0, $0x7149F2CA, v59  }
0x170: {  	v44 =	vsub.f32 v24, v40;
	vm4 =	vgt.s32 v35, $0xFFFFFFFF;
	vm5 =	vlt.f32 v61, v36  }
0x171: {  	v31 =	vadd.s32 $0xFFFFFFFF, v31;
	v45 =	vld.idx.msk [tilespmem:v63+s15+$0x0], $0xffff;
	v32 =	vadd.f32 v32, v30;
	vm1 =	vmand vm4, vm5  }
0x172: {  	v39 =	vmul.f32 v44, v44;
	v47 =	vadd.s32 $0x1, v38;
	v36 =	vsel vm1, v61, v36  }
0x173: {  	v31 =	vcvt.s32.f32 v31;
	vm6 =	vgt.s32 v34, $0xFFFFFFFF;
	vm7 =	vlt.f32 v32, v36  }
0x174: {  	v37 =	vadd.s32 v50, v41;
	v38 =	vld.idx.msk [tilespmem:v38+s15+$0x0], $0xffff;
	v48 =	vadd.f32 v29, v39;
	vm2 =	vmand vm6, vm7  }
0x175: {  	v49 =	vadd.s32 $0xFFFFFFFF, v37;
	v32 =	vsel vm2, v32, v36  }
0x176: {  	v31 =	vmul.f32 $5.000000000e-01, v31;
	vm8 =	vgt.s32 v45, $0xFFFFFFFF;
	vm9 =	vlt.f32 v48, v32  }
0x177: {  	v42 =	vld.idx.msk [tilespmem:v47+s15+$0x0], $0xffff;
	v50 =	vadd.f32 v39, v28;
	vm3 =	vmand vm8, vm9  }
0x178: {  	v31 =	vsub.f32 v24, v31;
	v32 =	vsel vm3, v48, v32  }
0x179: {  	v51 =	vadd.s32 $0x1, v37;
	vm10 =	vgt.s32 v38, $0xFFFFFFFF;
	vm11 =	vlt.f32 v50, v32  }
0x17a: {  	v39 =	vadd.f32 v30, v39;
	v36 =	vld.idx.msk [tilespmem:v49+s15+$0x0], $0xffff;
	vm4 =	vmand vm10, vm11  }
0x17b: {  	v31 =	vmul.f32 v31, v31;
	v32 =	vsel vm4, v50, v32  }
0x17c: {  	vm12 =	vgt.s32 v42, $0xFFFFFFFF;
	vm13 =	vlt.f32 v39, v32  }
0x17d: {  	v37 =	vld.idx.msk [tilespmem:v37+s15+$0x0], $0xffff;
	v29 =	vadd.f32 v31, v29;
	vm5 =	vmand vm12, vm13  }
0x17e: {  	v52 =	vld.idx.msk [tilespmem:v51+s15+$0x0], $0xffff;
	v32 =	vsel vm5, v39, v32  }
0x17f: {  	v33 =	vnsel vm0, $0x0, v57;
	vm14 =	vgt.s32 v36, $0xFFFFFFFF;
	vm15 =	vlt.f32 v29, v32  }
0x180: {  	v28 =	vadd.f32 v31, v28;
	v33 =	vsel vm1, v35, v33;
	vm0 =	vmand vm14, vm15  }
0x181: {  	v30 =	vadd.f32 v31, v30;
	v33 =	vsel vm2, v34, v33;
	v29 =	vsel vm0, v29, v32  }
0x182: {  	vm8 =	vgt.s32 v37, $0xFFFFFFFF;
	v53 =	vsel vm3, v45, v33;
	vm9 =	vlt.f32 v28, v29  }
0x183: {  	vm10 =	vgt.s32 v52, $0xFFFFFFFF;
	v32 =	vsel vm4, v38, v53;
	vm1 =	vmand vm8, vm9  }
0x184: {  	vm12 =	vge.f32 v27, $0.0e+00;
	v54 =	vsel vm5, v42, v32;
	v28 =	vsel vm1, v28, v29  }
0x185: {  	vm13 =	vge.f32 v26, $0.0e+00;
	v55 =	vsel vm0, v36, v54;
	vm11 =	vlt.f32 v30, v28  }
0x186: {  	v57 =	vsel vm12, $0x3F000000, v9;
	v56 =	vsel vm1, v37, v55;
	vm0 =	vmand vm10, vm11  }
0x187: {  	v59 =	vsel vm13, $0x3F000000, v9;
	v27 =	vadd.f32 v57, v27;
	v28 =	vsel vm0, v52, v56  }
0x188: {  	v26 =	vadd.f32 v59, v26  }
0x189: {  	v27 =	vtrunc.f32 v27  }
0x18a: {  	v26 =	vtrunc.f32 v26;
	v27 =	vcvt.f32.s32 v27  }
0x18b: {  	v26 =	vcvt.f32.s32 v26  }
0x18c: {  	vm14 =	vgt.s32 v27, $0xFFFFFFC4;
	v58 =	vld.idx.msk [tilespmem:v28+s16+$0x0], $0xffff  }
0x18d: {  	vm15 =	vgt.s32 v26, $0xFFFFFFC4;
	v27 =	vnsel vm14, $0xFFFFFFC4, v27  }
0x18e: {  	v26 =	vnsel vm15, $0xFFFFFFC4, v26;
	vm4 =	vlt.s32 v27, $0x3C  }
0x18f: {  	v27 =	vnsel vm4, $0x3C, v27;
	vm0 =	vlt.s32 v26, $0x3C  }
0x190: {  	v61 =	vsub.s32 $0x42, v27;
	v26 =	vnsel vm0, $0x3C, v26  }
0x191: {  	v41 =	vadd.s32 $0x1, v27;
	v60 =	vshll.u32 v58, $0x10;
	v29 =	vshra.s32 v58, $0x10  }
0x192: {  	v31 =	vmul.u32 $0x87, v61;
	v30 =	vshra.s32 v60, $0x10;
	v29 =	vcvt.s32.f32 v29  }
0x193: {  	v62 =	vadd.s32 $0xFFFFFFFF, v26;
	v63 =	vadd.s32 $0x43, v26;
	v30 =	vcvt.s32.f32 v30  }
0x194: {  	v34 =	vcvt.s32.f32 v41;
	v31 =	vadd.s32 v63, v31;
	v29 =	vmul.f32 $5.000000000e-01, v29  }
0x195: {  	v32 =	vcvt.s32.f32 v62;
	v42 =	vadd.s32 $0xFFFFFFFF, v31;
	v30 =	vmul.f32 $5.000000000e-01, v30  }
0x196: {  	v24 =	vsub.f32 v24, v29  }
0x197: {  	v44 =	vmul.f32 $5.000000000e-01, v34;
	v43 =	vmul.f32 $5.000000000e-01, v32;
	[tilespmem:$0x7930] =	vst v28;
	v25 =	vsub.f32 v25, v30  }
0x198: {  	v50 =	vsub.s32 $0x43, v27;
	v46 =	vcvt.s32.f32 v26;
	[tilespmem:$0x7A30] =	vst v24  }
0x199: {  	v26 =	vadd.s32 $0x1, v26;
	v28 =	vsub.f32 v20, v44;
	v45 =	vsub.f32 v21, v43;
	[tilespmem:$0x79B0] =	vst v25  }
0x19a: {  	v26 =	vcvt.s32.f32 v26;
	v34 =	vmul.u32 $0x87, v50;
	v24 =	vmul.f32 $5.000000000e-01, v46;
	v47 =	vld.idx.msk [tilespmem:v42+s15+$0x0], $0xffff  }
0x19b: {  	v48 =	vadd.s32 $0x1, v31;
	v28 =	vmul.f32 v28, v28;
	v25 =	vmul.f32 v45, v45  }
0x19c: {  	v24 =	vsub.f32 v21, v24  }
0x19d: {  	v26 =	vmul.f32 $5.000000000e-01, v26;
	v34 =	vadd.s32 v63, v34;
	v31 =	vld.idx.msk [tilespmem:v31+s15+$0x0], $0xffff;
	v49 =	vadd.f32 v28, v25  }
0x19e: {  	v52 =	vcvt.s32.f32 v27;
	v53 =	vadd.s32 $0xFFFFFFFF, v34;
	v24 =	vmul.f32 v24, v24  }
0x19f: {  	v26 =	vsub.f32 v21, v26;
	vm6 =	vlt.f32 v49, $1.000000020e+30;
	vm5 =	vgt.s32 v47, $0xFFFFFFFF  }
0x1a0: {  	v36 =	vmul.f32 $5.000000000e-01, v52;
	v30 =	vld.idx.msk [tilespmem:v48+s15+$0x0], $0xffff;
	v51 =	vadd.f32 v28, v24;
	vm0 =	vmand vm6, vm5  }
0x1a1: {  	v56 =	vsub.s32 $0x44, v27;
	v26 =	vmul.f32 v26, v26;
	v32 =	vnsel vm0, $0x7149F2CA, v49  }
0x1a2: {  	v54 =	vsub.f32 v20, v36;
	vm7 =	vgt.s32 v31, $0xFFFFFFFF;
	vm8 =	vlt.f32 v51, v32  }
0x1a3: {  	v37 =	vmul.u32 $0x87, v56;
	v55 =	vld.idx.msk [tilespmem:v53+s15+$0x0], $0xffff;
	v28 =	vadd.f32 v28, v26;
	vm1 =	vmand vm7, vm8  }
0x1a4: {  	v35 =	vmul.f32 v54, v54;
	v57 =	vadd.s32 $0x1, v34;
	v32 =	vsel vm1, v51, v32  }
0x1a5: {  	v27 =	vadd.s32 $0xFFFFFFFF, v27;
	vm9 =	vgt.s32 v30, $0xFFFFFFFF;
	vm10 =	vlt.f32 v28, v32  }
0x1a6: {  	v33 =	vadd.s32 v63, v37;
	v34 =	vld.idx.msk [tilespmem:v34+s15+$0x0], $0xffff;
	v58 =	vadd.f32 v25, v35;
	vm2 =	vmand vm9, vm10  }
0x1a7: {  	v27 =	vcvt.s32.f32 v27;
	v59 =	vadd.s32 $0xFFFFFFFF, v33;
	v28 =	vsel vm2, v28, v32  }
0x1a8: {  	vm11 =	vgt.s32 v55, $0xFFFFFFFF;
	vm12 =	vlt.f32 v58, v28  }
0x1a9: {  	v27 =	vmul.f32 $5.000000000e-01, v27;
	v38 =	vld.idx.msk [tilespmem:v57+s15+$0x0], $0xffff;
	v60 =	vadd.f32 v35, v24;
	vm3 =	vmand vm11, vm12  }
0x1aa: {  	v61 =	vadd.s32 $0x1, v33;
	v28 =	vsel vm3, v58, v28  }
0x1ab: {  	v27 =	vsub.f32 v20, v27;
	vm13 =	vgt.s32 v34, $0xFFFFFFFF;
	vm14 =	vlt.f32 v60, v28  }
0x1ac: {  	v35 =	vadd.f32 v26, v35;
	v32 =	vld.idx.msk [tilespmem:v59+s15+$0x0], $0xffff;
	vm4 =	vmand vm13, vm14  }
0x1ad: {  	v27 =	vmul.f32 v27, v27;
	v28 =	vsel vm4, v60, v28  }
0x1ae: {  	vm15 =	vgt.s32 v38, $0xFFFFFFFF;
	vm9 =	vlt.f32 v35, v28  }
0x1af: {  	v33 =	vld.idx.msk [tilespmem:v33+s15+$0x0], $0xffff;
	v25 =	vadd.f32 v27, v25;
	vm5 =	vmand vm15, vm9  }
0x1b0: {  	v62 =	vld.idx.msk [tilespmem:v61+s15+$0x0], $0xffff;
	v28 =	vsel vm5, v35, v28  }
0x1b1: {  	v29 =	vnsel vm0, $0x0, v47;
	vm10 =	vgt.s32 v32, $0xFFFFFFFF;
	vm11 =	vlt.f32 v25, v28  }
0x1b2: {  	v24 =	vadd.f32 v27, v24;
	v29 =	vsel vm1, v31, v29;
	vm0 =	vmand vm10, vm11  }
0x1b3: {  	v26 =	vadd.f32 v27, v26;
	v29 =	vsel vm2, v30, v29;
	v25 =	vsel vm0, v25, v28  }
0x1b4: {  	vm12 =	vgt.s32 v33, $0xFFFFFFFF;
	v63 =	vsel vm3, v55, v29;
	vm13 =	vlt.f32 v24, v25  }
0x1b5: {  	vm14 =	vgt.s32 v62, $0xFFFFFFFF;
	v28 =	vsel vm4, v34, v63;
	vm1 =	vmand vm12, vm13  }
0x1b6: {  	vm4 =	vge.f32 v23, $0.0e+00;
	v30 =	vsel vm5, v38, v28;
	v24 =	vsel vm1, v24, v25  }
0x1b7: {  	v34 =	vsel vm4, $0x3F000000, v9;
	v32 =	vsel vm0, v32, v30;
	vm15 =	vlt.f32 v26, v24  }
0x1b8: {  	vm5 =	vge.f32 v22, $0.0e+00;
	v33 =	vsel vm1, v33, v32;
	vm0 =	vmand vm14, vm15  }
0x1b9: {  	v23 =	vadd.f32 v34, v23;
	v36 =	vsel vm5, $0x3F000000, v9;
	v24 =	vsel vm0, v62, v33  }
0x1ba: {  	v22 =	vadd.f32 v36, v22  }
0x1bb: {  	v23 =	vtrunc.f32 v23  }
0x1bc: {  	v23 =	vcvt.f32.s32 v23;
	v22 =	vtrunc.f32 v22  }
0x1bd: {  	v22 =	vcvt.f32.s32 v22  }
0x1be: {  	vm6 =	vgt.s32 v23, $0xFFFFFFC4;
	v35 =	vld.idx.msk [tilespmem:v24+s16+$0x0], $0xffff  }
0x1bf: {  	v23 =	vnsel vm6, $0xFFFFFFC4, v23;
	vm7 =	vgt.s32 v22, $0xFFFFFFC4  }
0x1c0: {  	vm8 =	vlt.s32 v23, $0x3C;
	v22 =	vnsel vm7, $0xFFFFFFC4, v22  }
0x1c1: {  	v23 =	vnsel vm8, $0x3C, v23;
	vm0 =	vlt.s32 v22, $0x3C  }
0x1c2: {  	v38 =	vsub.s32 $0x42, v23;
	v22 =	vnsel vm0, $0x3C, v22  }
0x1c3: {  	v41 =	vadd.s32 $0x1, v23;
	v37 =	vshll.u32 v35, $0x10;
	v25 =	vshra.s32 v35, $0x10  }
0x1c4: {  	v27 =	vmul.u32 $0x87, v38;
	v26 =	vshra.s32 v37, $0x10;
	v25 =	vcvt.s32.f32 v25  }
0x1c5: {  	v39 =	vadd.s32 $0xFFFFFFFF, v22;
	v40 =	vadd.s32 $0x43, v22;
	v26 =	vcvt.s32.f32 v26  }
0x1c6: {  	v30 =	vcvt.s32.f32 v41;
	v27 =	vadd.s32 v40, v27;
	v25 =	vmul.f32 $5.000000000e-01, v25  }
0x1c7: {  	v28 =	vcvt.s32.f32 v39;
	v42 =	vadd.s32 $0xFFFFFFFF, v27;
	v26 =	vmul.f32 $5.000000000e-01, v26  }
0x1c8: {  	v20 =	vsub.f32 v20, v25  }
0x1c9: {  	[tilespmem:$0x7940] =	vst v24;
	v44 =	vmul.f32 $5.000000000e-01, v30;
	v43 =	vmul.f32 $5.000000000e-01, v28;
	v21 =	vsub.f32 v21, v26  }
0x1ca: {  	v50 =	vsub.s32 $0x43, v23;
	v46 =	vcvt.s32.f32 v22;
	[tilespmem:$0x7A40] =	vst v20  }
0x1cb: {  	v22 =	vadd.s32 $0x1, v22;
	v24 =	vsub.f32 v16, v44;
	v45 =	vsub.f32 v17, v43;
	[tilespmem:$0x79C0] =	vst v21  }
0x1cc: {  	v22 =	vcvt.s32.f32 v22;
	v30 =	vmul.u32 $0x87, v50;
	v20 =	vmul.f32 $5.000000000e-01, v46;
	v47 =	vld.idx.msk [tilespmem:v42+s15+$0x0], $0xffff  }
0x1cd: {  	v48 =	vadd.s32 $0x1, v27;
	v24 =	vmul.f32 v24, v24;
	v21 =	vmul.f32 v45, v45  }
0x1ce: {  	v20 =	vsub.f32 v17, v20  }
0x1cf: {  	v22 =	vmul.f32 $5.000000000e-01, v22;
	v30 =	vadd.s32 v40, v30;
	v27 =	vld.idx.msk [tilespmem:v27+s15+$0x0], $0xffff;
	v49 =	vadd.f32 v24, v21  }
0x1d0: {  	v52 =	vcvt.s32.f32 v23;
	v53 =	vadd.s32 $0xFFFFFFFF, v30;
	v20 =	vmul.f32 v20, v20  }
0x1d1: {  	v22 =	vsub.f32 v17, v22;
	vm10 =	vlt.f32 v49, $1.000000020e+30;
	vm9 =	vgt.s32 v47, $0xFFFFFFFF  }
0x1d2: {  	v32 =	vmul.f32 $5.000000000e-01, v52;
	v26 =	vld.idx.msk [tilespmem:v48+s15+$0x0], $0xffff;
	v51 =	vadd.f32 v24, v20;
	vm0 =	vmand vm10, vm9  }
0x1d3: {  	v56 =	vsub.s32 $0x44, v23;
	v22 =	vmul.f32 v22, v22;
	v28 =	vnsel vm0, $0x7149F2CA, v49  }
0x1d4: {  	v54 =	vsub.f32 v16, v32;
	vm11 =	vgt.s32 v27, $0xFFFFFFFF;
	vm12 =	vlt.f32 v51, v28  }
0x1d5: {  	v33 =	vmul.u32 $0x87, v56;
	v55 =	vld.idx.msk [tilespmem:v53+s15+$0x0], $0xffff;
	v24 =	vadd.f32 v24, v22;
	vm1 =	vmand vm11, vm12  }
0x1d6: {  	v31 =	vmul.f32 v54, v54;
	v57 =	vadd.s32 $0x1, v30;
	v28 =	vsel vm1, v51, v28  }
0x1d7: {  	v23 =	vadd.s32 $0xFFFFFFFF, v23;
	vm13 =	vgt.s32 v26, $0xFFFFFFFF;
	vm14 =	vlt.f32 v24, v28  }
0x1d8: {  	v29 =	vadd.s32 v40, v33;
	v30 =	vld.idx.msk [tilespmem:v30+s15+$0x0], $0xffff;
	v58 =	vadd.f32 v21, v31;
	vm2 =	vmand vm13, vm14  }
0x1d9: {  	v23 =	vcvt.s32.f32 v23;
	v59 =	vadd.s32 $0xFFFFFFFF, v29;
	v24 =	vsel vm2, v24, v28  }
0x1da: {  	vm15 =	vgt.s32 v55, $0xFFFFFFFF;
	vm8 =	vlt.f32 v58, v24  }
0x1db: {  	v23 =	vmul.f32 $5.000000000e-01, v23;
	v34 =	vld.idx.msk [tilespmem:v57+s15+$0x0], $0xffff;
	v60 =	vadd.f32 v31, v20;
	vm3 =	vmand vm15, vm8  }
0x1dc: {  	v61 =	vadd.s32 $0x1, v29;
	v24 =	vsel vm3, v58, v24  }
0x1dd: {  	v23 =	vsub.f32 v16, v23;
	vm9 =	vgt.s32 v30, $0xFFFFFFFF;
	vm10 =	vlt.f32 v60, v24  }
0x1de: {  	v31 =	vadd.f32 v22, v31;
	v28 =	vld.idx.msk [tilespmem:v59+s15+$0x0], $0xffff;
	vm4 =	vmand vm9, vm10  }
0x1df: {  	v23 =	vmul.f32 v23, v23;
	v24 =	vsel vm4, v60, v24  }
0x1e0: {  	vm11 =	vgt.s32 v34, $0xFFFFFFFF;
	vm12 =	vlt.f32 v31, v24  }
0x1e1: {  	v29 =	vld.idx.msk [tilespmem:v29+s15+$0x0], $0xffff;
	v21 =	vadd.f32 v23, v21;
	vm5 =	vmand vm11, vm12  }
0x1e2: {  	v62 =	vld.idx.msk [tilespmem:v61+s15+$0x0], $0xffff;
	v24 =	vsel vm5, v31, v24  }
0x1e3: {  	v25 =	vnsel vm0, $0x0, v47;
	vm13 =	vgt.s32 v28, $0xFFFFFFFF;
	vm14 =	vlt.f32 v21, v24  }
0x1e4: {  	v20 =	vadd.f32 v23, v20;
	v25 =	vsel vm1, v27, v25;
	vm0 =	vmand vm13, vm14  }
0x1e5: {  	v22 =	vadd.f32 v23, v22;
	v25 =	vsel vm2, v26, v25;
	v21 =	vsel vm0, v21, v24  }
0x1e6: {  	vm15 =	vgt.s32 v29, $0xFFFFFFFF;
	v63 =	vsel vm3, v55, v25;
	vm6 =	vlt.f32 v20, v21  }
0x1e7: {  	vm7 =	vgt.s32 v62, $0xFFFFFFFF;
	v24 =	vsel vm4, v30, v63;
	vm1 =	vmand vm15, vm6  }
0x1e8: {  	vm9 =	vge.f32 v19, $0.0e+00;
	v31 =	vsel vm5, v34, v24;
	v20 =	vsel vm1, v20, v21  }
0x1e9: {  	vm10 =	vge.f32 v18, $0.0e+00;
	v32 =	vsel vm0, v28, v31;
	vm8 =	vlt.f32 v22, v20  }
0x1ea: {  	v36 =	vsel vm10, $0x3F000000, v9;
	v33 =	vsel vm1, v29, v32;
	vm0 =	vmand vm7, vm8  }
0x1eb: {  	v18 =	vadd.f32 v36, v18;
	v34 =	vsel vm9, $0x3F000000, v9;
	v20 =	vsel vm0, v62, v33  }
0x1ec: {  	v19 =	vadd.f32 v34, v19  }
0x1ed: {  	v18 =	vtrunc.f32 v18  }
0x1ee: {  	v18 =	vcvt.f32.s32 v18;
	v19 =	vtrunc.f32 v19  }
0x1ef: {  	v19 =	vcvt.f32.s32 v19  }
0x1f0: {  	vm12 =	vgt.s32 v18, $0xFFFFFFC4;
	v35 =	vld.idx.msk [tilespmem:v20+s16+$0x0], $0xffff  }
0x1f1: {  	v18 =	vnsel vm12, $0xFFFFFFC4, v18;
	vm11 =	vgt.s32 v19, $0xFFFFFFC4  }
0x1f2: {  	vm0 =	vlt.s32 v18, $0x3C;
	v19 =	vnsel vm11, $0xFFFFFFC4, v19  }
0x1f3: {  	v18 =	vnsel vm0, $0x3C, v18;
	vm13 =	vlt.s32 v19, $0x3C  }
0x1f4: {  	v39 =	vadd.s32 $0xFFFFFFFF, v18;
	v19 =	vnsel vm13, $0x3C, v19  }
0x1f5: {  	v38 =	vsub.s32 $0x42, v19;
	v37 =	vshll.u32 v35, $0x10;
	v21 =	vshra.s32 v35, $0x10  }
0x1f6: {  	v23 =	vmul.u32 $0x87, v38;
	v22 =	vshra.s32 v37, $0x10;
	v21 =	vcvt.s32.f32 v21  }
0x1f7: {  	v40 =	vadd.s32 $0x43, v18;
	v24 =	vcvt.s32.f32 v39;
	v22 =	vcvt.s32.f32 v22  }
0x1f8: {  	v41 =	vadd.s32 $0x1, v19;
	v23 =	vadd.s32 v40, v23;
	v21 =	vmul.f32 $5.000000000e-01, v21  }
0x1f9: {  	v26 =	vcvt.s32.f32 v41;
	v42 =	vadd.s32 $0xFFFFFFFF, v23;
	v22 =	vmul.f32 $5.000000000e-01, v22  }
0x1fa: {  	v16 =	vsub.f32 v16, v21  }
0x1fb: {  	v43 =	vmul.f32 $5.000000000e-01, v24;
	[tilespmem:$0x7950] =	vst v20;
	v44 =	vmul.f32 $5.000000000e-01, v26;
	v17 =	vsub.f32 v17, v22  }
0x1fc: {  	v46 =	vcvt.s32.f32 v18;
	v18 =	vadd.s32 $0x1, v18;
	[tilespmem:$0x7A50] =	vst v16  }
0x1fd: {  	v50 =	vsub.s32 $0x43, v19;
	v45 =	vsub.f32 v13, v43;
	v20 =	vsub.f32 v12, v44;
	[tilespmem:$0x79D0] =	vst v17  }
0x1fe: {  	v18 =	vcvt.s32.f32 v18;
	v26 =	vmul.u32 $0x87, v50;
	v16 =	vmul.f32 $5.000000000e-01, v46;
	v47 =	vld.idx.msk [tilespmem:v42+s15+$0x0], $0xffff  }
0x1ff: {  	v48 =	vadd.s32 $0x1, v23;
	v20 =	vmul.f32 v20, v20;
	v17 =	vmul.f32 v45, v45  }
0x200: {  	v16 =	vsub.f32 v13, v16  }
0x201: {  	v18 =	vmul.f32 $5.000000000e-01, v18;
	v26 =	vadd.s32 v40, v26;
	v23 =	vld.idx.msk [tilespmem:v23+s15+$0x0], $0xffff;
	v49 =	vadd.f32 v20, v17  }
0x202: {  	v52 =	vcvt.s32.f32 v19;
	v53 =	vadd.s32 $0xFFFFFFFF, v26;
	v16 =	vmul.f32 v16, v16  }
0x203: {  	v18 =	vsub.f32 v13, v18;
	vm15 =	vlt.f32 v49, $1.000000020e+30;
	vm14 =	vgt.s32 v47, $0xFFFFFFFF  }
0x204: {  	v28 =	vmul.f32 $5.000000000e-01, v52;
	v22 =	vld.idx.msk [tilespmem:v48+s15+$0x0], $0xffff;
	v51 =	vadd.f32 v20, v16;
	vm0 =	vmand vm15, vm14  }
0x205: {  	v56 =	vsub.s32 $0x44, v19;
	v18 =	vmul.f32 v18, v18;
	v24 =	vnsel vm0, $0x7149F2CA, v49  }
0x206: {  	v54 =	vsub.f32 v12, v28;
	vm4 =	vgt.s32 v23, $0xFFFFFFFF;
	vm5 =	vlt.f32 v51, v24  }
0x207: {  	v29 =	vmul.u32 $0x87, v56;
	v55 =	vld.idx.msk [tilespmem:v53+s15+$0x0], $0xffff;
	v20 =	vadd.f32 v20, v18;
	vm1 =	vmand vm4, vm5  }
0x208: {  	v27 =	vmul.f32 v54, v54;
	v57 =	vadd.s32 $0x1, v26;
	v24 =	vsel vm1, v51, v24  }
0x209: {  	v19 =	vadd.s32 $0xFFFFFFFF, v19;
	vm6 =	vgt.s32 v22, $0xFFFFFFFF;
	vm7 =	vlt.f32 v20, v24  }
0x20a: {  	v25 =	vadd.s32 v40, v29;
	v26 =	vld.idx.msk [tilespmem:v26+s15+$0x0], $0xffff;
	v58 =	vadd.f32 v17, v27;
	vm2 =	vmand vm6, vm7  }
0x20b: {  	v19 =	vcvt.s32.f32 v19;
	v59 =	vadd.s32 $0xFFFFFFFF, v25;
	v20 =	vsel vm2, v20, v24  }
0x20c: {  	vm8 =	vgt.s32 v55, $0xFFFFFFFF;
	vm9 =	vlt.f32 v58, v20  }
0x20d: {  	v19 =	vmul.f32 $5.000000000e-01, v19;
	v30 =	vld.idx.msk [tilespmem:v57+s15+$0x0], $0xffff;
	v60 =	vadd.f32 v27, v16;
	vm3 =	vmand vm8, vm9  }
0x20e: {  	v61 =	vadd.s32 $0x1, v25;
	v20 =	vsel vm3, v58, v20  }
0x20f: {  	v19 =	vsub.f32 v12, v19;
	vm10 =	vgt.s32 v26, $0xFFFFFFFF;
	vm11 =	vlt.f32 v60, v20  }
0x210: {  	v27 =	vadd.f32 v18, v27;
	v24 =	vld.idx.msk [tilespmem:v59+s15+$0x0], $0xffff;
	vm4 =	vmand vm10, vm11  }
0x211: {  	v19 =	vmul.f32 v19, v19;
	v20 =	vsel vm4, v60, v20  }
0x212: {  	vm12 =	vgt.s32 v30, $0xFFFFFFFF;
	vm13 =	vlt.f32 v27, v20  }
0x213: {  	v25 =	vld.idx.msk [tilespmem:v25+s15+$0x0], $0xffff;
	v17 =	vadd.f32 v19, v17;
	vm5 =	vmand vm12, vm13  }
0x214: {  	v62 =	vld.idx.msk [tilespmem:v61+s15+$0x0], $0xffff;
	v20 =	vsel vm5, v27, v20  }
0x215: {  	v21 =	vnsel vm0, $0x0, v47;
	vm14 =	vgt.s32 v24, $0xFFFFFFFF;
	vm15 =	vlt.f32 v17, v20  }
0x216: {  	v16 =	vadd.f32 v19, v16;
	v21 =	vsel vm1, v23, v21;
	vm0 =	vmand vm14, vm15  }
0x217: {  	v18 =	vadd.f32 v19, v18;
	v21 =	vsel vm2, v22, v21;
	v17 =	vsel vm0, v17, v20  }
0x218: {  	vm8 =	vgt.s32 v25, $0xFFFFFFFF;
	v63 =	vsel vm3, v55, v21;
	vm9 =	vlt.f32 v16, v17  }
0x219: {  	vm10 =	vgt.s32 v62, $0xFFFFFFFF;
	v20 =	vsel vm4, v26, v63;
	vm1 =	vmand vm8, vm9  }
0x21a: {  	vm12 =	vge.f32 v15, $0.0e+00;
	v26 =	vsel vm5, v30, v20;
	v16 =	vsel vm1, v16, v17  }
0x21b: {  	vm13 =	vge.f32 v14, $0.0e+00;
	v27 =	vsel vm0, v24, v26;
	vm11 =	vlt.f32 v18, v16  }
0x21c: {  	v29 =	vsel vm12, $0x3F000000, v9;
	v28 =	vsel vm1, v25, v27;
	vm0 =	vmand vm10, vm11  }
0x21d: {  	v31 =	vsel vm13, $0x3F000000, v9;
	v15 =	vadd.f32 v29, v15;
	v16 =	vsel vm0, v62, v28  }
0x21e: {  	v14 =	vadd.f32 v31, v14  }
0x21f: {  	v15 =	vtrunc.f32 v15  }
0x220: {  	v14 =	vtrunc.f32 v14;
	v15 =	vcvt.f32.s32 v15  }
0x221: {  	v14 =	vcvt.f32.s32 v14  }
0x222: {  	vm14 =	vgt.s32 v15, $0xFFFFFFC4;
	v30 =	vld.idx.msk [tilespmem:v16+s16+$0x0], $0xffff  }
0x223: {  	vm15 =	vgt.s32 v14, $0xFFFFFFC4;
	v15 =	vnsel vm14, $0xFFFFFFC4, v15  }
0x224: {  	v14 =	vnsel vm15, $0xFFFFFFC4, v14;
	vm4 =	vlt.s32 v15, $0x3C  }
0x225: {  	v15 =	vnsel vm4, $0x3C, v15;
	vm0 =	vlt.s32 v14, $0x3C  }
0x226: {  	v33 =	vsub.s32 $0x42, v15;
	v14 =	vnsel vm0, $0x3C, v14  }
0x227: {  	v36 =	vadd.s32 $0x1, v15;
	v32 =	vshll.u32 v30, $0x10;
	v17 =	vshra.s32 v30, $0x10  }
0x228: {  	v19 =	vmul.u32 $0x87, v33;
	v18 =	vshra.s32 v32, $0x10;
	v17 =	vcvt.s32.f32 v17  }
0x229: {  	v34 =	vadd.s32 $0xFFFFFFFF, v14;
	v35 =	vadd.s32 $0x43, v14;
	v18 =	vcvt.s32.f32 v18  }
0x22a: {  	v22 =	vcvt.s32.f32 v36;
	v19 =	vadd.s32 v35, v19;
	v17 =	vmul.f32 $5.000000000e-01, v17  }
0x22b: {  	v20 =	vcvt.s32.f32 v34;
	v37 =	vadd.s32 $0xFFFFFFFF, v19;
	v18 =	vmul.f32 $5.000000000e-01, v18  }
0x22c: {  	v12 =	vsub.f32 v12, v17  }
0x22d: {  	v39 =	vmul.f32 $5.000000000e-01, v22;
	v38 =	vmul.f32 $5.000000000e-01, v20;
	[tilespmem:$0x7960] =	vst v16;
	v13 =	vsub.f32 v13, v18  }
0x22e: {  	v45 =	vsub.s32 $0x43, v15;
	v41 =	vcvt.s32.f32 v14;
	[tilespmem:$0x7A60] =	vst v12  }
0x22f: {  	v14 =	vadd.s32 $0x1, v14;
	v16 =	vsub.f32 v10, v39;
	v40 =	vsub.f32 v11, v38;
	[tilespmem:$0x79E0] =	vst v13  }
0x230: {  	v14 =	vcvt.s32.f32 v14;
	v22 =	vmul.u32 $0x87, v45;
	v12 =	vmul.f32 $5.000000000e-01, v41;
	v42 =	vld.idx.msk [tilespmem:v37+s15+$0x0], $0xffff  }
0x231: {  	v43 =	vadd.s32 $0x1, v19;
	v16 =	vmul.f32 v16, v16;
	v13 =	vmul.f32 v40, v40  }
0x232: {  	v12 =	vsub.f32 v11, v12  }
0x233: {  	v14 =	vmul.f32 $5.000000000e-01, v14;
	v22 =	vadd.s32 v35, v22;
	v19 =	vld.idx.msk [tilespmem:v19+s15+$0x0], $0xffff;
	v44 =	vadd.f32 v16, v13  }
0x234: {  	v47 =	vcvt.s32.f32 v15;
	v48 =	vadd.s32 $0xFFFFFFFF, v22;
	v12 =	vmul.f32 v12, v12  }
0x235: {  	v14 =	vsub.f32 v11, v14;
	vm6 =	vlt.f32 v44, $1.000000020e+30;
	vm5 =	vgt.s32 v42, $0xFFFFFFFF  }
0x236: {  	v24 =	vmul.f32 $5.000000000e-01, v47;
	v18 =	vld.idx.msk [tilespmem:v43+s15+$0x0], $0xffff;
	v46 =	vadd.f32 v16, v12;
	vm0 =	vmand vm6, vm5  }
0x237: {  	v51 =	vsub.s32 $0x44, v15;
	v14 =	vmul.f32 v14, v14;
	v20 =	vnsel vm0, $0x7149F2CA, v44  }
0x238: {  	v49 =	vsub.f32 v10, v24;
	vm7 =	vgt.s32 v19, $0xFFFFFFFF;
	vm8 =	vlt.f32 v46, v20  }
0x239: {  	v25 =	vmul.u32 $0x87, v51;
	v50 =	vld.idx.msk [tilespmem:v48+s15+$0x0], $0xffff;
	v16 =	vadd.f32 v16, v14;
	vm1 =	vmand vm7, vm8  }
0x23a: {  	v23 =	vmul.f32 v49, v49;
	v52 =	vadd.s32 $0x1, v22;
	v20 =	vsel vm1, v46, v20  }
0x23b: {  	v15 =	vadd.s32 $0xFFFFFFFF, v15;
	vm9 =	vgt.s32 v18, $0xFFFFFFFF;
	vm10 =	vlt.f32 v16, v20  }
0x23c: {  	v21 =	vadd.s32 v35, v25;
	v22 =	vld.idx.msk [tilespmem:v22+s15+$0x0], $0xffff;
	v53 =	vadd.f32 v13, v23;
	vm2 =	vmand vm9, vm10  }
0x23d: {  	v15 =	vcvt.s32.f32 v15;
	v54 =	vadd.s32 $0xFFFFFFFF, v21;
	v16 =	vsel vm2, v16, v20  }
0x23e: {  	vm11 =	vgt.s32 v50, $0xFFFFFFFF;
	vm12 =	vlt.f32 v53, v16  }
0x23f: {  	v15 =	vmul.f32 $5.000000000e-01, v15;
	v26 =	vld.idx.msk [tilespmem:v52+s15+$0x0], $0xffff;
	v55 =	vadd.f32 v23, v12;
	vm3 =	vmand vm11, vm12  }
0x240: {  	v16 =	vsel vm3, v53, v16  }
0x241: {  	v15 =	vsub.f32 v10, v15;
	vm13 =	vgt.s32 v22, $0xFFFFFFFF;
	vm14 =	vlt.f32 v55, v16  }
0x242: {  	v23 =	vadd.f32 v14, v23;
	v20 =	vld.idx.msk [tilespmem:v54+s15+$0x0], $0xffff;
	vm4 =	vmand vm13, vm14  }
0x243: {  	v56 =	vadd.s32 $0x1, v21;
	v15 =	vmul.f32 v15, v15;
	v16 =	vsel vm4, v55, v16  }
0x244: {  	vm15 =	vgt.s32 v26, $0xFFFFFFFF;
	vm9 =	vlt.f32 v23, v16  }
0x245: {  	v21 =	vld.idx.msk [tilespmem:v21+s15+$0x0], $0xffff;
	v13 =	vadd.f32 v15, v13;
	vm5 =	vmand vm15, vm9  }
0x246: {  	v16 =	vsel vm5, v23, v16  }
0x247: {  	v17 =	vnsel vm0, $0x0, v42;
	vm10 =	vgt.s32 v20, $0xFFFFFFFF;
	vm11 =	vlt.f32 v13, v16  }
0x248: {  	v57 =	vld.idx.msk [tilespmem:v56+s15+$0x0], $0xffff;
	v12 =	vadd.f32 v15, v12;
	v17 =	vsel vm1, v19, v17;
	vm0 =	vmand vm10, vm11  }
0x249: {  	v17 =	vsel vm2, v18, v17;
	v13 =	vsel vm0, v13, v16  }
0x24a: {  	vm12 =	vgt.s32 v21, $0xFFFFFFFF;
	v58 =	vsel vm3, v50, v17;
	vm13 =	vlt.f32 v12, v13  }
0x24b: {  	v14 =	vadd.f32 v15, v14;
	v16 =	vsel vm4, v22, v58;
	vm1 =	vmand vm12, vm13  }
0x24c: {  	v59 =	vsel vm5, v26, v16;
	v12 =	vsel vm1, v12, v13  }
0x24d: {  	vm14 =	vgt.s32 v57, $0xFFFFFFFF;
	v60 =	vsel vm0, v20, v59;
	vm15 =	vlt.f32 v14, v12  }
0x24e: {  	v61 =	vsel vm1, v21, v60;
	vm0 =	vmand vm14, vm15  }
0x24f: {  	v12 =	vsel vm0, v57, v61;
	_ =	sdelay $0x4  }
0x250: {  	v62 =	vld.idx.msk [tilespmem:v12+s16+$0x0], $0xffff;
	_ =	sdelay $0x4  }
0x251: {  	v63 =	vshll.u32 v62, $0x10;
	v13 =	vshra.s32 v62, $0x10  }
0x252: {  	v14 =	vshra.s32 v63, $0x10;
	v13 =	vcvt.s32.f32 v13  }
0x253: {  	s0 =	sadd.s32 s0, s19;
	v14 =	vcvt.s32.f32 v14  }
0x254: {  	p0 =	slt.s32 s0, $0x1;
	v13 =	vmul.f32 $5.000000000e-01, v13  }
.Ltmp2:
0x255: {  	v14 =	vmul.f32 $5.000000000e-01, v14;
	(pc) =	sbr.rel @p0 .LBB2_6-.Ltmp2, $4  }
0x256: {  	v10 =	vsub.f32 v10, v13  }
0x257: {  	[tilespmem:$0x7970] =	vst v12;
	v11 =	vsub.f32 v11, v14  }
0x258: {  	[tilespmem:$0x7A70] =	vst v10  }
0x259: {  	[tilespmem:$0x79F0] =	vst v11  }
0x25a: {  	v10 =	vmov s0;
	s18 =	simm.s32 $0x0;
	s2 =	simm.s32 $0x0  }
.LBB2_3:
0x25b: {  	v11 =	vld [tilespmem:s18+$0x7800];
	_ =	sdelay $0x4  }
0x25c: {  	v11 =	vand.u32 $0x7F, v11;
	_ =	sdelay $0x4  }
0x25d: {  	v13 =	vld.idx.msk [tilespmem:v11+s25+$0x0], $0xffff  }
0x25e: {  	v12 =	vld.idx.msk [tilespmem:v11+s26+$0x0], $0xffff;
	_ =	sdelay $0x4  }
0x25f: {  	v14 =	vadd.f32 v13, v13;
	v15 =	vadd.f32 v12, v12;
	_ =	sdelay $0x1  }
0x260: {  	v16 =	vand.u32 $0x7FFFFFFF, v14;
	v17 =	vand.u32 $0x7FFFFFFF, v15  }
0x261: {  	v18 =	vmax.f32 v16, v17;
	v16 =	vmin.f32 v16, v17  }
0x262: {  	v17 =	vmul.f32 $9.604340190e-01, v18;
	v16 =	vmul.f32 $3.978250030e-01, v16;
	_ =	sdelay $0x1  }
0x263: {  	v16 =	vadd.f32 v16, v17;
	_ =	sdelay $0x1  }
0x264: {  	(erf) = vrcp.f32 v16;
	_ =	sdelay $0x4  }
0x265: {  	v18 =	vmul.f32 v15, v15  }
0x266: {  	v17 =	vmul.f32 v14, v14;
	_ =	sdelay $0x1  }
0x267: {  	v17 =	vadd.f32 v18, v17  }
0x268: {  	v18 =	vpop (erf)  }
0x269: {  	v18 =	vmul.f32 v18, v17;
	_ =	sdelay $0x1  }
0x26a: {  	v16 =	vadd.f32 v18, v16;
	_ =	sdelay $0x1  }
0x26b: {  	v16 =	vmul.f32 $5.000000000e-01, v16;
	_ =	sdelay $0x1  }
0x26c: {  	(erf) = vrcp.f32 v16;
	_ =	sdelay $0x8  }
0x26d: {  	v16 =	vpop (erf)  }
0x26e: {  	v16 =	vmul.f32 $6.000000000e+01, v16  }
0x26f: {  	vm0 =	vle.f32 v17, $3.600000000e+03  }
0x270: {  	v16 =	vsel vm0, $0x3F800000, v16  }
0x271: {  	v14 =	vmul.f32 v16, v14;
	_ =	sdelay $0x1  }
0x272: {  	vm7 =	vge.f32 v14, $0.0e+00  }
0x273: {  	v17 =	vsel vm7, $0x3F000000, v9  }
0x274: {  	v14 =	vadd.f32 v17, v14;
	_ =	sdelay $0x1  }
0x275: {  	v15 =	vmul.f32 v16, v15;
	v14 =	vtrunc.f32 v14  }
0x276: {  	v14 =	vcvt.f32.s32 v14  }
0x277: {  	vm1 =	vge.f32 v15, $0.0e+00  }
0x278: {  	v16 =	vsel vm1, $0x3F000000, v9;
	vm8 =	vgt.s32 v14, $0xFFFFFFC4  }
0x279: {  	v15 =	vadd.f32 v16, v15;
	v14 =	vnsel vm8, $0xFFFFFFC4, v14  }
0x27a: {  	vm0 =	vlt.s32 v14, $0x3C  }
0x27b: {  	v15 =	vtrunc.f32 v15;
	v26 =	vnsel vm0, $0x3C, v14  }
0x27c: {  	v15 =	vcvt.f32.s32 v15;
	v14 =	vadd.s32 $0xFFFFFFF9, v26  }
0x27d: {  	v14 =	vcvt.s32.f32 v14  }
0x27e: {  	vm9 =	vgt.s32 v15, $0xFFFFFFC4  }
0x27f: {  	v15 =	vnsel vm9, $0xFFFFFFC4, v15;
	v18 =	vadd.s32 $0xFFFFFFFC, v26;
	v14 =	vmul.f32 $5.000000000e-01, v14  }
0x280: {  	vm0 =	vlt.s32 v15, $0x3C;
	v16 =	vadd.s32 $0xFFFFFFFA, v26;
	v18 =	vcvt.s32.f32 v18  }
0x281: {  	v19 =	vadd.s32 $0xFFFFFFFD, v26;
	v16 =	vcvt.s32.f32 v16;
	v14 =	vsub.f32 v13, v14  }
0x282: {  	v29 =	vnsel vm0, $0x3C, v15;
	v19 =	vcvt.s32.f32 v19;
	v15 =	vmul.f32 $5.000000000e-01, v18  }
0x283: {  	v17 =	vmul.f32 v14, v14;
	v14 =	vmul.f32 $5.000000000e-01, v16;
	v16 =	vadd.s32 $0xFFFFFFFB, v26  }
0x284: {  	v16 =	vcvt.s32.f32 v16  }
0x285: {  	v20 =	vadd.s32 $0xFFFFFFFE, v26;
	v18 =	vmul.f32 $5.000000000e-01, v19;
	v15 =	vsub.f32 v13, v15  }
0x286: {  	v20 =	vcvt.s32.f32 v20;
	v14 =	vsub.f32 v13, v14;
	v16 =	vmul.f32 $5.000000000e-01, v16  }
0x287: {  	v18 =	vsub.f32 v13, v18;
	v19 =	vmul.f32 v15, v15  }
0x288: {  	s19 =	simm.s32 $0x7;
	v22 =	vmul.f32 v14, v14;
	v14 =	vsub.f32 v13, v16;
	v16 =	vmul.f32 $5.000000000e-01, v20  }
0x289: {  	v15 =	vmul.f32 v18, v18;
	v18 =	vadd.s32 $0xFFFFFFFF, v26;
	v20 =	vadd.s32 s19, v29  }
0x28a: {  	v23 =	vmul.f32 v14, v14;
	v14 =	vsub.f32 v13, v16;
	v16 =	vsub.s32 $0x43, v20  }
0x28b: {  	v18 =	vcvt.s32.f32 v18;
	v16 =	vmul.u32 $0x87, v16  }
0x28c: {  	v30 =	vadd.s32 $0x43, v26;
	v21 =	vcvt.s32.f32 v26  }
0x28d: {  	v18 =	vmul.f32 $5.000000000e-01, v18;
	v32 =	vadd.s32 v16, v30  }
0x28e: {  	v21 =	vmul.f32 $5.000000000e-01, v21;
	v20 =	vcvt.s32.f32 v20;
	v24 =	vadd.s32 $0xFFFFFFF9, v32  }
0x28f: {  	v35 =	vimm.f32 $1.000000020e+30;
	v40 =	vimm.s32 $0x0;
	v18 =	vsub.f32 v13, v18  }
0x290: {  	v28 =	vadd.s32 $0x2, v26;
	v27 =	vsub.f32 v13, v21;
	v20 =	vmul.f32 $-5.000000000e-01, v20  }
0x291: {  	v28 =	vcvt.s32.f32 v28;
	v21 =	vmul.f32 v18, v18;
	v25 =	vadd.s32 $0xFFFFFFFA, v32  }
0x292: {  	v18 =	vmul.f32 v27, v27;
	v27 =	vadd.s32 $0x3, v26;
	v20 =	vadd.f32 v20, v12  }
0x293: {  	v50 =	vadd.s32 $0x6, v26;
	v27 =	vcvt.s32.f32 v27;
	v14 =	vmul.f32 v14, v14;
	v33 =	vld.idx.msk [tilespmem:v24+s15+$0x0], $0xffff  }
0x294: {  	v16 =	vadd.s32 $0x1, v26;
	v31 =	vmul.f32 v20, v20;
	v24 =	vadd.s32 $0xFFFFFFFB, v32  }
0x295: {  	v27 =	vmul.f32 $5.000000000e-01, v27;
	v16 =	vcvt.s32.f32 v16;
	v36 =	vadd.s32 $0xFFFFFFFC, v32  }
0x296: {  	v46 =	vadd.s32 $0xFFFFFFFD, v32;
	v48 =	vadd.s32 $0xFFFFFFFE, v32;
	v34 =	vld.idx.msk [tilespmem:v25+s15+$0x0], $0xffff;
	v25 =	vadd.f32 v31, v17  }
0x297: {  	v49 =	vadd.s32 $0xFFFFFFFF, v32;
	v20 =	vmul.f32 $5.000000000e-01, v28;
	v28 =	vadd.s32 $0x4, v26  }
0x298: {  	v28 =	vcvt.s32.f32 v28;
	vm11 =	vlt.f32 v25, v35;
	vm10 =	vgt.s32 v33, $0xFFFFFFFF  }
0x299: {  	v20 =	vsub.f32 v13, v20;
	v38 =	vadd.f32 v31, v22;
	v37 =	vld.idx.msk [tilespmem:v24+s15+$0x0], $0xffff;
	vm0 =	vmand vm11, vm10  }
0x29a: {  	v39 =	vadd.f32 v31, v23;
	v28 =	vmul.f32 $5.000000000e-01, v28;
	v25 =	vsel vm0, v25, v35  }
0x29b: {  	vm12 =	vgt.s32 v34, $0xFFFFFFFF;
	v24 =	vmul.f32 v20, v20;
	vm2 =	vlt.f32 v38, v25  }
0x29c: {  	v20 =	vsub.f32 v13, v27;
	v27 =	vsub.f32 v13, v28;
	v28 =	vld.idx.msk [tilespmem:v36+s15+$0x0], $0xffff;
	vm1 =	vmand vm12, vm2  }
0x29d: {  	v55 =	vadd.s32 $0x1, v32;
	v58 =	vadd.s32 $0x2, v32;
	v47 =	vsel vm1, v38, v25  }
0x29e: {  	v16 =	vmul.f32 $5.000000000e-01, v16;
	vm13 =	vgt.s32 v37, $0xFFFFFFFF;
	vm3 =	vlt.f32 v39, v47  }
0x29f: {  	v60 =	vadd.s32 $0x3, v32;
	v41 =	vadd.f32 v31, v19;
	v35 =	vld.idx.msk [tilespmem:v46+s15+$0x0], $0xffff;
	vm2 =	vmand vm13, vm3  }
0x2a0: {  	v62 =	vadd.s32 $0x4, v32;
	v16 =	vsub.f32 v13, v16;
	v36 =	vsel vm2, v39, v47  }
0x2a1: {  	v51 =	vadd.f32 v31, v15;
	vm14 =	vgt.s32 v28, $0xFFFFFFFF;
	vm15 =	vlt.f32 v41, v36  }
0x2a2: {  	v53 =	vadd.f32 v31, v14;
	v33 =	vsel vm0, v33, v40;
	v38 =	vld.idx.msk [tilespmem:v48+s15+$0x0], $0xffff;
	vm0 =	vmand vm14, vm15  }
0x2a3: {  	v57 =	vadd.f32 v31, v21;
	v16 =	vmul.f32 v16, v16;
	v36 =	vsel vm0, v41, v36  }
0x2a4: {  	v59 =	vadd.f32 v31, v18;
	v52 =	vld.idx.msk [tilespmem:v49+s15+$0x0], $0xffff;
	vm4 =	vgt.s32 v35, $0xFFFFFFFF;
	vm5 =	vlt.f32 v51, v36  }
0x2a5: {  	v61 =	vadd.f32 v31, v16;
	v33 =	vsel vm1, v34, v33;
	vm1 =	vmand vm4, vm5  }
0x2a6: {  	v25 =	vmul.f32 v20, v20;
	v20 =	vmul.f32 v27, v27;
	v54 =	vsel vm1, v51, v36  }
0x2a7: {  	v56 =	vld.idx.msk [tilespmem:v32+s15+$0x0], $0xffff;
	v33 =	vsel vm2, v37, v33;
	vm6 =	vgt.s32 v38, $0xFFFFFFFF;
	vm7 =	vlt.f32 v53, v54  }
0x2a8: {  	v27 =	vadd.s32 $0x5, v26;
	v28 =	vsel vm0, v28, v33;
	vm0 =	vmand vm6, vm7  }
0x2a9: {  	vm8 =	vgt.s32 v52, $0xFFFFFFFF;
	v27 =	vcvt.s32.f32 v27;
	v33 =	vsel vm0, v53, v54  }
0x2aa: {  	v34 =	vcvt.s32.f32 v50;
	v26 =	vadd.s32 $0x7, v26;
	vm9 =	vlt.f32 v57, v33  }
0x2ab: {  	v27 =	vmul.f32 $5.000000000e-01, v27;
	v28 =	vsel vm1, v35, v28;
	v36 =	vld.idx.msk [tilespmem:v55+s15+$0x0], $0xffff;
	vm1 =	vmand vm8, vm9  }
0x2ac: {  	vm10 =	vgt.s32 v56, $0xFFFFFFFF;
	v26 =	vcvt.s32.f32 v26;
	v33 =	vsel vm1, v57, v33  }
0x2ad: {  	v34 =	vmul.f32 $5.000000000e-01, v34;
	v27 =	vsub.f32 v13, v27;
	vm11 =	vlt.f32 v59, v33  }
0x2ae: {  	v42 =	vmul.f32 $5.000000000e-01, v26;
	v38 =	vsel vm0, v38, v28;
	vm0 =	vmand vm10, vm11  }
0x2af: {  	v34 =	vsub.f32 v13, v34;
	v35 =	vld.idx.msk [tilespmem:v58+s15+$0x0], $0xffff;
	v28 =	vmul.f32 v27, v27;
	v33 =	vsel vm0, v59, v33  }
0x2b0: {  	vm12 =	vgt.s32 v36, $0xFFFFFFFF;
	v37 =	vsel vm1, v52, v38;
	vm13 =	vlt.f32 v61, v33  }
0x2b1: {  	v27 =	vsub.f32 v13, v42;
	v37 =	vsel vm0, v56, v37;
	vm0 =	vmand vm12, vm13  }
0x2b2: {  	v63 =	vadd.f32 v31, v24;
	v38 =	vadd.s32 $0x5, v32;
	v43 =	vsel vm0, v61, v33;
	v33 =	vld.idx.msk [tilespmem:v60+s15+$0x0], $0xffff  }
0x2b3: {  	v39 =	vadd.f32 v31, v25;
	v26 =	vmul.f32 v34, v34;
	v27 =	vmul.f32 v27, v27  }
0x2b4: {  	s19 =	simm.s32 $0x6;
	vm14 =	vgt.s32 v35, $0xFFFFFFFF;
	v44 =	vsel vm0, v36, v37;
	vm15 =	vlt.f32 v63, v43  }
0x2b5: {  	v34 =	vld.idx.msk [tilespmem:v62+s15+$0x0], $0xffff;
	v36 =	vadd.s32 s19, v29;
	v37 =	vadd.s32 $0x6, v32;
	vm0 =	vmand vm14, vm15  }
0x2b6: {  	s19 =	simm.s32 $0x5;
	v41 =	vsub.s32 $0x43, v36;
	v40 =	vsel vm0, v63, v43;
	v35 =	vsel vm0, v35, v44  }
.LBB2_4:
0x2b7: {  	p0 =	sne.s32 s19, $0xFFFFFFF9;
	v41 =	vmul.u32 $0x87, v41;
	vm0 =	vgt.s32 v33, $0xFFFFFFFF;
	vm1 =	vlt.f32 v39, v40;
	v38 =	vld.idx.msk [tilespmem:v38+s15+$0x0], $0xffff  }
0x2b8: {  	v42 =	vadd.f32 v31, v20;
	v43 =	vadd.s32 $0x7, v32;
	vm0 =	vmand vm0, vm1  }
0x2b9: {  	v36 =	vcvt.s32.f32 v36;
	v39 =	vsel vm0, v39, v40;
	v33 =	vsel vm0, v33, v35  }
0x2ba: {  	v32 =	vadd.s32 v41, v30;
	vm0 =	vgt.s32 v34, $0xFFFFFFFF;
	vm1 =	vlt.f32 v42, v39;
	v35 =	vld.idx.msk [tilespmem:v37+s15+$0x0], $0xffff  }
0x2bb: {  	v40 =	vadd.f32 v31, v28;
	v37 =	vadd.s32 $0xFFFFFFF9, v32;
	vm0 =	vmand vm0, vm1  }
0x2bc: {  	v39 =	vsel vm0, v42, v39;
	v33 =	vsel vm0, v34, v33  }
0x2bd: {  	v34 =	vmul.f32 $-5.000000000e-01, v36;
	vm0 =	vgt.s32 v38, $0xFFFFFFFF;
	vm1 =	vlt.f32 v40, v39;
	v36 =	vld.idx.msk [tilespmem:v43+s15+$0x0], $0xffff  }
0x2be: {  	v41 =	vadd.s32 $0xFFFFFFFA, v32;
	v42 =	vadd.f32 v31, v26;
	vm0 =	vmand vm0, vm1  }
0x2bf: {  	v39 =	vsel vm0, v40, v39;
	v33 =	vsel vm0, v38, v33  }
0x2c0: {  	v34 =	vadd.f32 v34, v12;
	vm0 =	vgt.s32 v35, $0xFFFFFFFF;
	v37 =	vld.idx.msk [tilespmem:v37+s15+$0x0], $0xffff;
	vm1 =	vlt.f32 v42, v39  }
0x2c1: {  	v38 =	vadd.s32 $0xFFFFFFFB, v32;
	v40 =	vadd.f32 v31, v27;
	vm0 =	vmand vm0, vm1  }
0x2c2: {  	v31 =	vmul.f32 v34, v34;
	v34 =	vsel vm0, v42, v39;
	v33 =	vsel vm0, v35, v33  }
0x2c3: {  	vm0 =	vgt.s32 v36, $0xFFFFFFFF;
	v35 =	vld.idx.msk [tilespmem:v41+s15+$0x0], $0xffff;
	vm1 =	vlt.f32 v40, v34  }
0x2c4: {  	v39 =	vadd.f32 v31, v17;
	v41 =	vadd.s32 $0xFFFFFFFC, v32;
	vm0 =	vmand vm0, vm1  }
0x2c5: {  	v34 =	vsel vm0, v40, v34;
	v33 =	vsel vm0, v36, v33  }
0x2c6: {  	vm0 =	vgt.s32 v37, $0xFFFFFFFF;
	vm1 =	vlt.f32 v39, v34;
	v36 =	vld.idx.msk [tilespmem:v38+s15+$0x0], $0xffff  }
0x2c7: {  	v40 =	vadd.s32 $0xFFFFFFFD, v32;
	v38 =	vadd.f32 v31, v22;
	vm0 =	vmand vm1, vm0  }
0x2c8: {  	v34 =	vsel vm0, v39, v34;
	v33 =	vsel vm0, v37, v33  }
0x2c9: {  	vm0 =	vgt.s32 v35, $0xFFFFFFFF;
	vm1 =	vlt.f32 v38, v34;
	v37 =	vld.idx.msk [tilespmem:v41+s15+$0x0], $0xffff  }
0x2ca: {  	v39 =	vadd.f32 v31, v23;
	v41 =	vadd.s32 $0xFFFFFFFE, v32;
	vm0 =	vmand vm0, vm1  }
0x2cb: {  	v34 =	vsel vm0, v38, v34;
	v33 =	vsel vm0, v35, v33  }
0x2cc: {  	vm0 =	vgt.s32 v36, $0xFFFFFFFF;
	vm1 =	vlt.f32 v39, v34;
	v35 =	vld.idx.msk [tilespmem:v40+s15+$0x0], $0xffff  }
0x2cd: {  	v38 =	vadd.f32 v31, v19;
	v40 =	vadd.s32 $0xFFFFFFFF, v32;
	vm0 =	vmand vm0, vm1  }
0x2ce: {  	v34 =	vsel vm0, v39, v34;
	v33 =	vsel vm0, v36, v33  }
0x2cf: {  	vm0 =	vgt.s32 v37, $0xFFFFFFFF;
	vm1 =	vlt.f32 v38, v34;
	v36 =	vld.idx.msk [tilespmem:v41+s15+$0x0], $0xffff  }
0x2d0: {  	v39 =	vadd.f32 v31, v15;
	vm0 =	vmand vm0, vm1  }
0x2d1: {  	v34 =	vsel vm0, v38, v34;
	v33 =	vsel vm0, v37, v33  }
0x2d2: {  	vm0 =	vgt.s32 v35, $0xFFFFFFFF;
	vm1 =	vlt.f32 v39, v34;
	v37 =	vld.idx.msk [tilespmem:v40+s15+$0x0], $0xffff  }
0x2d3: {  	v38 =	vadd.f32 v31, v14;
	v40 =	vadd.s32 $0x1, v32;
	vm0 =	vmand vm0, vm1  }
0x2d4: {  	v34 =	vsel vm0, v39, v34;
	v33 =	vsel vm0, v35, v33  }
0x2d5: {  	vm0 =	vgt.s32 v36, $0xFFFFFFFF;
	vm1 =	vlt.f32 v38, v34;
	v35 =	vld.idx.msk [tilespmem:v32+s15+$0x0], $0xffff  }
0x2d6: {  	v41 =	vadd.s32 $0x2, v32;
	v39 =	vadd.f32 v31, v21;
	vm0 =	vmand vm0, vm1  }
0x2d7: {  	v34 =	vsel vm0, v38, v34;
	v33 =	vsel vm0, v36, v33  }
0x2d8: {  	vm0 =	vgt.s32 v37, $0xFFFFFFFF;
	vm1 =	vlt.f32 v39, v34;
	v36 =	vld.idx.msk [tilespmem:v40+s15+$0x0], $0xffff  }
0x2d9: {  	v38 =	vadd.f32 v31, v18;
	v40 =	vadd.s32 $0x3, v32;
	vm0 =	vmand vm0, vm1  }
0x2da: {  	v34 =	vsel vm0, v39, v34;
	v33 =	vsel vm0, v37, v33  }
0x2db: {  	vm0 =	vgt.s32 v35, $0xFFFFFFFF;
	vm1 =	vlt.f32 v38, v34;
	v42 =	vld.idx.msk [tilespmem:v41+s15+$0x0], $0xffff  }
0x2dc: {  	v37 =	vadd.f32 v31, v16;
	v39 =	vadd.s32 $0x4, v32;
	vm0 =	vmand vm0, vm1  }
0x2dd: {  	v34 =	vsel vm0, v38, v34;
	v35 =	vsel vm0, v35, v33  }
0x2de: {  	vm0 =	vgt.s32 v36, $0xFFFFFFFF;
	vm1 =	vlt.f32 v37, v34;
	v33 =	vld.idx.msk [tilespmem:v40+s15+$0x0], $0xffff  }
.Ltmp3:
0x2df: {  	v38 =	vadd.s32 $0x5, v32;
	v40 =	vadd.f32 v31, v24;
	vm0 =	vmand vm0, vm1;
	(pc) =	sbr.rel @p0 .LBB2_4-.Ltmp3, $4  }
0x2e0: {  	v43 =	vsel vm0, v37, v34;
	v35 =	vsel vm0, v36, v35  }
0x2e1: {  	v36 =	vadd.s32 s19, v29;
	vm0 =	vgt.s32 v42, $0xFFFFFFFF;
	vm1 =	vlt.f32 v40, v43;
	v34 =	vld.idx.msk [tilespmem:v39+s15+$0x0], $0xffff  }
0x2e2: {  	v37 =	vadd.s32 $0x6, v32;
	v39 =	vadd.f32 v31, v25;
	vm0 =	vmand vm0, vm1  }
0x2e3: {  	s19 =	sadd.s32 $0xFFFFFFFF, s19;
	v41 =	vsub.s32 $0x43, v36;
	v40 =	vsel vm0, v40, v43;
	v35 =	vsel vm0, v42, v35  }
0x2e4: {  	_ =	sdelay $0x2  }
0x2e5: {  	vm0 =	vgt.s32 v33, $0xFFFFFFFF;
	vm1 =	vlt.f32 v39, v40  }
0x2e6: {  	v29 =	vld.idx.msk [tilespmem:v38+s15+$0x0], $0xffff;
	v54 =	vadd.f32 v31, v20;
	vm0 =	vmand vm0, vm1  }
0x2e7: {  	v41 =	vmul.u32 $0x87, v41;
	v32 =	vadd.s32 $0x7, v32;
	v55 =	vsel vm0, v39, v40  }
0x2e8: {  	vm7 =	vgt.s32 v34, $0xFFFFFFFF;
	vm2 =	vlt.f32 v54, v55  }
0x2e9: {  	v37 =	vld.idx.msk [tilespmem:v37+s15+$0x0], $0xffff;
	v56 =	vadd.f32 v31, v28;
	v30 =	vadd.s32 v41, v30;
	vm1 =	vmand vm7, vm2  }
0x2ea: {  	v36 =	vcvt.s32.f32 v36;
	v41 =	vadd.s32 $0xFFFFFFF9, v30;
	v38 =	vsel vm1, v54, v55  }
0x2eb: {  	vm8 =	vgt.s32 v29, $0xFFFFFFFF;
	vm3 =	vlt.f32 v56, v38  }
0x2ec: {  	v57 =	vadd.f32 v31, v26;
	v36 =	vmul.f32 $-5.000000000e-01, v36;
	v32 =	vld.idx.msk [tilespmem:v32+s15+$0x0], $0xffff;
	vm2 =	vmand vm8, vm3  }
0x2ed: {  	v58 =	vadd.s32 $0xFFFFFFFA, v30;
	v38 =	vsel vm2, v56, v38  }
0x2ee: {  	v36 =	vadd.f32 v36, v12;
	vm9 =	vgt.s32 v37, $0xFFFFFFFF;
	vm4 =	vlt.f32 v57, v38  }
0x2ef: {  	v59 =	vadd.f32 v31, v27;
	v41 =	vld.idx.msk [tilespmem:v41+s15+$0x0], $0xffff;
	vm3 =	vmand vm9, vm4  }
0x2f0: {  	v60 =	vadd.s32 $0xFFFFFFFB, v30;
	v36 =	vmul.f32 v36, v36;
	v38 =	vsel vm3, v57, v38  }
0x2f1: {  	vm10 =	vgt.s32 v32, $0xFFFFFFFF;
	vm5 =	vlt.f32 v59, v38  }
0x2f2: {  	v40 =	vld.idx.msk [tilespmem:v58+s15+$0x0], $0xffff;
	v17 =	vadd.f32 v36, v17;
	vm4 =	vmand vm10, vm5  }
0x2f3: {  	v61 =	vadd.s32 $0xFFFFFFFC, v30;
	v31 =	vsel vm4, v59, v38  }
0x2f4: {  	vm11 =	vgt.s32 v41, $0xFFFFFFFF;
	vm6 =	vlt.f32 v17, v31  }
0x2f5: {  	v39 =	vld.idx.msk [tilespmem:v60+s15+$0x0], $0xffff;
	v22 =	vadd.f32 v36, v22;
	vm5 =	vmand vm6, vm11  }
0x2f6: {  	v62 =	vadd.s32 $0xFFFFFFFD, v30;
	v17 =	vsel vm5, v17, v31  }
0x2f7: {  	vm12 =	vgt.s32 v40, $0xFFFFFFFF;
	vm7 =	vlt.f32 v22, v17  }
0x2f8: {  	v23 =	vadd.f32 v36, v23;
	v38 =	vld.idx.msk [tilespmem:v61+s15+$0x0], $0xffff;
	vm6 =	vmand vm12, vm7  }
0x2f9: {  	v63 =	vadd.s32 $0xFFFFFFFE, v30;
	v17 =	vsel vm6, v22, v17  }
0x2fa: {  	vm13 =	vgt.s32 v39, $0xFFFFFFFF;
	vm8 =	vlt.f32 v23, v17  }
0x2fb: {  	v19 =	vadd.f32 v36, v19;
	v31 =	vld.idx.msk [tilespmem:v62+s15+$0x0], $0xffff;
	vm7 =	vmand vm13, vm8  }
0x2fc: {  	v42 =	vadd.s32 $0xFFFFFFFF, v30;
	v17 =	vsel vm7, v23, v17  }
0x2fd: {  	vm14 =	vgt.s32 v38, $0xFFFFFFFF;
	vm9 =	vlt.f32 v19, v17  }
0x2fe: {  	v15 =	vadd.f32 v36, v15;
	v22 =	vld.idx.msk [tilespmem:v63+s15+$0x0], $0xffff;
	vm8 =	vmand vm14, vm9  }
0x2ff: {  	v17 =	vsel vm8, v19, v17  }
0x300: {  	vm15 =	vgt.s32 v31, $0xFFFFFFFF;
	vm10 =	vlt.f32 v15, v17  }
0x301: {  	v43 =	vld.idx.msk [tilespmem:v42+s15+$0x0], $0xffff;
	v14 =	vadd.f32 v36, v14;
	vm9 =	vmand vm15, vm10  }
0x302: {  	v44 =	vadd.s32 $0x1, v30;
	v15 =	vsel vm9, v15, v17  }
0x303: {  	vm12 =	vgt.s32 v22, $0xFFFFFFFF;
	vm11 =	vlt.f32 v14, v15  }
0x304: {  	v45 =	vld.idx.msk [tilespmem:v30+s15+$0x0], $0xffff;
	v21 =	vadd.f32 v36, v21;
	vm10 =	vmand vm12, vm11  }
0x305: {  	v46 =	vadd.s32 $0x2, v30;
	v14 =	vsel vm10, v14, v15  }
0x306: {  	vm11 =	vgt.s32 v43, $0xFFFFFFFF;
	vm12 =	vlt.f32 v21, v14  }
0x307: {  	v18 =	vadd.f32 v36, v18;
	v23 =	vld.idx.msk [tilespmem:v44+s15+$0x0], $0xffff;
	vm11 =	vmand vm11, vm12  }
0x308: {  	v47 =	vadd.s32 $0x3, v30;
	v14 =	vsel vm11, v21, v14  }
0x309: {  	vm12 =	vgt.s32 v45, $0xFFFFFFFF;
	vm13 =	vlt.f32 v18, v14  }
0x30a: {  	v16 =	vadd.f32 v36, v16;
	v15 =	vld.idx.msk [tilespmem:v46+s15+$0x0], $0xffff;
	vm12 =	vmand vm12, vm13  }
0x30b: {  	v48 =	vadd.s32 $0x4, v30;
	v14 =	vsel vm12, v18, v14  }
0x30c: {  	vm13 =	vgt.s32 v23, $0xFFFFFFFF;
	vm14 =	vlt.f32 v16, v14  }
0x30d: {  	v49 =	vsel vm0, v33, v35;
	v24 =	vadd.f32 v36, v24;
	v21 =	vld.idx.msk [tilespmem:v47+s15+$0x0], $0xffff;
	vm0 =	vmand vm13, vm14  }
0x30e: {  	v50 =	vadd.s32 $0x5, v30;
	v33 =	vsel vm1, v34, v49;
	v14 =	vsel vm0, v16, v14  }
0x30f: {  	v29 =	vsel vm2, v29, v33;
	vm13 =	vgt.s32 v15, $0xFFFFFFFF;
	vm14 =	vlt.f32 v24, v14  }
0x310: {  	v25 =	vadd.f32 v36, v25;
	v29 =	vsel vm3, v37, v29;
	v18 =	vld.idx.msk [tilespmem:v48+s15+$0x0], $0xffff;
	vm1 =	vmand vm13, vm14  }
0x311: {  	v51 =	vadd.s32 $0x6, v30;
	v29 =	vsel vm4, v32, v29;
	v14 =	vsel vm1, v24, v14  }
0x312: {  	v29 =	vsel vm5, v41, v29;
	vm15 =	vgt.s32 v21, $0xFFFFFFFF;
	vm13 =	vlt.f32 v25, v14  }
0x313: {  	v52 =	vadd.f32 v36, v20;
	v29 =	vsel vm6, v40, v29;
	v16 =	vld.idx.msk [tilespmem:v50+s15+$0x0], $0xffff;
	vm2 =	vmand vm15, vm13  }
0x314: {  	v30 =	vadd.s32 $0x7, v30;
	v29 =	vsel vm7, v39, v29;
	v14 =	vsel vm2, v25, v14  }
0x315: {  	v53 =	vsel vm8, v38, v29;
	vm14 =	vgt.s32 v18, $0xFFFFFFFF;
	vm15 =	vlt.f32 v52, v14  }
0x316: {  	v54 =	vadd.f32 v36, v28;
	v24 =	vld.idx.msk [tilespmem:v51+s15+$0x0], $0xffff;
	v25 =	vsel vm9, v31, v53;
	vm3 =	vmand vm14, vm15  }
0x317: {  	v22 =	vsel vm10, v22, v25;
	v14 =	vsel vm3, v52, v14  }
0x318: {  	vm8 =	vgt.s32 v16, $0xFFFFFFFF;
	v19 =	vsel vm11, v43, v22;
	vm9 =	vlt.f32 v54, v14  }
0x319: {  	v56 =	vadd.f32 v36, v26;
	v55 =	vld.idx.msk [tilespmem:v30+s15+$0x0], $0xffff;
	v17 =	vsel vm12, v45, v19;
	vm4 =	vmand vm8, vm9  }
0x31a: {  	v17 =	vsel vm0, v23, v17;
	v14 =	vsel vm4, v54, v14  }
0x31b: {  	vm10 =	vgt.s32 v24, $0xFFFFFFFF;
	v15 =	vsel vm1, v15, v17;
	vm11 =	vlt.f32 v56, v14  }
0x31c: {  	v57 =	vadd.f32 v36, v27;
	v15 =	vsel vm2, v21, v15;
	vm0 =	vmand vm10, vm11  }
0x31d: {  	v15 =	vsel vm3, v18, v15;
	v14 =	vsel vm0, v56, v14  }
0x31e: {  	vm12 =	vgt.s32 v55, $0xFFFFFFFF;
	v15 =	vsel vm4, v16, v15;
	vm13 =	vlt.f32 v57, v14  }
0x31f: {  	v58 =	vsel vm0, v24, v15;
	vm14 =	vmand vm12, vm13  }
0x320: {  	v14 =	vsel vm14, v55, v58;
	_ =	sdelay $0x4  }
0x321: {  	v59 =	vld.idx.msk [tilespmem:v14+s16+$0x0], $0xffff;
	_ =	sdelay $0x4  }
0x322: {  	v60 =	vor.u32 s18, v0;
	v61 =	vshll.u32 v59, $0x10  }
0x323: {  	vm15 =	vlt.s32 v60, v10;
	v62 =	vshra.s32 v61, $0x10  }
0x324: {  	s2 =	sadd.s32 $0x1, s2;
	v15 =	vshra.s32 v59, $0x10;
	v16 =	vcvt.s32.f32 v62  }
0x325: {  	s18 =	sshll.u32 s2, $0x4;
	v15 =	vcvt.s32.f32 v15  }
0x326: {  	p0 =	slt.s32 s18, s0;
	v16 =	vmul.f32 $5.000000000e-01, v16  }
.Ltmp4:
0x327: {  	v15 =	vmul.f32 $5.000000000e-01, v15;
	(pc) =	sbr.rel @p0 .LBB2_3-.Ltmp4, $4  }
.Ltmp5:
0x328: {  	v13 =	vsub.f32 v13, v16;
	(pc) =	sbr.rel @!p0 .LBB2_6-.Ltmp5, $4  }
0x329: {  	[tilespmem:v11+s28+$0x0] =	vst.idx.msk vm15, v14;
	v63 =	vsub.f32 v12, v15  }
0x32a: {  	[tilespmem:v11+s29+$0x0] =	vst.idx.msk vm15, v13  }
0x32b: {  	[tilespmem:v11+s30+$0x0] =	vst.idx.msk vm15, v63  }
0x32c: {  	_ = 	snop  }
.LBB2_7:
0x32d: {  	_ =	sfence.sel $0x180000  }
0x32e: {  	[bflag:$0x0] =	sbarrier.arrive $0xFFFF  }
0x32f: {  	_ =	strace $0x90000047  }
0x330: {  	s0 =	stileid.u32;
	[bflag:$0x2] =	sbarrier.arrive $0xFFFF  }
0x331: {  	p0 =	sne.s32 s0, $0x0;
	s0 =	rddreg [dreg:$0x3]  }
0x332: {  	s0 =	sadd.s32 @!p0 $0x100000, s0  }
0x333: {  	[sflag:s0] =	ssyncadd.tile.s32 @!p0 $0x1;
	_ =	shalt  }
.Lfunc_end2:
_tile_overlayer_lowered:
.L_overlay_start_2:
0x334: {  	(tag) =	ssettag $0x2  }
0x335: {  	s0 =	rddreg [dreg:$0x0];
	s2 =	stileid.u32  }
0x336: {  	s1 =	rddreg [dreg:$0x1];
	p0 =	sne.s32 s2, $0x0  }
0x337: {  	s3 =	rddreg [dreg:$0x2];
	[bflag:$0x3] =	sbarrier.arrive $0xFFFF;
	s2 =	simm.s32 @!p0 $0x1C02  }
0x338: {  	[timem:s3], [sflag:s2] =	dma.local @!p0 [hbm:s0], s1  }
0x339: {  	s0 =	simm.s32 @!p0 $0x2  }
0x33a: {  	_ =	swait.ge @!p0 [sflag:s0], s1  }
0x33b: {  	s1 =	ssub.s32 @!p0 $0x0, s1;
	[sflag:s0] =	ssyncset.done @!p0 $0x0  }
0x33c: {  	[sflag:s0] =	ssyncadd.s32 @!p0 s1  }
0x33d: {  	[bflag:$0x3] =	sbarrier.arrive $0xFFFF  }
0x33e: {  	_ =	shalt  }

</sc_bundles>
